<compile_context>
chip_gen: v7x
topology: tpu7x:2x2x1
jax: 0.10.2.dev20260603
libtpu: 0.0.44.dev20260713+nightly
codegen_flags: <defaults>
</compile_context>

<pallas_src>
import functools

import jax
import jax.numpy as jnp
from jax import lax
from jax.experimental import pallas as pl
from jax.experimental.pallas import tpu as pltpu
from jax.experimental.pallas import tpu_sc as plsc

N = 10000
E = 320000
D = 128
ALPHA = 0.5
EPS_LSE = 1e-30
EPS_LN = 1e-5

BLK = 5000
NBLK = N // BLK

NC = 2
NS = 16
NW = NC * NS
EPW = E // NW
CH = 125
NCHUNK = EPW // CH
RPT = 624
TAIL = N - NS * RPT


def _proj_body(x_ref, w_ref, b_ref, h_ref, m_ref, p_ref):
    ph = pl.program_id(0)
    i = pl.program_id(1)

    @pl.when(ph == 0)
    def _():
        h = jnp.dot(x_ref[...], w_ref[...], preferred_element_type=jnp.float32)
        h = h + b_ref[...]
        h_ref[pl.ds(i * BLK, BLK), :] = h
        bm = jnp.max(h, axis=0, keepdims=True)

        @pl.when(i == 0)
        def _():
            m_ref[...] = bm

        @pl.when(i > 0)
        def _():
            m_ref[...] = jnp.maximum(m_ref[...], bm)

    @pl.when(ph == 1)
    def _():
        p_ref[...] = jnp.exp(h_ref[pl.ds(i * BLK, BLK), :] - m_ref[...])


def _layer_body(h_ref, a0_ref, a1_ref, m_ref, w_ref, b_ref, g_ref, be_ref,
                hn_ref, mo_ref, p_ref):
    ph = pl.program_id(0)
    i = pl.program_id(1)

    @pl.when(ph == 0)
    def _():
        h = h_ref[...]
        acc = a0_ref[...] + a1_ref[...]
        has = jnp.max(acc, axis=1, keepdims=True) > 0.0
        agg = jnp.where(has,
                        m_ref[...] + jnp.log(jnp.maximum(acc, EPS_LSE)), 0.0)
        z = (jnp.dot(h, w_ref[:D, :], preferred_element_type=jnp.float32)
             + jnp.dot(agg, w_ref[D:, :], preferred_element_type=jnp.float32)
             + b_ref[...])
        mu = jnp.mean(z, axis=1, keepdims=True)
        zc = z - mu
        var = jnp.mean(zc * zc, axis=1, keepdims=True)
        zn = zc * lax.rsqrt(var + EPS_LN) * g_ref[...] + be_ref[...]
        hn = ALPHA * h + (1.0 - ALPHA) * jnp.maximum(zn, 0.0)
        hn_ref[pl.ds(i * BLK, BLK), :] = hn
        bm = jnp.max(hn, axis=0, keepdims=True)

        @pl.when(i == 0)
        def _():
            mo_ref[...] = bm

        @pl.when(i > 0)
        def _():
            mo_ref[...] = jnp.maximum(mo_ref[...], bm)

    @pl.when(ph == 1)
    def _():
        p_ref[...] = jnp.exp(hn_ref[pl.ds(i * BLK, BLK), :] - mo_ref[...])


_in_spec = pl.BlockSpec((BLK, D), lambda p, i: (i * (1 - p) + (NBLK - 1) * p, 0))
_w_spec = lambda r: pl.BlockSpec((r, D), lambda p, i: (0, 0))
_vec_spec = pl.BlockSpec((1, D), lambda p, i: (0, 0))
_resident_spec = pl.BlockSpec((N, D), lambda p, i: (0, 0))
_p_spec = pl.BlockSpec((BLK, D), lambda p, i: (i * p, 0))

_proj = pl.pallas_call(
    _proj_body,
    grid=(2, NBLK),
    in_specs=[_in_spec, _w_spec(D), _vec_spec],
    out_specs=[_resident_spec, _vec_spec, _p_spec],
    out_shape=[jax.ShapeDtypeStruct((N, D), jnp.float32),
               jax.ShapeDtypeStruct((1, D), jnp.float32),
               jax.ShapeDtypeStruct((N, D), jnp.float32)],
)

_layer = pl.pallas_call(
    _layer_body,
    grid=(2, NBLK),
    in_specs=[_in_spec, _in_spec, _in_spec, _vec_spec, _w_spec(2 * D),
              _vec_spec, _vec_spec, _vec_spec],
    out_specs=[_resident_spec, _vec_spec, _p_spec],
    out_shape=[jax.ShapeDtypeStruct((N, D), jnp.float32),
               jax.ShapeDtypeStruct((1, D), jnp.float32),
               jax.ShapeDtypeStruct((N, D), jnp.float32)],
)


def _last_body(h_ref, a0_ref, a1_ref, m_ref, w_ref, b_ref, g_ref, be_ref,
               hn_ref):
    h = h_ref[...]
    acc = a0_ref[...] + a1_ref[...]
    has = jnp.max(acc, axis=1, keepdims=True) > 0.0
    agg = jnp.where(has,
                    m_ref[...] + jnp.log(jnp.maximum(acc, EPS_LSE)), 0.0)
    z = (jnp.dot(h, w_ref[:D, :], preferred_element_type=jnp.float32)
         + jnp.dot(agg, w_ref[D:, :], preferred_element_type=jnp.float32)
         + b_ref[...])
    mu = jnp.mean(z, axis=1, keepdims=True)
    zc = z - mu
    var = jnp.mean(zc * zc, axis=1, keepdims=True)
    zn = zc * lax.rsqrt(var + EPS_LN) * g_ref[...] + be_ref[...]
    hn_ref[...] = ALPHA * h + (1.0 - ALPHA) * jnp.maximum(zn, 0.0)


_blk_spec = pl.BlockSpec((BLK, D), lambda i: (i, 0))

_last = pl.pallas_call(
    _last_body,
    grid=(NBLK,),
    in_specs=[_blk_spec, _blk_spec, _blk_spec,
              pl.BlockSpec((1, D), lambda i: (0, 0)),
              pl.BlockSpec((2 * D, D), lambda i: (0, 0)),
              pl.BlockSpec((1, D), lambda i: (0, 0)),
              pl.BlockSpec((1, D), lambda i: (0, 0)),
              pl.BlockSpec((1, D), lambda i: (0, 0))],
    out_specs=_blk_spec,
    out_shape=jax.ShapeDtypeStruct((N, D), jnp.float32),
)


def _scatter_body(p_hbm, src_hbm, dst_hbm, out_hbm,
                  sbuf0, sbuf1, sbuf2, dbuf0, dbuf1, dbuf2,
                  rows0, rows1, rows2, acc,
                  sg0, sg1, sg2, sd0, sd1, sd2, ss0, ss1, ss2,
                  sr0, sr1, sr2):
    cid = lax.axis_index("c")
    sid = lax.axis_index("s")
    wid = sid * NC + cid
    sbuf = (sbuf0, sbuf1, sbuf2)
    dbuf = (dbuf0, dbuf1, dbuf2)
    rows = (rows0, rows1, rows2)
    sg = (sg0, sg1, sg2)
    sd = (sd0, sd1, sd2)
    ss = (ss0, ss1, ss2)
    sr = (sr0, sr1, sr2)

    pltpu.async_copy(src_hbm.at[wid, 0], sbuf0, sr0)
    pltpu.async_copy(src_hbm.at[wid, 1], sbuf1, sr1)
    pltpu.async_copy(dst_hbm.at[wid, 0], dbuf0, sd0)
    pltpu.async_copy(dst_hbm.at[wid, 1], dbuf1, sd1)
    pltpu.make_async_copy(src_hbm.at[wid, 0], sbuf0, sr0).wait()
    pltpu.async_copy(p_hbm.at[sbuf0], rows0, sg0)
    pltpu.make_async_copy(src_hbm.at[wid, 1], sbuf1, sr1).wait()
    pltpu.async_copy(p_hbm.at[sbuf1], rows1, sg1)
    pltpu.async_copy(src_hbm.at[wid, 2], sbuf2, sr2)

    zv = jnp.zeros((16,), jnp.float32)

    def zfill(r, _):
        for c in range(D // 16):
            rows2[r, pl.ds(c * 16, 16)] = zv
        return 0

    lax.fori_loop(0, CH, zfill, 0)

    def zcopy(j, _):
        pltpu.async_copy(rows2, acc.at[pl.ds(sid * RPT + j * CH, CH)], ss0)
        return 0

    lax.fori_loop(0, RPT // CH, zcopy, 0)

    zrem = RPT - (RPT // CH) * CH
    pltpu.async_copy(rows2.at[pl.ds(0, zrem)],
                     acc.at[pl.ds(sid * RPT + (RPT // CH) * CH, zrem)], ss0)

    @pl.when(sid == NS - 1)
    def _():
        pltpu.async_copy(rows2.at[pl.ds(0, TAIL)],
                         acc.at[pl.ds(NS * RPT, TAIL)], ss0)

    def zdrain(j, _):
        pltpu.make_async_copy(rows2, acc.at[pl.ds(sid * RPT + j * CH, CH)],
                              ss0).wait()
        return 0

    lax.fori_loop(0, RPT // CH, zdrain, 0)
    pltpu.make_async_copy(rows2.at[pl.ds(0, zrem)],
                          acc.at[pl.ds(sid * RPT, zrem)], ss0).wait()

    @pl.when(sid == NS - 1)
    def _():
        pltpu.make_async_copy(rows2.at[pl.ds(0, TAIL)],
                              acc.at[pl.ds(NS * RPT, TAIL)], ss0).wait()

    plsc.subcore_barrier()

    def stage(i, b):
        bp = (b + 2) % 3
        i = jnp.int32(i)
        pltpu.make_async_copy(p_hbm.at[sbuf[b]], rows[b], sg[b]).wait()
        pltpu.make_async_copy(dst_hbm.at[wid, i], dbuf[b], sd[b]).wait()
        pltpu.async_copy(rows[b], acc.at[dbuf[b]], ss[b], add=True)

        @pl.when(i >= 1)
        def _():
            pltpu.make_async_copy(rows[bp], acc.at[dbuf[bp]], ss[bp]).wait()

        @pl.when(i + 2 < NCHUNK)
        def _():
            pltpu.async_copy(dst_hbm.at[wid, i + 2], dbuf[bp], sd[bp])
            pltpu.make_async_copy(src_hbm.at[wid, i + 2], sbuf[bp],
                                  sr[bp]).wait()
            pltpu.async_copy(p_hbm.at[sbuf[bp]], rows[bp], sg[bp])

        @pl.when(i + 3 < NCHUNK)
        def _():
            pltpu.async_copy(src_hbm.at[wid, i + 3], sbuf[b], sr[b])

    def triple(j, _):
        stage(3 * j, 0)
        stage(3 * j + 1, 1)
        stage(3 * j + 2, 2)
        return 0

    nt = NCHUNK // 3
    lax.fori_loop(0, nt, triple, 0)
    for k in range(NCHUNK - 3 * nt):
        stage(3 * nt + k, k)
    lb = (NCHUNK - 1) % 3
    pltpu.make_async_copy(rows[lb], acc.at[dbuf[lb]], ss[lb]).wait()

    plsc.subcore_barrier()

    r0 = sid * RPT
    pltpu.sync_copy(acc.at[pl.ds(r0, RPT)], out_hbm.at[cid, pl.ds(r0, RPT)])

    @pl.when(sid == NS - 1)
    def _():
        pltpu.sync_copy(acc.at[pl.ds(NS * RPT, TAIL)],
                        out_hbm.at[cid, pl.ds(NS * RPT, TAIL)])


@functools.cache
def _make_scatter():
    return pl.kernel(
        _scatter_body,
        out_type=jax.ShapeDtypeStruct((NC, N, D), jnp.float32),
        mesh=plsc.VectorSubcoreMesh(core_axis_name="c", subcore_axis_name="s",
                                    num_cores=NC, num_subcores=NS),
        scratch_types=[
            pltpu.VMEM((CH,), jnp.int32),
            pltpu.VMEM((CH,), jnp.int32),
            pltpu.VMEM((CH,), jnp.int32),
            pltpu.VMEM((CH,), jnp.int32),
            pltpu.VMEM((CH,), jnp.int32),
            pltpu.VMEM((CH,), jnp.int32),
            pltpu.VMEM((CH, D), jnp.float32),
            pltpu.VMEM((CH, D), jnp.float32),
            pltpu.VMEM((CH, D), jnp.float32),
            pltpu.VMEM_SHARED((N, D), jnp.float32),
        ] + [pltpu.SemaphoreType.DMA] * 12,
    )


def kernel(x, edge_src, edge_dst, W_in, b_in, W1, b1, g1, be1,
           W2, b2, g2, be2, W3, b3, g3, be3):
    b_in = b_in.reshape(1, D)
    edge_src = edge_src.reshape(NW, NCHUNK, CH)
    edge_dst = edge_dst.reshape(NW, NCHUNK, CH)
    h, m, p = _proj(x, W_in, b_in)
    for (W, b, g, be) in ((W1, b1, g1, be1), (W2, b2, g2, be2)):
        parts = _make_scatter()(p, edge_src, edge_dst)
        h, m, p = _layer(h, parts[0], parts[1], m, W,
                         b.reshape(1, D), g.reshape(1, D), be.reshape(1, D))
    parts = _make_scatter()(p, edge_src, edge_dst)
    return _last(h, parts[0], parts[1], m, W3,
                 b3.reshape(1, D), g3.reshape(1, D), be3.reshape(1, D))

# --- scband reference (transcript-rebuilt; emitter-appended) ---
"""Pipeline reference for scband-graph-sageencoder-22703197126666 (READ-ONLY COPY).

The authoritative reference and input builder live on the scoring server;
editing this copy changes nothing except your own understanding.
"""

import jax, jax.numpy as jnp
import numpy as np

N = 10000
E = 320000
D_IN = 128
D_H = 128
TAU = 1.0
ALPHA = 0.5
EPS_LSE = 1e-30
EPS_LN = 1e-5


def setup_inputs(seed: int = 0) -> dict:
    key = jax.random.key(seed)
    ks = jax.random.split(key, 20)
    inp = {}
    inp["x"] = jax.random.normal(ks[0], (N, D_IN), dtype=jnp.float32)
    inp["edge_src"] = jax.random.randint(ks[1], (E,), 0, N, dtype=jnp.int32)
    inp["edge_dst"] = jax.random.randint(ks[2], (E,), 0, N, dtype=jnp.int32)
    # input_proj
    inp["W_in"] = jax.random.normal(ks[3], (D_IN, D_H), dtype=jnp.float32) * (1.0 / np.sqrt(D_IN))
    inp["b_in"] = jnp.zeros((D_H,), dtype=jnp.float32)
    # three GraphSAGE layers: Linear(2*D_H, D_H) + LayerNorm(D_H)
    for i, li in enumerate([1, 2, 3]):
        inp[f"W{li}"] = jax.random.normal(ks[4 + i], (2 * D_H, D_H), dtype=jnp.float32) * (1.0 / np.sqrt(2 * D_H))
        inp[f"b{li}"] = jnp.zeros((D_H,), dtype=jnp.float32)
        inp[f"g{li}"] = jnp.ones((D_H,), dtype=jnp.float32)
        inp[f"be{li}"] = jnp.zeros((D_H,), dtype=jnp.float32)
    return inp


def scatter_logsumexp(src, index, dim_size, tau=TAU, eps=EPS_LSE):
    scaled = src.astype(jnp.float32) / float(tau)
    max_val = jax.ops.segment_max(scaled, index, num_segments=dim_size)
    safe_max = jnp.where(jnp.isfinite(max_val), max_val, 0.0)
    exp_val = jnp.exp(scaled - safe_max[index])
    sum_exp = jax.ops.segment_sum(exp_val, index, num_segments=dim_size)
    out = float(tau) * (safe_max + jnp.log(jnp.clip(sum_exp, eps, None)))
    has_nbr = jnp.bincount(index, length=dim_size) > 0
    out = jnp.where(has_nbr[:, None], out, 0.0)
    return out


def layer_norm(z, g, b, eps=EPS_LN):
    mu = jnp.mean(z, axis=-1, keepdims=True)
    var = jnp.mean((z - mu) ** 2, axis=-1, keepdims=True)
    return (z - mu) / jnp.sqrt(var + eps) * g + b


def sage_layer(h, edge_src, edge_dst, W, b, g, be):
    n = h.shape[0]
    src_feat = h[edge_src]
    agg = scatter_logsumexp(src_feat, edge_dst, n)
    hc = jnp.concatenate([h, agg], axis=-1)
    z = hc @ W + b
    z = layer_norm(z, g, be)
    return jax.nn.relu(z)


def reference(x, edge_src, edge_dst, W_in, b_in, W1, b1, g1, be1, W2, b2, g2, be2, W3, b3, g3, be3):
    h = x @ W_in + b_in
    for (W, b, g, be) in ((W1, b1, g1, be1), (W2, b2, g2, be2), (W3, b3, g3, be3)):
        h_new = sage_layer(h, edge_src, edge_dst, W, b, g, be)
        h = ALPHA * h + (1.0 - ALPHA) * h_new
    return h

if __name__ == "__main__":
    import jax
    _d = setup_inputs()
    print(jax.jit(kernel)(*tuple(_d.values())))

</pallas_src>

<mosaic_0001>
#map = affine_map<(d0, d1) -> (0, 0)>
#map1 = affine_map<(d0, d1) -> (0, 0, 0)>
module attributes {stable_mosaic.version = 14 : i64} {
  func.func @_scatter_body(%arg0: i32, %arg1: i32, %arg2: memref<10000x128xf32, #tpu.memory_space<hbm>>, %arg3: memref<32x80x125xi32, #tpu.memory_space<hbm>>, %arg4: memref<32x80x125xi32, #tpu.memory_space<hbm>>, %arg5: memref<2x10000x128xf32, #tpu.memory_space<hbm>>, %arg6: memref<125xi32, #tpu.memory_space<vmem>>, %arg7: memref<125xi32, #tpu.memory_space<vmem>>, %arg8: memref<125xi32, #tpu.memory_space<vmem>>, %arg9: memref<125xi32, #tpu.memory_space<vmem>>, %arg10: memref<125xi32, #tpu.memory_space<vmem>>, %arg11: memref<125xi32, #tpu.memory_space<vmem>>, %arg12: memref<125x128xf32, #tpu.memory_space<vmem>>, %arg13: memref<125x128xf32, #tpu.memory_space<vmem>>, %arg14: memref<125x128xf32, #tpu.memory_space<vmem>>, %arg15: memref<10000x128xf32, #tpu.memory_space<vmem_shared>>, %arg16: memref<!tpu.dma_semaphore, #tpu.memory_space<semaphore_mem>>, %arg17: memref<!tpu.dma_semaphore, #tpu.memory_space<semaphore_mem>>, %arg18: memref<!tpu.dma_semaphore, #tpu.memory_space<semaphore_mem>>, %arg19: memref<!tpu.dma_semaphore, #tpu.memory_space<semaphore_mem>>, %arg20: memref<!tpu.dma_semaphore, #tpu.memory_space<semaphore_mem>>, %arg21: memref<!tpu.dma_semaphore, #tpu.memory_space<semaphore_mem>>, %arg22: memref<!tpu.dma_semaphore, #tpu.memory_space<semaphore_mem>>, %arg23: memref<!tpu.dma_semaphore, #tpu.memory_space<semaphore_mem>>, %arg24: memref<!tpu.dma_semaphore, #tpu.memory_space<semaphore_mem>>, %arg25: memref<!tpu.dma_semaphore, #tpu.memory_space<semaphore_mem>>, %arg26: memref<!tpu.dma_semaphore, #tpu.memory_space<semaphore_mem>>, %arg27: memref<!tpu.dma_semaphore, #tpu.memory_space<semaphore_mem>>) attributes {dimension_semantics = [#tpu.dimension_semantics<core_parallel>, #tpu.dimension_semantics<subcore_parallel>], iteration_bounds = array<i64: 2, 16>, scalar_prefetch = 0 : i64, scratch_operands = 22 : i64, tpu.core_type = #tpu.core_type<sc_vector_subcore>, window_params = [{transform_indices = #map}, {transform_indices = #map1}, {transform_indices = #map1}, {transform_indices = #map1}]} {
    %mul3A = arith.constant 2 : i32
    %mul3A_0 = arith.muli %arg1, %mul3A : i32
    %add3A = arith.addi %mul3A_0, %arg0 : i32
    %dma_start3A = arith.constant 0 : i32
    %dma_start3A_1 = arith.constant 0 : i32
    %dma_start3A_2 = tpu.memref_slice %arg3[%add3A, %dma_start3A, %dma_start3A_1] : memref<32x80x125xi32, #tpu.memory_space<hbm>> -> memref<1x1x125xi32, #tpu.memory_space<hbm>>
    %dma_start3A_3 = tpu.memref_squeeze %dma_start3A_2 : memref<1x1x125xi32, #tpu.memory_space<hbm>> -> memref<125xi32, #tpu.memory_space<hbm>>
    %dma_start3A_4 = arith.constant 0 : i32
    %dma_start3A_5 = tpu.memref_slice %arg3[%add3A, %dma_start3A, %dma_start3A_4] : memref<32x80x125xi32, #tpu.memory_space<hbm>> -> memref<1x1x125xi32, #tpu.memory_space<hbm>>
    %dma_start3A_6 = tpu.memref_squeeze %dma_start3A_5 : memref<1x1x125xi32, #tpu.memory_space<hbm>> -> memref<125xi32, #tpu.memory_space<hbm>>
    tpu.enqueue_dma source(%dma_start3A_6 : memref<125xi32, #tpu.memory_space<hbm>>) target(%arg6 : memref<125xi32, #tpu.memory_space<vmem>>) target_semaphore(%arg25 : memref<!tpu.dma_semaphore, #tpu.memory_space<semaphore_mem>>)
    %dma_start3A_7 = arith.constant 1 : i32
    %dma_start3A_8 = arith.constant 0 : i32
    %dma_start3A_9 = tpu.memref_slice %arg3[%add3A, %dma_start3A_7, %dma_start3A_8] : memref<32x80x125xi32, #tpu.memory_space<hbm>> -> memref<1x1x125xi32, #tpu.memory_space<hbm>>
    %dma_start3A_10 = tpu.memref_squeeze %dma_start3A_9 : memref<1x1x125xi32, #tpu.memory_space<hbm>> -> memref<125xi32, #tpu.memory_space<hbm>>
    %dma_start3A_11 = arith.constant 0 : i32
    %dma_start3A_12 = tpu.memref_slice %arg3[%add3A, %dma_start3A_7, %dma_start3A_11] : memref<32x80x125xi32, #tpu.memory_space<hbm>> -> memref<1x1x125xi32, #tpu.memory_space<hbm>>
    %dma_start3A_13 = tpu.memref_squeeze %dma_start3A_12 : memref<1x1x125xi32, #tpu.memory_space<hbm>> -> memref<125xi32, #tpu.memory_space<hbm>>
    tpu.enqueue_dma source(%dma_start3A_13 : memref<125xi32, #tpu.memory_space<hbm>>) target(%arg7 : memref<125xi32, #tpu.memory_space<vmem>>) target_semaphore(%arg26 : memref<!tpu.dma_semaphore, #tpu.memory_space<semaphore_mem>>)
    %dma_start3A_14 = arith.constant 0 : i32
    %dma_start3A_15 = arith.constant 0 : i32
    %dma_start3A_16 = tpu.memref_slice %arg4[%add3A, %dma_start3A_14, %dma_start3A_15] : memref<32x80x125xi32, #tpu.memory_space<hbm>> -> memref<1x1x125xi32, #tpu.memory_space<hbm>>
    %dma_start3A_17 = tpu.memref_squeeze %dma_start3A_16 : memref<1x1x125xi32, #tpu.memory_space<hbm>> -> memref<125xi32, #tpu.memory_space<hbm>>
    %dma_start3A_18 = arith.constant 0 : i32
    %dma_start3A_19 = tpu.memref_slice %arg4[%add3A, %dma_start3A_14, %dma_start3A_18] : memref<32x80x125xi32, #tpu.memory_space<hbm>> -> memref<1x1x125xi32, #tpu.memory_space<hbm>>
    %dma_start3A_20 = tpu.memref_squeeze %dma_start3A_19 : memref<1x1x125xi32, #tpu.memory_space<hbm>> -> memref<125xi32, #tpu.memory_space<hbm>>
    tpu.enqueue_dma source(%dma_start3A_20 : memref<125xi32, #tpu.memory_space<hbm>>) target(%arg9 : memref<125xi32, #tpu.memory_space<vmem>>) target_semaphore(%arg19 : memref<!tpu.dma_semaphore, #tpu.memory_space<semaphore_mem>>)
    %dma_start3A_21 = arith.constant 1 : i32
    %dma_start3A_22 = arith.constant 0 : i32
    %dma_start3A_23 = tpu.memref_slice %arg4[%add3A, %dma_start3A_21, %dma_start3A_22] : memref<32x80x125xi32, #tpu.memory_space<hbm>> -> memref<1x1x125xi32, #tpu.memory_space<hbm>>
    %dma_start3A_24 = tpu.memref_squeeze %dma_start3A_23 : memref<1x1x125xi32, #tpu.memory_space<hbm>> -> memref<125xi32, #tpu.memory_space<hbm>>
    %dma_start3A_25 = arith.constant 0 : i32
    %dma_start3A_26 = tpu.memref_slice %arg4[%add3A, %dma_start3A_21, %dma_start3A_25] : memref<32x80x125xi32, #tpu.memory_space<hbm>> -> memref<1x1x125xi32, #tpu.memory_space<hbm>>
    %dma_start3A_27 = tpu.memref_squeeze %dma_start3A_26 : memref<1x1x125xi32, #tpu.memory_space<hbm>> -> memref<125xi32, #tpu.memory_space<hbm>>
    tpu.enqueue_dma source(%dma_start3A_27 : memref<125xi32, #tpu.memory_space<hbm>>) target(%arg10 : memref<125xi32, #tpu.memory_space<vmem>>) target_semaphore(%arg20 : memref<!tpu.dma_semaphore, #tpu.memory_space<semaphore_mem>>)
    %dma_wait3A = arith.constant 0 : i32
    %dma_wait3A_28 = arith.constant 0 : i32
    %dma_wait3A_29 = tpu.memref_slice %arg3[%add3A, %dma_wait3A, %dma_wait3A_28] : memref<32x80x125xi32, #tpu.memory_space<hbm>> -> memref<1x1x125xi32, #tpu.memory_space<hbm>>
    %dma_wait3A_30 = tpu.memref_squeeze %dma_wait3A_29 : memref<1x1x125xi32, #tpu.memory_space<hbm>> -> memref<125xi32, #tpu.memory_space<hbm>>
    %dma_wait3A_31 = arith.constant 0 : i32
    %dma_wait3A_32 = tpu.memref_slice %arg3[%add3A, %dma_wait3A, %dma_wait3A_31] : memref<32x80x125xi32, #tpu.memory_space<hbm>> -> memref<1x1x125xi32, #tpu.memory_space<hbm>>
    %dma_wait3A_33 = tpu.memref_squeeze %dma_wait3A_32 : memref<1x1x125xi32, #tpu.memory_space<hbm>> -> memref<125xi32, #tpu.memory_space<hbm>>
    tpu.wait_dma2 semaphore(%arg25 : memref<!tpu.dma_semaphore, #tpu.memory_space<semaphore_mem>>) src(%dma_wait3A_33 : memref<125xi32, #tpu.memory_space<hbm>>) dst(%arg6 : memref<125xi32, #tpu.memory_space<vmem>>)
    %dma_start3A_34 = arith.constant 0 : i32
    %dma_start3A_35 = arith.constant 0 : i32
    %dma_start3A_36 = tpu.memref_slice %arg2[%dma_start3A_34, %dma_start3A_35] : memref<10000x128xf32, #tpu.memory_space<hbm>> -> memref<10000x128xf32, #tpu.memory_space<hbm>>
    tpu.enqueue_indirect_dma source(%dma_start3A_36 : memref<10000x128xf32, #tpu.memory_space<hbm>>) target(%arg12 : memref<125x128xf32, #tpu.memory_space<vmem>>) offsets(%arg6 : memref<125xi32, #tpu.memory_space<vmem>>) semaphore(%arg16 : memref<!tpu.dma_semaphore, #tpu.memory_space<semaphore_mem>>)
    %dma_wait3A_37 = arith.constant 1 : i32
    %dma_wait3A_38 = arith.constant 0 : i32
    %dma_wait3A_39 = tpu.memref_slice %arg3[%add3A, %dma_wait3A_37, %dma_wait3A_38] : memref<32x80x125xi32, #tpu.memory_space<hbm>> -> memref<1x1x125xi32, #tpu.memory_space<hbm>>
    %dma_wait3A_40 = tpu.memref_squeeze %dma_wait3A_39 : memref<1x1x125xi32, #tpu.memory_space<hbm>> -> memref<125xi32, #tpu.memory_space<hbm>>
    %dma_wait3A_41 = arith.constant 0 : i32
    %dma_wait3A_42 = tpu.memref_slice %arg3[%add3A, %dma_wait3A_37, %dma_wait3A_41] : memref<32x80x125xi32, #tpu.memory_space<hbm>> -> memref<1x1x125xi32, #tpu.memory_space<hbm>>
    %dma_wait3A_43 = tpu.memref_squeeze %dma_wait3A_42 : memref<1x1x125xi32, #tpu.memory_space<hbm>> -> memref<125xi32, #tpu.memory_space<hbm>>
    tpu.wait_dma2 semaphore(%arg26 : memref<!tpu.dma_semaphore, #tpu.memory_space<semaphore_mem>>) src(%dma_wait3A_43 : memref<125xi32, #tpu.memory_space<hbm>>) dst(%arg7 : memref<125xi32, #tpu.memory_space<vmem>>)
    %dma_start3A_44 = arith.constant 0 : i32
    %dma_start3A_45 = arith.constant 0 : i32
    %dma_start3A_46 = tpu.memref_slice %arg2[%dma_start3A_44, %dma_start3A_45] : memref<10000x128xf32, #tpu.memory_space<hbm>> -> memref<10000x128xf32, #tpu.memory_space<hbm>>
    tpu.enqueue_indirect_dma source(%dma_start3A_46 : memref<10000x128xf32, #tpu.memory_space<hbm>>) target(%arg13 : memref<125x128xf32, #tpu.memory_space<vmem>>) offsets(%arg7 : memref<125xi32, #tpu.memory_space<vmem>>) semaphore(%arg17 : memref<!tpu.dma_semaphore, #tpu.memory_space<semaphore_mem>>)
    %dma_start3A_47 = arith.constant 2 : i32
    %dma_start3A_48 = arith.constant 0 : i32
    %dma_start3A_49 = tpu.memref_slice %arg3[%add3A, %dma_start3A_47, %dma_start3A_48] : memref<32x80x125xi32, #tpu.memory_space<hbm>> -> memref<1x1x125xi32, #tpu.memory_space<hbm>>
    %dma_start3A_50 = tpu.memref_squeeze %dma_start3A_49 : memref<1x1x125xi32, #tpu.memory_space<hbm>> -> memref<125xi32, #tpu.memory_space<hbm>>
    %dma_start3A_51 = arith.constant 0 : i32
    %dma_start3A_52 = tpu.memref_slice %arg3[%add3A, %dma_start3A_47, %dma_start3A_51] : memref<32x80x125xi32, #tpu.memory_space<hbm>> -> memref<1x1x125xi32, #tpu.memory_space<hbm>>
    %dma_start3A_53 = tpu.memref_squeeze %dma_start3A_52 : memref<1x1x125xi32, #tpu.memory_space<hbm>> -> memref<125xi32, #tpu.memory_space<hbm>>
    tpu.enqueue_dma source(%dma_start3A_53 : memref<125xi32, #tpu.memory_space<hbm>>) target(%arg8 : memref<125xi32, #tpu.memory_space<vmem>>) target_semaphore(%arg27 : memref<!tpu.dma_semaphore, #tpu.memory_space<semaphore_mem>>)
    %broadcast_in_dim3A = arith.constant 0.000000e+00 : f32
    %broadcast_in_dim3A_54 = vector.broadcast %broadcast_in_dim3A : f32 to vector<16xf32>
    %scan3A = arith.constant 0 : i32
    %scan3A_55 = arith.constant 0 : i32
    %scan3A_56 = arith.constant 125 : i32
    %scan3A_57 = arith.addi %scan3A_55, %scan3A_56 : i32
    %scan3A_58 = arith.constant 1 : i32
    %scan3A_59 = scf.for %scan3A_198 = %scan3A_55 to %scan3A_57 step %scan3A_58 iter_args(%scan3A_199 = %scan3A) -> (i32)  : i32 {
      %swap3A = arith.index_cast %scan3A_198 : i32 to index
      %swap3A_200 = arith.constant 0 : index
      %swap3A_201 = tpu.vector_load %arg14[%swap3A, %swap3A_200] {strides = array<i32>} : memref<125x128xf32, #tpu.memory_space<vmem>>, vector<1x16xf32>,
      %swap3A_202 = vector.shape_cast %swap3A_201 : vector<1x16xf32> to vector<16xf32>
      %swap3A_203 = vector.shape_cast %broadcast_in_dim3A_54 : vector<16xf32> to vector<1x16xf32>
      tpu.vector_store %arg14[%swap3A, %swap3A_200], %swap3A_203 {strides = array<i32>} : memref<125x128xf32, #tpu.memory_space<vmem>>, vector<1x16xf32>,
      %swap3A_204 = arith.index_cast %scan3A_198 : i32 to index
      %swap3A_205 = arith.constant 16 : index
      %swap3A_206 = tpu.vector_load %arg14[%swap3A_204, %swap3A_205] {strides = array<i32>} : memref<125x128xf32, #tpu.memory_space<vmem>>, vector<1x16xf32>,
      %swap3A_207 = vector.shape_cast %swap3A_206 : vector<1x16xf32> to vector<16xf32>
      %swap3A_208 = vector.shape_cast %broadcast_in_dim3A_54 : vector<16xf32> to vector<1x16xf32>
      tpu.vector_store %arg14[%swap3A_204, %swap3A_205], %swap3A_208 {strides = array<i32>} : memref<125x128xf32, #tpu.memory_space<vmem>>, vector<1x16xf32>,
      %swap3A_209 = arith.index_cast %scan3A_198 : i32 to index
      %swap3A_210 = arith.constant 32 : index
      %swap3A_211 = tpu.vector_load %arg14[%swap3A_209, %swap3A_210] {strides = array<i32>} : memref<125x128xf32, #tpu.memory_space<vmem>>, vector<1x16xf32>,
      %swap3A_212 = vector.shape_cast %swap3A_211 : vector<1x16xf32> to vector<16xf32>
      %swap3A_213 = vector.shape_cast %broadcast_in_dim3A_54 : vector<16xf32> to vector<1x16xf32>
      tpu.vector_store %arg14[%swap3A_209, %swap3A_210], %swap3A_213 {strides = array<i32>} : memref<125x128xf32, #tpu.memory_space<vmem>>, vector<1x16xf32>,
      %swap3A_214 = arith.index_cast %scan3A_198 : i32 to index
      %swap3A_215 = arith.constant 48 : index
      %swap3A_216 = tpu.vector_load %arg14[%swap3A_214, %swap3A_215] {strides = array<i32>} : memref<125x128xf32, #tpu.memory_space<vmem>>, vector<1x16xf32>,
      %swap3A_217 = vector.shape_cast %swap3A_216 : vector<1x16xf32> to vector<16xf32>
      %swap3A_218 = vector.shape_cast %broadcast_in_dim3A_54 : vector<16xf32> to vector<1x16xf32>
      tpu.vector_store %arg14[%swap3A_214, %swap3A_215], %swap3A_218 {strides = array<i32>} : memref<125x128xf32, #tpu.memory_space<vmem>>, vector<1x16xf32>,
      %swap3A_219 = arith.index_cast %scan3A_198 : i32 to index
      %swap3A_220 = arith.constant 64 : index
      %swap3A_221 = tpu.vector_load %arg14[%swap3A_219, %swap3A_220] {strides = array<i32>} : memref<125x128xf32, #tpu.memory_space<vmem>>, vector<1x16xf32>,
      %swap3A_222 = vector.shape_cast %swap3A_221 : vector<1x16xf32> to vector<16xf32>
      %swap3A_223 = vector.shape_cast %broadcast_in_dim3A_54 : vector<16xf32> to vector<1x16xf32>
      tpu.vector_store %arg14[%swap3A_219, %swap3A_220], %swap3A_223 {strides = array<i32>} : memref<125x128xf32, #tpu.memory_space<vmem>>, vector<1x16xf32>,
      %swap3A_224 = arith.index_cast %scan3A_198 : i32 to index
      %swap3A_225 = arith.constant 80 : index
      %swap3A_226 = tpu.vector_load %arg14[%swap3A_224, %swap3A_225] {strides = array<i32>} : memref<125x128xf32, #tpu.memory_space<vmem>>, vector<1x16xf32>,
      %swap3A_227 = vector.shape_cast %swap3A_226 : vector<1x16xf32> to vector<16xf32>
      %swap3A_228 = vector.shape_cast %broadcast_in_dim3A_54 : vector<16xf32> to vector<1x16xf32>
      tpu.vector_store %arg14[%swap3A_224, %swap3A_225], %swap3A_228 {strides = array<i32>} : memref<125x128xf32, #tpu.memory_space<vmem>>, vector<1x16xf32>,
      %swap3A_229 = arith.index_cast %scan3A_198 : i32 to index
      %swap3A_230 = arith.constant 96 : index
      %swap3A_231 = tpu.vector_load %arg14[%swap3A_229, %swap3A_230] {strides = array<i32>} : memref<125x128xf32, #tpu.memory_space<vmem>>, vector<1x16xf32>,
      %swap3A_232 = vector.shape_cast %swap3A_231 : vector<1x16xf32> to vector<16xf32>
      %swap3A_233 = vector.shape_cast %broadcast_in_dim3A_54 : vector<16xf32> to vector<1x16xf32>
      tpu.vector_store %arg14[%swap3A_229, %swap3A_230], %swap3A_233 {strides = array<i32>} : memref<125x128xf32, #tpu.memory_space<vmem>>, vector<1x16xf32>,
      %swap3A_234 = arith.index_cast %scan3A_198 : i32 to index
      %swap3A_235 = arith.constant 112 : index
      %swap3A_236 = tpu.vector_load %arg14[%swap3A_234, %swap3A_235] {strides = array<i32>} : memref<125x128xf32, #tpu.memory_space<vmem>>, vector<1x16xf32>,
      %swap3A_237 = vector.shape_cast %swap3A_236 : vector<1x16xf32> to vector<16xf32>
      %swap3A_238 = vector.shape_cast %broadcast_in_dim3A_54 : vector<16xf32> to vector<1x16xf32>
      tpu.vector_store %arg14[%swap3A_234, %swap3A_235], %swap3A_238 {strides = array<i32>} : memref<125x128xf32, #tpu.memory_space<vmem>>, vector<1x16xf32>,
      %scan3A_239 = arith.constant 0 : i32
      scf.yield %scan3A_239 : i32
    }
    %scan3A_60 = arith.constant 125 : i32
    %scan3A_61 = arith.constant 0 : i32
    %scan3A_62 = arith.constant 0 : i32
    %scan3A_63 = arith.constant 4 : i32
    %scan3A_64 = arith.addi %scan3A_62, %scan3A_63 : i32
    %scan3A_65 = arith.constant 1 : i32
    %scan3A_66 = scf.for %scan3A_198 = %scan3A_62 to %scan3A_64 step %scan3A_65 iter_args(%scan3A_199 = %scan3A_61) -> (i32)  : i32 {
      %mul3A_200 = arith.constant 624 : i32
      %mul3A_201 = arith.muli %arg1, %mul3A_200 : i32
      %mul3A_202 = arith.constant 125 : i32
      %mul3A_203 = arith.muli %scan3A_198, %mul3A_202 : i32
      %add3A_204 = arith.addi %mul3A_201, %mul3A_203 : i32
      %dma_start3A_205 = arith.constant 0 : i32
      %dma_start3A_206 = tpu.memref_slice %arg15[%add3A_204, %dma_start3A_205] : memref<10000x128xf32, #tpu.memory_space<vmem_shared>> -> memref<125x128xf32, #tpu.memory_space<vmem_shared>>
      %dma_start3A_207 = arith.constant 0 : i32
      %dma_start3A_208 = tpu.memref_slice %arg15[%add3A_204, %dma_start3A_207] : memref<10000x128xf32, #tpu.memory_space<vmem_shared>> -> memref<125x128xf32, #tpu.memory_space<vmem_shared>>
      tpu.enqueue_dma source(%arg14 : memref<125x128xf32, #tpu.memory_space<vmem>>) target(%dma_start3A_208 : memref<125x128xf32, #tpu.memory_space<vmem_shared>>) target_semaphore(%arg22 : memref<!tpu.dma_semaphore, #tpu.memory_space<semaphore_mem>>)
      %scan3A_209 = arith.constant 0 : i32
      scf.yield %scan3A_209 : i32
    }
    %scan3A_67 = arith.constant 4 : i32
    %mul3A_68 = arith.constant 624 : i32
    %mul3A_69 = arith.muli %arg1, %mul3A_68 : i32
    %add3A_70 = arith.constant 500 : i32
    %add3A_71 = arith.addi %mul3A_69, %add3A_70 : i32
    %dma_start3A_72 = arith.constant 0 : i32
    %dma_start3A_73 = arith.constant 0 : i32
    %dma_start3A_74 = tpu.memref_slice %arg14[%dma_start3A_72, %dma_start3A_73] : memref<125x128xf32, #tpu.memory_space<vmem>> -> memref<124x128xf32, #tpu.memory_space<vmem>>
    %dma_start3A_75 = arith.constant 0 : i32
    %dma_start3A_76 = tpu.memref_slice %arg15[%add3A_71, %dma_start3A_75] : memref<10000x128xf32, #tpu.memory_space<vmem_shared>> -> memref<124x128xf32, #tpu.memory_space<vmem_shared>>
    %dma_start3A_77 = arith.constant 0 : i32
    %dma_start3A_78 = tpu.memref_slice %arg15[%add3A_71, %dma_start3A_77] : memref<10000x128xf32, #tpu.memory_space<vmem_shared>> -> memref<124x128xf32, #tpu.memory_space<vmem_shared>>
    %dma_start3A_79 = arith.constant 0 : i32
    %dma_start3A_80 = arith.constant 0 : i32
    %dma_start3A_81 = tpu.memref_slice %arg14[%dma_start3A_79, %dma_start3A_80] : memref<125x128xf32, #tpu.memory_space<vmem>> -> memref<124x128xf32, #tpu.memory_space<vmem>>
    tpu.enqueue_dma source(%dma_start3A_81 : memref<124x128xf32, #tpu.memory_space<vmem>>) target(%dma_start3A_78 : memref<124x128xf32, #tpu.memory_space<vmem_shared>>) target_semaphore(%arg22 : memref<!tpu.dma_semaphore, #tpu.memory_space<semaphore_mem>>)
    %eq3A = arith.constant 15 : i32
    %eq3A_82 = arith.cmpi eq, %arg1, %eq3A : i32
    %convert_element_type3A = arith.extui %eq3A_82 : i1 to i32
    %cond3A = arith.constant 0 : i32
    %cond3A_83 = arith.cmpi ne, %convert_element_type3A, %cond3A : i32
    scf.if %cond3A_83 {
      %dma_start3A_198 = arith.constant 0 : i32
      %dma_start3A_199 = arith.constant 0 : i32
      %dma_start3A_200 = tpu.memref_slice %arg14[%dma_start3A_198, %dma_start3A_199] : memref<125x128xf32, #tpu.memory_space<vmem>> -> memref<16x128xf32, #tpu.memory_space<vmem>>
      %dma_start3A_201 = arith.constant 9984 : i32
      %dma_start3A_202 = arith.constant 0 : i32
      %dma_start3A_203 = tpu.memref_slice %arg15[%dma_start3A_201, %dma_start3A_202] : memref<10000x128xf32, #tpu.memory_space<vmem_shared>> -> memref<16x128xf32, #tpu.memory_space<vmem_shared>>
      %dma_start3A_204 = arith.constant 9984 : i32
      %dma_start3A_205 = arith.constant 0 : i32
      %dma_start3A_206 = tpu.memref_slice %arg15[%dma_start3A_204, %dma_start3A_205] : memref<10000x128xf32, #tpu.memory_space<vmem_shared>> -> memref<16x128xf32, #tpu.memory_space<vmem_shared>>
      %dma_start3A_207 = arith.constant 0 : i32
      %dma_start3A_208 = arith.constant 0 : i32
      %dma_start3A_209 = tpu.memref_slice %arg14[%dma_start3A_207, %dma_start3A_208] : memref<125x128xf32, #tpu.memory_space<vmem>> -> memref<16x128xf32, #tpu.memory_space<vmem>>
      tpu.enqueue_dma source(%dma_start3A_209 : memref<16x128xf32, #tpu.memory_space<vmem>>) target(%dma_start3A_206 : memref<16x128xf32, #tpu.memory_space<vmem_shared>>) target_semaphore(%arg22 : memref<!tpu.dma_semaphore, #tpu.memory_space<semaphore_mem>>)
    } else {
    }
    %scan3A_84 = arith.constant 0 : i32
    %scan3A_85 = arith.constant 0 : i32
    %scan3A_86 = arith.constant 4 : i32
    %scan3A_87 = arith.addi %scan3A_85, %scan3A_86 : i32
    %scan3A_88 = arith.constant 1 : i32
    %scan3A_89 = scf.for %scan3A_198 = %scan3A_85 to %scan3A_87 step %scan3A_88 iter_args(%scan3A_199 = %scan3A_84) -> (i32)  : i32 {
      %mul3A_200 = arith.constant 624 : i32
      %mul3A_201 = arith.muli %arg1, %mul3A_200 : i32
      %mul3A_202 = arith.constant 125 : i32
      %mul3A_203 = arith.muli %scan3A_198, %mul3A_202 : i32
      %add3A_204 = arith.addi %mul3A_201, %mul3A_203 : i32
      %dma_wait3A_205 = arith.constant 0 : i32
      %dma_wait3A_206 = tpu.memref_slice %arg15[%add3A_204, %dma_wait3A_205] : memref<10000x128xf32, #tpu.memory_space<vmem_shared>> -> memref<125x128xf32, #tpu.memory_space<vmem_shared>>
      %dma_wait3A_207 = arith.constant 0 : i32
      %dma_wait3A_208 = tpu.memref_slice %arg15[%add3A_204, %dma_wait3A_207] : memref<10000x128xf32, #tpu.memory_space<vmem_shared>> -> memref<125x128xf32, #tpu.memory_space<vmem_shared>>
      tpu.wait_dma2 semaphore(%arg22 : memref<!tpu.dma_semaphore, #tpu.memory_space<semaphore_mem>>) src(%arg14 : memref<125x128xf32, #tpu.memory_space<vmem>>) dst(%dma_wait3A_208 : memref<125x128xf32, #tpu.memory_space<vmem_shared>>)
      %scan3A_209 = arith.constant 0 : i32
      scf.yield %scan3A_209 : i32
    }
    %scan3A_90 = arith.constant 4 : i32
    %mul3A_91 = arith.constant 624 : i32
    %mul3A_92 = arith.muli %arg1, %mul3A_91 : i32
    %dma_wait3A_93 = arith.constant 0 : i32
    %dma_wait3A_94 = arith.constant 0 : i32
    %dma_wait3A_95 = tpu.memref_slice %arg14[%dma_wait3A_93, %dma_wait3A_94] : memref<125x128xf32, #tpu.memory_space<vmem>> -> memref<124x128xf32, #tpu.memory_space<vmem>>
    %dma_wait3A_96 = arith.constant 0 : i32
    %dma_wait3A_97 = tpu.memref_slice %arg15[%mul3A_92, %dma_wait3A_96] : memref<10000x128xf32, #tpu.memory_space<vmem_shared>> -> memref<124x128xf32, #tpu.memory_space<vmem_shared>>
    %dma_wait3A_98 = arith.constant 0 : i32
    %dma_wait3A_99 = tpu.memref_slice %arg15[%mul3A_92, %dma_wait3A_98] : memref<10000x128xf32, #tpu.memory_space<vmem_shared>> -> memref<124x128xf32, #tpu.memory_space<vmem_shared>>
    %dma_wait3A_100 = arith.constant 0 : i32
    %dma_wait3A_101 = arith.constant 0 : i32
    %dma_wait3A_102 = tpu.memref_slice %arg14[%dma_wait3A_100, %dma_wait3A_101] : memref<125x128xf32, #tpu.memory_space<vmem>> -> memref<124x128xf32, #tpu.memory_space<vmem>>
    tpu.wait_dma2 semaphore(%arg22 : memref<!tpu.dma_semaphore, #tpu.memory_space<semaphore_mem>>) src(%dma_wait3A_102 : memref<124x128xf32, #tpu.memory_space<vmem>>) dst(%dma_wait3A_99 : memref<124x128xf32, #tpu.memory_space<vmem_shared>>)
    %eq3A_103 = arith.constant 15 : i32
    %eq3A_104 = arith.cmpi eq, %arg1, %eq3A_103 : i32
    %convert_element_type3A_105 = arith.extui %eq3A_104 : i1 to i32
    %cond3A_106 = arith.constant 0 : i32
    %cond3A_107 = arith.cmpi ne, %convert_element_type3A_105, %cond3A_106 : i32
    scf.if %cond3A_107 {
      %dma_wait3A_198 = arith.constant 0 : i32
      %dma_wait3A_199 = arith.constant 0 : i32
      %dma_wait3A_200 = tpu.memref_slice %arg14[%dma_wait3A_198, %dma_wait3A_199] : memref<125x128xf32, #tpu.memory_space<vmem>> -> memref<16x128xf32, #tpu.memory_space<vmem>>
      %dma_wait3A_201 = arith.constant 9984 : i32
      %dma_wait3A_202 = arith.constant 0 : i32
      %dma_wait3A_203 = tpu.memref_slice %arg15[%dma_wait3A_201, %dma_wait3A_202] : memref<10000x128xf32, #tpu.memory_space<vmem_shared>> -> memref<16x128xf32, #tpu.memory_space<vmem_shared>>
      %dma_wait3A_204 = arith.constant 9984 : i32
      %dma_wait3A_205 = arith.constant 0 : i32
      %dma_wait3A_206 = tpu.memref_slice %arg15[%dma_wait3A_204, %dma_wait3A_205] : memref<10000x128xf32, #tpu.memory_space<vmem_shared>> -> memref<16x128xf32, #tpu.memory_space<vmem_shared>>
      %dma_wait3A_207 = arith.constant 0 : i32
      %dma_wait3A_208 = arith.constant 0 : i32
      %dma_wait3A_209 = tpu.memref_slice %arg14[%dma_wait3A_207, %dma_wait3A_208] : memref<125x128xf32, #tpu.memory_space<vmem>> -> memref<16x128xf32, #tpu.memory_space<vmem>>
      tpu.wait_dma2 semaphore(%arg22 : memref<!tpu.dma_semaphore, #tpu.memory_space<semaphore_mem>>) src(%dma_wait3A_209 : memref<16x128xf32, #tpu.memory_space<vmem>>) dst(%dma_wait3A_206 : memref<16x128xf32, #tpu.memory_space<vmem_shared>>)
    } else {
    }
    %barrier3A = arith.constant 0 : index
    tpu.barrier barrier_id(%barrier3A)
    %scan3A_108 = arith.constant 0 : i32
    %scan3A_109 = arith.constant 0 : i32
    %scan3A_110 = arith.constant 26 : i32
    %scan3A_111 = arith.addi %scan3A_109, %scan3A_110 : i32
    %scan3A_112 = arith.constant 1 : i32
    %scan3A_113 = scf.for %scan3A_198 = %scan3A_109 to %scan3A_111 step %scan3A_112 iter_args(%scan3A_199 = %scan3A_108) -> (i32)  : i32 {
      %mul3A_200 = arith.constant 3 : i32
      %mul3A_201 = arith.muli %mul3A_200, %scan3A_198 : i32
      %dma_wait3A_202 = arith.constant 0 : i32
      %dma_wait3A_203 = arith.constant 0 : i32
      %dma_wait3A_204 = tpu.memref_slice %arg2[%dma_wait3A_202, %dma_wait3A_203] : memref<10000x128xf32, #tpu.memory_space<hbm>> -> memref<10000x128xf32, #tpu.memory_space<hbm>>
      tpu.wait_indirect_dma semaphore(%arg16 : memref<!tpu.dma_semaphore, #tpu.memory_space<semaphore_mem>>) src(%dma_wait3A_204 : memref<10000x128xf32, #tpu.memory_space<hbm>>) dst(%arg12 : memref<125x128xf32, #tpu.memory_space<vmem>>)
      %dma_wait3A_205 = arith.constant 0 : i32
      %dma_wait3A_206 = tpu.memref_slice %arg4[%add3A, %mul3A_201, %dma_wait3A_205] : memref<32x80x125xi32, #tpu.memory_space<hbm>> -> memref<1x1x125xi32, #tpu.memory_space<hbm>>
      %dma_wait3A_207 = tpu.memref_squeeze %dma_wait3A_206 : memref<1x1x125xi32, #tpu.memory_space<hbm>> -> memref<125xi32, #tpu.memory_space<hbm>>
      %dma_wait3A_208 = arith.constant 0 : i32
      %dma_wait3A_209 = tpu.memref_slice %arg4[%add3A, %mul3A_201, %dma_wait3A_208] : memref<32x80x125xi32, #tpu.memory_space<hbm>> -> memref<1x1x125xi32, #tpu.memory_space<hbm>>
      %dma_wait3A_210 = tpu.memref_squeeze %dma_wait3A_209 : memref<1x1x125xi32, #tpu.memory_space<hbm>> -> memref<125xi32, #tpu.memory_space<hbm>>
      tpu.wait_dma2 semaphore(%arg19 : memref<!tpu.dma_semaphore, #tpu.memory_space<semaphore_mem>>) src(%dma_wait3A_210 : memref<125xi32, #tpu.memory_space<hbm>>) dst(%arg9 : memref<125xi32, #tpu.memory_space<vmem>>)
      %dma_start3A_211 = arith.constant 0 : i32
      %dma_start3A_212 = arith.constant 0 : i32
      %dma_start3A_213 = tpu.memref_slice %arg15[%dma_start3A_211, %dma_start3A_212] : memref<10000x128xf32, #tpu.memory_space<vmem_shared>> -> memref<10000x128xf32, #tpu.memory_space<vmem_shared>>
      tpu.enqueue_indirect_dma source(%arg12 : memref<125x128xf32, #tpu.memory_space<vmem>>) target(%dma_start3A_213 : memref<10000x128xf32, #tpu.memory_space<vmem_shared>>) offsets(%arg9 : memref<125xi32, #tpu.memory_space<vmem>>) semaphore(%arg22 : memref<!tpu.dma_semaphore, #tpu.memory_space<semaphore_mem>>) {add = true}
      %ge3A_214 = arith.constant 1 : i32
      %ge3A_215 = arith.cmpi sge, %mul3A_201, %ge3A_214 : i32
      %convert_element_type3A_216 = arith.extui %ge3A_215 : i1 to i32
      %cond3A_217 = arith.constant 0 : i32
      %cond3A_218 = arith.cmpi ne, %convert_element_type3A_216, %cond3A_217 : i32
      scf.if %cond3A_218 {
        %dma_wait3A_304 = arith.constant 0 : i32
        %dma_wait3A_305 = arith.constant 0 : i32
        %dma_wait3A_306 = tpu.memref_slice %arg15[%dma_wait3A_304, %dma_wait3A_305] : memref<10000x128xf32, #tpu.memory_space<vmem_shared>> -> memref<10000x128xf32, #tpu.memory_space<vmem_shared>>
        tpu.wait_indirect_dma semaphore(%arg24 : memref<!tpu.dma_semaphore, #tpu.memory_space<semaphore_mem>>) src(%arg14 : memref<125x128xf32, #tpu.memory_space<vmem>>) dst(%dma_wait3A_306 : memref<10000x128xf32, #tpu.memory_space<vmem_shared>>)
      } else {
      }
      %add3A_219 = arith.constant 2 : i32
      %add3A_220 = arith.addi %mul3A_201, %add3A_219 : i32
      %lt3A_221 = arith.constant 80 : i32
      %lt3A_222 = arith.cmpi slt, %add3A_220, %lt3A_221 : i32
      %convert_element_type3A_223 = arith.extui %lt3A_222 : i1 to i32
      %cond3A_224 = arith.constant 0 : i32
      %cond3A_225 = arith.cmpi ne, %convert_element_type3A_223, %cond3A_224 : i32
      scf.if %cond3A_225 {
        %add3A_304 = arith.constant 2 : i32
        %add3A_305 = arith.addi %mul3A_201, %add3A_304 : i32
        %dma_start3A_306 = arith.constant 0 : i32
        %dma_start3A_307 = tpu.memref_slice %arg4[%add3A, %add3A_305, %dma_start3A_306] : memref<32x80x125xi32, #tpu.memory_space<hbm>> -> memref<1x1x125xi32, #tpu.memory_space<hbm>>
        %dma_start3A_308 = tpu.memref_squeeze %dma_start3A_307 : memref<1x1x125xi32, #tpu.memory_space<hbm>> -> memref<125xi32, #tpu.memory_space<hbm>>
        %dma_start3A_309 = arith.constant 0 : i32
        %dma_start3A_310 = tpu.memref_slice %arg4[%add3A, %add3A_305, %dma_start3A_309] : memref<32x80x125xi32, #tpu.memory_space<hbm>> -> memref<1x1x125xi32, #tpu.memory_space<hbm>>
        %dma_start3A_311 = tpu.memref_squeeze %dma_start3A_310 : memref<1x1x125xi32, #tpu.memory_space<hbm>> -> memref<125xi32, #tpu.memory_space<hbm>>
        tpu.enqueue_dma source(%dma_start3A_311 : memref<125xi32, #tpu.memory_space<hbm>>) target(%arg11 : memref<125xi32, #tpu.memory_space<vmem>>) target_semaphore(%arg21 : memref<!tpu.dma_semaphore, #tpu.memory_space<semaphore_mem>>)
        %add3A_312 = arith.constant 2 : i32
        %add3A_313 = arith.addi %mul3A_201, %add3A_312 : i32
        %dma_wait3A_314 = arith.constant 0 : i32
        %dma_wait3A_315 = tpu.memref_slice %arg3[%add3A, %add3A_313, %dma_wait3A_314] : memref<32x80x125xi32, #tpu.memory_space<hbm>> -> memref<1x1x125xi32, #tpu.memory_space<hbm>>
        %dma_wait3A_316 = tpu.memref_squeeze %dma_wait3A_315 : memref<1x1x125xi32, #tpu.memory_space<hbm>> -> memref<125xi32, #tpu.memory_space<hbm>>
        %dma_wait3A_317 = arith.constant 0 : i32
        %dma_wait3A_318 = tpu.memref_slice %arg3[%add3A, %add3A_313, %dma_wait3A_317] : memref<32x80x125xi32, #tpu.memory_space<hbm>> -> memref<1x1x125xi32, #tpu.memory_space<hbm>>
        %dma_wait3A_319 = tpu.memref_squeeze %dma_wait3A_318 : memref<1x1x125xi32, #tpu.memory_space<hbm>> -> memref<125xi32, #tpu.memory_space<hbm>>
        tpu.wait_dma2 semaphore(%arg27 : memref<!tpu.dma_semaphore, #tpu.memory_space<semaphore_mem>>) src(%dma_wait3A_319 : memref<125xi32, #tpu.memory_space<hbm>>) dst(%arg8 : memref<125xi32, #tpu.memory_space<vmem>>)
        %dma_start3A_320 = arith.constant 0 : i32
        %dma_start3A_321 = arith.constant 0 : i32
        %dma_start3A_322 = tpu.memref_slice %arg2[%dma_start3A_320, %dma_start3A_321] : memref<10000x128xf32, #tpu.memory_space<hbm>> -> memref<10000x128xf32, #tpu.memory_space<hbm>>
        tpu.enqueue_indirect_dma source(%dma_start3A_322 : memref<10000x128xf32, #tpu.memory_space<hbm>>) target(%arg14 : memref<125x128xf32, #tpu.memory_space<vmem>>) offsets(%arg8 : memref<125xi32, #tpu.memory_space<vmem>>) semaphore(%arg18 : memref<!tpu.dma_semaphore, #tpu.memory_space<semaphore_mem>>)
      } else {
      }
      %add3A_226 = arith.constant 3 : i32
      %add3A_227 = arith.addi %mul3A_201, %add3A_226 : i32
      %lt3A_228 = arith.constant 80 : i32
      %lt3A_229 = arith.cmpi slt, %add3A_227, %lt3A_228 : i32
      %convert_element_type3A_230 = arith.extui %lt3A_229 : i1 to i32
      %cond3A_231 = arith.constant 0 : i32
      %cond3A_232 = arith.cmpi ne, %convert_element_type3A_230, %cond3A_231 : i32
      scf.if %cond3A_232 {
        %add3A_304 = arith.constant 3 : i32
        %add3A_305 = arith.addi %mul3A_201, %add3A_304 : i32
        %dma_start3A_306 = arith.constant 0 : i32
        %dma_start3A_307 = tpu.memref_slice %arg3[%add3A, %add3A_305, %dma_start3A_306] : memref<32x80x125xi32, #tpu.memory_space<hbm>> -> memref<1x1x125xi32, #tpu.memory_space<hbm>>
        %dma_start3A_308 = tpu.memref_squeeze %dma_start3A_307 : memref<1x1x125xi32, #tpu.memory_space<hbm>> -> memref<125xi32, #tpu.memory_space<hbm>>
        %dma_start3A_309 = arith.constant 0 : i32
        %dma_start3A_310 = tpu.memref_slice %arg3[%add3A, %add3A_305, %dma_start3A_309] : memref<32x80x125xi32, #tpu.memory_space<hbm>> -> memref<1x1x125xi32, #tpu.memory_space<hbm>>
        %dma_start3A_311 = tpu.memref_squeeze %dma_start3A_310 : memref<1x1x125xi32, #tpu.memory_space<hbm>> -> memref<125xi32, #tpu.memory_space<hbm>>
        tpu.enqueue_dma source(%dma_start3A_311 : memref<125xi32, #tpu.memory_space<hbm>>) target(%arg6 : memref<125xi32, #tpu.memory_space<vmem>>) target_semaphore(%arg25 : memref<!tpu.dma_semaphore, #tpu.memory_space<semaphore_mem>>)
      } else {
      }
      %mul3A_233 = arith.constant 3 : i32
      %mul3A_234 = arith.muli %mul3A_233, %scan3A_198 : i32
      %add3A_235 = arith.constant 1 : i32
      %add3A_236 = arith.addi %mul3A_234, %add3A_235 : i32
      %dma_wait3A_237 = arith.constant 0 : i32
      %dma_wait3A_238 = arith.constant 0 : i32
      %dma_wait3A_239 = tpu.memref_slice %arg2[%dma_wait3A_237, %dma_wait3A_238] : memref<10000x128xf32, #tpu.memory_space<hbm>> -> memref<10000x128xf32, #tpu.memory_space<hbm>>
      tpu.wait_indirect_dma semaphore(%arg17 : memref<!tpu.dma_semaphore, #tpu.memory_space<semaphore_mem>>) src(%dma_wait3A_239 : memref<10000x128xf32, #tpu.memory_space<hbm>>) dst(%arg13 : memref<125x128xf32, #tpu.memory_space<vmem>>)
      %dma_wait3A_240 = arith.constant 0 : i32
      %dma_wait3A_241 = tpu.memref_slice %arg4[%add3A, %add3A_236, %dma_wait3A_240] : memref<32x80x125xi32, #tpu.memory_space<hbm>> -> memref<1x1x125xi32, #tpu.memory_space<hbm>>
      %dma_wait3A_242 = tpu.memref_squeeze %dma_wait3A_241 : memref<1x1x125xi32, #tpu.memory_space<hbm>> -> memref<125xi32, #tpu.memory_space<hbm>>
      %dma_wait3A_243 = arith.constant 0 : i32
      %dma_wait3A_244 = tpu.memref_slice %arg4[%add3A, %add3A_236, %dma_wait3A_243] : memref<32x80x125xi32, #tpu.memory_space<hbm>> -> memref<1x1x125xi32, #tpu.memory_space<hbm>>
      %dma_wait3A_245 = tpu.memref_squeeze %dma_wait3A_244 : memref<1x1x125xi32, #tpu.memory_space<hbm>> -> memref<125xi32, #tpu.memory_space<hbm>>
      tpu.wait_dma2 semaphore(%arg20 : memref<!tpu.dma_semaphore, #tpu.memory_space<semaphore_mem>>) src(%dma_wait3A_245 : memref<125xi32, #tpu.memory_space<hbm>>) dst(%arg10 : memref<125xi32, #tpu.memory_space<vmem>>)
      %dma_start3A_246 = arith.constant 0 : i32
      %dma_start3A_247 = arith.constant 0 : i32
      %dma_start3A_248 = tpu.memref_slice %arg15[%dma_start3A_246, %dma_start3A_247] : memref<10000x128xf32, #tpu.memory_space<vmem_shared>> -> memref<10000x128xf32, #tpu.memory_space<vmem_shared>>
      tpu.enqueue_indirect_dma source(%arg13 : memref<125x128xf32, #tpu.memory_space<vmem>>) target(%dma_start3A_248 : memref<10000x128xf32, #tpu.memory_space<vmem_shared>>) offsets(%arg10 : memref<125xi32, #tpu.memory_space<vmem>>) semaphore(%arg23 : memref<!tpu.dma_semaphore, #tpu.memory_space<semaphore_mem>>) {add = true}
      %ge3A_249 = arith.constant 1 : i32
      %ge3A_250 = arith.cmpi sge, %add3A_236, %ge3A_249 : i32
      %convert_element_type3A_251 = arith.extui %ge3A_250 : i1 to i32
      %cond3A_252 = arith.constant 0 : i32
      %cond3A_253 = arith.cmpi ne, %convert_element_type3A_251, %cond3A_252 : i32
      scf.if %cond3A_253 {
        %dma_wait3A_304 = arith.constant 0 : i32
        %dma_wait3A_305 = arith.constant 0 : i32
        %dma_wait3A_306 = tpu.memref_slice %arg15[%dma_wait3A_304, %dma_wait3A_305] : memref<10000x128xf32, #tpu.memory_space<vmem_shared>> -> memref<10000x128xf32, #tpu.memory_space<vmem_shared>>
        tpu.wait_indirect_dma semaphore(%arg22 : memref<!tpu.dma_semaphore, #tpu.memory_space<semaphore_mem>>) src(%arg12 : memref<125x128xf32, #tpu.memory_space<vmem>>) dst(%dma_wait3A_306 : memref<10000x128xf32, #tpu.memory_space<vmem_shared>>)
      } else {
      }
      %add3A_254 = arith.constant 2 : i32
      %add3A_255 = arith.addi %add3A_236, %add3A_254 : i32
      %lt3A_256 = arith.constant 80 : i32
      %lt3A_257 = arith.cmpi slt, %add3A_255, %lt3A_256 : i32
      %convert_element_type3A_258 = arith.extui %lt3A_257 : i1 to i32
      %cond3A_259 = arith.constant 0 : i32
      %cond3A_260 = arith.cmpi ne, %convert_element_type3A_258, %cond3A_259 : i32
      scf.if %cond3A_260 {
        %add3A_304 = arith.constant 2 : i32
        %add3A_305 = arith.addi %add3A_236, %add3A_304 : i32
        %dma_start3A_306 = arith.constant 0 : i32
        %dma_start3A_307 = tpu.memref_slice %arg4[%add3A, %add3A_305, %dma_start3A_306] : memref<32x80x125xi32, #tpu.memory_space<hbm>> -> memref<1x1x125xi32, #tpu.memory_space<hbm>>
        %dma_start3A_308 = tpu.memref_squeeze %dma_start3A_307 : memref<1x1x125xi32, #tpu.memory_space<hbm>> -> memref<125xi32, #tpu.memory_space<hbm>>
        %dma_start3A_309 = arith.constant 0 : i32
        %dma_start3A_310 = tpu.memref_slice %arg4[%add3A, %add3A_305, %dma_start3A_309] : memref<32x80x125xi32, #tpu.memory_space<hbm>> -> memref<1x1x125xi32, #tpu.memory_space<hbm>>
        %dma_start3A_311 = tpu.memref_squeeze %dma_start3A_310 : memref<1x1x125xi32, #tpu.memory_space<hbm>> -> memref<125xi32, #tpu.memory_space<hbm>>
        tpu.enqueue_dma source(%dma_start3A_311 : memref<125xi32, #tpu.memory_space<hbm>>) target(%arg9 : memref<125xi32, #tpu.memory_space<vmem>>) target_semaphore(%arg19 : memref<!tpu.dma_semaphore, #tpu.memory_space<semaphore_mem>>)
        %add3A_312 = arith.constant 2 : i32
        %add3A_313 = arith.addi %add3A_236, %add3A_312 : i32
        %dma_wait3A_314 = arith.constant 0 : i32
        %dma_wait3A_315 = tpu.memref_slice %arg3[%add3A, %add3A_313, %dma_wait3A_314] : memref<32x80x125xi32, #tpu.memory_space<hbm>> -> memref<1x1x125xi32, #tpu.memory_space<hbm>>
        %dma_wait3A_316 = tpu.memref_squeeze %dma_wait3A_315 : memref<1x1x125xi32, #tpu.memory_space<hbm>> -> memref<125xi32, #tpu.memory_space<hbm>>
        %dma_wait3A_317 = arith.constant 0 : i32
        %dma_wait3A_318 = tpu.memref_slice %arg3[%add3A, %add3A_313, %dma_wait3A_317] : memref<32x80x125xi32, #tpu.memory_space<hbm>> -> memref<1x1x125xi32, #tpu.memory_space<hbm>>
        %dma_wait3A_319 = tpu.memref_squeeze %dma_wait3A_318 : memref<1x1x125xi32, #tpu.memory_space<hbm>> -> memref<125xi32, #tpu.memory_space<hbm>>
        tpu.wait_dma2 semaphore(%arg25 : memref<!tpu.dma_semaphore, #tpu.memory_space<semaphore_mem>>) src(%dma_wait3A_319 : memref<125xi32, #tpu.memory_space<hbm>>) dst(%arg6 : memref<125xi32, #tpu.memory_space<vmem>>)
        %dma_start3A_320 = arith.constant 0 : i32
        %dma_start3A_321 = arith.constant 0 : i32
        %dma_start3A_322 = tpu.memref_slice %arg2[%dma_start3A_320, %dma_start3A_321] : memref<10000x128xf32, #tpu.memory_space<hbm>> -> memref<10000x128xf32, #tpu.memory_space<hbm>>
        tpu.enqueue_indirect_dma source(%dma_start3A_322 : memref<10000x128xf32, #tpu.memory_space<hbm>>) target(%arg12 : memref<125x128xf32, #tpu.memory_space<vmem>>) offsets(%arg6 : memref<125xi32, #tpu.memory_space<vmem>>) semaphore(%arg16 : memref<!tpu.dma_semaphore, #tpu.memory_space<semaphore_mem>>)
      } else {
      }
      %add3A_261 = arith.constant 3 : i32
      %add3A_262 = arith.addi %add3A_236, %add3A_261 : i32
      %lt3A_263 = arith.constant 80 : i32
      %lt3A_264 = arith.cmpi slt, %add3A_262, %lt3A_263 : i32
      %convert_element_type3A_265 = arith.extui %lt3A_264 : i1 to i32
      %cond3A_266 = arith.constant 0 : i32
      %cond3A_267 = arith.cmpi ne, %convert_element_type3A_265, %cond3A_266 : i32
      scf.if %cond3A_267 {
        %add3A_304 = arith.constant 3 : i32
        %add3A_305 = arith.addi %add3A_236, %add3A_304 : i32
        %dma_start3A_306 = arith.constant 0 : i32
        %dma_start3A_307 = tpu.memref_slice %arg3[%add3A, %add3A_305, %dma_start3A_306] : memref<32x80x125xi32, #tpu.memory_space<hbm>> -> memref<1x1x125xi32, #tpu.memory_space<hbm>>
        %dma_start3A_308 = tpu.memref_squeeze %dma_start3A_307 : memref<1x1x125xi32, #tpu.memory_space<hbm>> -> memref<125xi32, #tpu.memory_space<hbm>>
        %dma_start3A_309 = arith.constant 0 : i32
        %dma_start3A_310 = tpu.memref_slice %arg3[%add3A, %add3A_305, %dma_start3A_309] : memref<32x80x125xi32, #tpu.memory_space<hbm>> -> memref<1x1x125xi32, #tpu.memory_space<hbm>>
        %dma_start3A_311 = tpu.memref_squeeze %dma_start3A_310 : memref<1x1x125xi32, #tpu.memory_space<hbm>> -> memref<125xi32, #tpu.memory_space<hbm>>
        tpu.enqueue_dma source(%dma_start3A_311 : memref<125xi32, #tpu.memory_space<hbm>>) target(%arg7 : memref<125xi32, #tpu.memory_space<vmem>>) target_semaphore(%arg26 : memref<!tpu.dma_semaphore, #tpu.memory_space<semaphore_mem>>)
      } else {
      }
      %mul3A_268 = arith.constant 3 : i32
      %mul3A_269 = arith.muli %mul3A_268, %scan3A_198 : i32
      %add3A_270 = arith.constant 2 : i32
      %add3A_271 = arith.addi %mul3A_269, %add3A_270 : i32
      %dma_wait3A_272 = arith.constant 0 : i32
      %dma_wait3A_273 = arith.constant 0 : i32
      %dma_wait3A_274 = tpu.memref_slice %arg2[%dma_wait3A_272, %dma_wait3A_273] : memref<10000x128xf32, #tpu.memory_space<hbm>> -> memref<10000x128xf32, #tpu.memory_space<hbm>>
      tpu.wait_indirect_dma semaphore(%arg18 : memref<!tpu.dma_semaphore, #tpu.memory_space<semaphore_mem>>) src(%dma_wait3A_274 : memref<10000x128xf32, #tpu.memory_space<hbm>>) dst(%arg14 : memref<125x128xf32, #tpu.memory_space<vmem>>)
      %dma_wait3A_275 = arith.constant 0 : i32
      %dma_wait3A_276 = tpu.memref_slice %arg4[%add3A, %add3A_271, %dma_wait3A_275] : memref<32x80x125xi32, #tpu.memory_space<hbm>> -> memref<1x1x125xi32, #tpu.memory_space<hbm>>
      %dma_wait3A_277 = tpu.memref_squeeze %dma_wait3A_276 : memref<1x1x125xi32, #tpu.memory_space<hbm>> -> memref<125xi32, #tpu.memory_space<hbm>>
      %dma_wait3A_278 = arith.constant 0 : i32
      %dma_wait3A_279 = tpu.memref_slice %arg4[%add3A, %add3A_271, %dma_wait3A_278] : memref<32x80x125xi32, #tpu.memory_space<hbm>> -> memref<1x1x125xi32, #tpu.memory_space<hbm>>
      %dma_wait3A_280 = tpu.memref_squeeze %dma_wait3A_279 : memref<1x1x125xi32, #tpu.memory_space<hbm>> -> memref<125xi32, #tpu.memory_space<hbm>>
      tpu.wait_dma2 semaphore(%arg21 : memref<!tpu.dma_semaphore, #tpu.memory_space<semaphore_mem>>) src(%dma_wait3A_280 : memref<125xi32, #tpu.memory_space<hbm>>) dst(%arg11 : memref<125xi32, #tpu.memory_space<vmem>>)
      %dma_start3A_281 = arith.constant 0 : i32
      %dma_start3A_282 = arith.constant 0 : i32
      %dma_start3A_283 = tpu.memref_slice %arg15[%dma_start3A_281, %dma_start3A_282] : memref<10000x128xf32, #tpu.memory_space<vmem_shared>> -> memref<10000x128xf32, #tpu.memory_space<vmem_shared>>
      tpu.enqueue_indirect_dma source(%arg14 : memref<125x128xf32, #tpu.memory_space<vmem>>) target(%dma_start3A_283 : memref<10000x128xf32, #tpu.memory_space<vmem_shared>>) offsets(%arg11 : memref<125xi32, #tpu.memory_space<vmem>>) semaphore(%arg24 : memref<!tpu.dma_semaphore, #tpu.memory_space<semaphore_mem>>) {add = true}
      %ge3A_284 = arith.constant 1 : i32
      %ge3A_285 = arith.cmpi sge, %add3A_271, %ge3A_284 : i32
      %convert_element_type3A_286 = arith.extui %ge3A_285 : i1 to i32
      %cond3A_287 = arith.constant 0 : i32
      %cond3A_288 = arith.cmpi ne, %convert_element_type3A_286, %cond3A_287 : i32
      scf.if %cond3A_288 {
        %dma_wait3A_304 = arith.constant 0 : i32
        %dma_wait3A_305 = arith.constant 0 : i32
        %dma_wait3A_306 = tpu.memref_slice %arg15[%dma_wait3A_304, %dma_wait3A_305] : memref<10000x128xf32, #tpu.memory_space<vmem_shared>> -> memref<10000x128xf32, #tpu.memory_space<vmem_shared>>
        tpu.wait_indirect_dma semaphore(%arg23 : memref<!tpu.dma_semaphore, #tpu.memory_space<semaphore_mem>>) src(%arg13 : memref<125x128xf32, #tpu.memory_space<vmem>>) dst(%dma_wait3A_306 : memref<10000x128xf32, #tpu.memory_space<vmem_shared>>)
      } else {
      }
      %add3A_289 = arith.constant 2 : i32
      %add3A_290 = arith.addi %add3A_271, %add3A_289 : i32
      %lt3A_291 = arith.constant 80 : i32
      %lt3A_292 = arith.cmpi slt, %add3A_290, %lt3A_291 : i32
      %convert_element_type3A_293 = arith.extui %lt3A_292 : i1 to i32
      %cond3A_294 = arith.constant 0 : i32
      %cond3A_295 = arith.cmpi ne, %convert_element_type3A_293, %cond3A_294 : i32
      scf.if %cond3A_295 {
        %add3A_304 = arith.constant 2 : i32
        %add3A_305 = arith.addi %add3A_271, %add3A_304 : i32
        %dma_start3A_306 = arith.constant 0 : i32
        %dma_start3A_307 = tpu.memref_slice %arg4[%add3A, %add3A_305, %dma_start3A_306] : memref<32x80x125xi32, #tpu.memory_space<hbm>> -> memref<1x1x125xi32, #tpu.memory_space<hbm>>
        %dma_start3A_308 = tpu.memref_squeeze %dma_start3A_307 : memref<1x1x125xi32, #tpu.memory_space<hbm>> -> memref<125xi32, #tpu.memory_space<hbm>>
        %dma_start3A_309 = arith.constant 0 : i32
        %dma_start3A_310 = tpu.memref_slice %arg4[%add3A, %add3A_305, %dma_start3A_309] : memref<32x80x125xi32, #tpu.memory_space<hbm>> -> memref<1x1x125xi32, #tpu.memory_space<hbm>>
        %dma_start3A_311 = tpu.memref_squeeze %dma_start3A_310 : memref<1x1x125xi32, #tpu.memory_space<hbm>> -> memref<125xi32, #tpu.memory_space<hbm>>
        tpu.enqueue_dma source(%dma_start3A_311 : memref<125xi32, #tpu.memory_space<hbm>>) target(%arg10 : memref<125xi32, #tpu.memory_space<vmem>>) target_semaphore(%arg20 : memref<!tpu.dma_semaphore, #tpu.memory_space<semaphore_mem>>)
        %add3A_312 = arith.constant 2 : i32
        %add3A_313 = arith.addi %add3A_271, %add3A_312 : i32
        %dma_wait3A_314 = arith.constant 0 : i32
        %dma_wait3A_315 = tpu.memref_slice %arg3[%add3A, %add3A_313, %dma_wait3A_314] : memref<32x80x125xi32, #tpu.memory_space<hbm>> -> memref<1x1x125xi32, #tpu.memory_space<hbm>>
        %dma_wait3A_316 = tpu.memref_squeeze %dma_wait3A_315 : memref<1x1x125xi32, #tpu.memory_space<hbm>> -> memref<125xi32, #tpu.memory_space<hbm>>
        %dma_wait3A_317 = arith.constant 0 : i32
        %dma_wait3A_318 = tpu.memref_slice %arg3[%add3A, %add3A_313, %dma_wait3A_317] : memref<32x80x125xi32, #tpu.memory_space<hbm>> -> memref<1x1x125xi32, #tpu.memory_space<hbm>>
        %dma_wait3A_319 = tpu.memref_squeeze %dma_wait3A_318 : memref<1x1x125xi32, #tpu.memory_space<hbm>> -> memref<125xi32, #tpu.memory_space<hbm>>
        tpu.wait_dma2 semaphore(%arg26 : memref<!tpu.dma_semaphore, #tpu.memory_space<semaphore_mem>>) src(%dma_wait3A_319 : memref<125xi32, #tpu.memory_space<hbm>>) dst(%arg7 : memref<125xi32, #tpu.memory_space<vmem>>)
        %dma_start3A_320 = arith.constant 0 : i32
        %dma_start3A_321 = arith.constant 0 : i32
        %dma_start3A_322 = tpu.memref_slice %arg2[%dma_start3A_320, %dma_start3A_321] : memref<10000x128xf32, #tpu.memory_space<hbm>> -> memref<10000x128xf32, #tpu.memory_space<hbm>>
        tpu.enqueue_indirect_dma source(%dma_start3A_322 : memref<10000x128xf32, #tpu.memory_space<hbm>>) target(%arg13 : memref<125x128xf32, #tpu.memory_space<vmem>>) offsets(%arg7 : memref<125xi32, #tpu.memory_space<vmem>>) semaphore(%arg17 : memref<!tpu.dma_semaphore, #tpu.memory_space<semaphore_mem>>)
      } else {
      }
      %add3A_296 = arith.constant 3 : i32
      %add3A_297 = arith.addi %add3A_271, %add3A_296 : i32
      %lt3A_298 = arith.constant 80 : i32
      %lt3A_299 = arith.cmpi slt, %add3A_297, %lt3A_298 : i32
      %convert_element_type3A_300 = arith.extui %lt3A_299 : i1 to i32
      %cond3A_301 = arith.constant 0 : i32
      %cond3A_302 = arith.cmpi ne, %convert_element_type3A_300, %cond3A_301 : i32
      scf.if %cond3A_302 {
        %add3A_304 = arith.constant 3 : i32
        %add3A_305 = arith.addi %add3A_271, %add3A_304 : i32
        %dma_start3A_306 = arith.constant 0 : i32
        %dma_start3A_307 = tpu.memref_slice %arg3[%add3A, %add3A_305, %dma_start3A_306] : memref<32x80x125xi32, #tpu.memory_space<hbm>> -> memref<1x1x125xi32, #tpu.memory_space<hbm>>
        %dma_start3A_308 = tpu.memref_squeeze %dma_start3A_307 : memref<1x1x125xi32, #tpu.memory_space<hbm>> -> memref<125xi32, #tpu.memory_space<hbm>>
        %dma_start3A_309 = arith.constant 0 : i32
        %dma_start3A_310 = tpu.memref_slice %arg3[%add3A, %add3A_305, %dma_start3A_309] : memref<32x80x125xi32, #tpu.memory_space<hbm>> -> memref<1x1x125xi32, #tpu.memory_space<hbm>>
        %dma_start3A_311 = tpu.memref_squeeze %dma_start3A_310 : memref<1x1x125xi32, #tpu.memory_space<hbm>> -> memref<125xi32, #tpu.memory_space<hbm>>
        tpu.enqueue_dma source(%dma_start3A_311 : memref<125xi32, #tpu.memory_space<hbm>>) target(%arg8 : memref<125xi32, #tpu.memory_space<vmem>>) target_semaphore(%arg27 : memref<!tpu.dma_semaphore, #tpu.memory_space<semaphore_mem>>)
      } else {
      }
      %scan3A_303 = arith.constant 0 : i32
      scf.yield %scan3A_303 : i32
    }
    %scan3A_114 = arith.constant 26 : i32
    %dma_wait3A_115 = arith.constant 0 : i32
    %dma_wait3A_116 = arith.constant 0 : i32
    %dma_wait3A_117 = tpu.memref_slice %arg2[%dma_wait3A_115, %dma_wait3A_116] : memref<10000x128xf32, #tpu.memory_space<hbm>> -> memref<10000x128xf32, #tpu.memory_space<hbm>>
    tpu.wait_indirect_dma semaphore(%arg16 : memref<!tpu.dma_semaphore, #tpu.memory_space<semaphore_mem>>) src(%dma_wait3A_117 : memref<10000x128xf32, #tpu.memory_space<hbm>>) dst(%arg12 : memref<125x128xf32, #tpu.memory_space<vmem>>)
    %dma_wait3A_118 = arith.constant 78 : i32
    %dma_wait3A_119 = arith.constant 0 : i32
    %dma_wait3A_120 = tpu.memref_slice %arg4[%add3A, %dma_wait3A_118, %dma_wait3A_119] : memref<32x80x125xi32, #tpu.memory_space<hbm>> -> memref<1x1x125xi32, #tpu.memory_space<hbm>>
    %dma_wait3A_121 = tpu.memref_squeeze %dma_wait3A_120 : memref<1x1x125xi32, #tpu.memory_space<hbm>> -> memref<125xi32, #tpu.memory_space<hbm>>
    %dma_wait3A_122 = arith.constant 0 : i32
    %dma_wait3A_123 = tpu.memref_slice %arg4[%add3A, %dma_wait3A_118, %dma_wait3A_122] : memref<32x80x125xi32, #tpu.memory_space<hbm>> -> memref<1x1x125xi32, #tpu.memory_space<hbm>>
    %dma_wait3A_124 = tpu.memref_squeeze %dma_wait3A_123 : memref<1x1x125xi32, #tpu.memory_space<hbm>> -> memref<125xi32, #tpu.memory_space<hbm>>
    tpu.wait_dma2 semaphore(%arg19 : memref<!tpu.dma_semaphore, #tpu.memory_space<semaphore_mem>>) src(%dma_wait3A_124 : memref<125xi32, #tpu.memory_space<hbm>>) dst(%arg9 : memref<125xi32, #tpu.memory_space<vmem>>)
    %dma_start3A_125 = arith.constant 0 : i32
    %dma_start3A_126 = arith.constant 0 : i32
    %dma_start3A_127 = tpu.memref_slice %arg15[%dma_start3A_125, %dma_start3A_126] : memref<10000x128xf32, #tpu.memory_space<vmem_shared>> -> memref<10000x128xf32, #tpu.memory_space<vmem_shared>>
    tpu.enqueue_indirect_dma source(%arg12 : memref<125x128xf32, #tpu.memory_space<vmem>>) target(%dma_start3A_127 : memref<10000x128xf32, #tpu.memory_space<vmem_shared>>) offsets(%arg9 : memref<125xi32, #tpu.memory_space<vmem>>) semaphore(%arg22 : memref<!tpu.dma_semaphore, #tpu.memory_space<semaphore_mem>>) {add = true}
    %ge3A = arith.constant 78 : i32
    %ge3A_128 = arith.constant 1 : i32
    %ge3A_129 = arith.cmpi sge, %ge3A, %ge3A_128 : i32
    %convert_element_type3A_130 = arith.extui %ge3A_129 : i1 to i32
    %cond3A_131 = arith.constant 0 : i32
    %cond3A_132 = arith.cmpi ne, %convert_element_type3A_130, %cond3A_131 : i32
    scf.if %cond3A_132 {
      %dma_wait3A_198 = arith.constant 0 : i32
      %dma_wait3A_199 = arith.constant 0 : i32
      %dma_wait3A_200 = tpu.memref_slice %arg15[%dma_wait3A_198, %dma_wait3A_199] : memref<10000x128xf32, #tpu.memory_space<vmem_shared>> -> memref<10000x128xf32, #tpu.memory_space<vmem_shared>>
      tpu.wait_indirect_dma semaphore(%arg24 : memref<!tpu.dma_semaphore, #tpu.memory_space<semaphore_mem>>) src(%arg14 : memref<125x128xf32, #tpu.memory_space<vmem>>) dst(%dma_wait3A_200 : memref<10000x128xf32, #tpu.memory_space<vmem_shared>>)
    } else {
    }
    %add3A_133 = arith.constant 78 : i32
    %add3A_134 = arith.constant 2 : i32
    %add3A_135 = arith.addi %add3A_133, %add3A_134 : i32
    %lt3A = arith.constant 80 : i32
    %lt3A_136 = arith.cmpi slt, %add3A_135, %lt3A : i32
    %convert_element_type3A_137 = arith.extui %lt3A_136 : i1 to i32
    %cond3A_138 = arith.constant 78 : i32
    %cond3A_139 = arith.constant 0 : i32
    %cond3A_140 = arith.cmpi ne, %convert_element_type3A_137, %cond3A_139 : i32
    scf.if %cond3A_140 {
      %add3A_198 = arith.constant 2 : i32
      %add3A_199 = arith.addi %cond3A_138, %add3A_198 : i32
      %dma_start3A_200 = arith.constant 0 : i32
      %dma_start3A_201 = tpu.memref_slice %arg4[%add3A, %add3A_199, %dma_start3A_200] : memref<32x80x125xi32, #tpu.memory_space<hbm>> -> memref<1x1x125xi32, #tpu.memory_space<hbm>>
      %dma_start3A_202 = tpu.memref_squeeze %dma_start3A_201 : memref<1x1x125xi32, #tpu.memory_space<hbm>> -> memref<125xi32, #tpu.memory_space<hbm>>
      %dma_start3A_203 = arith.constant 0 : i32
      %dma_start3A_204 = tpu.memref_slice %arg4[%add3A, %add3A_199, %dma_start3A_203] : memref<32x80x125xi32, #tpu.memory_space<hbm>> -> memref<1x1x125xi32, #tpu.memory_space<hbm>>
      %dma_start3A_205 = tpu.memref_squeeze %dma_start3A_204 : memref<1x1x125xi32, #tpu.memory_space<hbm>> -> memref<125xi32, #tpu.memory_space<hbm>>
      tpu.enqueue_dma source(%dma_start3A_205 : memref<125xi32, #tpu.memory_space<hbm>>) target(%arg11 : memref<125xi32, #tpu.memory_space<vmem>>) target_semaphore(%arg21 : memref<!tpu.dma_semaphore, #tpu.memory_space<semaphore_mem>>)
      %add3A_206 = arith.constant 2 : i32
      %add3A_207 = arith.addi %cond3A_138, %add3A_206 : i32
      %dma_wait3A_208 = arith.constant 0 : i32
      %dma_wait3A_209 = tpu.memref_slice %arg3[%add3A, %add3A_207, %dma_wait3A_208] : memref<32x80x125xi32, #tpu.memory_space<hbm>> -> memref<1x1x125xi32, #tpu.memory_space<hbm>>
      %dma_wait3A_210 = tpu.memref_squeeze %dma_wait3A_209 : memref<1x1x125xi32, #tpu.memory_space<hbm>> -> memref<125xi32, #tpu.memory_space<hbm>>
      %dma_wait3A_211 = arith.constant 0 : i32
      %dma_wait3A_212 = tpu.memref_slice %arg3[%add3A, %add3A_207, %dma_wait3A_211] : memref<32x80x125xi32, #tpu.memory_space<hbm>> -> memref<1x1x125xi32, #tpu.memory_space<hbm>>
      %dma_wait3A_213 = tpu.memref_squeeze %dma_wait3A_212 : memref<1x1x125xi32, #tpu.memory_space<hbm>> -> memref<125xi32, #tpu.memory_space<hbm>>
      tpu.wait_dma2 semaphore(%arg27 : memref<!tpu.dma_semaphore, #tpu.memory_space<semaphore_mem>>) src(%dma_wait3A_213 : memref<125xi32, #tpu.memory_space<hbm>>) dst(%arg8 : memref<125xi32, #tpu.memory_space<vmem>>)
      %dma_start3A_214 = arith.constant 0 : i32
      %dma_start3A_215 = arith.constant 0 : i32
      %dma_start3A_216 = tpu.memref_slice %arg2[%dma_start3A_214, %dma_start3A_215] : memref<10000x128xf32, #tpu.memory_space<hbm>> -> memref<10000x128xf32, #tpu.memory_space<hbm>>
      tpu.enqueue_indirect_dma source(%dma_start3A_216 : memref<10000x128xf32, #tpu.memory_space<hbm>>) target(%arg14 : memref<125x128xf32, #tpu.memory_space<vmem>>) offsets(%arg8 : memref<125xi32, #tpu.memory_space<vmem>>) semaphore(%arg18 : memref<!tpu.dma_semaphore, #tpu.memory_space<semaphore_mem>>)
    } else {
    }
    %add3A_141 = arith.constant 78 : i32
    %add3A_142 = arith.constant 3 : i32
    %add3A_143 = arith.addi %add3A_141, %add3A_142 : i32
    %lt3A_144 = arith.constant 80 : i32
    %lt3A_145 = arith.cmpi slt, %add3A_143, %lt3A_144 : i32
    %convert_element_type3A_146 = arith.extui %lt3A_145 : i1 to i32
    %cond3A_147 = arith.constant 78 : i32
    %cond3A_148 = arith.constant 0 : i32
    %cond3A_149 = arith.cmpi ne, %convert_element_type3A_146, %cond3A_148 : i32
    scf.if %cond3A_149 {
      %add3A_198 = arith.constant 3 : i32
      %add3A_199 = arith.addi %cond3A_147, %add3A_198 : i32
      %dma_start3A_200 = arith.constant 0 : i32
      %dma_start3A_201 = tpu.memref_slice %arg3[%add3A, %add3A_199, %dma_start3A_200] : memref<32x80x125xi32, #tpu.memory_space<hbm>> -> memref<1x1x125xi32, #tpu.memory_space<hbm>>
      %dma_start3A_202 = tpu.memref_squeeze %dma_start3A_201 : memref<1x1x125xi32, #tpu.memory_space<hbm>> -> memref<125xi32, #tpu.memory_space<hbm>>
      %dma_start3A_203 = arith.constant 0 : i32
      %dma_start3A_204 = tpu.memref_slice %arg3[%add3A, %add3A_199, %dma_start3A_203] : memref<32x80x125xi32, #tpu.memory_space<hbm>> -> memref<1x1x125xi32, #tpu.memory_space<hbm>>
      %dma_start3A_205 = tpu.memref_squeeze %dma_start3A_204 : memref<1x1x125xi32, #tpu.memory_space<hbm>> -> memref<125xi32, #tpu.memory_space<hbm>>
      tpu.enqueue_dma source(%dma_start3A_205 : memref<125xi32, #tpu.memory_space<hbm>>) target(%arg6 : memref<125xi32, #tpu.memory_space<vmem>>) target_semaphore(%arg25 : memref<!tpu.dma_semaphore, #tpu.memory_space<semaphore_mem>>)
    } else {
    }
    %dma_wait3A_150 = arith.constant 0 : i32
    %dma_wait3A_151 = arith.constant 0 : i32
    %dma_wait3A_152 = tpu.memref_slice %arg2[%dma_wait3A_150, %dma_wait3A_151] : memref<10000x128xf32, #tpu.memory_space<hbm>> -> memref<10000x128xf32, #tpu.memory_space<hbm>>
    tpu.wait_indirect_dma semaphore(%arg17 : memref<!tpu.dma_semaphore, #tpu.memory_space<semaphore_mem>>) src(%dma_wait3A_152 : memref<10000x128xf32, #tpu.memory_space<hbm>>) dst(%arg13 : memref<125x128xf32, #tpu.memory_space<vmem>>)
    %dma_wait3A_153 = arith.constant 79 : i32
    %dma_wait3A_154 = arith.constant 0 : i32
    %dma_wait3A_155 = tpu.memref_slice %arg4[%add3A, %dma_wait3A_153, %dma_wait3A_154] : memref<32x80x125xi32, #tpu.memory_space<hbm>> -> memref<1x1x125xi32, #tpu.memory_space<hbm>>
    %dma_wait3A_156 = tpu.memref_squeeze %dma_wait3A_155 : memref<1x1x125xi32, #tpu.memory_space<hbm>> -> memref<125xi32, #tpu.memory_space<hbm>>
    %dma_wait3A_157 = arith.constant 0 : i32
    %dma_wait3A_158 = tpu.memref_slice %arg4[%add3A, %dma_wait3A_153, %dma_wait3A_157] : memref<32x80x125xi32, #tpu.memory_space<hbm>> -> memref<1x1x125xi32, #tpu.memory_space<hbm>>
    %dma_wait3A_159 = tpu.memref_squeeze %dma_wait3A_158 : memref<1x1x125xi32, #tpu.memory_space<hbm>> -> memref<125xi32, #tpu.memory_space<hbm>>
    tpu.wait_dma2 semaphore(%arg20 : memref<!tpu.dma_semaphore, #tpu.memory_space<semaphore_mem>>) src(%dma_wait3A_159 : memref<125xi32, #tpu.memory_space<hbm>>) dst(%arg10 : memref<125xi32, #tpu.memory_space<vmem>>)
    %dma_start3A_160 = arith.constant 0 : i32
    %dma_start3A_161 = arith.constant 0 : i32
    %dma_start3A_162 = tpu.memref_slice %arg15[%dma_start3A_160, %dma_start3A_161] : memref<10000x128xf32, #tpu.memory_space<vmem_shared>> -> memref<10000x128xf32, #tpu.memory_space<vmem_shared>>
    tpu.enqueue_indirect_dma source(%arg13 : memref<125x128xf32, #tpu.memory_space<vmem>>) target(%dma_start3A_162 : memref<10000x128xf32, #tpu.memory_space<vmem_shared>>) offsets(%arg10 : memref<125xi32, #tpu.memory_space<vmem>>) semaphore(%arg23 : memref<!tpu.dma_semaphore, #tpu.memory_space<semaphore_mem>>) {add = true}
    %ge3A_163 = arith.constant 79 : i32
    %ge3A_164 = arith.constant 1 : i32
    %ge3A_165 = arith.cmpi sge, %ge3A_163, %ge3A_164 : i32
    %convert_element_type3A_166 = arith.extui %ge3A_165 : i1 to i32
    %cond3A_167 = arith.constant 0 : i32
    %cond3A_168 = arith.cmpi ne, %convert_element_type3A_166, %cond3A_167 : i32
    scf.if %cond3A_168 {
      %dma_wait3A_198 = arith.constant 0 : i32
      %dma_wait3A_199 = arith.constant 0 : i32
      %dma_wait3A_200 = tpu.memref_slice %arg15[%dma_wait3A_198, %dma_wait3A_199] : memref<10000x128xf32, #tpu.memory_space<vmem_shared>> -> memref<10000x128xf32, #tpu.memory_space<vmem_shared>>
      tpu.wait_indirect_dma semaphore(%arg22 : memref<!tpu.dma_semaphore, #tpu.memory_space<semaphore_mem>>) src(%arg12 : memref<125x128xf32, #tpu.memory_space<vmem>>) dst(%dma_wait3A_200 : memref<10000x128xf32, #tpu.memory_space<vmem_shared>>)
    } else {
    }
    %add3A_169 = arith.constant 79 : i32
    %add3A_170 = arith.constant 2 : i32
    %add3A_171 = arith.addi %add3A_169, %add3A_170 : i32
    %lt3A_172 = arith.constant 80 : i32
    %lt3A_173 = arith.cmpi slt, %add3A_171, %lt3A_172 : i32
    %convert_element_type3A_174 = arith.extui %lt3A_173 : i1 to i32
    %cond3A_175 = arith.constant 79 : i32
    %cond3A_176 = arith.constant 0 : i32
    %cond3A_177 = arith.cmpi ne, %convert_element_type3A_174, %cond3A_176 : i32
    scf.if %cond3A_177 {
      %add3A_198 = arith.constant 2 : i32
      %add3A_199 = arith.addi %cond3A_175, %add3A_198 : i32
      %dma_start3A_200 = arith.constant 0 : i32
      %dma_start3A_201 = tpu.memref_slice %arg4[%add3A, %add3A_199, %dma_start3A_200] : memref<32x80x125xi32, #tpu.memory_space<hbm>> -> memref<1x1x125xi32, #tpu.memory_space<hbm>>
      %dma_start3A_202 = tpu.memref_squeeze %dma_start3A_201 : memref<1x1x125xi32, #tpu.memory_space<hbm>> -> memref<125xi32, #tpu.memory_space<hbm>>
      %dma_start3A_203 = arith.constant 0 : i32
      %dma_start3A_204 = tpu.memref_slice %arg4[%add3A, %add3A_199, %dma_start3A_203] : memref<32x80x125xi32, #tpu.memory_space<hbm>> -> memref<1x1x125xi32, #tpu.memory_space<hbm>>
      %dma_start3A_205 = tpu.memref_squeeze %dma_start3A_204 : memref<1x1x125xi32, #tpu.memory_space<hbm>> -> memref<125xi32, #tpu.memory_space<hbm>>
      tpu.enqueue_dma source(%dma_start3A_205 : memref<125xi32, #tpu.memory_space<hbm>>) target(%arg9 : memref<125xi32, #tpu.memory_space<vmem>>) target_semaphore(%arg19 : memref<!tpu.dma_semaphore, #tpu.memory_space<semaphore_mem>>)
      %add3A_206 = arith.constant 2 : i32
      %add3A_207 = arith.addi %cond3A_175, %add3A_206 : i32
      %dma_wait3A_208 = arith.constant 0 : i32
      %dma_wait3A_209 = tpu.memref_slice %arg3[%add3A, %add3A_207, %dma_wait3A_208] : memref<32x80x125xi32, #tpu.memory_space<hbm>> -> memref<1x1x125xi32, #tpu.memory_space<hbm>>
      %dma_wait3A_210 = tpu.memref_squeeze %dma_wait3A_209 : memref<1x1x125xi32, #tpu.memory_space<hbm>> -> memref<125xi32, #tpu.memory_space<hbm>>
      %dma_wait3A_211 = arith.constant 0 : i32
      %dma_wait3A_212 = tpu.memref_slice %arg3[%add3A, %add3A_207, %dma_wait3A_211] : memref<32x80x125xi32, #tpu.memory_space<hbm>> -> memref<1x1x125xi32, #tpu.memory_space<hbm>>
      %dma_wait3A_213 = tpu.memref_squeeze %dma_wait3A_212 : memref<1x1x125xi32, #tpu.memory_space<hbm>> -> memref<125xi32, #tpu.memory_space<hbm>>
      tpu.wait_dma2 semaphore(%arg25 : memref<!tpu.dma_semaphore, #tpu.memory_space<semaphore_mem>>) src(%dma_wait3A_213 : memref<125xi32, #tpu.memory_space<hbm>>) dst(%arg6 : memref<125xi32, #tpu.memory_space<vmem>>)
      %dma_start3A_214 = arith.constant 0 : i32
      %dma_start3A_215 = arith.constant 0 : i32
      %dma_start3A_216 = tpu.memref_slice %arg2[%dma_start3A_214, %dma_start3A_215] : memref<10000x128xf32, #tpu.memory_space<hbm>> -> memref<10000x128xf32, #tpu.memory_space<hbm>>
      tpu.enqueue_indirect_dma source(%dma_start3A_216 : memref<10000x128xf32, #tpu.memory_space<hbm>>) target(%arg12 : memref<125x128xf32, #tpu.memory_space<vmem>>) offsets(%arg6 : memref<125xi32, #tpu.memory_space<vmem>>) semaphore(%arg16 : memref<!tpu.dma_semaphore, #tpu.memory_space<semaphore_mem>>)
    } else {
    }
    %add3A_178 = arith.constant 79 : i32
    %add3A_179 = arith.constant 3 : i32
    %add3A_180 = arith.addi %add3A_178, %add3A_179 : i32
    %lt3A_181 = arith.constant 80 : i32
    %lt3A_182 = arith.cmpi slt, %add3A_180, %lt3A_181 : i32
    %convert_element_type3A_183 = arith.extui %lt3A_182 : i1 to i32
    %cond3A_184 = arith.constant 79 : i32
    %cond3A_185 = arith.constant 0 : i32
    %cond3A_186 = arith.cmpi ne, %convert_element_type3A_183, %cond3A_185 : i32
    scf.if %cond3A_186 {
      %add3A_198 = arith.constant 3 : i32
      %add3A_199 = arith.addi %cond3A_184, %add3A_198 : i32
      %dma_start3A_200 = arith.constant 0 : i32
      %dma_start3A_201 = tpu.memref_slice %arg3[%add3A, %add3A_199, %dma_start3A_200] : memref<32x80x125xi32, #tpu.memory_space<hbm>> -> memref<1x1x125xi32, #tpu.memory_space<hbm>>
      %dma_start3A_202 = tpu.memref_squeeze %dma_start3A_201 : memref<1x1x125xi32, #tpu.memory_space<hbm>> -> memref<125xi32, #tpu.memory_space<hbm>>
      %dma_start3A_203 = arith.constant 0 : i32
      %dma_start3A_204 = tpu.memref_slice %arg3[%add3A, %add3A_199, %dma_start3A_203] : memref<32x80x125xi32, #tpu.memory_space<hbm>> -> memref<1x1x125xi32, #tpu.memory_space<hbm>>
      %dma_start3A_205 = tpu.memref_squeeze %dma_start3A_204 : memref<1x1x125xi32, #tpu.memory_space<hbm>> -> memref<125xi32, #tpu.memory_space<hbm>>
      tpu.enqueue_dma source(%dma_start3A_205 : memref<125xi32, #tpu.memory_space<hbm>>) target(%arg7 : memref<125xi32, #tpu.memory_space<vmem>>) target_semaphore(%arg26 : memref<!tpu.dma_semaphore, #tpu.memory_space<semaphore_mem>>)
    } else {
    }
    %dma_wait3A_187 = arith.constant 0 : i32
    %dma_wait3A_188 = arith.constant 0 : i32
    %dma_wait3A_189 = tpu.memref_slice %arg15[%dma_wait3A_187, %dma_wait3A_188] : memref<10000x128xf32, #tpu.memory_space<vmem_shared>> -> memref<10000x128xf32, #tpu.memory_space<vmem_shared>>
    tpu.wait_indirect_dma semaphore(%arg23 : memref<!tpu.dma_semaphore, #tpu.memory_space<semaphore_mem>>) src(%arg13 : memref<125x128xf32, #tpu.memory_space<vmem>>) dst(%dma_wait3A_189 : memref<10000x128xf32, #tpu.memory_space<vmem_shared>>)
    %barrier3A_190 = arith.constant 0 : index
    tpu.barrier barrier_id(%barrier3A_190)
    %mul3A_191 = arith.constant 624 : i32
    %mul3A_192 = arith.muli %arg1, %mul3A_191 : i32
    "tpu.region"() ({
      %run_scoped3A = tpu.sem_alloc : memref<!tpu.dma_semaphore, #tpu.memory_space<semaphore_mem>>
      %dma_start3A_198 = arith.constant 0 : i32
      %dma_start3A_199 = tpu.memref_slice %arg5[%arg0, %mul3A_192, %dma_start3A_198] : memref<2x10000x128xf32, #tpu.memory_space<hbm>> -> memref<1x624x128xf32, #tpu.memory_space<hbm>>
      %dma_start3A_200 = tpu.memref_squeeze %dma_start3A_199 : memref<1x624x128xf32, #tpu.memory_space<hbm>> -> memref<624x128xf32, #tpu.memory_space<hbm>>
      %dma_start3A_201 = arith.constant 0 : i32
      %dma_start3A_202 = tpu.memref_slice %arg15[%mul3A_192, %dma_start3A_201] : memref<10000x128xf32, #tpu.memory_space<vmem_shared>> -> memref<624x128xf32, #tpu.memory_space<vmem_shared>>
      tpu.enqueue_dma source(%dma_start3A_202 : memref<624x128xf32, #tpu.memory_space<vmem_shared>>) target(%dma_start3A_200 : memref<624x128xf32, #tpu.memory_space<hbm>>) target_semaphore(%run_scoped3A : memref<!tpu.dma_semaphore, #tpu.memory_space<semaphore_mem>>)
      %dma_wait3A_203 = arith.constant 0 : i32
      %dma_wait3A_204 = tpu.memref_slice %arg5[%arg0, %mul3A_192, %dma_wait3A_203] : memref<2x10000x128xf32, #tpu.memory_space<hbm>> -> memref<1x624x128xf32, #tpu.memory_space<hbm>>
      %dma_wait3A_205 = tpu.memref_squeeze %dma_wait3A_204 : memref<1x624x128xf32, #tpu.memory_space<hbm>> -> memref<624x128xf32, #tpu.memory_space<hbm>>
      %dma_wait3A_206 = arith.constant 0 : i32
      %dma_wait3A_207 = tpu.memref_slice %arg15[%mul3A_192, %dma_wait3A_206] : memref<10000x128xf32, #tpu.memory_space<vmem_shared>> -> memref<624x128xf32, #tpu.memory_space<vmem_shared>>
      tpu.wait_dma2 semaphore(%run_scoped3A : memref<!tpu.dma_semaphore, #tpu.memory_space<semaphore_mem>>) src(%dma_wait3A_207 : memref<624x128xf32, #tpu.memory_space<vmem_shared>>) dst(%dma_wait3A_205 : memref<624x128xf32, #tpu.memory_space<hbm>>)
      tpu.yield
    }) : () -> ()
    %eq3A_193 = arith.constant 15 : i32
    %eq3A_194 = arith.cmpi eq, %arg1, %eq3A_193 : i32
    %convert_element_type3A_195 = arith.extui %eq3A_194 : i1 to i32
    %cond3A_196 = arith.constant 0 : i32
    %cond3A_197 = arith.cmpi ne, %convert_element_type3A_195, %cond3A_196 : i32
    scf.if %cond3A_197 {
      "tpu.region"() ({
        %run_scoped3A = tpu.sem_alloc : memref<!tpu.dma_semaphore, #tpu.memory_space<semaphore_mem>>
        %dma_start3A_198 = arith.constant 9984 : i32
        %dma_start3A_199 = arith.constant 0 : i32
        %dma_start3A_200 = tpu.memref_slice %arg5[%arg0, %dma_start3A_198, %dma_start3A_199] : memref<2x10000x128xf32, #tpu.memory_space<hbm>> -> memref<1x16x128xf32, #tpu.memory_space<hbm>>
        %dma_start3A_201 = tpu.memref_squeeze %dma_start3A_200 : memref<1x16x128xf32, #tpu.memory_space<hbm>> -> memref<16x128xf32, #tpu.memory_space<hbm>>
        %dma_start3A_202 = arith.constant 9984 : i32
        %dma_start3A_203 = arith.constant 0 : i32
        %dma_start3A_204 = tpu.memref_slice %arg15[%dma_start3A_202, %dma_start3A_203] : memref<10000x128xf32, #tpu.memory_space<vmem_shared>> -> memref<16x128xf32, #tpu.memory_space<vmem_shared>>
        tpu.enqueue_dma source(%dma_start3A_204 : memref<16x128xf32, #tpu.memory_space<vmem_shared>>) target(%dma_start3A_201 : memref<16x128xf32, #tpu.memory_space<hbm>>) target_semaphore(%run_scoped3A : memref<!tpu.dma_semaphore, #tpu.memory_space<semaphore_mem>>)
        %dma_wait3A_205 = arith.constant 9984 : i32
        %dma_wait3A_206 = arith.constant 0 : i32
        %dma_wait3A_207 = tpu.memref_slice %arg5[%arg0, %dma_wait3A_205, %dma_wait3A_206] : memref<2x10000x128xf32, #tpu.memory_space<hbm>> -> memref<1x16x128xf32, #tpu.memory_space<hbm>>
        %dma_wait3A_208 = tpu.memref_squeeze %dma_wait3A_207 : memref<1x16x128xf32, #tpu.memory_space<hbm>> -> memref<16x128xf32, #tpu.memory_space<hbm>>
        %dma_wait3A_209 = arith.constant 9984 : i32
        %dma_wait3A_210 = arith.constant 0 : i32
        %dma_wait3A_211 = tpu.memref_slice %arg15[%dma_wait3A_209, %dma_wait3A_210] : memref<10000x128xf32, #tpu.memory_space<vmem_shared>> -> memref<16x128xf32, #tpu.memory_space<vmem_shared>>
        tpu.wait_dma2 semaphore(%run_scoped3A : memref<!tpu.dma_semaphore, #tpu.memory_space<semaphore_mem>>) src(%dma_wait3A_211 : memref<16x128xf32, #tpu.memory_space<vmem_shared>>) dst(%dma_wait3A_208 : memref<16x128xf32, #tpu.memory_space<hbm>>)
        tpu.yield
      }) : () -> ()
    } else {
    }
    return
  }
}

#map = affine_map<(d0, d1) -> (0, 0)>
#map1 = affine_map<(d0, d1) -> (0, 0, 0)>
module attributes {stable_mosaic.version = 14 : i64} {
  func.func @_scatter_body(%arg0: i32, %arg1: i32, %arg2: memref<10000x128xf32, #tpu.memory_space<hbm>>, %arg3: memref<32x80x125xi32, #tpu.memory_space<hbm>>, %arg4: memref<32x80x125xi32, #tpu.memory_space<hbm>>, %arg5: memref<2x10000x128xf32, #tpu.memory_space<hbm>>, %arg6: memref<125xi32, #tpu.memory_space<vmem>>, %arg7: memref<125xi32, #tpu.memory_space<vmem>>, %arg8: memref<125xi32, #tpu.memory_space<vmem>>, %arg9: memref<125xi32, #tpu.memory_space<vmem>>, %arg10: memref<125xi32, #tpu.memory_space<vmem>>, %arg11: memref<125xi32, #tpu.memory_space<vmem>>, %arg12: memref<125x128xf32, #tpu.memory_space<vmem>>, %arg13: memref<125x128xf32, #tpu.memory_space<vmem>>, %arg14: memref<125x128xf32, #tpu.memory_space<vmem>>, %arg15: memref<10000x128xf32, #tpu.memory_space<vmem_shared>>, %arg16: memref<!tpu.dma_semaphore, #tpu.memory_space<semaphore_mem>>, %arg17: memref<!tpu.dma_semaphore, #tpu.memory_space<semaphore_mem>>, %arg18: memref<!tpu.dma_semaphore, #tpu.memory_space<semaphore_mem>>, %arg19: memref<!tpu.dma_semaphore, #tpu.memory_space<semaphore_mem>>, %arg20: memref<!tpu.dma_semaphore, #tpu.memory_space<semaphore_mem>>, %arg21: memref<!tpu.dma_semaphore, #tpu.memory_space<semaphore_mem>>, %arg22: memref<!tpu.dma_semaphore, #tpu.memory_space<semaphore_mem>>, %arg23: memref<!tpu.dma_semaphore, #tpu.memory_space<semaphore_mem>>, %arg24: memref<!tpu.dma_semaphore, #tpu.memory_space<semaphore_mem>>, %arg25: memref<!tpu.dma_semaphore, #tpu.memory_space<semaphore_mem>>, %arg26: memref<!tpu.dma_semaphore, #tpu.memory_space<semaphore_mem>>, %arg27: memref<!tpu.dma_semaphore, #tpu.memory_space<semaphore_mem>>) attributes {dimension_semantics = [#tpu.dimension_semantics<core_parallel>, #tpu.dimension_semantics<subcore_parallel>], iteration_bounds = array<i64: 2, 16>, scalar_prefetch = 0 : i64, scratch_operands = 22 : i64, tpu.core_type = #tpu.core_type<sc_vector_subcore>, window_params = [{transform_indices = #map}, {transform_indices = #map1}, {transform_indices = #map1}, {transform_indices = #map1}]} {
    %mul3A = arith.constant 2 : i32
    %mul3A_0 = arith.muli %arg1, %mul3A : i32
    %add3A = arith.addi %mul3A_0, %arg0 : i32
    %dma_start3A = arith.constant 0 : i32
    %dma_start3A_1 = arith.constant 0 : i32
    %dma_start3A_2 = tpu.memref_slice %arg3[%add3A, %dma_start3A, %dma_start3A_1] : memref<32x80x125xi32, #tpu.memory_space<hbm>> -> memref<1x1x125xi32, #tpu.memory_space<hbm>>
    %dma_start3A_3 = tpu.memref_squeeze %dma_start3A_2 : memref<1x1x125xi32, #tpu.memory_space<hbm>> -> memref<125xi32, #tpu.memory_space<hbm>>
    %dma_start3A_4 = arith.constant 0 : i32
    %dma_start3A_5 = tpu.memref_slice %arg3[%add3A, %dma_start3A, %dma_start3A_4] : memref<32x80x125xi32, #tpu.memory_space<hbm>> -> memref<1x1x125xi32, #tpu.memory_space<hbm>>
    %dma_start3A_6 = tpu.memref_squeeze %dma_start3A_5 : memref<1x1x125xi32, #tpu.memory_space<hbm>> -> memref<125xi32, #tpu.memory_space<hbm>>
    tpu.enqueue_dma source(%dma_start3A_6 : memref<125xi32, #tpu.memory_space<hbm>>) target(%arg6 : memref<125xi32, #tpu.memory_space<vmem>>) target_semaphore(%arg25 : memref<!tpu.dma_semaphore, #tpu.memory_space<semaphore_mem>>)
    %dma_start3A_7 = arith.constant 1 : i32
    %dma_start3A_8 = arith.constant 0 : i32
    %dma_start3A_9 = tpu.memref_slice %arg3[%add3A, %dma_start3A_7, %dma_start3A_8] : memref<32x80x125xi32, #tpu.memory_space<hbm>> -> memref<1x1x125xi32, #tpu.memory_space<hbm>>
    %dma_start3A_10 = tpu.memref_squeeze %dma_start3A_9 : memref<1x1x125xi32, #tpu.memory_space<hbm>> -> memref<125xi32, #tpu.memory_space<hbm>>
    %dma_start3A_11 = arith.constant 0 : i32
    %dma_start3A_12 = tpu.memref_slice %arg3[%add3A, %dma_start3A_7, %dma_start3A_11] : memref<32x80x125xi32, #tpu.memory_space<hbm>> -> memref<1x1x125xi32, #tpu.memory_space<hbm>>
    %dma_start3A_13 = tpu.memref_squeeze %dma_start3A_12 : memref<1x1x125xi32, #tpu.memory_space<hbm>> -> memref<125xi32, #tpu.memory_space<hbm>>
    tpu.enqueue_dma source(%dma_start3A_13 : memref<125xi32, #tpu.memory_space<hbm>>) target(%arg7 : memref<125xi32, #tpu.memory_space<vmem>>) target_semaphore(%arg26 : memref<!tpu.dma_semaphore, #tpu.memory_space<semaphore_mem>>)
    %dma_start3A_14 = arith.constant 0 : i32
    %dma_start3A_15 = arith.constant 0 : i32
    %dma_start3A_16 = tpu.memref_slice %arg4[%add3A, %dma_start3A_14, %dma_start3A_15] : memref<32x80x125xi32, #tpu.memory_space<hbm>> -> memref<1x1x125xi32, #tpu.memory_space<hbm>>
    %dma_start3A_17 = tpu.memref_squeeze %dma_start3A_16 : memref<1x1x125xi32, #tpu.memory_space<hbm>> -> memref<125xi32, #tpu.memory_space<hbm>>
    %dma_start3A_18 = arith.constant 0 : i32
    %dma_start3A_19 = tpu.memref_slice %arg4[%add3A, %dma_start3A_14, %dma_start3A_18] : memref<32x80x125xi32, #tpu.memory_space<hbm>> -> memref<1x1x125xi32, #tpu.memory_space<hbm>>
    %dma_start3A_20 = tpu.memref_squeeze %dma_start3A_19 : memref<1x1x125xi32, #tpu.memory_space<hbm>> -> memref<125xi32, #tpu.memory_space<hbm>>
    tpu.enqueue_dma source(%dma_start3A_20 : memref<125xi32, #tpu.memory_space<hbm>>) target(%arg9 : memref<125xi32, #tpu.memory_space<vmem>>) target_semaphore(%arg19 : memref<!tpu.dma_semaphore, #tpu.memory_space<semaphore_mem>>)
    %dma_start3A_21 = arith.constant 1 : i32
    %dma_start3A_22 = arith.constant 0 : i32
    %dma_start3A_23 = tpu.memref_slice %arg4[%add3A, %dma_start3A_21, %dma_start3A_22] : memref<32x80x125xi32, #tpu.memory_space<hbm>> -> memref<1x1x125xi32, #tpu.memory_space<hbm>>
    %dma_start3A_24 = tpu.memref_squeeze %dma_start3A_23 : memref<1x1x125xi32, #tpu.memory_space<hbm>> -> memref<125xi32, #tpu.memory_space<hbm>>
    %dma_start3A_25 = arith.constant 0 : i32
    %dma_start3A_26 = tpu.memref_slice %arg4[%add3A, %dma_start3A_21, %dma_start3A_25] : memref<32x80x125xi32, #tpu.memory_space<hbm>> -> memref<1x1x125xi32, #tpu.memory_space<hbm>>
    %dma_start3A_27 = tpu.memref_squeeze %dma_start3A_26 : memref<1x1x125xi32, #tpu.memory_space<hbm>> -> memref<125xi32, #tpu.memory_space<hbm>>
    tpu.enqueue_dma source(%dma_start3A_27 : memref<125xi32, #tpu.memory_space<hbm>>) target(%arg10 : memref<125xi32, #tpu.memory_space<vmem>>) target_semaphore(%arg20 : memref<!tpu.dma_semaphore, #tpu.memory_space<semaphore_mem>>)
    %dma_wait3A = arith.constant 0 : i32
    %dma_wait3A_28 = arith.constant 0 : i32
    %dma_wait3A_29 = tpu.memref_slice %arg3[%add3A, %dma_wait3A, %dma_wait3A_28] : memref<32x80x125xi32, #tpu.memory_space<hbm>> -> memref<1x1x125xi32, #tpu.memory_space<hbm>>
    %dma_wait3A_30 = tpu.memref_squeeze %dma_wait3A_29 : memref<1x1x125xi32, #tpu.memory_space<hbm>> -> memref<125xi32, #tpu.memory_space<hbm>>
    %dma_wait3A_31 = arith.constant 0 : i32
    %dma_wait3A_32 = tpu.memref_slice %arg3[%add3A, %dma_wait3A, %dma_wait3A_31] : memref<32x80x125xi32, #tpu.memory_space<hbm>> -> memref<1x1x125xi32, #tpu.memory_space<hbm>>
    %dma_wait3A_33 = tpu.memref_squeeze %dma_wait3A_32 : memref<1x1x125xi32, #tpu.memory_space<hbm>> -> memref<125xi32, #tpu.memory_space<hbm>>
    tpu.wait_dma2 semaphore(%arg25 : memref<!tpu.dma_semaphore, #tpu.memory_space<semaphore_mem>>) src(%dma_wait3A_33 : memref<125xi32, #tpu.memory_space<hbm>>) dst(%arg6 : memref<125xi32, #tpu.memory_space<vmem>>)
    %dma_start3A_34 = arith.constant 0 : i32
    %dma_start3A_35 = arith.constant 0 : i32
    %dma_start3A_36 = tpu.memref_slice %arg2[%dma_start3A_34, %dma_start3A_35] : memref<10000x128xf32, #tpu.memory_space<hbm>> -> memref<10000x128xf32, #tpu.memory_space<hbm>>
    tpu.enqueue_indirect_dma source(%dma_start3A_36 : memref<10000x128xf32, #tpu.memory_space<hbm>>) target(%arg12 : memref<125x128xf32, #tpu.memory_space<vmem>>) offsets(%arg6 : memref<125xi32, #tpu.memory_space<vmem>>) semaphore(%arg16 : memref<!tpu.dma_semaphore, #tpu.memory_space<semaphore_mem>>)
    %dma_wait3A_37 = arith.constant 1 : i32
    %dma_wait3A_38 = arith.constant 0 : i32
    %dma_wait3A_39 = tpu.memref_slice %arg3[%add3A, %dma_wait3A_37, %dma_wait3A_38] : memref<32x80x125xi32, #tpu.memory_space<hbm>> -> memref<1x1x125xi32, #tpu.memory_space<hbm>>
    %dma_wait3A_40 = tpu.memref_squeeze %dma_wait3A_39 : memref<1x1x125xi32, #tpu.memory_space<hbm>> -> memref<125xi32, #tpu.memory_space<hbm>>
    %dma_wait3A_41 = arith.constant 0 : i32
    %dma_wait3A_42 = tpu.memref_slice %arg3[%add3A, %dma_wait3A_37, %dma_wait3A_41] : memref<32x80x125xi32, #tpu.memory_space<hbm>> -> memref<1x1x125xi32, #tpu.memory_space<hbm>>
    %dma_wait3A_43 = tpu.memref_squeeze %dma_wait3A_42 : memref<1x1x125xi32, #tpu.memory_space<hbm>> -> memref<125xi32, #tpu.memory_space<hbm>>
    tpu.wait_dma2 semaphore(%arg26 : memref<!tpu.dma_semaphore, #tpu.memory_space<semaphore_mem>>) src(%dma_wait3A_43 : memref<125xi32, #tpu.memory_space<hbm>>) dst(%arg7 : memref<125xi32, #tpu.memory_space<vmem>>)
    %dma_start3A_44 = arith.constant 0 : i32
    %dma_start3A_45 = arith.constant 0 : i32
    %dma_start3A_46 = tpu.memref_slice %arg2[%dma_start3A_44, %dma_start3A_45] : memref<10000x128xf32, #tpu.memory_space<hbm>> -> memref<10000x128xf32, #tpu.memory_space<hbm>>
    tpu.enqueue_indirect_dma source(%dma_start3A_46 : memref<10000x128xf32, #tpu.memory_space<hbm>>) target(%arg13 : memref<125x128xf32, #tpu.memory_space<vmem>>) offsets(%arg7 : memref<125xi32, #tpu.memory_space<vmem>>) semaphore(%arg17 : memref<!tpu.dma_semaphore, #tpu.memory_space<semaphore_mem>>)
    %dma_start3A_47 = arith.constant 2 : i32
    %dma_start3A_48 = arith.constant 0 : i32
    %dma_start3A_49 = tpu.memref_slice %arg3[%add3A, %dma_start3A_47, %dma_start3A_48] : memref<32x80x125xi32, #tpu.memory_space<hbm>> -> memref<1x1x125xi32, #tpu.memory_space<hbm>>
    %dma_start3A_50 = tpu.memref_squeeze %dma_start3A_49 : memref<1x1x125xi32, #tpu.memory_space<hbm>> -> memref<125xi32, #tpu.memory_space<hbm>>
    %dma_start3A_51 = arith.constant 0 : i32
    %dma_start3A_52 = tpu.memref_slice %arg3[%add3A, %dma_start3A_47, %dma_start3A_51] : memref<32x80x125xi32, #tpu.memory_space<hbm>> -> memref<1x1x125xi32, #tpu.memory_space<hbm>>
    %dma_start3A_53 = tpu.memref_squeeze %dma_start3A_52 : memref<1x1x125xi32, #tpu.memory_space<hbm>> -> memref<125xi32, #tpu.memory_space<hbm>>
    tpu.enqueue_dma source(%dma_start3A_53 : memref<125xi32, #tpu.memory_space<hbm>>) target(%arg8 : memref<125xi32, #tpu.memory_space<vmem>>) target_semaphore(%arg27 : memref<!tpu.dma_semaphore, #tpu.memory_space<semaphore_mem>>)
    %broadcast_in_dim3A = arith.constant 0.000000e+00 : f32
    %broadcast_in_dim3A_54 = vector.broadcast %broadcast_in_dim3A : f32 to vector<16xf32>
    %scan3A = arith.constant 0 : i32
    %scan3A_55 = arith.constant 0 : i32
    %scan3A_56 = arith.constant 125 : i32
    %scan3A_57 = arith.addi %scan3A_55, %scan3A_56 : i32
    %scan3A_58 = arith.constant 1 : i32
    %scan3A_59 = scf.for %scan3A_198 = %scan3A_55 to %scan3A_57 step %scan3A_58 iter_args(%scan3A_199 = %scan3A) -> (i32)  : i32 {
      %swap3A = arith.index_cast %scan3A_198 : i32 to index
      %swap3A_200 = arith.constant 0 : index
      %swap3A_201 = tpu.vector_load %arg14[%swap3A, %swap3A_200] {strides = array<i32>} : memref<125x128xf32, #tpu.memory_space<vmem>>, vector<1x16xf32>,
      %swap3A_202 = vector.shape_cast %swap3A_201 : vector<1x16xf32> to vector<16xf32>
      %swap3A_203 = vector.shape_cast %broadcast_in_dim3A_54 : vector<16xf32> to vector<1x16xf32>
      tpu.vector_store %arg14[%swap3A, %swap3A_200], %swap3A_203 {strides = array<i32>} : memref<125x128xf32, #tpu.memory_space<vmem>>, vector<1x16xf32>,
      %swap3A_204 = arith.index_cast %scan3A_198 : i32 to index
      %swap3A_205 = arith.constant 16 : index
      %swap3A_206 = tpu.vector_load %arg14[%swap3A_204, %swap3A_205] {strides = array<i32>} : memref<125x128xf32, #tpu.memory_space<vmem>>, vector<1x16xf32>,
      %swap3A_207 = vector.shape_cast %swap3A_206 : vector<1x16xf32> to vector<16xf32>
      %swap3A_208 = vector.shape_cast %broadcast_in_dim3A_54 : vector<16xf32> to vector<1x16xf32>
      tpu.vector_store %arg14[%swap3A_204, %swap3A_205], %swap3A_208 {strides = array<i32>} : memref<125x128xf32, #tpu.memory_space<vmem>>, vector<1x16xf32>,
      %swap3A_209 = arith.index_cast %scan3A_198 : i32 to index
      %swap3A_210 = arith.constant 32 : index
      %swap3A_211 = tpu.vector_load %arg14[%swap3A_209, %swap3A_210] {strides = array<i32>} : memref<125x128xf32, #tpu.memory_space<vmem>>, vector<1x16xf32>,
      %swap3A_212 = vector.shape_cast %swap3A_211 : vector<1x16xf32> to vector<16xf32>
      %swap3A_213 = vector.shape_cast %broadcast_in_dim3A_54 : vector<16xf32> to vector<1x16xf32>
      tpu.vector_store %arg14[%swap3A_209, %swap3A_210], %swap3A_213 {strides = array<i32>} : memref<125x128xf32, #tpu.memory_space<vmem>>, vector<1x16xf32>,
      %swap3A_214 = arith.index_cast %scan3A_198 : i32 to index
      %swap3A_215 = arith.constant 48 : index
      %swap3A_216 = tpu.vector_load %arg14[%swap3A_214, %swap3A_215] {strides = array<i32>} : memref<125x128xf32, #tpu.memory_space<vmem>>, vector<1x16xf32>,
      %swap3A_217 = vector.shape_cast %swap3A_216 : vector<1x16xf32> to vector<16xf32>
      %swap3A_218 = vector.shape_cast %broadcast_in_dim3A_54 : vector<16xf32> to vector<1x16xf32>
      tpu.vector_store %arg14[%swap3A_214, %swap3A_215], %swap3A_218 {strides = array<i32>} : memref<125x128xf32, #tpu.memory_space<vmem>>, vector<1x16xf32>,
      %swap3A_219 = arith.index_cast %scan3A_198 : i32 to index
      %swap3A_220 = arith.constant 64 : index
      %swap3A_221 = tpu.vector_load %arg14[%swap3A_219, %swap3A_220] {strides = array<i32>} : memref<125x128xf32, #tpu.memory_space<vmem>>, vector<1x16xf32>,
      %swap3A_222 = vector.shape_cast %swap3A_221 : vector<1x16xf32> to vector<16xf32>
      %swap3A_223 = vector.shape_cast %broadcast_in_dim3A_54 : vector<16xf32> to vector<1x16xf32>
      tpu.vector_store %arg14[%swap3A_219, %swap3A_220], %swap3A_223 {strides = array<i32>} : memref<125x128xf32, #tpu.memory_space<vmem>>, vector<1x16xf32>,
      %swap3A_224 = arith.index_cast %scan3A_198 : i32 to index
      %swap3A_225 = arith.constant 80 : index
      %swap3A_226 = tpu.vector_load %arg14[%swap3A_224, %swap3A_225] {strides = array<i32>} : memref<125x128xf32, #tpu.memory_space<vmem>>, vector<1x16xf32>,
      %swap3A_227 = vector.shape_cast %swap3A_226 : vector<1x16xf32> to vector<16xf32>
      %swap3A_228 = vector.shape_cast %broadcast_in_dim3A_54 : vector<16xf32> to vector<1x16xf32>
      tpu.vector_store %arg14[%swap3A_224, %swap3A_225], %swap3A_228 {strides = array<i32>} : memref<125x128xf32, #tpu.memory_space<vmem>>, vector<1x16xf32>,
      %swap3A_229 = arith.index_cast %scan3A_198 : i32 to index
      %swap3A_230 = arith.constant 96 : index
      %swap3A_231 = tpu.vector_load %arg14[%swap3A_229, %swap3A_230] {strides = array<i32>} : memref<125x128xf32, #tpu.memory_space<vmem>>, vector<1x16xf32>,
      %swap3A_232 = vector.shape_cast %swap3A_231 : vector<1x16xf32> to vector<16xf32>
      %swap3A_233 = vector.shape_cast %broadcast_in_dim3A_54 : vector<16xf32> to vector<1x16xf32>
      tpu.vector_store %arg14[%swap3A_229, %swap3A_230], %swap3A_233 {strides = array<i32>} : memref<125x128xf32, #tpu.memory_space<vmem>>, vector<1x16xf32>,
      %swap3A_234 = arith.index_cast %scan3A_198 : i32 to index
      %swap3A_235 = arith.constant 112 : index
      %swap3A_236 = tpu.vector_load %arg14[%swap3A_234, %swap3A_235] {strides = array<i32>} : memref<125x128xf32, #tpu.memory_space<vmem>>, vector<1x16xf32>,
      %swap3A_237 = vector.shape_cast %swap3A_236 : vector<1x16xf32> to vector<16xf32>
      %swap3A_238 = vector.shape_cast %broadcast_in_dim3A_54 : vector<16xf32> to vector<1x16xf32>
      tpu.vector_store %arg14[%swap3A_234, %swap3A_235], %swap3A_238 {strides = array<i32>} : memref<125x128xf32, #tpu.memory_space<vmem>>, vector<1x16xf32>,
      %scan3A_239 = arith.constant 0 : i32
      scf.yield %scan3A_239 : i32
    }
    %scan3A_60 = arith.constant 125 : i32
    %scan3A_61 = arith.constant 0 : i32
    %scan3A_62 = arith.constant 0 : i32
    %scan3A_63 = arith.constant 4 : i32
    %scan3A_64 = arith.addi %scan3A_62, %scan3A_63 : i32
    %scan3A_65 = arith.constant 1 : i32
    %scan3A_66 = scf.for %scan3A_198 = %scan3A_62 to %scan3A_64 step %scan3A_65 iter_args(%scan3A_199 = %scan3A_61) -> (i32)  : i32 {
      %mul3A_200 = arith.constant 624 : i32
      %mul3A_201 = arith.muli %arg1, %mul3A_200 : i32
      %mul3A_202 = arith.constant 125 : i32
      %mul3A_203 = arith.muli %scan3A_198, %mul3A_202 : i32
      %add3A_204 = arith.addi %mul3A_201, %mul3A_203 : i32
      %dma_start3A_205 = arith.constant 0 : i32
      %dma_start3A_206 = tpu.memref_slice %arg15[%add3A_204, %dma_start3A_205] : memref<10000x128xf32, #tpu.memory_space<vmem_shared>> -> memref<125x128xf32, #tpu.memory_space<vmem_shared>>
      %dma_start3A_207 = arith.constant 0 : i32
      %dma_start3A_208 = tpu.memref_slice %arg15[%add3A_204, %dma_start3A_207] : memref<10000x128xf32, #tpu.memory_space<vmem_shared>> -> memref<125x128xf32, #tpu.memory_space<vmem_shared>>
      tpu.enqueue_dma source(%arg14 : memref<125x128xf32, #tpu.memory_space<vmem>>) target(%dma_start3A_208 : memref<125x128xf32, #tpu.memory_space<vmem_shared>>) target_semaphore(%arg22 : memref<!tpu.dma_semaphore, #tpu.memory_space<semaphore_mem>>)
      %scan3A_209 = arith.constant 0 : i32
      scf.yield %scan3A_209 : i32
    }
    %scan3A_67 = arith.constant 4 : i32
    %mul3A_68 = arith.constant 624 : i32
    %mul3A_69 = arith.muli %arg1, %mul3A_68 : i32
    %add3A_70 = arith.constant 500 : i32
    %add3A_71 = arith.addi %mul3A_69, %add3A_70 : i32
    %dma_start3A_72 = arith.constant 0 : i32
    %dma_start3A_73 = arith.constant 0 : i32
    %dma_start3A_74 = tpu.memref_slice %arg14[%dma_start3A_72, %dma_start3A_73] : memref<125x128xf32, #tpu.memory_space<vmem>> -> memref<124x128xf32, #tpu.memory_space<vmem>>
    %dma_start3A_75 = arith.constant 0 : i32
    %dma_start3A_76 = tpu.memref_slice %arg15[%add3A_71, %dma_start3A_75] : memref<10000x128xf32, #tpu.memory_space<vmem_shared>> -> memref<124x128xf32, #tpu.memory_space<vmem_shared>>
    %dma_start3A_77 = arith.constant 0 : i32
    %dma_start3A_78 = tpu.memref_slice %arg15[%add3A_71, %dma_start3A_77] : memref<10000x128xf32, #tpu.memory_space<vmem_shared>> -> memref<124x128xf32, #tpu.memory_space<vmem_shared>>
    %dma_start3A_79 = arith.constant 0 : i32
    %dma_start3A_80 = arith.constant 0 : i32
    %dma_start3A_81 = tpu.memref_slice %arg14[%dma_start3A_79, %dma_start3A_80] : memref<125x128xf32, #tpu.memory_space<vmem>> -> memref<124x128xf32, #tpu.memory_space<vmem>>
    tpu.enqueue_dma source(%dma_start3A_81 : memref<124x128xf32, #tpu.memory_space<vmem>>) target(%dma_start3A_78 : memref<124x128xf32, #tpu.memory_space<vmem_shared>>) target_semaphore(%arg22 : memref<!tpu.dma_semaphore, #tpu.memory_space<semaphore_mem>>)
    %eq3A = arith.constant 15 : i32
    %eq3A_82 = arith.cmpi eq, %arg1, %eq3A : i32
    %convert_element_type3A = arith.extui %eq3A_82 : i1 to i32
    %cond3A = arith.constant 0 : i32
    %cond3A_83 = arith.cmpi ne, %convert_element_type3A, %cond3A : i32
    scf.if %cond3A_83 {
      %dma_start3A_198 = arith.constant 0 : i32
      %dma_start3A_199 = arith.constant 0 : i32
      %dma_start3A_200 = tpu.memref_slice %arg14[%dma_start3A_198, %dma_start3A_199] : memref<125x128xf32, #tpu.memory_space<vmem>> -> memref<16x128xf32, #tpu.memory_space<vmem>>
      %dma_start3A_201 = arith.constant 9984 : i32
      %dma_start3A_202 = arith.constant 0 : i32
      %dma_start3A_203 = tpu.memref_slice %arg15[%dma_start3A_201, %dma_start3A_202] : memref<10000x128xf32, #tpu.memory_space<vmem_shared>> -> memref<16x128xf32, #tpu.memory_space<vmem_shared>>
      %dma_start3A_204 = arith.constant 9984 : i32
      %dma_start3A_205 = arith.constant 0 : i32
      %dma_start3A_206 = tpu.memref_slice %arg15[%dma_start3A_204, %dma_start3A_205] : memref<10000x128xf32, #tpu.memory_space<vmem_shared>> -> memref<16x128xf32, #tpu.memory_space<vmem_shared>>
      %dma_start3A_207 = arith.constant 0 : i32
      %dma_start3A_208 = arith.constant 0 : i32
      %dma_start3A_209 = tpu.memref_slice %arg14[%dma_start3A_207, %dma_start3A_208] : memref<125x128xf32, #tpu.memory_space<vmem>> -> memref<16x128xf32, #tpu.memory_space<vmem>>
      tpu.enqueue_dma source(%dma_start3A_209 : memref<16x128xf32, #tpu.memory_space<vmem>>) target(%dma_start3A_206 : memref<16x128xf32, #tpu.memory_space<vmem_shared>>) target_semaphore(%arg22 : memref<!tpu.dma_semaphore, #tpu.memory_space<semaphore_mem>>)
    } else {
    }
    %scan3A_84 = arith.constant 0 : i32
    %scan3A_85 = arith.constant 0 : i32
    %scan3A_86 = arith.constant 4 : i32
    %scan3A_87 = arith.addi %scan3A_85, %scan3A_86 : i32
    %scan3A_88 = arith.constant 1 : i32
    %scan3A_89 = scf.for %scan3A_198 = %scan3A_85 to %scan3A_87 step %scan3A_88 iter_args(%scan3A_199 = %scan3A_84) -> (i32)  : i32 {
      %mul3A_200 = arith.constant 624 : i32
      %mul3A_201 = arith.muli %arg1, %mul3A_200 : i32
      %mul3A_202 = arith.constant 125 : i32
      %mul3A_203 = arith.muli %scan3A_198, %mul3A_202 : i32
      %add3A_204 = arith.addi %mul3A_201, %mul3A_203 : i32
      %dma_wait3A_205 = arith.constant 0 : i32
      %dma_wait3A_206 = tpu.memref_slice %arg15[%add3A_204, %dma_wait3A_205] : memref<10000x128xf32, #tpu.memory_space<vmem_shared>> -> memref<125x128xf32, #tpu.memory_space<vmem_shared>>
      %dma_wait3A_207 = arith.constant 0 : i32
      %dma_wait3A_208 = tpu.memref_slice %arg15[%add3A_204, %dma_wait3A_207] : memref<10000x128xf32, #tpu.memory_space<vmem_shared>> -> memref<125x128xf32, #tpu.memory_space<vmem_shared>>
      tpu.wait_dma2 semaphore(%arg22 : memref<!tpu.dma_semaphore, #tpu.memory_space<semaphore_mem>>) src(%arg14 : memref<125x128xf32, #tpu.memory_space<vmem>>) dst(%dma_wait3A_208 : memref<125x128xf32, #tpu.memory_space<vmem_shared>>)
      %scan3A_209 = arith.constant 0 : i32
      scf.yield %scan3A_209 : i32
    }
    %scan3A_90 = arith.constant 4 : i32
    %mul3A_91 = arith.constant 624 : i32
    %mul3A_92 = arith.muli %arg1, %mul3A_91 : i32
    %dma_wait3A_93 = arith.constant 0 : i32
    %dma_wait3A_94 = arith.constant 0 : i32
    %dma_wait3A_95 = tpu.memref_slice %arg14[%dma_wait3A_93, %dma_wait3A_94] : memref<125x128xf32, #tpu.memory_space<vmem>> -> memref<124x128xf32, #tpu.memory_space<vmem>>
    %dma_wait3A_96 = arith.constant 0 : i32
    %dma_wait3A_97 = tpu.memref_slice %arg15[%mul3A_92, %dma_wait3A_96] : memref<10000x128xf32, #tpu.memory_space<vmem_shared>> -> memref<124x128xf32, #tpu.memory_space<vmem_shared>>
    %dma_wait3A_98 = arith.constant 0 : i32
    %dma_wait3A_99 = tpu.memref_slice %arg15[%mul3A_92, %dma_wait3A_98] : memref<10000x128xf32, #tpu.memory_space<vmem_shared>> -> memref<124x128xf32, #tpu.memory_space<vmem_shared>>
    %dma_wait3A_100 = arith.constant 0 : i32
    %dma_wait3A_101 = arith.constant 0 : i32
    %dma_wait3A_102 = tpu.memref_slice %arg14[%dma_wait3A_100, %dma_wait3A_101] : memref<125x128xf32, #tpu.memory_space<vmem>> -> memref<124x128xf32, #tpu.memory_space<vmem>>
    tpu.wait_dma2 semaphore(%arg22 : memref<!tpu.dma_semaphore, #tpu.memory_space<semaphore_mem>>) src(%dma_wait3A_102 : memref<124x128xf32, #tpu.memory_space<vmem>>) dst(%dma_wait3A_99 : memref<124x128xf32, #tpu.memory_space<vmem_shared>>)
    %eq3A_103 = arith.constant 15 : i32
    %eq3A_104 = arith.cmpi eq, %arg1, %eq3A_103 : i32
    %convert_element_type3A_105 = arith.extui %eq3A_104 : i1 to i32
    %cond3A_106 = arith.constant 0 : i32
    %cond3A_107 = arith.cmpi ne, %convert_element_type3A_105, %cond3A_106 : i32
    scf.if %cond3A_107 {
      %dma_wait3A_198 = arith.constant 0 : i32
      %dma_wait3A_199 = arith.constant 0 : i32
      %dma_wait3A_200 = tpu.memref_slice %arg14[%dma_wait3A_198, %dma_wait3A_199] : memref<125x128xf32, #tpu.memory_space<vmem>> -> memref<16x128xf32, #tpu.memory_space<vmem>>
      %dma_wait3A_201 = arith.constant 9984 : i32
      %dma_wait3A_202 = arith.constant 0 : i32
      %dma_wait3A_203 = tpu.memref_slice %arg15[%dma_wait3A_201, %dma_wait3A_202] : memref<10000x128xf32, #tpu.memory_space<vmem_shared>> -> memref<16x128xf32, #tpu.memory_space<vmem_shared>>
      %dma_wait3A_204 = arith.constant 9984 : i32
      %dma_wait3A_205 = arith.constant 0 : i32
      %dma_wait3A_206 = tpu.memref_slice %arg15[%dma_wait3A_204, %dma_wait3A_205] : memref<10000x128xf32, #tpu.memory_space<vmem_shared>> -> memref<16x128xf32, #tpu.memory_space<vmem_shared>>
      %dma_wait3A_207 = arith.constant 0 : i32
      %dma_wait3A_208 = arith.constant 0 : i32
      %dma_wait3A_209 = tpu.memref_slice %arg14[%dma_wait3A_207, %dma_wait3A_208] : memref<125x128xf32, #tpu.memory_space<vmem>> -> memref<16x128xf32, #tpu.memory_space<vmem>>
      tpu.wait_dma2 semaphore(%arg22 : memref<!tpu.dma_semaphore, #tpu.memory_space<semaphore_mem>>) src(%dma_wait3A_209 : memref<16x128xf32, #tpu.memory_space<vmem>>) dst(%dma_wait3A_206 : memref<16x128xf32, #tpu.memory_space<vmem_shared>>)
    } else {
    }
    %barrier3A = arith.constant 0 : index
    tpu.barrier barrier_id(%barrier3A)
    %scan3A_108 = arith.constant 0 : i32
    %scan3A_109 = arith.constant 0 : i32
    %scan3A_110 = arith.constant 26 : i32
    %scan3A_111 = arith.addi %scan3A_109, %scan3A_110 : i32
    %scan3A_112 = arith.constant 1 : i32
    %scan3A_113 = scf.for %scan3A_198 = %scan3A_109 to %scan3A_111 step %scan3A_112 iter_args(%scan3A_199 = %scan3A_108) -> (i32)  : i32 {
      %mul3A_200 = arith.constant 3 : i32
      %mul3A_201 = arith.muli %mul3A_200, %scan3A_198 : i32
      %dma_wait3A_202 = arith.constant 0 : i32
      %dma_wait3A_203 = arith.constant 0 : i32
      %dma_wait3A_204 = tpu.memref_slice %arg2[%dma_wait3A_202, %dma_wait3A_203] : memref<10000x128xf32, #tpu.memory_space<hbm>> -> memref<10000x128xf32, #tpu.memory_space<hbm>>
      tpu.wait_indirect_dma semaphore(%arg16 : memref<!tpu.dma_semaphore, #tpu.memory_space<semaphore_mem>>) src(%dma_wait3A_204 : memref<10000x128xf32, #tpu.memory_space<hbm>>) dst(%arg12 : memref<125x128xf32, #tpu.memory_space<vmem>>)
      %dma_wait3A_205 = arith.constant 0 : i32
      %dma_wait3A_206 = tpu.memref_slice %arg4[%add3A, %mul3A_201, %dma_wait3A_205] : memref<32x80x125xi32, #tpu.memory_space<hbm>> -> memref<1x1x125xi32, #tpu.memory_space<hbm>>
      %dma_wait3A_207 = tpu.memref_squeeze %dma_wait3A_206 : memref<1x1x125xi32, #tpu.memory_space<hbm>> -> memref<125xi32, #tpu.memory_space<hbm>>
      %dma_wait3A_208 = arith.constant 0 : i32
      %dma_wait3A_209 = tpu.memref_slice %arg4[%add3A, %mul3A_201, %dma_wait3A_208] : memref<32x80x125xi32, #tpu.memory_space<hbm>> -> memref<1x1x125xi32, #tpu.memory_space<hbm>>
      %dma_wait3A_210 = tpu.memref_squeeze %dma_wait3A_209 : memref<1x1x125xi32, #tpu.memory_space<hbm>> -> memref<125xi32, #tpu.memory_space<hbm>>
      tpu.wait_dma2 semaphore(%arg19 : memref<!tpu.dma_semaphore, #tpu.memory_space<semaphore_mem>>) src(%dma_wait3A_210 : memref<125xi32, #tpu.memory_space<hbm>>) dst(%arg9 : memref<125xi32, #tpu.memory_space<vmem>>)
      %dma_start3A_211 = arith.constant 0 : i32
      %dma_start3A_212 = arith.constant 0 : i32
      %dma_start3A_213 = tpu.memref_slice %arg15[%dma_start3A_211, %dma_start3A_212] : memref<10000x128xf32, #tpu.memory_space<vmem_shared>> -> memref<10000x128xf32, #tpu.memory_space<vmem_shared>>
      tpu.enqueue_indirect_dma source(%arg12 : memref<125x128xf32, #tpu.memory_space<vmem>>) target(%dma_start3A_213 : memref<10000x128xf32, #tpu.memory_space<vmem_shared>>) offsets(%arg9 : memref<125xi32, #tpu.memory_space<vmem>>) semaphore(%arg22 : memref<!tpu.dma_semaphore, #tpu.memory_space<semaphore_mem>>) {add = true}
      %ge3A_214 = arith.constant 1 : i32
      %ge3A_215 = arith.cmpi sge, %mul3A_201, %ge3A_214 : i32
      %convert_element_type3A_216 = arith.extui %ge3A_215 : i1 to i32
      %cond3A_217 = arith.constant 0 : i32
      %cond3A_218 = arith.cmpi ne, %convert_element_type3A_216, %cond3A_217 : i32
      scf.if %cond3A_218 {
        %dma_wait3A_304 = arith.constant 0 : i32
        %dma_wait3A_305 = arith.constant 0 : i32
        %dma_wait3A_306 = tpu.memref_slice %arg15[%dma_wait3A_304, %dma_wait3A_305] : memref<10000x128xf32, #tpu.memory_space<vmem_shared>> -> memref<10000x128xf32, #tpu.memory_space<vmem_shared>>
        tpu.wait_indirect_dma semaphore(%arg24 : memref<!tpu.dma_semaphore, #tpu.memory_space<semaphore_mem>>) src(%arg14 : memref<125x128xf32, #tpu.memory_space<vmem>>) dst(%dma_wait3A_306 : memref<10000x128xf32, #tpu.memory_space<vmem_shared>>)
      } else {
      }
      %add3A_219 = arith.constant 2 : i32
      %add3A_220 = arith.addi %mul3A_201, %add3A_219 : i32
      %lt3A_221 = arith.constant 80 : i32
      %lt3A_222 = arith.cmpi slt, %add3A_220, %lt3A_221 : i32
      %convert_element_type3A_223 = arith.extui %lt3A_222 : i1 to i32
      %cond3A_224 = arith.constant 0 : i32
      %cond3A_225 = arith.cmpi ne, %convert_element_type3A_223, %cond3A_224 : i32
      scf.if %cond3A_225 {
        %add3A_304 = arith.constant 2 : i32
        %add3A_305 = arith.addi %mul3A_201, %add3A_304 : i32
        %dma_start3A_306 = arith.constant 0 : i32
        %dma_start3A_307 = tpu.memref_slice %arg4[%add3A, %add3A_305, %dma_start3A_306] : memref<32x80x125xi32, #tpu.memory_space<hbm>> -> memref<1x1x125xi32, #tpu.memory_space<hbm>>
        %dma_start3A_308 = tpu.memref_squeeze %dma_start3A_307 : memref<1x1x125xi32, #tpu.memory_space<hbm>> -> memref<125xi32, #tpu.memory_space<hbm>>
        %dma_start3A_309 = arith.constant 0 : i32
        %dma_start3A_310 = tpu.memref_slice %arg4[%add3A, %add3A_305, %dma_start3A_309] : memref<32x80x125xi32, #tpu.memory_space<hbm>> -> memref<1x1x125xi32, #tpu.memory_space<hbm>>
        %dma_start3A_311 = tpu.memref_squeeze %dma_start3A_310 : memref<1x1x125xi32, #tpu.memory_space<hbm>> -> memref<125xi32, #tpu.memory_space<hbm>>
        tpu.enqueue_dma source(%dma_start3A_311 : memref<125xi32, #tpu.memory_space<hbm>>) target(%arg11 : memref<125xi32, #tpu.memory_space<vmem>>) target_semaphore(%arg21 : memref<!tpu.dma_semaphore, #tpu.memory_space<semaphore_mem>>)
        %add3A_312 = arith.constant 2 : i32
        %add3A_313 = arith.addi %mul3A_201, %add3A_312 : i32
        %dma_wait3A_314 = arith.constant 0 : i32
        %dma_wait3A_315 = tpu.memref_slice %arg3[%add3A, %add3A_313, %dma_wait3A_314] : memref<32x80x125xi32, #tpu.memory_space<hbm>> -> memref<1x1x125xi32, #tpu.memory_space<hbm>>
        %dma_wait3A_316 = tpu.memref_squeeze %dma_wait3A_315 : memref<1x1x125xi32, #tpu.memory_space<hbm>> -> memref<125xi32, #tpu.memory_space<hbm>>
        %dma_wait3A_317 = arith.constant 0 : i32
        %dma_wait3A_318 = tpu.memref_slice %arg3[%add3A, %add3A_313, %dma_wait3A_317] : memref<32x80x125xi32, #tpu.memory_space<hbm>> -> memref<1x1x125xi32, #tpu.memory_space<hbm>>
        %dma_wait3A_319 = tpu.memref_squeeze %dma_wait3A_318 : memref<1x1x125xi32, #tpu.memory_space<hbm>> -> memref<125xi32, #tpu.memory_space<hbm>>
        tpu.wait_dma2 semaphore(%arg27 : memref<!tpu.dma_semaphore, #tpu.memory_space<semaphore_mem>>) src(%dma_wait3A_319 : memref<125xi32, #tpu.memory_space<hbm>>) dst(%arg8 : memref<125xi32, #tpu.memory_space<vmem>>)
        %dma_start3A_320 = arith.constant 0 : i32
        %dma_start3A_321 = arith.constant 0 : i32
        %dma_start3A_322 = tpu.memref_slice %arg2[%dma_start3A_320, %dma_start3A_321] : memref<10000x128xf32, #tpu.memory_space<hbm>> -> memref<10000x128xf32, #tpu.memory_space<hbm>>
        tpu.enqueue_indirect_dma source(%dma_start3A_322 : memref<10000x128xf32, #tpu.memory_space<hbm>>) target(%arg14 : memref<125x128xf32, #tpu.memory_space<vmem>>) offsets(%arg8 : memref<125xi32, #tpu.memory_space<vmem>>) semaphore(%arg18 : memref<!tpu.dma_semaphore, #tpu.memory_space<semaphore_mem>>)
      } else {
      }
      %add3A_226 = arith.constant 3 : i32
      %add3A_227 = arith.addi %mul3A_201, %add3A_226 : i32
      %lt3A_228 = arith.constant 80 : i32
      %lt3A_229 = arith.cmpi slt, %add3A_227, %lt3A_228 : i32
      %convert_element_type3A_230 = arith.extui %lt3A_229 : i1 to i32
      %cond3A_231 = arith.constant 0 : i32
      %cond3A_232 = arith.cmpi ne, %convert_element_type3A_230, %cond3A_231 : i32
      scf.if %cond3A_232 {
        %add3A_304 = arith.constant 3 : i32
        %add3A_305 = arith.addi %mul3A_201, %add3A_304 : i32
        %dma_start3A_306 = arith.constant 0 : i32
        %dma_start3A_307 = tpu.memref_slice %arg3[%add3A, %add3A_305, %dma_start3A_306] : memref<32x80x125xi32, #tpu.memory_space<hbm>> -> memref<1x1x125xi32, #tpu.memory_space<hbm>>
        %dma_start3A_308 = tpu.memref_squeeze %dma_start3A_307 : memref<1x1x125xi32, #tpu.memory_space<hbm>> -> memref<125xi32, #tpu.memory_space<hbm>>
        %dma_start3A_309 = arith.constant 0 : i32
        %dma_start3A_310 = tpu.memref_slice %arg3[%add3A, %add3A_305, %dma_start3A_309] : memref<32x80x125xi32, #tpu.memory_space<hbm>> -> memref<1x1x125xi32, #tpu.memory_space<hbm>>
        %dma_start3A_311 = tpu.memref_squeeze %dma_start3A_310 : memref<1x1x125xi32, #tpu.memory_space<hbm>> -> memref<125xi32, #tpu.memory_space<hbm>>
        tpu.enqueue_dma source(%dma_start3A_311 : memref<125xi32, #tpu.memory_space<hbm>>) target(%arg6 : memref<125xi32, #tpu.memory_space<vmem>>) target_semaphore(%arg25 : memref<!tpu.dma_semaphore, #tpu.memory_space<semaphore_mem>>)
      } else {
      }
      %mul3A_233 = arith.constant 3 : i32
      %mul3A_234 = arith.muli %mul3A_233, %scan3A_198 : i32
      %add3A_235 = arith.constant 1 : i32
      %add3A_236 = arith.addi %mul3A_234, %add3A_235 : i32
      %dma_wait3A_237 = arith.constant 0 : i32
      %dma_wait3A_238 = arith.constant 0 : i32
      %dma_wait3A_239 = tpu.memref_slice %arg2[%dma_wait3A_237, %dma_wait3A_238] : memref<10000x128xf32, #tpu.memory_space<hbm>> -> memref<10000x128xf32, #tpu.memory_space<hbm>>
      tpu.wait_indirect_dma semaphore(%arg17 : memref<!tpu.dma_semaphore, #tpu.memory_space<semaphore_mem>>) src(%dma_wait3A_239 : memref<10000x128xf32, #tpu.memory_space<hbm>>) dst(%arg13 : memref<125x128xf32, #tpu.memory_space<vmem>>)
      %dma_wait3A_240 = arith.constant 0 : i32
      %dma_wait3A_241 = tpu.memref_slice %arg4[%add3A, %add3A_236, %dma_wait3A_240] : memref<32x80x125xi32, #tpu.memory_space<hbm>> -> memref<1x1x125xi32, #tpu.memory_space<hbm>>
      %dma_wait3A_242 = tpu.memref_squeeze %dma_wait3A_241 : memref<1x1x125xi32, #tpu.memory_space<hbm>> -> memref<125xi32, #tpu.memory_space<hbm>>
      %dma_wait3A_243 = arith.constant 0 : i32
      %dma_wait3A_244 = tpu.memref_slice %arg4[%add3A, %add3A_236, %dma_wait3A_243] : memref<32x80x125xi32, #tpu.memory_space<hbm>> -> memref<1x1x125xi32, #tpu.memory_space<hbm>>
      %dma_wait3A_245 = tpu.memref_squeeze %dma_wait3A_244 : memref<1x1x125xi32, #tpu.memory_space<hbm>> -> memref<125xi32, #tpu.memory_space<hbm>>
      tpu.wait_dma2 semaphore(%arg20 : memref<!tpu.dma_semaphore, #tpu.memory_space<semaphore_mem>>) src(%dma_wait3A_245 : memref<125xi32, #tpu.memory_space<hbm>>) dst(%arg10 : memref<125xi32, #tpu.memory_space<vmem>>)
      %dma_start3A_246 = arith.constant 0 : i32
      %dma_start3A_247 = arith.constant 0 : i32
      %dma_start3A_248 = tpu.memref_slice %arg15[%dma_start3A_246, %dma_start3A_247] : memref<10000x128xf32, #tpu.memory_space<vmem_shared>> -> memref<10000x128xf32, #tpu.memory_space<vmem_shared>>
      tpu.enqueue_indirect_dma source(%arg13 : memref<125x128xf32, #tpu.memory_space<vmem>>) target(%dma_start3A_248 : memref<10000x128xf32, #tpu.memory_space<vmem_shared>>) offsets(%arg10 : memref<125xi32, #tpu.memory_space<vmem>>) semaphore(%arg23 : memref<!tpu.dma_semaphore, #tpu.memory_space<semaphore_mem>>) {add = true}
      %ge3A_249 = arith.constant 1 : i32
      %ge3A_250 = arith.cmpi sge, %add3A_236, %ge3A_249 : i32
      %convert_element_type3A_251 = arith.extui %ge3A_250 : i1 to i32
      %cond3A_252 = arith.constant 0 : i32
      %cond3A_253 = arith.cmpi ne, %convert_element_type3A_251, %cond3A_252 : i32
      scf.if %cond3A_253 {
        %dma_wait3A_304 = arith.constant 0 : i32
        %dma_wait3A_305 = arith.constant 0 : i32
        %dma_wait3A_306 = tpu.memref_slice %arg15[%dma_wait3A_304, %dma_wait3A_305] : memref<10000x128xf32, #tpu.memory_space<vmem_shared>> -> memref<10000x128xf32, #tpu.memory_space<vmem_shared>>
        tpu.wait_indirect_dma semaphore(%arg22 : memref<!tpu.dma_semaphore, #tpu.memory_space<semaphore_mem>>) src(%arg12 : memref<125x128xf32, #tpu.memory_space<vmem>>) dst(%dma_wait3A_306 : memref<10000x128xf32, #tpu.memory_space<vmem_shared>>)
      } else {
      }
      %add3A_254 = arith.constant 2 : i32
      %add3A_255 = arith.addi %add3A_236, %add3A_254 : i32
      %lt3A_256 = arith.constant 80 : i32
      %lt3A_257 = arith.cmpi slt, %add3A_255, %lt3A_256 : i32
      %convert_element_type3A_258 = arith.extui %lt3A_257 : i1 to i32
      %cond3A_259 = arith.constant 0 : i32
      %cond3A_260 = arith.cmpi ne, %convert_element_type3A_258, %cond3A_259 : i32
      scf.if %cond3A_260 {
        %add3A_304 = arith.constant 2 : i32
        %add3A_305 = arith.addi %add3A_236, %add3A_304 : i32
        %dma_start3A_306 = arith.constant 0 : i32
        %dma_start3A_307 = tpu.memref_slice %arg4[%add3A, %add3A_305, %dma_start3A_306] : memref<32x80x125xi32, #tpu.memory_space<hbm>> -> memref<1x1x125xi32, #tpu.memory_space<hbm>>
        %dma_start3A_308 = tpu.memref_squeeze %dma_start3A_307 : memref<1x1x125xi32, #tpu.memory_space<hbm>> -> memref<125xi32, #tpu.memory_space<hbm>>
        %dma_start3A_309 = arith.constant 0 : i32
        %dma_start3A_310 = tpu.memref_slice %arg4[%add3A, %add3A_305, %dma_start3A_309] : memref<32x80x125xi32, #tpu.memory_space<hbm>> -> memref<1x1x125xi32, #tpu.memory_space<hbm>>
        %dma_start3A_311 = tpu.memref_squeeze %dma_start3A_310 : memref<1x1x125xi32, #tpu.memory_space<hbm>> -> memref<125xi32, #tpu.memory_space<hbm>>
        tpu.enqueue_dma source(%dma_start3A_311 : memref<125xi32, #tpu.memory_space<hbm>>) target(%arg9 : memref<125xi32, #tpu.memory_space<vmem>>) target_semaphore(%arg19 : memref<!tpu.dma_semaphore, #tpu.memory_space<semaphore_mem>>)
        %add3A_312 = arith.constant 2 : i32
        %add3A_313 = arith.addi %add3A_236, %add3A_312 : i32
        %dma_wait3A_314 = arith.constant 0 : i32
        %dma_wait3A_315 = tpu.memref_slice %arg3[%add3A, %add3A_313, %dma_wait3A_314] : memref<32x80x125xi32, #tpu.memory_space<hbm>> -> memref<1x1x125xi32, #tpu.memory_space<hbm>>
        %dma_wait3A_316 = tpu.memref_squeeze %dma_wait3A_315 : memref<1x1x125xi32, #tpu.memory_space<hbm>> -> memref<125xi32, #tpu.memory_space<hbm>>
        %dma_wait3A_317 = arith.constant 0 : i32
        %dma_wait3A_318 = tpu.memref_slice %arg3[%add3A, %add3A_313, %dma_wait3A_317] : memref<32x80x125xi32, #tpu.memory_space<hbm>> -> memref<1x1x125xi32, #tpu.memory_space<hbm>>
        %dma_wait3A_319 = tpu.memref_squeeze %dma_wait3A_318 : memref<1x1x125xi32, #tpu.memory_space<hbm>> -> memref<125xi32, #tpu.memory_space<hbm>>
        tpu.wait_dma2 semaphore(%arg25 : memref<!tpu.dma_semaphore, #tpu.memory_space<semaphore_mem>>) src(%dma_wait3A_319 : memref<125xi32, #tpu.memory_space<hbm>>) dst(%arg6 : memref<125xi32, #tpu.memory_space<vmem>>)
        %dma_start3A_320 = arith.constant 0 : i32
        %dma_start3A_321 = arith.constant 0 : i32
        %dma_start3A_322 = tpu.memref_slice %arg2[%dma_start3A_320, %dma_start3A_321] : memref<10000x128xf32, #tpu.memory_space<hbm>> -> memref<10000x128xf32, #tpu.memory_space<hbm>>
        tpu.enqueue_indirect_dma source(%dma_start3A_322 : memref<10000x128xf32, #tpu.memory_space<hbm>>) target(%arg12 : memref<125x128xf32, #tpu.memory_space<vmem>>) offsets(%arg6 : memref<125xi32, #tpu.memory_space<vmem>>) semaphore(%arg16 : memref<!tpu.dma_semaphore, #tpu.memory_space<semaphore_mem>>)
      } else {
      }
      %add3A_261 = arith.constant 3 : i32
      %add3A_262 = arith.addi %add3A_236, %add3A_261 : i32
      %lt3A_263 = arith.constant 80 : i32
      %lt3A_264 = arith.cmpi slt, %add3A_262, %lt3A_263 : i32
      %convert_element_type3A_265 = arith.extui %lt3A_264 : i1 to i32
      %cond3A_266 = arith.constant 0 : i32
      %cond3A_267 = arith.cmpi ne, %convert_element_type3A_265, %cond3A_266 : i32
      scf.if %cond3A_267 {
        %add3A_304 = arith.constant 3 : i32
        %add3A_305 = arith.addi %add3A_236, %add3A_304 : i32
        %dma_start3A_306 = arith.constant 0 : i32
        %dma_start3A_307 = tpu.memref_slice %arg3[%add3A, %add3A_305, %dma_start3A_306] : memref<32x80x125xi32, #tpu.memory_space<hbm>> -> memref<1x1x125xi32, #tpu.memory_space<hbm>>
        %dma_start3A_308 = tpu.memref_squeeze %dma_start3A_307 : memref<1x1x125xi32, #tpu.memory_space<hbm>> -> memref<125xi32, #tpu.memory_space<hbm>>
        %dma_start3A_309 = arith.constant 0 : i32
        %dma_start3A_310 = tpu.memref_slice %arg3[%add3A, %add3A_305, %dma_start3A_309] : memref<32x80x125xi32, #tpu.memory_space<hbm>> -> memref<1x1x125xi32, #tpu.memory_space<hbm>>
        %dma_start3A_311 = tpu.memref_squeeze %dma_start3A_310 : memref<1x1x125xi32, #tpu.memory_space<hbm>> -> memref<125xi32, #tpu.memory_space<hbm>>
        tpu.enqueue_dma source(%dma_start3A_311 : memref<125xi32, #tpu.memory_space<hbm>>) target(%arg7 : memref<125xi32, #tpu.memory_space<vmem>>) target_semaphore(%arg26 : memref<!tpu.dma_semaphore, #tpu.memory_space<semaphore_mem>>)
      } else {
      }
      %mul3A_268 = arith.constant 3 : i32
      %mul3A_269 = arith.muli %mul3A_268, %scan3A_198 : i32
      %add3A_270 = arith.constant 2 : i32
      %add3A_271 = arith.addi %mul3A_269, %add3A_270 : i32
      %dma_wait3A_272 = arith.constant 0 : i32
      %dma_wait3A_273 = arith.constant 0 : i32
      %dma_wait3A_274 = tpu.memref_slice %arg2[%dma_wait3A_272, %dma_wait3A_273] : memref<10000x128xf32, #tpu.memory_space<hbm>> -> memref<10000x128xf32, #tpu.memory_space<hbm>>
      tpu.wait_indirect_dma semaphore(%arg18 : memref<!tpu.dma_semaphore, #tpu.memory_space<semaphore_mem>>) src(%dma_wait3A_274 : memref<10000x128xf32, #tpu.memory_space<hbm>>) dst(%arg14 : memref<125x128xf32, #tpu.memory_space<vmem>>)
      %dma_wait3A_275 = arith.constant 0 : i32
      %dma_wait3A_276 = tpu.memref_slice %arg4[%add3A, %add3A_271, %dma_wait3A_275] : memref<32x80x125xi32, #tpu.memory_space<hbm>> -> memref<1x1x125xi32, #tpu.memory_space<hbm>>
      %dma_wait3A_277 = tpu.memref_squeeze %dma_wait3A_276 : memref<1x1x125xi32, #tpu.memory_space<hbm>> -> memref<125xi32, #tpu.memory_space<hbm>>
      %dma_wait3A_278 = arith.constant 0 : i32
      %dma_wait3A_279 = tpu.memref_slice %arg4[%add3A, %add3A_271, %dma_wait3A_278] : memref<32x80x125xi32, #tpu.memory_space<hbm>> -> memref<1x1x125xi32, #tpu.memory_space<hbm>>
      %dma_wait3A_280 = tpu.memref_squeeze %dma_wait3A_279 : memref<1x1x125xi32, #tpu.memory_space<hbm>> -> memref<125xi32, #tpu.memory_space<hbm>>
      tpu.wait_dma2 semaphore(%arg21 : memref<!tpu.dma_semaphore, #tpu.memory_space<semaphore_mem>>) src(%dma_wait3A_280 : memref<125xi32, #tpu.memory_space<hbm>>) dst(%arg11 : memref<125xi32, #tpu.memory_space<vmem>>)
      %dma_start3A_281 = arith.constant 0 : i32
      %dma_start3A_282 = arith.constant 0 : i32
      %dma_start3A_283 = tpu.memref_slice %arg15[%dma_start3A_281, %dma_start3A_282] : memref<10000x128xf32, #tpu.memory_space<vmem_shared>> -> memref<10000x128xf32, #tpu.memory_space<vmem_shared>>
      tpu.enqueue_indirect_dma source(%arg14 : memref<125x128xf32, #tpu.memory_space<vmem>>) target(%dma_start3A_283 : memref<10000x128xf32, #tpu.memory_space<vmem_shared>>) offsets(%arg11 : memref<125xi32, #tpu.memory_space<vmem>>) semaphore(%arg24 : memref<!tpu.dma_semaphore, #tpu.memory_space<semaphore_mem>>) {add = true}
      %ge3A_284 = arith.constant 1 : i32
      %ge3A_285 = arith.cmpi sge, %add3A_271, %ge3A_284 : i32
      %convert_element_type3A_286 = arith.extui %ge3A_285 : i1 to i32
      %cond3A_287 = arith.constant 0 : i32
      %cond3A_288 = arith.cmpi ne, %convert_element_type3A_286, %cond3A_287 : i32
      scf.if %cond3A_288 {
        %dma_wait3A_304 = arith.constant 0 : i32
        %dma_wait3A_305 = arith.constant 0 : i32
        %dma_wait3A_306 = tpu.memref_slice %arg15[%dma_wait3A_304, %dma_wait3A_305] : memref<10000x128xf32, #tpu.memory_space<vmem_shared>> -> memref<10000x128xf32, #tpu.memory_space<vmem_shared>>
        tpu.wait_indirect_dma semaphore(%arg23 : memref<!tpu.dma_semaphore, #tpu.memory_space<semaphore_mem>>) src(%arg13 : memref<125x128xf32, #tpu.memory_space<vmem>>) dst(%dma_wait3A_306 : memref<10000x128xf32, #tpu.memory_space<vmem_shared>>)
      } else {
      }
      %add3A_289 = arith.constant 2 : i32
      %add3A_290 = arith.addi %add3A_271, %add3A_289 : i32
      %lt3A_291 = arith.constant 80 : i32
      %lt3A_292 = arith.cmpi slt, %add3A_290, %lt3A_291 : i32
      %convert_element_type3A_293 = arith.extui %lt3A_292 : i1 to i32
      %cond3A_294 = arith.constant 0 : i32
      %cond3A_295 = arith.cmpi ne, %convert_element_type3A_293, %cond3A_294 : i32
      scf.if %cond3A_295 {
        %add3A_304 = arith.constant 2 : i32
        %add3A_305 = arith.addi %add3A_271, %add3A_304 : i32
        %dma_start3A_306 = arith.constant 0 : i32
        %dma_start3A_307 = tpu.memref_slice %arg4[%add3A, %add3A_305, %dma_start3A_306] : memref<32x80x125xi32, #tpu.memory_space<hbm>> -> memref<1x1x125xi32, #tpu.memory_space<hbm>>
        %dma_start3A_308 = tpu.memref_squeeze %dma_start3A_307 : memref<1x1x125xi32, #tpu.memory_space<hbm>> -> memref<125xi32, #tpu.memory_space<hbm>>
        %dma_start3A_309 = arith.constant 0 : i32
        %dma_start3A_310 = tpu.memref_slice %arg4[%add3A, %add3A_305, %dma_start3A_309] : memref<32x80x125xi32, #tpu.memory_space<hbm>> -> memref<1x1x125xi32, #tpu.memory_space<hbm>>
        %dma_start3A_311 = tpu.memref_squeeze %dma_start3A_310 : memref<1x1x125xi32, #tpu.memory_space<hbm>> -> memref<125xi32, #tpu.memory_space<hbm>>
        tpu.enqueue_dma source(%dma_start3A_311 : memref<125xi32, #tpu.memory_space<hbm>>) target(%arg10 : memref<125xi32, #tpu.memory_space<vmem>>) target_semaphore(%arg20 : memref<!tpu.dma_semaphore, #tpu.memory_space<semaphore_mem>>)
        %add3A_312 = arith.constant 2 : i32
        %add3A_313 = arith.addi %add3A_271, %add3A_312 : i32
        %dma_wait3A_314 = arith.constant 0 : i32
        %dma_wait3A_315 = tpu.memref_slice %arg3[%add3A, %add3A_313, %dma_wait3A_314] : memref<32x80x125xi32, #tpu.memory_space<hbm>> -> memref<1x1x125xi32, #tpu.memory_space<hbm>>
        %dma_wait3A_316 = tpu.memref_squeeze %dma_wait3A_315 : memref<1x1x125xi32, #tpu.memory_space<hbm>> -> memref<125xi32, #tpu.memory_space<hbm>>
        %dma_wait3A_317 = arith.constant 0 : i32
        %dma_wait3A_318 = tpu.memref_slice %arg3[%add3A, %add3A_313, %dma_wait3A_317] : memref<32x80x125xi32, #tpu.memory_space<hbm>> -> memref<1x1x125xi32, #tpu.memory_space<hbm>>
        %dma_wait3A_319 = tpu.memref_squeeze %dma_wait3A_318 : memref<1x1x125xi32, #tpu.memory_space<hbm>> -> memref<125xi32, #tpu.memory_space<hbm>>
        tpu.wait_dma2 semaphore(%arg26 : memref<!tpu.dma_semaphore, #tpu.memory_space<semaphore_mem>>) src(%dma_wait3A_319 : memref<125xi32, #tpu.memory_space<hbm>>) dst(%arg7 : memref<125xi32, #tpu.memory_space<vmem>>)
        %dma_start3A_320 = arith.constant 0 : i32
        %dma_start3A_321 = arith.constant 0 : i32
        %dma_start3A_322 = tpu.memref_slice %arg2[%dma_start3A_320, %dma_start3A_321] : memref<10000x128xf32, #tpu.memory_space<hbm>> -> memref<10000x128xf32, #tpu.memory_space<hbm>>
        tpu.enqueue_indirect_dma source(%dma_start3A_322 : memref<10000x128xf32, #tpu.memory_space<hbm>>) target(%arg13 : memref<125x128xf32, #tpu.memory_space<vmem>>) offsets(%arg7 : memref<125xi32, #tpu.memory_space<vmem>>) semaphore(%arg17 : memref<!tpu.dma_semaphore, #tpu.memory_space<semaphore_mem>>)
      } else {
      }
      %add3A_296 = arith.constant 3 : i32
      %add3A_297 = arith.addi %add3A_271, %add3A_296 : i32
      %lt3A_298 = arith.constant 80 : i32
      %lt3A_299 = arith.cmpi slt, %add3A_297, %lt3A_298 : i32
      %convert_element_type3A_300 = arith.extui %lt3A_299 : i1 to i32
      %cond3A_301 = arith.constant 0 : i32
      %cond3A_302 = arith.cmpi ne, %convert_element_type3A_300, %cond3A_301 : i32
      scf.if %cond3A_302 {
        %add3A_304 = arith.constant 3 : i32
        %add3A_305 = arith.addi %add3A_271, %add3A_304 : i32
        %dma_start3A_306 = arith.constant 0 : i32
        %dma_start3A_307 = tpu.memref_slice %arg3[%add3A, %add3A_305, %dma_start3A_306] : memref<32x80x125xi32, #tpu.memory_space<hbm>> -> memref<1x1x125xi32, #tpu.memory_space<hbm>>
        %dma_start3A_308 = tpu.memref_squeeze %dma_start3A_307 : memref<1x1x125xi32, #tpu.memory_space<hbm>> -> memref<125xi32, #tpu.memory_space<hbm>>
        %dma_start3A_309 = arith.constant 0 : i32
        %dma_start3A_310 = tpu.memref_slice %arg3[%add3A, %add3A_305, %dma_start3A_309] : memref<32x80x125xi32, #tpu.memory_space<hbm>> -> memref<1x1x125xi32, #tpu.memory_space<hbm>>
        %dma_start3A_311 = tpu.memref_squeeze %dma_start3A_310 : memref<1x1x125xi32, #tpu.memory_space<hbm>> -> memref<125xi32, #tpu.memory_space<hbm>>
        tpu.enqueue_dma source(%dma_start3A_311 : memref<125xi32, #tpu.memory_space<hbm>>) target(%arg8 : memref<125xi32, #tpu.memory_space<vmem>>) target_semaphore(%arg27 : memref<!tpu.dma_semaphore, #tpu.memory_space<semaphore_mem>>)
      } else {
      }
      %scan3A_303 = arith.constant 0 : i32
      scf.yield %scan3A_303 : i32
    }
    %scan3A_114 = arith.constant 26 : i32
    %dma_wait3A_115 = arith.constant 0 : i32
    %dma_wait3A_116 = arith.constant 0 : i32
    %dma_wait3A_117 = tpu.memref_slice %arg2[%dma_wait3A_115, %dma_wait3A_116] : memref<10000x128xf32, #tpu.memory_space<hbm>> -> memref<10000x128xf32, #tpu.memory_space<hbm>>
    tpu.wait_indirect_dma semaphore(%arg16 : memref<!tpu.dma_semaphore, #tpu.memory_space<semaphore_mem>>) src(%dma_wait3A_117 : memref<10000x128xf32, #tpu.memory_space<hbm>>) dst(%arg12 : memref<125x128xf32, #tpu.memory_space<vmem>>)
    %dma_wait3A_118 = arith.constant 78 : i32
    %dma_wait3A_119 = arith.constant 0 : i32
    %dma_wait3A_120 = tpu.memref_slice %arg4[%add3A, %dma_wait3A_118, %dma_wait3A_119] : memref<32x80x125xi32, #tpu.memory_space<hbm>> -> memref<1x1x125xi32, #tpu.memory_space<hbm>>
    %dma_wait3A_121 = tpu.memref_squeeze %dma_wait3A_120 : memref<1x1x125xi32, #tpu.memory_space<hbm>> -> memref<125xi32, #tpu.memory_space<hbm>>
    %dma_wait3A_122 = arith.constant 0 : i32
    %dma_wait3A_123 = tpu.memref_slice %arg4[%add3A, %dma_wait3A_118, %dma_wait3A_122] : memref<32x80x125xi32, #tpu.memory_space<hbm>> -> memref<1x1x125xi32, #tpu.memory_space<hbm>>
    %dma_wait3A_124 = tpu.memref_squeeze %dma_wait3A_123 : memref<1x1x125xi32, #tpu.memory_space<hbm>> -> memref<125xi32, #tpu.memory_space<hbm>>
    tpu.wait_dma2 semaphore(%arg19 : memref<!tpu.dma_semaphore, #tpu.memory_space<semaphore_mem>>) src(%dma_wait3A_124 : memref<125xi32, #tpu.memory_space<hbm>>) dst(%arg9 : memref<125xi32, #tpu.memory_space<vmem>>)
    %dma_start3A_125 = arith.constant 0 : i32
    %dma_start3A_126 = arith.constant 0 : i32
    %dma_start3A_127 = tpu.memref_slice %arg15[%dma_start3A_125, %dma_start3A_126] : memref<10000x128xf32, #tpu.memory_space<vmem_shared>> -> memref<10000x128xf32, #tpu.memory_space<vmem_shared>>
    tpu.enqueue_indirect_dma source(%arg12 : memref<125x128xf32, #tpu.memory_space<vmem>>) target(%dma_start3A_127 : memref<10000x128xf32, #tpu.memory_space<vmem_shared>>) offsets(%arg9 : memref<125xi32, #tpu.memory_space<vmem>>) semaphore(%arg22 : memref<!tpu.dma_semaphore, #tpu.memory_space<semaphore_mem>>) {add = true}
    %ge3A = arith.constant 78 : i32
    %ge3A_128 = arith.constant 1 : i32
    %ge3A_129 = arith.cmpi sge, %ge3A, %ge3A_128 : i32
    %convert_element_type3A_130 = arith.extui %ge3A_129 : i1 to i32
    %cond3A_131 = arith.constant 0 : i32
    %cond3A_132 = arith.cmpi ne, %convert_element_type3A_130, %cond3A_131 : i32
    scf.if %cond3A_132 {
      %dma_wait3A_198 = arith.constant 0 : i32
      %dma_wait3A_199 = arith.constant 0 : i32
      %dma_wait3A_200 = tpu.memref_slice %arg15[%dma_wait3A_198, %dma_wait3A_199] : memref<10000x128xf32, #tpu.memory_space<vmem_shared>> -> memref<10000x128xf32, #tpu.memory_space<vmem_shared>>
      tpu.wait_indirect_dma semaphore(%arg24 : memref<!tpu.dma_semaphore, #tpu.memory_space<semaphore_mem>>) src(%arg14 : memref<125x128xf32, #tpu.memory_space<vmem>>) dst(%dma_wait3A_200 : memref<10000x128xf32, #tpu.memory_space<vmem_shared>>)
    } else {
    }
    %add3A_133 = arith.constant 78 : i32
    %add3A_134 = arith.constant 2 : i32
    %add3A_135 = arith.addi %add3A_133, %add3A_134 : i32
    %lt3A = arith.constant 80 : i32
    %lt3A_136 = arith.cmpi slt, %add3A_135, %lt3A : i32
    %convert_element_type3A_137 = arith.extui %lt3A_136 : i1 to i32
    %cond3A_138 = arith.constant 78 : i32
    %cond3A_139 = arith.constant 0 : i32
    %cond3A_140 = arith.cmpi ne, %convert_element_type3A_137, %cond3A_139 : i32
    scf.if %cond3A_140 {
      %add3A_198 = arith.constant 2 : i32
      %add3A_199 = arith.addi %cond3A_138, %add3A_198 : i32
      %dma_start3A_200 = arith.constant 0 : i32
      %dma_start3A_201 = tpu.memref_slice %arg4[%add3A, %add3A_199, %dma_start3A_200] : memref<32x80x125xi32, #tpu.memory_space<hbm>> -> memref<1x1x125xi32, #tpu.memory_space<hbm>>
      %dma_start3A_202 = tpu.memref_squeeze %dma_start3A_201 : memref<1x1x125xi32, #tpu.memory_space<hbm>> -> memref<125xi32, #tpu.memory_space<hbm>>
      %dma_start3A_203 = arith.constant 0 : i32
      %dma_start3A_204 = tpu.memref_slice %arg4[%add3A, %add3A_199, %dma_start3A_203] : memref<32x80x125xi32, #tpu.memory_space<hbm>> -> memref<1x1x125xi32, #tpu.memory_space<hbm>>
      %dma_start3A_205 = tpu.memref_squeeze %dma_start3A_204 : memref<1x1x125xi32, #tpu.memory_space<hbm>> -> memref<125xi32, #tpu.memory_space<hbm>>
      tpu.enqueue_dma source(%dma_start3A_205 : memref<125xi32, #tpu.memory_space<hbm>>) target(%arg11 : memref<125xi32, #tpu.memory_space<vmem>>) target_semaphore(%arg21 : memref<!tpu.dma_semaphore, #tpu.memory_space<semaphore_mem>>)
      %add3A_206 = arith.constant 2 : i32
      %add3A_207 = arith.addi %cond3A_138, %add3A_206 : i32
      %dma_wait3A_208 = arith.constant 0 : i32
      %dma_wait3A_209 = tpu.memref_slice %arg3[%add3A, %add3A_207, %dma_wait3A_208] : memref<32x80x125xi32, #tpu.memory_space<hbm>> -> memref<1x1x125xi32, #tpu.memory_space<hbm>>
      %dma_wait3A_210 = tpu.memref_squeeze %dma_wait3A_209 : memref<1x1x125xi32, #tpu.memory_space<hbm>> -> memref<125xi32, #tpu.memory_space<hbm>>
      %dma_wait3A_211 = arith.constant 0 : i32
      %dma_wait3A_212 = tpu.memref_slice %arg3[%add3A, %add3A_207, %dma_wait3A_211] : memref<32x80x125xi32, #tpu.memory_space<hbm>> -> memref<1x1x125xi32, #tpu.memory_space<hbm>>
      %dma_wait3A_213 = tpu.memref_squeeze %dma_wait3A_212 : memref<1x1x125xi32, #tpu.memory_space<hbm>> -> memref<125xi32, #tpu.memory_space<hbm>>
      tpu.wait_dma2 semaphore(%arg27 : memref<!tpu.dma_semaphore, #tpu.memory_space<semaphore_mem>>) src(%dma_wait3A_213 : memref<125xi32, #tpu.memory_space<hbm>>) dst(%arg8 : memref<125xi32, #tpu.memory_space<vmem>>)
      %dma_start3A_214 = arith.constant 0 : i32
      %dma_start3A_215 = arith.constant 0 : i32
      %dma_start3A_216 = tpu.memref_slice %arg2[%dma_start3A_214, %dma_start3A_215] : memref<10000x128xf32, #tpu.memory_space<hbm>> -> memref<10000x128xf32, #tpu.memory_space<hbm>>
      tpu.enqueue_indirect_dma source(%dma_start3A_216 : memref<10000x128xf32, #tpu.memory_space<hbm>>) target(%arg14 : memref<125x128xf32, #tpu.memory_space<vmem>>) offsets(%arg8 : memref<125xi32, #tpu.memory_space<vmem>>) semaphore(%arg18 : memref<!tpu.dma_semaphore, #tpu.memory_space<semaphore_mem>>)
    } else {
    }
    %add3A_141 = arith.constant 78 : i32
    %add3A_142 = arith.constant 3 : i32
    %add3A_143 = arith.addi %add3A_141, %add3A_142 : i32
    %lt3A_144 = arith.constant 80 : i32
    %lt3A_145 = arith.cmpi slt, %add3A_143, %lt3A_144 : i32
    %convert_element_type3A_146 = arith.extui %lt3A_145 : i1 to i32
    %cond3A_147 = arith.constant 78 : i32
    %cond3A_148 = arith.constant 0 : i32
    %cond3A_149 = arith.cmpi ne, %convert_element_type3A_146, %cond3A_148 : i32
    scf.if %cond3A_149 {
      %add3A_198 = arith.constant 3 : i32
      %add3A_199 = arith.addi %cond3A_147, %add3A_198 : i32
      %dma_start3A_200 = arith.constant 0 : i32
      %dma_start3A_201 = tpu.memref_slice %arg3[%add3A, %add3A_199, %dma_start3A_200] : memref<32x80x125xi32, #tpu.memory_space<hbm>> -> memref<1x1x125xi32, #tpu.memory_space<hbm>>
      %dma_start3A_202 = tpu.memref_squeeze %dma_start3A_201 : memref<1x1x125xi32, #tpu.memory_space<hbm>> -> memref<125xi32, #tpu.memory_space<hbm>>
      %dma_start3A_203 = arith.constant 0 : i32
      %dma_start3A_204 = tpu.memref_slice %arg3[%add3A, %add3A_199, %dma_start3A_203] : memref<32x80x125xi32, #tpu.memory_space<hbm>> -> memref<1x1x125xi32, #tpu.memory_space<hbm>>
      %dma_start3A_205 = tpu.memref_squeeze %dma_start3A_204 : memref<1x1x125xi32, #tpu.memory_space<hbm>> -> memref<125xi32, #tpu.memory_space<hbm>>
      tpu.enqueue_dma source(%dma_start3A_205 : memref<125xi32, #tpu.memory_space<hbm>>) target(%arg6 : memref<125xi32, #tpu.memory_space<vmem>>) target_semaphore(%arg25 : memref<!tpu.dma_semaphore, #tpu.memory_space<semaphore_mem>>)
    } else {
    }
    %dma_wait3A_150 = arith.constant 0 : i32
    %dma_wait3A_151 = arith.constant 0 : i32
    %dma_wait3A_152 = tpu.memref_slice %arg2[%dma_wait3A_150, %dma_wait3A_151] : memref<10000x128xf32, #tpu.memory_space<hbm>> -> memref<10000x128xf32, #tpu.memory_space<hbm>>
    tpu.wait_indirect_dma semaphore(%arg17 : memref<!tpu.dma_semaphore, #tpu.memory_space<semaphore_mem>>) src(%dma_wait3A_152 : memref<10000x128xf32, #tpu.memory_space<hbm>>) dst(%arg13 : memref<125x128xf32, #tpu.memory_space<vmem>>)
    %dma_wait3A_153 = arith.constant 79 : i32
    %dma_wait3A_154 = arith.constant 0 : i32
    %dma_wait3A_155 = tpu.memref_slice %arg4[%add3A, %dma_wait3A_153, %dma_wait3A_154] : memref<32x80x125xi32, #tpu.memory_space<hbm>> -> memref<1x1x125xi32, #tpu.memory_space<hbm>>
    %dma_wait3A_156 = tpu.memref_squeeze %dma_wait3A_155 : memref<1x1x125xi32, #tpu.memory_space<hbm>> -> memref<125xi32, #tpu.memory_space<hbm>>
    %dma_wait3A_157 = arith.constant 0 : i32
    %dma_wait3A_158 = tpu.memref_slice %arg4[%add3A, %dma_wait3A_153, %dma_wait3A_157] : memref<32x80x125xi32, #tpu.memory_space<hbm>> -> memref<1x1x125xi32, #tpu.memory_space<hbm>>
    %dma_wait3A_159 = tpu.memref_squeeze %dma_wait3A_158 : memref<1x1x125xi32, #tpu.memory_space<hbm>> -> memref<125xi32, #tpu.memory_space<hbm>>
    tpu.wait_dma2 semaphore(%arg20 : memref<!tpu.dma_semaphore, #tpu.memory_space<semaphore_mem>>) src(%dma_wait3A_159 : memref<125xi32, #tpu.memory_space<hbm>>) dst(%arg10 : memref<125xi32, #tpu.memory_space<vmem>>)
    %dma_start3A_160 = arith.constant 0 : i32
    %dma_start3A_161 = arith.constant 0 : i32
    %dma_start3A_162 = tpu.memref_slice %arg15[%dma_start3A_160, %dma_start3A_161] : memref<10000x128xf32, #tpu.memory_space<vmem_shared>> -> memref<10000x128xf32, #tpu.memory_space<vmem_shared>>
    tpu.enqueue_indirect_dma source(%arg13 : memref<125x128xf32, #tpu.memory_space<vmem>>) target(%dma_start3A_162 : memref<10000x128xf32, #tpu.memory_space<vmem_shared>>) offsets(%arg10 : memref<125xi32, #tpu.memory_space<vmem>>) semaphore(%arg23 : memref<!tpu.dma_semaphore, #tpu.memory_space<semaphore_mem>>) {add = true}
    %ge3A_163 = arith.constant 79 : i32
    %ge3A_164 = arith.constant 1 : i32
    %ge3A_165 = arith.cmpi sge, %ge3A_163, %ge3A_164 : i32
    %convert_element_type3A_166 = arith.extui %ge3A_165 : i1 to i32
    %cond3A_167 = arith.constant 0 : i32
    %cond3A_168 = arith.cmpi ne, %convert_element_type3A_166, %cond3A_167 : i32
    scf.if %cond3A_168 {
      %dma_wait3A_198 = arith.constant 0 : i32
      %dma_wait3A_199 = arith.constant 0 : i32
      %dma_wait3A_200 = tpu.memref_slice %arg15[%dma_wait3A_198, %dma_wait3A_199] : memref<10000x128xf32, #tpu.memory_space<vmem_shared>> -> memref<10000x128xf32, #tpu.memory_space<vmem_shared>>
      tpu.wait_indirect_dma semaphore(%arg22 : memref<!tpu.dma_semaphore, #tpu.memory_space<semaphore_mem>>) src(%arg12 : memref<125x128xf32, #tpu.memory_space<vmem>>) dst(%dma_wait3A_200 : memref<10000x128xf32, #tpu.memory_space<vmem_shared>>)
    } else {
    }
    %add3A_169 = arith.constant 79 : i32
    %add3A_170 = arith.constant 2 : i32
    %add3A_171 = arith.addi %add3A_169, %add3A_170 : i32
    %lt3A_172 = arith.constant 80 : i32
    %lt3A_173 = arith.cmpi slt, %add3A_171, %lt3A_172 : i32
    %convert_element_type3A_174 = arith.extui %lt3A_173 : i1 to i32
    %cond3A_175 = arith.constant 79 : i32
    %cond3A_176 = arith.constant 0 : i32
    %cond3A_177 = arith.cmpi ne, %convert_element_type3A_174, %cond3A_176 : i32
    scf.if %cond3A_177 {
      %add3A_198 = arith.constant 2 : i32
      %add3A_199 = arith.addi %cond3A_175, %add3A_198 : i32
      %dma_start3A_200 = arith.constant 0 : i32
      %dma_start3A_201 = tpu.memref_slice %arg4[%add3A, %add3A_199, %dma_start3A_200] : memref<32x80x125xi32, #tpu.memory_space<hbm>> -> memref<1x1x125xi32, #tpu.memory_space<hbm>>
      %dma_start3A_202 = tpu.memref_squeeze %dma_start3A_201 : memref<1x1x125xi32, #tpu.memory_space<hbm>> -> memref<125xi32, #tpu.memory_space<hbm>>
      %dma_start3A_203 = arith.constant 0 : i32
      %dma_start3A_204 = tpu.memref_slice %arg4[%add3A, %add3A_199, %dma_start3A_203] : memref<32x80x125xi32, #tpu.memory_space<hbm>> -> memref<1x1x125xi32, #tpu.memory_space<hbm>>
      %dma_start3A_205 = tpu.memref_squeeze %dma_start3A_204 : memref<1x1x125xi32, #tpu.memory_space<hbm>> -> memref<125xi32, #tpu.memory_space<hbm>>
      tpu.enqueue_dma source(%dma_start3A_205 : memref<125xi32, #tpu.memory_space<hbm>>) target(%arg9 : memref<125xi32, #tpu.memory_space<vmem>>) target_semaphore(%arg19 : memref<!tpu.dma_semaphore, #tpu.memory_space<semaphore_mem>>)
      %add3A_206 = arith.constant 2 : i32
      %add3A_207 = arith.addi %cond3A_175, %add3A_206 : i32
      %dma_wait3A_208 = arith.constant 0 : i32
      %dma_wait3A_209 = tpu.memref_slice %arg3[%add3A, %add3A_207, %dma_wait3A_208] : memref<32x80x125xi32, #tpu.memory_space<hbm>> -> memref<1x1x125xi32, #tpu.memory_space<hbm>>
      %dma_wait3A_210 = tpu.memref_squeeze %dma_wait3A_209 : memref<1x1x125xi32, #tpu.memory_space<hbm>> -> memref<125xi32, #tpu.memory_space<hbm>>
      %dma_wait3A_211 = arith.constant 0 : i32
      %dma_wait3A_212 = tpu.memref_slice %arg3[%add3A, %add3A_207, %dma_wait3A_211] : memref<32x80x125xi32, #tpu.memory_space<hbm>> -> memref<1x1x125xi32, #tpu.memory_space<hbm>>
      %dma_wait3A_213 = tpu.memref_squeeze %dma_wait3A_212 : memref<1x1x125xi32, #tpu.memory_space<hbm>> -> memref<125xi32, #tpu.memory_space<hbm>>
      tpu.wait_dma2 semaphore(%arg25 : memref<!tpu.dma_semaphore, #tpu.memory_space<semaphore_mem>>) src(%dma_wait3A_213 : memref<125xi32, #tpu.memory_space<hbm>>) dst(%arg6 : memref<125xi32, #tpu.memory_space<vmem>>)
      %dma_start3A_214 = arith.constant 0 : i32
      %dma_start3A_215 = arith.constant 0 : i32
      %dma_start3A_216 = tpu.memref_slice %arg2[%dma_start3A_214, %dma_start3A_215] : memref<10000x128xf32, #tpu.memory_space<hbm>> -> memref<10000x128xf32, #tpu.memory_space<hbm>>
      tpu.enqueue_indirect_dma source(%dma_start3A_216 : memref<10000x128xf32, #tpu.memory_space<hbm>>) target(%arg12 : memref<125x128xf32, #tpu.memory_space<vmem>>) offsets(%arg6 : memref<125xi32, #tpu.memory_space<vmem>>) semaphore(%arg16 : memref<!tpu.dma_semaphore, #tpu.memory_space<semaphore_mem>>)
    } else {
    }
    %add3A_178 = arith.constant 79 : i32
    %add3A_179 = arith.constant 3 : i32
    %add3A_180 = arith.addi %add3A_178, %add3A_179 : i32
    %lt3A_181 = arith.constant 80 : i32
    %lt3A_182 = arith.cmpi slt, %add3A_180, %lt3A_181 : i32
    %convert_element_type3A_183 = arith.extui %lt3A_182 : i1 to i32
    %cond3A_184 = arith.constant 79 : i32
    %cond3A_185 = arith.constant 0 : i32
    %cond3A_186 = arith.cmpi ne, %convert_element_type3A_183, %cond3A_185 : i32
    scf.if %cond3A_186 {
      %add3A_198 = arith.constant 3 : i32
      %add3A_199 = arith.addi %cond3A_184, %add3A_198 : i32
      %dma_start3A_200 = arith.constant 0 : i32
      %dma_start3A_201 = tpu.memref_slice %arg3[%add3A, %add3A_199, %dma_start3A_200] : memref<32x80x125xi32, #tpu.memory_space<hbm>> -> memref<1x1x125xi32, #tpu.memory_space<hbm>>
      %dma_start3A_202 = tpu.memref_squeeze %dma_start3A_201 : memref<1x1x125xi32, #tpu.memory_space<hbm>> -> memref<125xi32, #tpu.memory_space<hbm>>
      %dma_start3A_203 = arith.constant 0 : i32
      %dma_start3A_204 = tpu.memref_slice %arg3[%add3A, %add3A_199, %dma_start3A_203] : memref<32x80x125xi32, #tpu.memory_space<hbm>> -> memref<1x1x125xi32, #tpu.memory_space<hbm>>
      %dma_start3A_205 = tpu.memref_squeeze %dma_start3A_204 : memref<1x1x125xi32, #tpu.memory_space<hbm>> -> memref<125xi32, #tpu.memory_space<hbm>>
      tpu.enqueue_dma source(%dma_start3A_205 : memref<125xi32, #tpu.memory_space<hbm>>) target(%arg7 : memref<125xi32, #tpu.memory_space<vmem>>) target_semaphore(%arg26 : memref<!tpu.dma_semaphore, #tpu.memory_space<semaphore_mem>>)
    } else {
    }
    %dma_wait3A_187 = arith.constant 0 : i32
    %dma_wait3A_188 = arith.constant 0 : i32
    %dma_wait3A_189 = tpu.memref_slice %arg15[%dma_wait3A_187, %dma_wait3A_188] : memref<10000x128xf32, #tpu.memory_space<vmem_shared>> -> memref<10000x128xf32, #tpu.memory_space<vmem_shared>>
    tpu.wait_indirect_dma semaphore(%arg23 : memref<!tpu.dma_semaphore, #tpu.memory_space<semaphore_mem>>) src(%arg13 : memref<125x128xf32, #tpu.memory_space<vmem>>) dst(%dma_wait3A_189 : memref<10000x128xf32, #tpu.memory_space<vmem_shared>>)
    %barrier3A_190 = arith.constant 0 : index
    tpu.barrier barrier_id(%barrier3A_190)
    %mul3A_191 = arith.constant 624 : i32
    %mul3A_192 = arith.muli %arg1, %mul3A_191 : i32
    "tpu.region"() ({
      %run_scoped3A = tpu.sem_alloc : memref<!tpu.dma_semaphore, #tpu.memory_space<semaphore_mem>>
      %dma_start3A_198 = arith.constant 0 : i32
      %dma_start3A_199 = tpu.memref_slice %arg5[%arg0, %mul3A_192, %dma_start3A_198] : memref<2x10000x128xf32, #tpu.memory_space<hbm>> -> memref<1x624x128xf32, #tpu.memory_space<hbm>>
      %dma_start3A_200 = tpu.memref_squeeze %dma_start3A_199 : memref<1x624x128xf32, #tpu.memory_space<hbm>> -> memref<624x128xf32, #tpu.memory_space<hbm>>
      %dma_start3A_201 = arith.constant 0 : i32
      %dma_start3A_202 = tpu.memref_slice %arg15[%mul3A_192, %dma_start3A_201] : memref<10000x128xf32, #tpu.memory_space<vmem_shared>> -> memref<624x128xf32, #tpu.memory_space<vmem_shared>>
      tpu.enqueue_dma source(%dma_start3A_202 : memref<624x128xf32, #tpu.memory_space<vmem_shared>>) target(%dma_start3A_200 : memref<624x128xf32, #tpu.memory_space<hbm>>) target_semaphore(%run_scoped3A : memref<!tpu.dma_semaphore, #tpu.memory_space<semaphore_mem>>)
      %dma_wait3A_203 = arith.constant 0 : i32
      %dma_wait3A_204 = tpu.memref_slice %arg5[%arg0, %mul3A_192, %dma_wait3A_203] : memref<2x10000x128xf32, #tpu.memory_space<hbm>> -> memref<1x624x128xf32, #tpu.memory_space<hbm>>
      %dma_wait3A_205 = tpu.memref_squeeze %dma_wait3A_204 : memref<1x624x128xf32, #tpu.memory_space<hbm>> -> memref<624x128xf32, #tpu.memory_space<hbm>>
      %dma_wait3A_206 = arith.constant 0 : i32
      %dma_wait3A_207 = tpu.memref_slice %arg15[%mul3A_192, %dma_wait3A_206] : memref<10000x128xf32, #tpu.memory_space<vmem_shared>> -> memref<624x128xf32, #tpu.memory_space<vmem_shared>>
      tpu.wait_dma2 semaphore(%run_scoped3A : memref<!tpu.dma_semaphore, #tpu.memory_space<semaphore_mem>>) src(%dma_wait3A_207 : memref<624x128xf32, #tpu.memory_space<vmem_shared>>) dst(%dma_wait3A_205 : memref<624x128xf32, #tpu.memory_space<hbm>>)
      tpu.yield
    }) : () -> ()
    %eq3A_193 = arith.constant 15 : i32
    %eq3A_194 = arith.cmpi eq, %arg1, %eq3A_193 : i32
    %convert_element_type3A_195 = arith.extui %eq3A_194 : i1 to i32
    %cond3A_196 = arith.constant 0 : i32
    %cond3A_197 = arith.cmpi ne, %convert_element_type3A_195, %cond3A_196 : i32
    scf.if %cond3A_197 {
      "tpu.region"() ({
        %run_scoped3A = tpu.sem_alloc : memref<!tpu.dma_semaphore, #tpu.memory_space<semaphore_mem>>
        %dma_start3A_198 = arith.constant 9984 : i32
        %dma_start3A_199 = arith.constant 0 : i32
        %dma_start3A_200 = tpu.memref_slice %arg5[%arg0, %dma_start3A_198, %dma_start3A_199] : memref<2x10000x128xf32, #tpu.memory_space<hbm>> -> memref<1x16x128xf32, #tpu.memory_space<hbm>>
        %dma_start3A_201 = tpu.memref_squeeze %dma_start3A_200 : memref<1x16x128xf32, #tpu.memory_space<hbm>> -> memref<16x128xf32, #tpu.memory_space<hbm>>
        %dma_start3A_202 = arith.constant 9984 : i32
        %dma_start3A_203 = arith.constant 0 : i32
        %dma_start3A_204 = tpu.memref_slice %arg15[%dma_start3A_202, %dma_start3A_203] : memref<10000x128xf32, #tpu.memory_space<vmem_shared>> -> memref<16x128xf32, #tpu.memory_space<vmem_shared>>
        tpu.enqueue_dma source(%dma_start3A_204 : memref<16x128xf32, #tpu.memory_space<vmem_shared>>) target(%dma_start3A_201 : memref<16x128xf32, #tpu.memory_space<hbm>>) target_semaphore(%run_scoped3A : memref<!tpu.dma_semaphore, #tpu.memory_space<semaphore_mem>>)
        %dma_wait3A_205 = arith.constant 9984 : i32
        %dma_wait3A_206 = arith.constant 0 : i32
        %dma_wait3A_207 = tpu.memref_slice %arg5[%arg0, %dma_wait3A_205, %dma_wait3A_206] : memref<2x10000x128xf32, #tpu.memory_space<hbm>> -> memref<1x16x128xf32, #tpu.memory_space<hbm>>
        %dma_wait3A_208 = tpu.memref_squeeze %dma_wait3A_207 : memref<1x16x128xf32, #tpu.memory_space<hbm>> -> memref<16x128xf32, #tpu.memory_space<hbm>>
        %dma_wait3A_209 = arith.constant 9984 : i32
        %dma_wait3A_210 = arith.constant 0 : i32
        %dma_wait3A_211 = tpu.memref_slice %arg15[%dma_wait3A_209, %dma_wait3A_210] : memref<10000x128xf32, #tpu.memory_space<vmem_shared>> -> memref<16x128xf32, #tpu.memory_space<vmem_shared>>
        tpu.wait_dma2 semaphore(%run_scoped3A : memref<!tpu.dma_semaphore, #tpu.memory_space<semaphore_mem>>) src(%dma_wait3A_211 : memref<16x128xf32, #tpu.memory_space<vmem_shared>>) dst(%dma_wait3A_208 : memref<16x128xf32, #tpu.memory_space<hbm>>)
        tpu.yield
      }) : () -> ()
    } else {
    }
    return
  }
}

#map = affine_map<(d0, d1) -> (0, 0)>
#map1 = affine_map<(d0, d1) -> (0, 0, 0)>
module attributes {stable_mosaic.version = 14 : i64} {
  func.func @_scatter_body(%arg0: i32, %arg1: i32, %arg2: memref<10000x128xf32, #tpu.memory_space<hbm>>, %arg3: memref<32x80x125xi32, #tpu.memory_space<hbm>>, %arg4: memref<32x80x125xi32, #tpu.memory_space<hbm>>, %arg5: memref<2x10000x128xf32, #tpu.memory_space<hbm>>, %arg6: memref<125xi32, #tpu.memory_space<vmem>>, %arg7: memref<125xi32, #tpu.memory_space<vmem>>, %arg8: memref<125xi32, #tpu.memory_space<vmem>>, %arg9: memref<125xi32, #tpu.memory_space<vmem>>, %arg10: memref<125xi32, #tpu.memory_space<vmem>>, %arg11: memref<125xi32, #tpu.memory_space<vmem>>, %arg12: memref<125x128xf32, #tpu.memory_space<vmem>>, %arg13: memref<125x128xf32, #tpu.memory_space<vmem>>, %arg14: memref<125x128xf32, #tpu.memory_space<vmem>>, %arg15: memref<10000x128xf32, #tpu.memory_space<vmem_shared>>, %arg16: memref<!tpu.dma_semaphore, #tpu.memory_space<semaphore_mem>>, %arg17: memref<!tpu.dma_semaphore, #tpu.memory_space<semaphore_mem>>, %arg18: memref<!tpu.dma_semaphore, #tpu.memory_space<semaphore_mem>>, %arg19: memref<!tpu.dma_semaphore, #tpu.memory_space<semaphore_mem>>, %arg20: memref<!tpu.dma_semaphore, #tpu.memory_space<semaphore_mem>>, %arg21: memref<!tpu.dma_semaphore, #tpu.memory_space<semaphore_mem>>, %arg22: memref<!tpu.dma_semaphore, #tpu.memory_space<semaphore_mem>>, %arg23: memref<!tpu.dma_semaphore, #tpu.memory_space<semaphore_mem>>, %arg24: memref<!tpu.dma_semaphore, #tpu.memory_space<semaphore_mem>>, %arg25: memref<!tpu.dma_semaphore, #tpu.memory_space<semaphore_mem>>, %arg26: memref<!tpu.dma_semaphore, #tpu.memory_space<semaphore_mem>>, %arg27: memref<!tpu.dma_semaphore, #tpu.memory_space<semaphore_mem>>) attributes {dimension_semantics = [#tpu.dimension_semantics<core_parallel>, #tpu.dimension_semantics<subcore_parallel>], iteration_bounds = array<i64: 2, 16>, scalar_prefetch = 0 : i64, scratch_operands = 22 : i64, tpu.core_type = #tpu.core_type<sc_vector_subcore>, window_params = [{transform_indices = #map}, {transform_indices = #map1}, {transform_indices = #map1}, {transform_indices = #map1}]} {
    %mul3A = arith.constant 2 : i32
    %mul3A_0 = arith.muli %arg1, %mul3A : i32
    %add3A = arith.addi %mul3A_0, %arg0 : i32
    %dma_start3A = arith.constant 0 : i32
    %dma_start3A_1 = arith.constant 0 : i32
    %dma_start3A_2 = tpu.memref_slice %arg3[%add3A, %dma_start3A, %dma_start3A_1] : memref<32x80x125xi32, #tpu.memory_space<hbm>> -> memref<1x1x125xi32, #tpu.memory_space<hbm>>
    %dma_start3A_3 = tpu.memref_squeeze %dma_start3A_2 : memref<1x1x125xi32, #tpu.memory_space<hbm>> -> memref<125xi32, #tpu.memory_space<hbm>>
    %dma_start3A_4 = arith.constant 0 : i32
    %dma_start3A_5 = tpu.memref_slice %arg3[%add3A, %dma_start3A, %dma_start3A_4] : memref<32x80x125xi32, #tpu.memory_space<hbm>> -> memref<1x1x125xi32, #tpu.memory_space<hbm>>
    %dma_start3A_6 = tpu.memref_squeeze %dma_start3A_5 : memref<1x1x125xi32, #tpu.memory_space<hbm>> -> memref<125xi32, #tpu.memory_space<hbm>>
    tpu.enqueue_dma source(%dma_start3A_6 : memref<125xi32, #tpu.memory_space<hbm>>) target(%arg6 : memref<125xi32, #tpu.memory_space<vmem>>) target_semaphore(%arg25 : memref<!tpu.dma_semaphore, #tpu.memory_space<semaphore_mem>>)
    %dma_start3A_7 = arith.constant 1 : i32
    %dma_start3A_8 = arith.constant 0 : i32
    %dma_start3A_9 = tpu.memref_slice %arg3[%add3A, %dma_start3A_7, %dma_start3A_8] : memref<32x80x125xi32, #tpu.memory_space<hbm>> -> memref<1x1x125xi32, #tpu.memory_space<hbm>>
    %dma_start3A_10 = tpu.memref_squeeze %dma_start3A_9 : memref<1x1x125xi32, #tpu.memory_space<hbm>> -> memref<125xi32, #tpu.memory_space<hbm>>
    %dma_start3A_11 = arith.constant 0 : i32
    %dma_start3A_12 = tpu.memref_slice %arg3[%add3A, %dma_start3A_7, %dma_start3A_11] : memref<32x80x125xi32, #tpu.memory_space<hbm>> -> memref<1x1x125xi32, #tpu.memory_space<hbm>>
    %dma_start3A_13 = tpu.memref_squeeze %dma_start3A_12 : memref<1x1x125xi32, #tpu.memory_space<hbm>> -> memref<125xi32, #tpu.memory_space<hbm>>
    tpu.enqueue_dma source(%dma_start3A_13 : memref<125xi32, #tpu.memory_space<hbm>>) target(%arg7 : memref<125xi32, #tpu.memory_space<vmem>>) target_semaphore(%arg26 : memref<!tpu.dma_semaphore, #tpu.memory_space<semaphore_mem>>)
    %dma_start3A_14 = arith.constant 0 : i32
    %dma_start3A_15 = arith.constant 0 : i32
    %dma_start3A_16 = tpu.memref_slice %arg4[%add3A, %dma_start3A_14, %dma_start3A_15] : memref<32x80x125xi32, #tpu.memory_space<hbm>> -> memref<1x1x125xi32, #tpu.memory_space<hbm>>
    %dma_start3A_17 = tpu.memref_squeeze %dma_start3A_16 : memref<1x1x125xi32, #tpu.memory_space<hbm>> -> memref<125xi32, #tpu.memory_space<hbm>>
    %dma_start3A_18 = arith.constant 0 : i32
    %dma_start3A_19 = tpu.memref_slice %arg4[%add3A, %dma_start3A_14, %dma_start3A_18] : memref<32x80x125xi32, #tpu.memory_space<hbm>> -> memref<1x1x125xi32, #tpu.memory_space<hbm>>
    %dma_start3A_20 = tpu.memref_squeeze %dma_start3A_19 : memref<1x1x125xi32, #tpu.memory_space<hbm>> -> memref<125xi32, #tpu.memory_space<hbm>>
    tpu.enqueue_dma source(%dma_start3A_20 : memref<125xi32, #tpu.memory_space<hbm>>) target(%arg9 : memref<125xi32, #tpu.memory_space<vmem>>) target_semaphore(%arg19 : memref<!tpu.dma_semaphore, #tpu.memory_space<semaphore_mem>>)
    %dma_start3A_21 = arith.constant 1 : i32
    %dma_start3A_22 = arith.constant 0 : i32
    %dma_start3A_23 = tpu.memref_slice %arg4[%add3A, %dma_start3A_21, %dma_start3A_22] : memref<32x80x125xi32, #tpu.memory_space<hbm>> -> memref<1x1x125xi32, #tpu.memory_space<hbm>>
    %dma_start3A_24 = tpu.memref_squeeze %dma_start3A_23 : memref<1x1x125xi32, #tpu.memory_space<hbm>> -> memref<125xi32, #tpu.memory_space<hbm>>
    %dma_start3A_25 = arith.constant 0 : i32
    %dma_start3A_26 = tpu.memref_slice %arg4[%add3A, %dma_start3A_21, %dma_start3A_25] : memref<32x80x125xi32, #tpu.memory_space<hbm>> -> memref<1x1x125xi32, #tpu.memory_space<hbm>>
    %dma_start3A_27 = tpu.memref_squeeze %dma_start3A_26 : memref<1x1x125xi32, #tpu.memory_space<hbm>> -> memref<125xi32, #tpu.memory_space<hbm>>
    tpu.enqueue_dma source(%dma_start3A_27 : memref<125xi32, #tpu.memory_space<hbm>>) target(%arg10 : memref<125xi32, #tpu.memory_space<vmem>>) target_semaphore(%arg20 : memref<!tpu.dma_semaphore, #tpu.memory_space<semaphore_mem>>)
    %dma_wait3A = arith.constant 0 : i32
    %dma_wait3A_28 = arith.constant 0 : i32
    %dma_wait3A_29 = tpu.memref_slice %arg3[%add3A, %dma_wait3A, %dma_wait3A_28] : memref<32x80x125xi32, #tpu.memory_space<hbm>> -> memref<1x1x125xi32, #tpu.memory_space<hbm>>
    %dma_wait3A_30 = tpu.memref_squeeze %dma_wait3A_29 : memref<1x1x125xi32, #tpu.memory_space<hbm>> -> memref<125xi32, #tpu.memory_space<hbm>>
    %dma_wait3A_31 = arith.constant 0 : i32
    %dma_wait3A_32 = tpu.memref_slice %arg3[%add3A, %dma_wait3A, %dma_wait3A_31] : memref<32x80x125xi32, #tpu.memory_space<hbm>> -> memref<1x1x125xi32, #tpu.memory_space<hbm>>
    %dma_wait3A_33 = tpu.memref_squeeze %dma_wait3A_32 : memref<1x1x125xi32, #tpu.memory_space<hbm>> -> memref<125xi32, #tpu.memory_space<hbm>>
    tpu.wait_dma2 semaphore(%arg25 : memref<!tpu.dma_semaphore, #tpu.memory_space<semaphore_mem>>) src(%dma_wait3A_33 : memref<125xi32, #tpu.memory_space<hbm>>) dst(%arg6 : memref<125xi32, #tpu.memory_space<vmem>>)
    %dma_start3A_34 = arith.constant 0 : i32
    %dma_start3A_35 = arith.constant 0 : i32
    %dma_start3A_36 = tpu.memref_slice %arg2[%dma_start3A_34, %dma_start3A_35] : memref<10000x128xf32, #tpu.memory_space<hbm>> -> memref<10000x128xf32, #tpu.memory_space<hbm>>
    tpu.enqueue_indirect_dma source(%dma_start3A_36 : memref<10000x128xf32, #tpu.memory_space<hbm>>) target(%arg12 : memref<125x128xf32, #tpu.memory_space<vmem>>) offsets(%arg6 : memref<125xi32, #tpu.memory_space<vmem>>) semaphore(%arg16 : memref<!tpu.dma_semaphore, #tpu.memory_space<semaphore_mem>>)
    %dma_wait3A_37 = arith.constant 1 : i32
    %dma_wait3A_38 = arith.constant 0 : i32
    %dma_wait3A_39 = tpu.memref_slice %arg3[%add3A, %dma_wait3A_37, %dma_wait3A_38] : memref<32x80x125xi32, #tpu.memory_space<hbm>> -> memref<1x1x125xi32, #tpu.memory_space<hbm>>
    %dma_wait3A_40 = tpu.memref_squeeze %dma_wait3A_39 : memref<1x1x125xi32, #tpu.memory_space<hbm>> -> memref<125xi32, #tpu.memory_space<hbm>>
    %dma_wait3A_41 = arith.constant 0 : i32
    %dma_wait3A_42 = tpu.memref_slice %arg3[%add3A, %dma_wait3A_37, %dma_wait3A_41] : memref<32x80x125xi32, #tpu.memory_space<hbm>> -> memref<1x1x125xi32, #tpu.memory_space<hbm>>
    %dma_wait3A_43 = tpu.memref_squeeze %dma_wait3A_42 : memref<1x1x125xi32, #tpu.memory_space<hbm>> -> memref<125xi32, #tpu.memory_space<hbm>>
    tpu.wait_dma2 semaphore(%arg26 : memref<!tpu.dma_semaphore, #tpu.memory_space<semaphore_mem>>) src(%dma_wait3A_43 : memref<125xi32, #tpu.memory_space<hbm>>) dst(%arg7 : memref<125xi32, #tpu.memory_space<vmem>>)
    %dma_start3A_44 = arith.constant 0 : i32
    %dma_start3A_45 = arith.constant 0 : i32
    %dma_start3A_46 = tpu.memref_slice %arg2[%dma_start3A_44, %dma_start3A_45] : memref<10000x128xf32, #tpu.memory_space<hbm>> -> memref<10000x128xf32, #tpu.memory_space<hbm>>
    tpu.enqueue_indirect_dma source(%dma_start3A_46 : memref<10000x128xf32, #tpu.memory_space<hbm>>) target(%arg13 : memref<125x128xf32, #tpu.memory_space<vmem>>) offsets(%arg7 : memref<125xi32, #tpu.memory_space<vmem>>) semaphore(%arg17 : memref<!tpu.dma_semaphore, #tpu.memory_space<semaphore_mem>>)
    %dma_start3A_47 = arith.constant 2 : i32
    %dma_start3A_48 = arith.constant 0 : i32
    %dma_start3A_49 = tpu.memref_slice %arg3[%add3A, %dma_start3A_47, %dma_start3A_48] : memref<32x80x125xi32, #tpu.memory_space<hbm>> -> memref<1x1x125xi32, #tpu.memory_space<hbm>>
    %dma_start3A_50 = tpu.memref_squeeze %dma_start3A_49 : memref<1x1x125xi32, #tpu.memory_space<hbm>> -> memref<125xi32, #tpu.memory_space<hbm>>
    %dma_start3A_51 = arith.constant 0 : i32
    %dma_start3A_52 = tpu.memref_slice %arg3[%add3A, %dma_start3A_47, %dma_start3A_51] : memref<32x80x125xi32, #tpu.memory_space<hbm>> -> memref<1x1x125xi32, #tpu.memory_space<hbm>>
    %dma_start3A_53 = tpu.memref_squeeze %dma_start3A_52 : memref<1x1x125xi32, #tpu.memory_space<hbm>> -> memref<125xi32, #tpu.memory_space<hbm>>
    tpu.enqueue_dma source(%dma_start3A_53 : memref<125xi32, #tpu.memory_space<hbm>>) target(%arg8 : memref<125xi32, #tpu.memory_space<vmem>>) target_semaphore(%arg27 : memref<!tpu.dma_semaphore, #tpu.memory_space<semaphore_mem>>)
    %broadcast_in_dim3A = arith.constant 0.000000e+00 : f32
    %broadcast_in_dim3A_54 = vector.broadcast %broadcast_in_dim3A : f32 to vector<16xf32>
    %scan3A = arith.constant 0 : i32
    %scan3A_55 = arith.constant 0 : i32
    %scan3A_56 = arith.constant 125 : i32
    %scan3A_57 = arith.addi %scan3A_55, %scan3A_56 : i32
    %scan3A_58 = arith.constant 1 : i32
    %scan3A_59 = scf.for %scan3A_198 = %scan3A_55 to %scan3A_57 step %scan3A_58 iter_args(%scan3A_199 = %scan3A) -> (i32)  : i32 {
      %swap3A = arith.index_cast %scan3A_198 : i32 to index
      %swap3A_200 = arith.constant 0 : index
      %swap3A_201 = tpu.vector_load %arg14[%swap3A, %swap3A_200] {strides = array<i32>} : memref<125x128xf32, #tpu.memory_space<vmem>>, vector<1x16xf32>,
      %swap3A_202 = vector.shape_cast %swap3A_201 : vector<1x16xf32> to vector<16xf32>
      %swap3A_203 = vector.shape_cast %broadcast_in_dim3A_54 : vector<16xf32> to vector<1x16xf32>
      tpu.vector_store %arg14[%swap3A, %swap3A_200], %swap3A_203 {strides = array<i32>} : memref<125x128xf32, #tpu.memory_space<vmem>>, vector<1x16xf32>,
      %swap3A_204 = arith.index_cast %scan3A_198 : i32 to index
      %swap3A_205 = arith.constant 16 : index
      %swap3A_206 = tpu.vector_load %arg14[%swap3A_204, %swap3A_205] {strides = array<i32>} : memref<125x128xf32, #tpu.memory_space<vmem>>, vector<1x16xf32>,
      %swap3A_207 = vector.shape_cast %swap3A_206 : vector<1x16xf32> to vector<16xf32>
      %swap3A_208 = vector.shape_cast %broadcast_in_dim3A_54 : vector<16xf32> to vector<1x16xf32>
      tpu.vector_store %arg14[%swap3A_204, %swap3A_205], %swap3A_208 {strides = array<i32>} : memref<125x128xf32, #tpu.memory_space<vmem>>, vector<1x16xf32>,
      %swap3A_209 = arith.index_cast %scan3A_198 : i32 to index
      %swap3A_210 = arith.constant 32 : index
      %swap3A_211 = tpu.vector_load %arg14[%swap3A_209, %swap3A_210] {strides = array<i32>} : memref<125x128xf32, #tpu.memory_space<vmem>>, vector<1x16xf32>,
      %swap3A_212 = vector.shape_cast %swap3A_211 : vector<1x16xf32> to vector<16xf32>
      %swap3A_213 = vector.shape_cast %broadcast_in_dim3A_54 : vector<16xf32> to vector<1x16xf32>
      tpu.vector_store %arg14[%swap3A_209, %swap3A_210], %swap3A_213 {strides = array<i32>} : memref<125x128xf32, #tpu.memory_space<vmem>>, vector<1x16xf32>,
      %swap3A_214 = arith.index_cast %scan3A_198 : i32 to index
      %swap3A_215 = arith.constant 48 : index
      %swap3A_216 = tpu.vector_load %arg14[%swap3A_214, %swap3A_215] {strides = array<i32>} : memref<125x128xf32, #tpu.memory_space<vmem>>, vector<1x16xf32>,
      %swap3A_217 = vector.shape_cast %swap3A_216 : vector<1x16xf32> to vector<16xf32>
      %swap3A_218 = vector.shape_cast %broadcast_in_dim3A_54 : vector<16xf32> to vector<1x16xf32>
      tpu.vector_store %arg14[%swap3A_214, %swap3A_215], %swap3A_218 {strides = array<i32>} : memref<125x128xf32, #tpu.memory_space<vmem>>, vector<1x16xf32>,
      %swap3A_219 = arith.index_cast %scan3A_198 : i32 to index
      %swap3A_220 = arith.constant 64 : index
      %swap3A_221 = tpu.vector_load %arg14[%swap3A_219, %swap3A_220] {strides = array<i32>} : memref<125x128xf32, #tpu.memory_space<vmem>>, vector<1x16xf32>,
      %swap3A_222 = vector.shape_cast %swap3A_221 : vector<1x16xf32> to vector<16xf32>
      %swap3A_223 = vector.shape_cast %broadcast_in_dim3A_54 : vector<16xf32> to vector<1x16xf32>
      tpu.vector_store %arg14[%swap3A_219, %swap3A_220], %swap3A_223 {strides = array<i32>} : memref<125x128xf32, #tpu.memory_space<vmem>>, vector<1x16xf32>,
      %swap3A_224 = arith.index_cast %scan3A_198 : i32 to index
      %swap3A_225 = arith.constant 80 : index
      %swap3A_226 = tpu.vector_load %arg14[%swap3A_224, %swap3A_225] {strides = array<i32>} : memref<125x128xf32, #tpu.memory_space<vmem>>, vector<1x16xf32>,
      %swap3A_227 = vector.shape_cast %swap3A_226 : vector<1x16xf32> to vector<16xf32>
      %swap3A_228 = vector.shape_cast %broadcast_in_dim3A_54 : vector<16xf32> to vector<1x16xf32>
      tpu.vector_store %arg14[%swap3A_224, %swap3A_225], %swap3A_228 {strides = array<i32>} : memref<125x128xf32, #tpu.memory_space<vmem>>, vector<1x16xf32>,
      %swap3A_229 = arith.index_cast %scan3A_198 : i32 to index
      %swap3A_230 = arith.constant 96 : index
      %swap3A_231 = tpu.vector_load %arg14[%swap3A_229, %swap3A_230] {strides = array<i32>} : memref<125x128xf32, #tpu.memory_space<vmem>>, vector<1x16xf32>,
      %swap3A_232 = vector.shape_cast %swap3A_231 : vector<1x16xf32> to vector<16xf32>
      %swap3A_233 = vector.shape_cast %broadcast_in_dim3A_54 : vector<16xf32> to vector<1x16xf32>
      tpu.vector_store %arg14[%swap3A_229, %swap3A_230], %swap3A_233 {strides = array<i32>} : memref<125x128xf32, #tpu.memory_space<vmem>>, vector<1x16xf32>,
      %swap3A_234 = arith.index_cast %scan3A_198 : i32 to index
      %swap3A_235 = arith.constant 112 : index
      %swap3A_236 = tpu.vector_load %arg14[%swap3A_234, %swap3A_235] {strides = array<i32>} : memref<125x128xf32, #tpu.memory_space<vmem>>, vector<1x16xf32>,
      %swap3A_237 = vector.shape_cast %swap3A_236 : vector<1x16xf32> to vector<16xf32>
      %swap3A_238 = vector.shape_cast %broadcast_in_dim3A_54 : vector<16xf32> to vector<1x16xf32>
      tpu.vector_store %arg14[%swap3A_234, %swap3A_235], %swap3A_238 {strides = array<i32>} : memref<125x128xf32, #tpu.memory_space<vmem>>, vector<1x16xf32>,
      %scan3A_239 = arith.constant 0 : i32
      scf.yield %scan3A_239 : i32
    }
    %scan3A_60 = arith.constant 125 : i32
    %scan3A_61 = arith.constant 0 : i32
    %scan3A_62 = arith.constant 0 : i32
    %scan3A_63 = arith.constant 4 : i32
    %scan3A_64 = arith.addi %scan3A_62, %scan3A_63 : i32
    %scan3A_65 = arith.constant 1 : i32
    %scan3A_66 = scf.for %scan3A_198 = %scan3A_62 to %scan3A_64 step %scan3A_65 iter_args(%scan3A_199 = %scan3A_61) -> (i32)  : i32 {
      %mul3A_200 = arith.constant 624 : i32
      %mul3A_201 = arith.muli %arg1, %mul3A_200 : i32
      %mul3A_202 = arith.constant 125 : i32
      %mul3A_203 = arith.muli %scan3A_198, %mul3A_202 : i32
      %add3A_204 = arith.addi %mul3A_201, %mul3A_203 : i32
      %dma_start3A_205 = arith.constant 0 : i32
      %dma_start3A_206 = tpu.memref_slice %arg15[%add3A_204, %dma_start3A_205] : memref<10000x128xf32, #tpu.memory_space<vmem_shared>> -> memref<125x128xf32, #tpu.memory_space<vmem_shared>>
      %dma_start3A_207 = arith.constant 0 : i32
      %dma_start3A_208 = tpu.memref_slice %arg15[%add3A_204, %dma_start3A_207] : memref<10000x128xf32, #tpu.memory_space<vmem_shared>> -> memref<125x128xf32, #tpu.memory_space<vmem_shared>>
      tpu.enqueue_dma source(%arg14 : memref<125x128xf32, #tpu.memory_space<vmem>>) target(%dma_start3A_208 : memref<125x128xf32, #tpu.memory_space<vmem_shared>>) target_semaphore(%arg22 : memref<!tpu.dma_semaphore, #tpu.memory_space<semaphore_mem>>)
      %scan3A_209 = arith.constant 0 : i32
      scf.yield %scan3A_209 : i32
    }
    %scan3A_67 = arith.constant 4 : i32
    %mul3A_68 = arith.constant 624 : i32
    %mul3A_69 = arith.muli %arg1, %mul3A_68 : i32
    %add3A_70 = arith.constant 500 : i32
    %add3A_71 = arith.addi %mul3A_69, %add3A_70 : i32
    %dma_start3A_72 = arith.constant 0 : i32
    %dma_start3A_73 = arith.constant 0 : i32
    %dma_start3A_74 = tpu.memref_slice %arg14[%dma_start3A_72, %dma_start3A_73] : memref<125x128xf32, #tpu.memory_space<vmem>> -> memref<124x128xf32, #tpu.memory_space<vmem>>
    %dma_start3A_75 = arith.constant 0 : i32
    %dma_start3A_76 = tpu.memref_slice %arg15[%add3A_71, %dma_start3A_75] : memref<10000x128xf32, #tpu.memory_space<vmem_shared>> -> memref<124x128xf32, #tpu.memory_space<vmem_shared>>
    %dma_start3A_77 = arith.constant 0 : i32
    %dma_start3A_78 = tpu.memref_slice %arg15[%add3A_71, %dma_start3A_77] : memref<10000x128xf32, #tpu.memory_space<vmem_shared>> -> memref<124x128xf32, #tpu.memory_space<vmem_shared>>
    %dma_start3A_79 = arith.constant 0 : i32
    %dma_start3A_80 = arith.constant 0 : i32
    %dma_start3A_81 = tpu.memref_slice %arg14[%dma_start3A_79, %dma_start3A_80] : memref<125x128xf32, #tpu.memory_space<vmem>> -> memref<124x128xf32, #tpu.memory_space<vmem>>
    tpu.enqueue_dma source(%dma_start3A_81 : memref<124x128xf32, #tpu.memory_space<vmem>>) target(%dma_start3A_78 : memref<124x128xf32, #tpu.memory_space<vmem_shared>>) target_semaphore(%arg22 : memref<!tpu.dma_semaphore, #tpu.memory_space<semaphore_mem>>)
    %eq3A = arith.constant 15 : i32
    %eq3A_82 = arith.cmpi eq, %arg1, %eq3A : i32
    %convert_element_type3A = arith.extui %eq3A_82 : i1 to i32
    %cond3A = arith.constant 0 : i32
    %cond3A_83 = arith.cmpi ne, %convert_element_type3A, %cond3A : i32
    scf.if %cond3A_83 {
      %dma_start3A_198 = arith.constant 0 : i32
      %dma_start3A_199 = arith.constant 0 : i32
      %dma_start3A_200 = tpu.memref_slice %arg14[%dma_start3A_198, %dma_start3A_199] : memref<125x128xf32, #tpu.memory_space<vmem>> -> memref<16x128xf32, #tpu.memory_space<vmem>>
      %dma_start3A_201 = arith.constant 9984 : i32
      %dma_start3A_202 = arith.constant 0 : i32
      %dma_start3A_203 = tpu.memref_slice %arg15[%dma_start3A_201, %dma_start3A_202] : memref<10000x128xf32, #tpu.memory_space<vmem_shared>> -> memref<16x128xf32, #tpu.memory_space<vmem_shared>>
      %dma_start3A_204 = arith.constant 9984 : i32
      %dma_start3A_205 = arith.constant 0 : i32
      %dma_start3A_206 = tpu.memref_slice %arg15[%dma_start3A_204, %dma_start3A_205] : memref<10000x128xf32, #tpu.memory_space<vmem_shared>> -> memref<16x128xf32, #tpu.memory_space<vmem_shared>>
      %dma_start3A_207 = arith.constant 0 : i32
      %dma_start3A_208 = arith.constant 0 : i32
      %dma_start3A_209 = tpu.memref_slice %arg14[%dma_start3A_207, %dma_start3A_208] : memref<125x128xf32, #tpu.memory_space<vmem>> -> memref<16x128xf32, #tpu.memory_space<vmem>>
      tpu.enqueue_dma source(%dma_start3A_209 : memref<16x128xf32, #tpu.memory_space<vmem>>) target(%dma_start3A_206 : memref<16x128xf32, #tpu.memory_space<vmem_shared>>) target_semaphore(%arg22 : memref<!tpu.dma_semaphore, #tpu.memory_space<semaphore_mem>>)
    } else {
    }
    %scan3A_84 = arith.constant 0 : i32
    %scan3A_85 = arith.constant 0 : i32
    %scan3A_86 = arith.constant 4 : i32
    %scan3A_87 = arith.addi %scan3A_85, %scan3A_86 : i32
    %scan3A_88 = arith.constant 1 : i32
    %scan3A_89 = scf.for %scan3A_198 = %scan3A_85 to %scan3A_87 step %scan3A_88 iter_args(%scan3A_199 = %scan3A_84) -> (i32)  : i32 {
      %mul3A_200 = arith.constant 624 : i32
      %mul3A_201 = arith.muli %arg1, %mul3A_200 : i32
      %mul3A_202 = arith.constant 125 : i32
      %mul3A_203 = arith.muli %scan3A_198, %mul3A_202 : i32
      %add3A_204 = arith.addi %mul3A_201, %mul3A_203 : i32
      %dma_wait3A_205 = arith.constant 0 : i32
      %dma_wait3A_206 = tpu.memref_slice %arg15[%add3A_204, %dma_wait3A_205] : memref<10000x128xf32, #tpu.memory_space<vmem_shared>> -> memref<125x128xf32, #tpu.memory_space<vmem_shared>>
      %dma_wait3A_207 = arith.constant 0 : i32
      %dma_wait3A_208 = tpu.memref_slice %arg15[%add3A_204, %dma_wait3A_207] : memref<10000x128xf32, #tpu.memory_space<vmem_shared>> -> memref<125x128xf32, #tpu.memory_space<vmem_shared>>
      tpu.wait_dma2 semaphore(%arg22 : memref<!tpu.dma_semaphore, #tpu.memory_space<semaphore_mem>>) src(%arg14 : memref<125x128xf32, #tpu.memory_space<vmem>>) dst(%dma_wait3A_208 : memref<125x128xf32, #tpu.memory_space<vmem_shared>>)
      %scan3A_209 = arith.constant 0 : i32
      scf.yield %scan3A_209 : i32
    }
    %scan3A_90 = arith.constant 4 : i32
    %mul3A_91 = arith.constant 624 : i32
    %mul3A_92 = arith.muli %arg1, %mul3A_91 : i32
    %dma_wait3A_93 = arith.constant 0 : i32
    %dma_wait3A_94 = arith.constant 0 : i32
    %dma_wait3A_95 = tpu.memref_slice %arg14[%dma_wait3A_93, %dma_wait3A_94] : memref<125x128xf32, #tpu.memory_space<vmem>> -> memref<124x128xf32, #tpu.memory_space<vmem>>
    %dma_wait3A_96 = arith.constant 0 : i32
    %dma_wait3A_97 = tpu.memref_slice %arg15[%mul3A_92, %dma_wait3A_96] : memref<10000x128xf32, #tpu.memory_space<vmem_shared>> -> memref<124x128xf32, #tpu.memory_space<vmem_shared>>
    %dma_wait3A_98 = arith.constant 0 : i32
    %dma_wait3A_99 = tpu.memref_slice %arg15[%mul3A_92, %dma_wait3A_98] : memref<10000x128xf32, #tpu.memory_space<vmem_shared>> -> memref<124x128xf32, #tpu.memory_space<vmem_shared>>
    %dma_wait3A_100 = arith.constant 0 : i32
    %dma_wait3A_101 = arith.constant 0 : i32
    %dma_wait3A_102 = tpu.memref_slice %arg14[%dma_wait3A_100, %dma_wait3A_101] : memref<125x128xf32, #tpu.memory_space<vmem>> -> memref<124x128xf32, #tpu.memory_space<vmem>>
    tpu.wait_dma2 semaphore(%arg22 : memref<!tpu.dma_semaphore, #tpu.memory_space<semaphore_mem>>) src(%dma_wait3A_102 : memref<124x128xf32, #tpu.memory_space<vmem>>) dst(%dma_wait3A_99 : memref<124x128xf32, #tpu.memory_space<vmem_shared>>)
    %eq3A_103 = arith.constant 15 : i32
    %eq3A_104 = arith.cmpi eq, %arg1, %eq3A_103 : i32
    %convert_element_type3A_105 = arith.extui %eq3A_104 : i1 to i32
    %cond3A_106 = arith.constant 0 : i32
    %cond3A_107 = arith.cmpi ne, %convert_element_type3A_105, %cond3A_106 : i32
    scf.if %cond3A_107 {
      %dma_wait3A_198 = arith.constant 0 : i32
      %dma_wait3A_199 = arith.constant 0 : i32
      %dma_wait3A_200 = tpu.memref_slice %arg14[%dma_wait3A_198, %dma_wait3A_199] : memref<125x128xf32, #tpu.memory_space<vmem>> -> memref<16x128xf32, #tpu.memory_space<vmem>>
      %dma_wait3A_201 = arith.constant 9984 : i32
      %dma_wait3A_202 = arith.constant 0 : i32
      %dma_wait3A_203 = tpu.memref_slice %arg15[%dma_wait3A_201, %dma_wait3A_202] : memref<10000x128xf32, #tpu.memory_space<vmem_shared>> -> memref<16x128xf32, #tpu.memory_space<vmem_shared>>
      %dma_wait3A_204 = arith.constant 9984 : i32
      %dma_wait3A_205 = arith.constant 0 : i32
      %dma_wait3A_206 = tpu.memref_slice %arg15[%dma_wait3A_204, %dma_wait3A_205] : memref<10000x128xf32, #tpu.memory_space<vmem_shared>> -> memref<16x128xf32, #tpu.memory_space<vmem_shared>>
      %dma_wait3A_207 = arith.constant 0 : i32
      %dma_wait3A_208 = arith.constant 0 : i32
      %dma_wait3A_209 = tpu.memref_slice %arg14[%dma_wait3A_207, %dma_wait3A_208] : memref<125x128xf32, #tpu.memory_space<vmem>> -> memref<16x128xf32, #tpu.memory_space<vmem>>
      tpu.wait_dma2 semaphore(%arg22 : memref<!tpu.dma_semaphore, #tpu.memory_space<semaphore_mem>>) src(%dma_wait3A_209 : memref<16x128xf32, #tpu.memory_space<vmem>>) dst(%dma_wait3A_206 : memref<16x128xf32, #tpu.memory_space<vmem_shared>>)
    } else {
    }
    %barrier3A = arith.constant 0 : index
    tpu.barrier barrier_id(%barrier3A)
    %scan3A_108 = arith.constant 0 : i32
    %scan3A_109 = arith.constant 0 : i32
    %scan3A_110 = arith.constant 26 : i32
    %scan3A_111 = arith.addi %scan3A_109, %scan3A_110 : i32
    %scan3A_112 = arith.constant 1 : i32
    %scan3A_113 = scf.for %scan3A_198 = %scan3A_109 to %scan3A_111 step %scan3A_112 iter_args(%scan3A_199 = %scan3A_108) -> (i32)  : i32 {
      %mul3A_200 = arith.constant 3 : i32
      %mul3A_201 = arith.muli %mul3A_200, %scan3A_198 : i32
      %dma_wait3A_202 = arith.constant 0 : i32
      %dma_wait3A_203 = arith.constant 0 : i32
      %dma_wait3A_204 = tpu.memref_slice %arg2[%dma_wait3A_202, %dma_wait3A_203] : memref<10000x128xf32, #tpu.memory_space<hbm>> -> memref<10000x128xf32, #tpu.memory_space<hbm>>
      tpu.wait_indirect_dma semaphore(%arg16 : memref<!tpu.dma_semaphore, #tpu.memory_space<semaphore_mem>>) src(%dma_wait3A_204 : memref<10000x128xf32, #tpu.memory_space<hbm>>) dst(%arg12 : memref<125x128xf32, #tpu.memory_space<vmem>>)
      %dma_wait3A_205 = arith.constant 0 : i32
      %dma_wait3A_206 = tpu.memref_slice %arg4[%add3A, %mul3A_201, %dma_wait3A_205] : memref<32x80x125xi32, #tpu.memory_space<hbm>> -> memref<1x1x125xi32, #tpu.memory_space<hbm>>
      %dma_wait3A_207 = tpu.memref_squeeze %dma_wait3A_206 : memref<1x1x125xi32, #tpu.memory_space<hbm>> -> memref<125xi32, #tpu.memory_space<hbm>>
      %dma_wait3A_208 = arith.constant 0 : i32
      %dma_wait3A_209 = tpu.memref_slice %arg4[%add3A, %mul3A_201, %dma_wait3A_208] : memref<32x80x125xi32, #tpu.memory_space<hbm>> -> memref<1x1x125xi32, #tpu.memory_space<hbm>>
      %dma_wait3A_210 = tpu.memref_squeeze %dma_wait3A_209 : memref<1x1x125xi32, #tpu.memory_space<hbm>> -> memref<125xi32, #tpu.memory_space<hbm>>
      tpu.wait_dma2 semaphore(%arg19 : memref<!tpu.dma_semaphore, #tpu.memory_space<semaphore_mem>>) src(%dma_wait3A_210 : memref<125xi32, #tpu.memory_space<hbm>>) dst(%arg9 : memref<125xi32, #tpu.memory_space<vmem>>)
      %dma_start3A_211 = arith.constant 0 : i32
      %dma_start3A_212 = arith.constant 0 : i32
      %dma_start3A_213 = tpu.memref_slice %arg15[%dma_start3A_211, %dma_start3A_212] : memref<10000x128xf32, #tpu.memory_space<vmem_shared>> -> memref<10000x128xf32, #tpu.memory_space<vmem_shared>>
      tpu.enqueue_indirect_dma source(%arg12 : memref<125x128xf32, #tpu.memory_space<vmem>>) target(%dma_start3A_213 : memref<10000x128xf32, #tpu.memory_space<vmem_shared>>) offsets(%arg9 : memref<125xi32, #tpu.memory_space<vmem>>) semaphore(%arg22 : memref<!tpu.dma_semaphore, #tpu.memory_space<semaphore_mem>>) {add = true}
      %ge3A_214 = arith.constant 1 : i32
      %ge3A_215 = arith.cmpi sge, %mul3A_201, %ge3A_214 : i32
      %convert_element_type3A_216 = arith.extui %ge3A_215 : i1 to i32
      %cond3A_217 = arith.constant 0 : i32
      %cond3A_218 = arith.cmpi ne, %convert_element_type3A_216, %cond3A_217 : i32
      scf.if %cond3A_218 {
        %dma_wait3A_304 = arith.constant 0 : i32
        %dma_wait3A_305 = arith.constant 0 : i32
        %dma_wait3A_306 = tpu.memref_slice %arg15[%dma_wait3A_304, %dma_wait3A_305] : memref<10000x128xf32, #tpu.memory_space<vmem_shared>> -> memref<10000x128xf32, #tpu.memory_space<vmem_shared>>
        tpu.wait_indirect_dma semaphore(%arg24 : memref<!tpu.dma_semaphore, #tpu.memory_space<semaphore_mem>>) src(%arg14 : memref<125x128xf32, #tpu.memory_space<vmem>>) dst(%dma_wait3A_306 : memref<10000x128xf32, #tpu.memory_space<vmem_shared>>)
      } else {
      }
      %add3A_219 = arith.constant 2 : i32
      %add3A_220 = arith.addi %mul3A_201, %add3A_219 : i32
      %lt3A_221 = arith.constant 80 : i32
      %lt3A_222 = arith.cmpi slt, %add3A_220, %lt3A_221 : i32
      %convert_element_type3A_223 = arith.extui %lt3A_222 : i1 to i32
      %cond3A_224 = arith.constant 0 : i32
      %cond3A_225 = arith.cmpi ne, %convert_element_type3A_223, %cond3A_224 : i32
      scf.if %cond3A_225 {
        %add3A_304 = arith.constant 2 : i32
        %add3A_305 = arith.addi %mul3A_201, %add3A_304 : i32
        %dma_start3A_306 = arith.constant 0 : i32
        %dma_start3A_307 = tpu.memref_slice %arg4[%add3A, %add3A_305, %dma_start3A_306] : memref<32x80x125xi32, #tpu.memory_space<hbm>> -> memref<1x1x125xi32, #tpu.memory_space<hbm>>
        %dma_start3A_308 = tpu.memref_squeeze %dma_start3A_307 : memref<1x1x125xi32, #tpu.memory_space<hbm>> -> memref<125xi32, #tpu.memory_space<hbm>>
        %dma_start3A_309 = arith.constant 0 : i32
        %dma_start3A_310 = tpu.memref_slice %arg4[%add3A, %add3A_305, %dma_start3A_309] : memref<32x80x125xi32, #tpu.memory_space<hbm>> -> memref<1x1x125xi32, #tpu.memory_space<hbm>>
        %dma_start3A_311 = tpu.memref_squeeze %dma_start3A_310 : memref<1x1x125xi32, #tpu.memory_space<hbm>> -> memref<125xi32, #tpu.memory_space<hbm>>
        tpu.enqueue_dma source(%dma_start3A_311 : memref<125xi32, #tpu.memory_space<hbm>>) target(%arg11 : memref<125xi32, #tpu.memory_space<vmem>>) target_semaphore(%arg21 : memref<!tpu.dma_semaphore, #tpu.memory_space<semaphore_mem>>)
        %add3A_312 = arith.constant 2 : i32
        %add3A_313 = arith.addi %mul3A_201, %add3A_312 : i32
        %dma_wait3A_314 = arith.constant 0 : i32
        %dma_wait3A_315 = tpu.memref_slice %arg3[%add3A, %add3A_313, %dma_wait3A_314] : memref<32x80x125xi32, #tpu.memory_space<hbm>> -> memref<1x1x125xi32, #tpu.memory_space<hbm>>
        %dma_wait3A_316 = tpu.memref_squeeze %dma_wait3A_315 : memref<1x1x125xi32, #tpu.memory_space<hbm>> -> memref<125xi32, #tpu.memory_space<hbm>>
        %dma_wait3A_317 = arith.constant 0 : i32
        %dma_wait3A_318 = tpu.memref_slice %arg3[%add3A, %add3A_313, %dma_wait3A_317] : memref<32x80x125xi32, #tpu.memory_space<hbm>> -> memref<1x1x125xi32, #tpu.memory_space<hbm>>
        %dma_wait3A_319 = tpu.memref_squeeze %dma_wait3A_318 : memref<1x1x125xi32, #tpu.memory_space<hbm>> -> memref<125xi32, #tpu.memory_space<hbm>>
        tpu.wait_dma2 semaphore(%arg27 : memref<!tpu.dma_semaphore, #tpu.memory_space<semaphore_mem>>) src(%dma_wait3A_319 : memref<125xi32, #tpu.memory_space<hbm>>) dst(%arg8 : memref<125xi32, #tpu.memory_space<vmem>>)
        %dma_start3A_320 = arith.constant 0 : i32
        %dma_start3A_321 = arith.constant 0 : i32
        %dma_start3A_322 = tpu.memref_slice %arg2[%dma_start3A_320, %dma_start3A_321] : memref<10000x128xf32, #tpu.memory_space<hbm>> -> memref<10000x128xf32, #tpu.memory_space<hbm>>
        tpu.enqueue_indirect_dma source(%dma_start3A_322 : memref<10000x128xf32, #tpu.memory_space<hbm>>) target(%arg14 : memref<125x128xf32, #tpu.memory_space<vmem>>) offsets(%arg8 : memref<125xi32, #tpu.memory_space<vmem>>) semaphore(%arg18 : memref<!tpu.dma_semaphore, #tpu.memory_space<semaphore_mem>>)
      } else {
      }
      %add3A_226 = arith.constant 3 : i32
      %add3A_227 = arith.addi %mul3A_201, %add3A_226 : i32
      %lt3A_228 = arith.constant 80 : i32
      %lt3A_229 = arith.cmpi slt, %add3A_227, %lt3A_228 : i32
      %convert_element_type3A_230 = arith.extui %lt3A_229 : i1 to i32
      %cond3A_231 = arith.constant 0 : i32
      %cond3A_232 = arith.cmpi ne, %convert_element_type3A_230, %cond3A_231 : i32
      scf.if %cond3A_232 {
        %add3A_304 = arith.constant 3 : i32
        %add3A_305 = arith.addi %mul3A_201, %add3A_304 : i32
        %dma_start3A_306 = arith.constant 0 : i32
        %dma_start3A_307 = tpu.memref_slice %arg3[%add3A, %add3A_305, %dma_start3A_306] : memref<32x80x125xi32, #tpu.memory_space<hbm>> -> memref<1x1x125xi32, #tpu.memory_space<hbm>>
        %dma_start3A_308 = tpu.memref_squeeze %dma_start3A_307 : memref<1x1x125xi32, #tpu.memory_space<hbm>> -> memref<125xi32, #tpu.memory_space<hbm>>
        %dma_start3A_309 = arith.constant 0 : i32
        %dma_start3A_310 = tpu.memref_slice %arg3[%add3A, %add3A_305, %dma_start3A_309] : memref<32x80x125xi32, #tpu.memory_space<hbm>> -> memref<1x1x125xi32, #tpu.memory_space<hbm>>
        %dma_start3A_311 = tpu.memref_squeeze %dma_start3A_310 : memref<1x1x125xi32, #tpu.memory_space<hbm>> -> memref<125xi32, #tpu.memory_space<hbm>>
        tpu.enqueue_dma source(%dma_start3A_311 : memref<125xi32, #tpu.memory_space<hbm>>) target(%arg6 : memref<125xi32, #tpu.memory_space<vmem>>) target_semaphore(%arg25 : memref<!tpu.dma_semaphore, #tpu.memory_space<semaphore_mem>>)
      } else {
      }
      %mul3A_233 = arith.constant 3 : i32
      %mul3A_234 = arith.muli %mul3A_233, %scan3A_198 : i32
      %add3A_235 = arith.constant 1 : i32
      %add3A_236 = arith.addi %mul3A_234, %add3A_235 : i32
      %dma_wait3A_237 = arith.constant 0 : i32
      %dma_wait3A_238 = arith.constant 0 : i32
      %dma_wait3A_239 = tpu.memref_slice %arg2[%dma_wait3A_237, %dma_wait3A_238] : memref<10000x128xf32, #tpu.memory_space<hbm>> -> memref<10000x128xf32, #tpu.memory_space<hbm>>
      tpu.wait_indirect_dma semaphore(%arg17 : memref<!tpu.dma_semaphore, #tpu.memory_space<semaphore_mem>>) src(%dma_wait3A_239 : memref<10000x128xf32, #tpu.memory_space<hbm>>) dst(%arg13 : memref<125x128xf32, #tpu.memory_space<vmem>>)
      %dma_wait3A_240 = arith.constant 0 : i32
      %dma_wait3A_241 = tpu.memref_slice %arg4[%add3A, %add3A_236, %dma_wait3A_240] : memref<32x80x125xi32, #tpu.memory_space<hbm>> -> memref<1x1x125xi32, #tpu.memory_space<hbm>>
      %dma_wait3A_242 = tpu.memref_squeeze %dma_wait3A_241 : memref<1x1x125xi32, #tpu.memory_space<hbm>> -> memref<125xi32, #tpu.memory_space<hbm>>
      %dma_wait3A_243 = arith.constant 0 : i32
      %dma_wait3A_244 = tpu.memref_slice %arg4[%add3A, %add3A_236, %dma_wait3A_243] : memref<32x80x125xi32, #tpu.memory_space<hbm>> -> memref<1x1x125xi32, #tpu.memory_space<hbm>>
      %dma_wait3A_245 = tpu.memref_squeeze %dma_wait3A_244 : memref<1x1x125xi32, #tpu.memory_space<hbm>> -> memref<125xi32, #tpu.memory_space<hbm>>
      tpu.wait_dma2 semaphore(%arg20 : memref<!tpu.dma_semaphore, #tpu.memory_space<semaphore_mem>>) src(%dma_wait3A_245 : memref<125xi32, #tpu.memory_space<hbm>>) dst(%arg10 : memref<125xi32, #tpu.memory_space<vmem>>)
      %dma_start3A_246 = arith.constant 0 : i32
      %dma_start3A_247 = arith.constant 0 : i32
      %dma_start3A_248 = tpu.memref_slice %arg15[%dma_start3A_246, %dma_start3A_247] : memref<10000x128xf32, #tpu.memory_space<vmem_shared>> -> memref<10000x128xf32, #tpu.memory_space<vmem_shared>>
      tpu.enqueue_indirect_dma source(%arg13 : memref<125x128xf32, #tpu.memory_space<vmem>>) target(%dma_start3A_248 : memref<10000x128xf32, #tpu.memory_space<vmem_shared>>) offsets(%arg10 : memref<125xi32, #tpu.memory_space<vmem>>) semaphore(%arg23 : memref<!tpu.dma_semaphore, #tpu.memory_space<semaphore_mem>>) {add = true}
      %ge3A_249 = arith.constant 1 : i32
      %ge3A_250 = arith.cmpi sge, %add3A_236, %ge3A_249 : i32
      %convert_element_type3A_251 = arith.extui %ge3A_250 : i1 to i32
      %cond3A_252 = arith.constant 0 : i32
      %cond3A_253 = arith.cmpi ne, %convert_element_type3A_251, %cond3A_252 : i32
      scf.if %cond3A_253 {
        %dma_wait3A_304 = arith.constant 0 : i32
        %dma_wait3A_305 = arith.constant 0 : i32
        %dma_wait3A_306 = tpu.memref_slice %arg15[%dma_wait3A_304, %dma_wait3A_305] : memref<10000x128xf32, #tpu.memory_space<vmem_shared>> -> memref<10000x128xf32, #tpu.memory_space<vmem_shared>>
        tpu.wait_indirect_dma semaphore(%arg22 : memref<!tpu.dma_semaphore, #tpu.memory_space<semaphore_mem>>) src(%arg12 : memref<125x128xf32, #tpu.memory_space<vmem>>) dst(%dma_wait3A_306 : memref<10000x128xf32, #tpu.memory_space<vmem_shared>>)
      } else {
      }
      %add3A_254 = arith.constant 2 : i32
      %add3A_255 = arith.addi %add3A_236, %add3A_254 : i32
      %lt3A_256 = arith.constant 80 : i32
      %lt3A_257 = arith.cmpi slt, %add3A_255, %lt3A_256 : i32
      %convert_element_type3A_258 = arith.extui %lt3A_257 : i1 to i32
      %cond3A_259 = arith.constant 0 : i32
      %cond3A_260 = arith.cmpi ne, %convert_element_type3A_258, %cond3A_259 : i32
      scf.if %cond3A_260 {
        %add3A_304 = arith.constant 2 : i32
        %add3A_305 = arith.addi %add3A_236, %add3A_304 : i32
        %dma_start3A_306 = arith.constant 0 : i32
        %dma_start3A_307 = tpu.memref_slice %arg4[%add3A, %add3A_305, %dma_start3A_306] : memref<32x80x125xi32, #tpu.memory_space<hbm>> -> memref<1x1x125xi32, #tpu.memory_space<hbm>>
        %dma_start3A_308 = tpu.memref_squeeze %dma_start3A_307 : memref<1x1x125xi32, #tpu.memory_space<hbm>> -> memref<125xi32, #tpu.memory_space<hbm>>
        %dma_start3A_309 = arith.constant 0 : i32
        %dma_start3A_310 = tpu.memref_slice %arg4[%add3A, %add3A_305, %dma_start3A_309] : memref<32x80x125xi32, #tpu.memory_space<hbm>> -> memref<1x1x125xi32, #tpu.memory_space<hbm>>
        %dma_start3A_311 = tpu.memref_squeeze %dma_start3A_310 : memref<1x1x125xi32, #tpu.memory_space<hbm>> -> memref<125xi32, #tpu.memory_space<hbm>>
        tpu.enqueue_dma source(%dma_start3A_311 : memref<125xi32, #tpu.memory_space<hbm>>) target(%arg9 : memref<125xi32, #tpu.memory_space<vmem>>) target_semaphore(%arg19 : memref<!tpu.dma_semaphore, #tpu.memory_space<semaphore_mem>>)
        %add3A_312 = arith.constant 2 : i32
        %add3A_313 = arith.addi %add3A_236, %add3A_312 : i32
        %dma_wait3A_314 = arith.constant 0 : i32
        %dma_wait3A_315 = tpu.memref_slice %arg3[%add3A, %add3A_313, %dma_wait3A_314] : memref<32x80x125xi32, #tpu.memory_space<hbm>> -> memref<1x1x125xi32, #tpu.memory_space<hbm>>
        %dma_wait3A_316 = tpu.memref_squeeze %dma_wait3A_315 : memref<1x1x125xi32, #tpu.memory_space<hbm>> -> memref<125xi32, #tpu.memory_space<hbm>>
        %dma_wait3A_317 = arith.constant 0 : i32
        %dma_wait3A_318 = tpu.memref_slice %arg3[%add3A, %add3A_313, %dma_wait3A_317] : memref<32x80x125xi32, #tpu.memory_space<hbm>> -> memref<1x1x125xi32, #tpu.memory_space<hbm>>
        %dma_wait3A_319 = tpu.memref_squeeze %dma_wait3A_318 : memref<1x1x125xi32, #tpu.memory_space<hbm>> -> memref<125xi32, #tpu.memory_space<hbm>>
        tpu.wait_dma2 semaphore(%arg25 : memref<!tpu.dma_semaphore, #tpu.memory_space<semaphore_mem>>) src(%dma_wait3A_319 : memref<125xi32, #tpu.memory_space<hbm>>) dst(%arg6 : memref<125xi32, #tpu.memory_space<vmem>>)
        %dma_start3A_320 = arith.constant 0 : i32
        %dma_start3A_321 = arith.constant 0 : i32
        %dma_start3A_322 = tpu.memref_slice %arg2[%dma_start3A_320, %dma_start3A_321] : memref<10000x128xf32, #tpu.memory_space<hbm>> -> memref<10000x128xf32, #tpu.memory_space<hbm>>
        tpu.enqueue_indirect_dma source(%dma_start3A_322 : memref<10000x128xf32, #tpu.memory_space<hbm>>) target(%arg12 : memref<125x128xf32, #tpu.memory_space<vmem>>) offsets(%arg6 : memref<125xi32, #tpu.memory_space<vmem>>) semaphore(%arg16 : memref<!tpu.dma_semaphore, #tpu.memory_space<semaphore_mem>>)
      } else {
      }
      %add3A_261 = arith.constant 3 : i32
      %add3A_262 = arith.addi %add3A_236, %add3A_261 : i32
      %lt3A_263 = arith.constant 80 : i32
      %lt3A_264 = arith.cmpi slt, %add3A_262, %lt3A_263 : i32
      %convert_element_type3A_265 = arith.extui %lt3A_264 : i1 to i32
      %cond3A_266 = arith.constant 0 : i32
      %cond3A_267 = arith.cmpi ne, %convert_element_type3A_265, %cond3A_266 : i32
      scf.if %cond3A_267 {
        %add3A_304 = arith.constant 3 : i32
        %add3A_305 = arith.addi %add3A_236, %add3A_304 : i32
        %dma_start3A_306 = arith.constant 0 : i32
        %dma_start3A_307 = tpu.memref_slice %arg3[%add3A, %add3A_305, %dma_start3A_306] : memref<32x80x125xi32, #tpu.memory_space<hbm>> -> memref<1x1x125xi32, #tpu.memory_space<hbm>>
        %dma_start3A_308 = tpu.memref_squeeze %dma_start3A_307 : memref<1x1x125xi32, #tpu.memory_space<hbm>> -> memref<125xi32, #tpu.memory_space<hbm>>
        %dma_start3A_309 = arith.constant 0 : i32
        %dma_start3A_310 = tpu.memref_slice %arg3[%add3A, %add3A_305, %dma_start3A_309] : memref<32x80x125xi32, #tpu.memory_space<hbm>> -> memref<1x1x125xi32, #tpu.memory_space<hbm>>
        %dma_start3A_311 = tpu.memref_squeeze %dma_start3A_310 : memref<1x1x125xi32, #tpu.memory_space<hbm>> -> memref<125xi32, #tpu.memory_space<hbm>>
        tpu.enqueue_dma source(%dma_start3A_311 : memref<125xi32, #tpu.memory_space<hbm>>) target(%arg7 : memref<125xi32, #tpu.memory_space<vmem>>) target_semaphore(%arg26 : memref<!tpu.dma_semaphore, #tpu.memory_space<semaphore_mem>>)
      } else {
      }
      %mul3A_268 = arith.constant 3 : i32
      %mul3A_269 = arith.muli %mul3A_268, %scan3A_198 : i32
      %add3A_270 = arith.constant 2 : i32
      %add3A_271 = arith.addi %mul3A_269, %add3A_270 : i32
      %dma_wait3A_272 = arith.constant 0 : i32
      %dma_wait3A_273 = arith.constant 0 : i32
      %dma_wait3A_274 = tpu.memref_slice %arg2[%dma_wait3A_272, %dma_wait3A_273] : memref<10000x128xf32, #tpu.memory_space<hbm>> -> memref<10000x128xf32, #tpu.memory_space<hbm>>
      tpu.wait_indirect_dma semaphore(%arg18 : memref<!tpu.dma_semaphore, #tpu.memory_space<semaphore_mem>>) src(%dma_wait3A_274 : memref<10000x128xf32, #tpu.memory_space<hbm>>) dst(%arg14 : memref<125x128xf32, #tpu.memory_space<vmem>>)
      %dma_wait3A_275 = arith.constant 0 : i32
      %dma_wait3A_276 = tpu.memref_slice %arg4[%add3A, %add3A_271, %dma_wait3A_275] : memref<32x80x125xi32, #tpu.memory_space<hbm>> -> memref<1x1x125xi32, #tpu.memory_space<hbm>>
      %dma_wait3A_277 = tpu.memref_squeeze %dma_wait3A_276 : memref<1x1x125xi32, #tpu.memory_space<hbm>> -> memref<125xi32, #tpu.memory_space<hbm>>
      %dma_wait3A_278 = arith.constant 0 : i32
      %dma_wait3A_279 = tpu.memref_slice %arg4[%add3A, %add3A_271, %dma_wait3A_278] : memref<32x80x125xi32, #tpu.memory_space<hbm>> -> memref<1x1x125xi32, #tpu.memory_space<hbm>>
      %dma_wait3A_280 = tpu.memref_squeeze %dma_wait3A_279 : memref<1x1x125xi32, #tpu.memory_space<hbm>> -> memref<125xi32, #tpu.memory_space<hbm>>
      tpu.wait_dma2 semaphore(%arg21 : memref<!tpu.dma_semaphore, #tpu.memory_space<semaphore_mem>>) src(%dma_wait3A_280 : memref<125xi32, #tpu.memory_space<hbm>>) dst(%arg11 : memref<125xi32, #tpu.memory_space<vmem>>)
      %dma_start3A_281 = arith.constant 0 : i32
      %dma_start3A_282 = arith.constant 0 : i32
      %dma_start3A_283 = tpu.memref_slice %arg15[%dma_start3A_281, %dma_start3A_282] : memref<10000x128xf32, #tpu.memory_space<vmem_shared>> -> memref<10000x128xf32, #tpu.memory_space<vmem_shared>>
      tpu.enqueue_indirect_dma source(%arg14 : memref<125x128xf32, #tpu.memory_space<vmem>>) target(%dma_start3A_283 : memref<10000x128xf32, #tpu.memory_space<vmem_shared>>) offsets(%arg11 : memref<125xi32, #tpu.memory_space<vmem>>) semaphore(%arg24 : memref<!tpu.dma_semaphore, #tpu.memory_space<semaphore_mem>>) {add = true}
      %ge3A_284 = arith.constant 1 : i32
      %ge3A_285 = arith.cmpi sge, %add3A_271, %ge3A_284 : i32
      %convert_element_type3A_286 = arith.extui %ge3A_285 : i1 to i32
      %cond3A_287 = arith.constant 0 : i32
      %cond3A_288 = arith.cmpi ne, %convert_element_type3A_286, %cond3A_287 : i32
      scf.if %cond3A_288 {
        %dma_wait3A_304 = arith.constant 0 : i32
        %dma_wait3A_305 = arith.constant 0 : i32
        %dma_wait3A_306 = tpu.memref_slice %arg15[%dma_wait3A_304, %dma_wait3A_305] : memref<10000x128xf32, #tpu.memory_space<vmem_shared>> -> memref<10000x128xf32, #tpu.memory_space<vmem_shared>>
        tpu.wait_indirect_dma semaphore(%arg23 : memref<!tpu.dma_semaphore, #tpu.memory_space<semaphore_mem>>) src(%arg13 : memref<125x128xf32, #tpu.memory_space<vmem>>) dst(%dma_wait3A_306 : memref<10000x128xf32, #tpu.memory_space<vmem_shared>>)
      } else {
      }
      %add3A_289 = arith.constant 2 : i32
      %add3A_290 = arith.addi %add3A_271, %add3A_289 : i32
      %lt3A_291 = arith.constant 80 : i32
      %lt3A_292 = arith.cmpi slt, %add3A_290, %lt3A_291 : i32
      %convert_element_type3A_293 = arith.extui %lt3A_292 : i1 to i32
      %cond3A_294 = arith.constant 0 : i32
      %cond3A_295 = arith.cmpi ne, %convert_element_type3A_293, %cond3A_294 : i32
      scf.if %cond3A_295 {
        %add3A_304 = arith.constant 2 : i32
        %add3A_305 = arith.addi %add3A_271, %add3A_304 : i32
        %dma_start3A_306 = arith.constant 0 : i32
        %dma_start3A_307 = tpu.memref_slice %arg4[%add3A, %add3A_305, %dma_start3A_306] : memref<32x80x125xi32, #tpu.memory_space<hbm>> -> memref<1x1x125xi32, #tpu.memory_space<hbm>>
        %dma_start3A_308 = tpu.memref_squeeze %dma_start3A_307 : memref<1x1x125xi32, #tpu.memory_space<hbm>> -> memref<125xi32, #tpu.memory_space<hbm>>
        %dma_start3A_309 = arith.constant 0 : i32
        %dma_start3A_310 = tpu.memref_slice %arg4[%add3A, %add3A_305, %dma_start3A_309] : memref<32x80x125xi32, #tpu.memory_space<hbm>> -> memref<1x1x125xi32, #tpu.memory_space<hbm>>
        %dma_start3A_311 = tpu.memref_squeeze %dma_start3A_310 : memref<1x1x125xi32, #tpu.memory_space<hbm>> -> memref<125xi32, #tpu.memory_space<hbm>>
        tpu.enqueue_dma source(%dma_start3A_311 : memref<125xi32, #tpu.memory_space<hbm>>) target(%arg10 : memref<125xi32, #tpu.memory_space<vmem>>) target_semaphore(%arg20 : memref<!tpu.dma_semaphore, #tpu.memory_space<semaphore_mem>>)
        %add3A_312 = arith.constant 2 : i32
        %add3A_313 = arith.addi %add3A_271, %add3A_312 : i32
        %dma_wait3A_314 = arith.constant 0 : i32
        %dma_wait3A_315 = tpu.memref_slice %arg3[%add3A, %add3A_313, %dma_wait3A_314] : memref<32x80x125xi32, #tpu.memory_space<hbm>> -> memref<1x1x125xi32, #tpu.memory_space<hbm>>
        %dma_wait3A_316 = tpu.memref_squeeze %dma_wait3A_315 : memref<1x1x125xi32, #tpu.memory_space<hbm>> -> memref<125xi32, #tpu.memory_space<hbm>>
        %dma_wait3A_317 = arith.constant 0 : i32
        %dma_wait3A_318 = tpu.memref_slice %arg3[%add3A, %add3A_313, %dma_wait3A_317] : memref<32x80x125xi32, #tpu.memory_space<hbm>> -> memref<1x1x125xi32, #tpu.memory_space<hbm>>
        %dma_wait3A_319 = tpu.memref_squeeze %dma_wait3A_318 : memref<1x1x125xi32, #tpu.memory_space<hbm>> -> memref<125xi32, #tpu.memory_space<hbm>>
        tpu.wait_dma2 semaphore(%arg26 : memref<!tpu.dma_semaphore, #tpu.memory_space<semaphore_mem>>) src(%dma_wait3A_319 : memref<125xi32, #tpu.memory_space<hbm>>) dst(%arg7 : memref<125xi32, #tpu.memory_space<vmem>>)
        %dma_start3A_320 = arith.constant 0 : i32
        %dma_start3A_321 = arith.constant 0 : i32
        %dma_start3A_322 = tpu.memref_slice %arg2[%dma_start3A_320, %dma_start3A_321] : memref<10000x128xf32, #tpu.memory_space<hbm>> -> memref<10000x128xf32, #tpu.memory_space<hbm>>
        tpu.enqueue_indirect_dma source(%dma_start3A_322 : memref<10000x128xf32, #tpu.memory_space<hbm>>) target(%arg13 : memref<125x128xf32, #tpu.memory_space<vmem>>) offsets(%arg7 : memref<125xi32, #tpu.memory_space<vmem>>) semaphore(%arg17 : memref<!tpu.dma_semaphore, #tpu.memory_space<semaphore_mem>>)
      } else {
      }
      %add3A_296 = arith.constant 3 : i32
      %add3A_297 = arith.addi %add3A_271, %add3A_296 : i32
      %lt3A_298 = arith.constant 80 : i32
      %lt3A_299 = arith.cmpi slt, %add3A_297, %lt3A_298 : i32
      %convert_element_type3A_300 = arith.extui %lt3A_299 : i1 to i32
      %cond3A_301 = arith.constant 0 : i32
      %cond3A_302 = arith.cmpi ne, %convert_element_type3A_300, %cond3A_301 : i32
      scf.if %cond3A_302 {
        %add3A_304 = arith.constant 3 : i32
        %add3A_305 = arith.addi %add3A_271, %add3A_304 : i32
        %dma_start3A_306 = arith.constant 0 : i32
        %dma_start3A_307 = tpu.memref_slice %arg3[%add3A, %add3A_305, %dma_start3A_306] : memref<32x80x125xi32, #tpu.memory_space<hbm>> -> memref<1x1x125xi32, #tpu.memory_space<hbm>>
        %dma_start3A_308 = tpu.memref_squeeze %dma_start3A_307 : memref<1x1x125xi32, #tpu.memory_space<hbm>> -> memref<125xi32, #tpu.memory_space<hbm>>
        %dma_start3A_309 = arith.constant 0 : i32
        %dma_start3A_310 = tpu.memref_slice %arg3[%add3A, %add3A_305, %dma_start3A_309] : memref<32x80x125xi32, #tpu.memory_space<hbm>> -> memref<1x1x125xi32, #tpu.memory_space<hbm>>
        %dma_start3A_311 = tpu.memref_squeeze %dma_start3A_310 : memref<1x1x125xi32, #tpu.memory_space<hbm>> -> memref<125xi32, #tpu.memory_space<hbm>>
        tpu.enqueue_dma source(%dma_start3A_311 : memref<125xi32, #tpu.memory_space<hbm>>) target(%arg8 : memref<125xi32, #tpu.memory_space<vmem>>) target_semaphore(%arg27 : memref<!tpu.dma_semaphore, #tpu.memory_space<semaphore_mem>>)
      } else {
      }
      %scan3A_303 = arith.constant 0 : i32
      scf.yield %scan3A_303 : i32
    }
    %scan3A_114 = arith.constant 26 : i32
    %dma_wait3A_115 = arith.constant 0 : i32
    %dma_wait3A_116 = arith.constant 0 : i32
    %dma_wait3A_117 = tpu.memref_slice %arg2[%dma_wait3A_115, %dma_wait3A_116] : memref<10000x128xf32, #tpu.memory_space<hbm>> -> memref<10000x128xf32, #tpu.memory_space<hbm>>
    tpu.wait_indirect_dma semaphore(%arg16 : memref<!tpu.dma_semaphore, #tpu.memory_space<semaphore_mem>>) src(%dma_wait3A_117 : memref<10000x128xf32, #tpu.memory_space<hbm>>) dst(%arg12 : memref<125x128xf32, #tpu.memory_space<vmem>>)
    %dma_wait3A_118 = arith.constant 78 : i32
    %dma_wait3A_119 = arith.constant 0 : i32
    %dma_wait3A_120 = tpu.memref_slice %arg4[%add3A, %dma_wait3A_118, %dma_wait3A_119] : memref<32x80x125xi32, #tpu.memory_space<hbm>> -> memref<1x1x125xi32, #tpu.memory_space<hbm>>
    %dma_wait3A_121 = tpu.memref_squeeze %dma_wait3A_120 : memref<1x1x125xi32, #tpu.memory_space<hbm>> -> memref<125xi32, #tpu.memory_space<hbm>>
    %dma_wait3A_122 = arith.constant 0 : i32
    %dma_wait3A_123 = tpu.memref_slice %arg4[%add3A, %dma_wait3A_118, %dma_wait3A_122] : memref<32x80x125xi32, #tpu.memory_space<hbm>> -> memref<1x1x125xi32, #tpu.memory_space<hbm>>
    %dma_wait3A_124 = tpu.memref_squeeze %dma_wait3A_123 : memref<1x1x125xi32, #tpu.memory_space<hbm>> -> memref<125xi32, #tpu.memory_space<hbm>>
    tpu.wait_dma2 semaphore(%arg19 : memref<!tpu.dma_semaphore, #tpu.memory_space<semaphore_mem>>) src(%dma_wait3A_124 : memref<125xi32, #tpu.memory_space<hbm>>) dst(%arg9 : memref<125xi32, #tpu.memory_space<vmem>>)
    %dma_start3A_125 = arith.constant 0 : i32
    %dma_start3A_126 = arith.constant 0 : i32
    %dma_start3A_127 = tpu.memref_slice %arg15[%dma_start3A_125, %dma_start3A_126] : memref<10000x128xf32, #tpu.memory_space<vmem_shared>> -> memref<10000x128xf32, #tpu.memory_space<vmem_shared>>
    tpu.enqueue_indirect_dma source(%arg12 : memref<125x128xf32, #tpu.memory_space<vmem>>) target(%dma_start3A_127 : memref<10000x128xf32, #tpu.memory_space<vmem_shared>>) offsets(%arg9 : memref<125xi32, #tpu.memory_space<vmem>>) semaphore(%arg22 : memref<!tpu.dma_semaphore, #tpu.memory_space<semaphore_mem>>) {add = true}
    %ge3A = arith.constant 78 : i32
    %ge3A_128 = arith.constant 1 : i32
    %ge3A_129 = arith.cmpi sge, %ge3A, %ge3A_128 : i32
    %convert_element_type3A_130 = arith.extui %ge3A_129 : i1 to i32
    %cond3A_131 = arith.constant 0 : i32
    %cond3A_132 = arith.cmpi ne, %convert_element_type3A_130, %cond3A_131 : i32
    scf.if %cond3A_132 {
      %dma_wait3A_198 = arith.constant 0 : i32
      %dma_wait3A_199 = arith.constant 0 : i32
      %dma_wait3A_200 = tpu.memref_slice %arg15[%dma_wait3A_198, %dma_wait3A_199] : memref<10000x128xf32, #tpu.memory_space<vmem_shared>> -> memref<10000x128xf32, #tpu.memory_space<vmem_shared>>
      tpu.wait_indirect_dma semaphore(%arg24 : memref<!tpu.dma_semaphore, #tpu.memory_space<semaphore_mem>>) src(%arg14 : memref<125x128xf32, #tpu.memory_space<vmem>>) dst(%dma_wait3A_200 : memref<10000x128xf32, #tpu.memory_space<vmem_shared>>)
    } else {
    }
    %add3A_133 = arith.constant 78 : i32
    %add3A_134 = arith.constant 2 : i32
    %add3A_135 = arith.addi %add3A_133, %add3A_134 : i32
    %lt3A = arith.constant 80 : i32
    %lt3A_136 = arith.cmpi slt, %add3A_135, %lt3A : i32
    %convert_element_type3A_137 = arith.extui %lt3A_136 : i1 to i32
    %cond3A_138 = arith.constant 78 : i32
    %cond3A_139 = arith.constant 0 : i32
    %cond3A_140 = arith.cmpi ne, %convert_element_type3A_137, %cond3A_139 : i32
    scf.if %cond3A_140 {
      %add3A_198 = arith.constant 2 : i32
      %add3A_199 = arith.addi %cond3A_138, %add3A_198 : i32
      %dma_start3A_200 = arith.constant 0 : i32
      %dma_start3A_201 = tpu.memref_slice %arg4[%add3A, %add3A_199, %dma_start3A_200] : memref<32x80x125xi32, #tpu.memory_space<hbm>> -> memref<1x1x125xi32, #tpu.memory_space<hbm>>
      %dma_start3A_202 = tpu.memref_squeeze %dma_start3A_201 : memref<1x1x125xi32, #tpu.memory_space<hbm>> -> memref<125xi32, #tpu.memory_space<hbm>>
      %dma_start3A_203 = arith.constant 0 : i32
      %dma_start3A_204 = tpu.memref_slice %arg4[%add3A, %add3A_199, %dma_start3A_203] : memref<32x80x125xi32, #tpu.memory_space<hbm>> -> memref<1x1x125xi32, #tpu.memory_space<hbm>>
      %dma_start3A_205 = tpu.memref_squeeze %dma_start3A_204 : memref<1x1x125xi32, #tpu.memory_space<hbm>> -> memref<125xi32, #tpu.memory_space<hbm>>
      tpu.enqueue_dma source(%dma_start3A_205 : memref<125xi32, #tpu.memory_space<hbm>>) target(%arg11 : memref<125xi32, #tpu.memory_space<vmem>>) target_semaphore(%arg21 : memref<!tpu.dma_semaphore, #tpu.memory_space<semaphore_mem>>)
      %add3A_206 = arith.constant 2 : i32
      %add3A_207 = arith.addi %cond3A_138, %add3A_206 : i32
      %dma_wait3A_208 = arith.constant 0 : i32
      %dma_wait3A_209 = tpu.memref_slice %arg3[%add3A, %add3A_207, %dma_wait3A_208] : memref<32x80x125xi32, #tpu.memory_space<hbm>> -> memref<1x1x125xi32, #tpu.memory_space<hbm>>
      %dma_wait3A_210 = tpu.memref_squeeze %dma_wait3A_209 : memref<1x1x125xi32, #tpu.memory_space<hbm>> -> memref<125xi32, #tpu.memory_space<hbm>>
      %dma_wait3A_211 = arith.constant 0 : i32
      %dma_wait3A_212 = tpu.memref_slice %arg3[%add3A, %add3A_207, %dma_wait3A_211] : memref<32x80x125xi32, #tpu.memory_space<hbm>> -> memref<1x1x125xi32, #tpu.memory_space<hbm>>
      %dma_wait3A_213 = tpu.memref_squeeze %dma_wait3A_212 : memref<1x1x125xi32, #tpu.memory_space<hbm>> -> memref<125xi32, #tpu.memory_space<hbm>>
      tpu.wait_dma2 semaphore(%arg27 : memref<!tpu.dma_semaphore, #tpu.memory_space<semaphore_mem>>) src(%dma_wait3A_213 : memref<125xi32, #tpu.memory_space<hbm>>) dst(%arg8 : memref<125xi32, #tpu.memory_space<vmem>>)
      %dma_start3A_214 = arith.constant 0 : i32
      %dma_start3A_215 = arith.constant 0 : i32
      %dma_start3A_216 = tpu.memref_slice %arg2[%dma_start3A_214, %dma_start3A_215] : memref<10000x128xf32, #tpu.memory_space<hbm>> -> memref<10000x128xf32, #tpu.memory_space<hbm>>
      tpu.enqueue_indirect_dma source(%dma_start3A_216 : memref<10000x128xf32, #tpu.memory_space<hbm>>) target(%arg14 : memref<125x128xf32, #tpu.memory_space<vmem>>) offsets(%arg8 : memref<125xi32, #tpu.memory_space<vmem>>) semaphore(%arg18 : memref<!tpu.dma_semaphore, #tpu.memory_space<semaphore_mem>>)
    } else {
    }
    %add3A_141 = arith.constant 78 : i32
    %add3A_142 = arith.constant 3 : i32
    %add3A_143 = arith.addi %add3A_141, %add3A_142 : i32
    %lt3A_144 = arith.constant 80 : i32
    %lt3A_145 = arith.cmpi slt, %add3A_143, %lt3A_144 : i32
    %convert_element_type3A_146 = arith.extui %lt3A_145 : i1 to i32
    %cond3A_147 = arith.constant 78 : i32
    %cond3A_148 = arith.constant 0 : i32
    %cond3A_149 = arith.cmpi ne, %convert_element_type3A_146, %cond3A_148 : i32
    scf.if %cond3A_149 {
      %add3A_198 = arith.constant 3 : i32
      %add3A_199 = arith.addi %cond3A_147, %add3A_198 : i32
      %dma_start3A_200 = arith.constant 0 : i32
      %dma_start3A_201 = tpu.memref_slice %arg3[%add3A, %add3A_199, %dma_start3A_200] : memref<32x80x125xi32, #tpu.memory_space<hbm>> -> memref<1x1x125xi32, #tpu.memory_space<hbm>>
      %dma_start3A_202 = tpu.memref_squeeze %dma_start3A_201 : memref<1x1x125xi32, #tpu.memory_space<hbm>> -> memref<125xi32, #tpu.memory_space<hbm>>
      %dma_start3A_203 = arith.constant 0 : i32
      %dma_start3A_204 = tpu.memref_slice %arg3[%add3A, %add3A_199, %dma_start3A_203] : memref<32x80x125xi32, #tpu.memory_space<hbm>> -> memref<1x1x125xi32, #tpu.memory_space<hbm>>
      %dma_start3A_205 = tpu.memref_squeeze %dma_start3A_204 : memref<1x1x125xi32, #tpu.memory_space<hbm>> -> memref<125xi32, #tpu.memory_space<hbm>>
      tpu.enqueue_dma source(%dma_start3A_205 : memref<125xi32, #tpu.memory_space<hbm>>) target(%arg6 : memref<125xi32, #tpu.memory_space<vmem>>) target_semaphore(%arg25 : memref<!tpu.dma_semaphore, #tpu.memory_space<semaphore_mem>>)
    } else {
    }
    %dma_wait3A_150 = arith.constant 0 : i32
    %dma_wait3A_151 = arith.constant 0 : i32
    %dma_wait3A_152 = tpu.memref_slice %arg2[%dma_wait3A_150, %dma_wait3A_151] : memref<10000x128xf32, #tpu.memory_space<hbm>> -> memref<10000x128xf32, #tpu.memory_space<hbm>>
    tpu.wait_indirect_dma semaphore(%arg17 : memref<!tpu.dma_semaphore, #tpu.memory_space<semaphore_mem>>) src(%dma_wait3A_152 : memref<10000x128xf32, #tpu.memory_space<hbm>>) dst(%arg13 : memref<125x128xf32, #tpu.memory_space<vmem>>)
    %dma_wait3A_153 = arith.constant 79 : i32
    %dma_wait3A_154 = arith.constant 0 : i32
    %dma_wait3A_155 = tpu.memref_slice %arg4[%add3A, %dma_wait3A_153, %dma_wait3A_154] : memref<32x80x125xi32, #tpu.memory_space<hbm>> -> memref<1x1x125xi32, #tpu.memory_space<hbm>>
    %dma_wait3A_156 = tpu.memref_squeeze %dma_wait3A_155 : memref<1x1x125xi32, #tpu.memory_space<hbm>> -> memref<125xi32, #tpu.memory_space<hbm>>
    %dma_wait3A_157 = arith.constant 0 : i32
    %dma_wait3A_158 = tpu.memref_slice %arg4[%add3A, %dma_wait3A_153, %dma_wait3A_157] : memref<32x80x125xi32, #tpu.memory_space<hbm>> -> memref<1x1x125xi32, #tpu.memory_space<hbm>>
    %dma_wait3A_159 = tpu.memref_squeeze %dma_wait3A_158 : memref<1x1x125xi32, #tpu.memory_space<hbm>> -> memref<125xi32, #tpu.memory_space<hbm>>
    tpu.wait_dma2 semaphore(%arg20 : memref<!tpu.dma_semaphore, #tpu.memory_space<semaphore_mem>>) src(%dma_wait3A_159 : memref<125xi32, #tpu.memory_space<hbm>>) dst(%arg10 : memref<125xi32, #tpu.memory_space<vmem>>)
    %dma_start3A_160 = arith.constant 0 : i32
    %dma_start3A_161 = arith.constant 0 : i32
    %dma_start3A_162 = tpu.memref_slice %arg15[%dma_start3A_160, %dma_start3A_161] : memref<10000x128xf32, #tpu.memory_space<vmem_shared>> -> memref<10000x128xf32, #tpu.memory_space<vmem_shared>>
    tpu.enqueue_indirect_dma source(%arg13 : memref<125x128xf32, #tpu.memory_space<vmem>>) target(%dma_start3A_162 : memref<10000x128xf32, #tpu.memory_space<vmem_shared>>) offsets(%arg10 : memref<125xi32, #tpu.memory_space<vmem>>) semaphore(%arg23 : memref<!tpu.dma_semaphore, #tpu.memory_space<semaphore_mem>>) {add = true}
    %ge3A_163 = arith.constant 79 : i32
    %ge3A_164 = arith.constant 1 : i32
    %ge3A_165 = arith.cmpi sge, %ge3A_163, %ge3A_164 : i32
    %convert_element_type3A_166 = arith.extui %ge3A_165 : i1 to i32
    %cond3A_167 = arith.constant 0 : i32
    %cond3A_168 = arith.cmpi ne, %convert_element_type3A_166, %cond3A_167 : i32
    scf.if %cond3A_168 {
      %dma_wait3A_198 = arith.constant 0 : i32
      %dma_wait3A_199 = arith.constant 0 : i32
      %dma_wait3A_200 = tpu.memref_slice %arg15[%dma_wait3A_198, %dma_wait3A_199] : memref<10000x128xf32, #tpu.memory_space<vmem_shared>> -> memref<10000x128xf32, #tpu.memory_space<vmem_shared>>
      tpu.wait_indirect_dma semaphore(%arg22 : memref<!tpu.dma_semaphore, #tpu.memory_space<semaphore_mem>>) src(%arg12 : memref<125x128xf32, #tpu.memory_space<vmem>>) dst(%dma_wait3A_200 : memref<10000x128xf32, #tpu.memory_space<vmem_shared>>)
    } else {
    }
    %add3A_169 = arith.constant 79 : i32
    %add3A_170 = arith.constant 2 : i32
    %add3A_171 = arith.addi %add3A_169, %add3A_170 : i32
    %lt3A_172 = arith.constant 80 : i32
    %lt3A_173 = arith.cmpi slt, %add3A_171, %lt3A_172 : i32
    %convert_element_type3A_174 = arith.extui %lt3A_173 : i1 to i32
    %cond3A_175 = arith.constant 79 : i32
    %cond3A_176 = arith.constant 0 : i32
    %cond3A_177 = arith.cmpi ne, %convert_element_type3A_174, %cond3A_176 : i32
    scf.if %cond3A_177 {
      %add3A_198 = arith.constant 2 : i32
      %add3A_199 = arith.addi %cond3A_175, %add3A_198 : i32
      %dma_start3A_200 = arith.constant 0 : i32
      %dma_start3A_201 = tpu.memref_slice %arg4[%add3A, %add3A_199, %dma_start3A_200] : memref<32x80x125xi32, #tpu.memory_space<hbm>> -> memref<1x1x125xi32, #tpu.memory_space<hbm>>
      %dma_start3A_202 = tpu.memref_squeeze %dma_start3A_201 : memref<1x1x125xi32, #tpu.memory_space<hbm>> -> memref<125xi32, #tpu.memory_space<hbm>>
      %dma_start3A_203 = arith.constant 0 : i32
      %dma_start3A_204 = tpu.memref_slice %arg4[%add3A, %add3A_199, %dma_start3A_203] : memref<32x80x125xi32, #tpu.memory_space<hbm>> -> memref<1x1x125xi32, #tpu.memory_space<hbm>>
      %dma_start3A_205 = tpu.memref_squeeze %dma_start3A_204 : memref<1x1x125xi32, #tpu.memory_space<hbm>> -> memref<125xi32, #tpu.memory_space<hbm>>
      tpu.enqueue_dma source(%dma_start3A_205 : memref<125xi32, #tpu.memory_space<hbm>>) target(%arg9 : memref<125xi32, #tpu.memory_space<vmem>>) target_semaphore(%arg19 : memref<!tpu.dma_semaphore, #tpu.memory_space<semaphore_mem>>)
      %add3A_206 = arith.constant 2 : i32
      %add3A_207 = arith.addi %cond3A_175, %add3A_206 : i32
      %dma_wait3A_208 = arith.constant 0 : i32
      %dma_wait3A_209 = tpu.memref_slice %arg3[%add3A, %add3A_207, %dma_wait3A_208] : memref<32x80x125xi32, #tpu.memory_space<hbm>> -> memref<1x1x125xi32, #tpu.memory_space<hbm>>
      %dma_wait3A_210 = tpu.memref_squeeze %dma_wait3A_209 : memref<1x1x125xi32, #tpu.memory_space<hbm>> -> memref<125xi32, #tpu.memory_space<hbm>>
      %dma_wait3A_211 = arith.constant 0 : i32
      %dma_wait3A_212 = tpu.memref_slice %arg3[%add3A, %add3A_207, %dma_wait3A_211] : memref<32x80x125xi32, #tpu.memory_space<hbm>> -> memref<1x1x125xi32, #tpu.memory_space<hbm>>
      %dma_wait3A_213 = tpu.memref_squeeze %dma_wait3A_212 : memref<1x1x125xi32, #tpu.memory_space<hbm>> -> memref<125xi32, #tpu.memory_space<hbm>>
      tpu.wait_dma2 semaphore(%arg25 : memref<!tpu.dma_semaphore, #tpu.memory_space<semaphore_mem>>) src(%dma_wait3A_213 : memref<125xi32, #tpu.memory_space<hbm>>) dst(%arg6 : memref<125xi32, #tpu.memory_space<vmem>>)
      %dma_start3A_214 = arith.constant 0 : i32
      %dma_start3A_215 = arith.constant 0 : i32
      %dma_start3A_216 = tpu.memref_slice %arg2[%dma_start3A_214, %dma_start3A_215] : memref<10000x128xf32, #tpu.memory_space<hbm>> -> memref<10000x128xf32, #tpu.memory_space<hbm>>
      tpu.enqueue_indirect_dma source(%dma_start3A_216 : memref<10000x128xf32, #tpu.memory_space<hbm>>) target(%arg12 : memref<125x128xf32, #tpu.memory_space<vmem>>) offsets(%arg6 : memref<125xi32, #tpu.memory_space<vmem>>) semaphore(%arg16 : memref<!tpu.dma_semaphore, #tpu.memory_space<semaphore_mem>>)
    } else {
    }
    %add3A_178 = arith.constant 79 : i32
    %add3A_179 = arith.constant 3 : i32
    %add3A_180 = arith.addi %add3A_178, %add3A_179 : i32
    %lt3A_181 = arith.constant 80 : i32
    %lt3A_182 = arith.cmpi slt, %add3A_180, %lt3A_181 : i32
    %convert_element_type3A_183 = arith.extui %lt3A_182 : i1 to i32
    %cond3A_184 = arith.constant 79 : i32
    %cond3A_185 = arith.constant 0 : i32
    %cond3A_186 = arith.cmpi ne, %convert_element_type3A_183, %cond3A_185 : i32
    scf.if %cond3A_186 {
      %add3A_198 = arith.constant 3 : i32
      %add3A_199 = arith.addi %cond3A_184, %add3A_198 : i32
      %dma_start3A_200 = arith.constant 0 : i32
      %dma_start3A_201 = tpu.memref_slice %arg3[%add3A, %add3A_199, %dma_start3A_200] : memref<32x80x125xi32, #tpu.memory_space<hbm>> -> memref<1x1x125xi32, #tpu.memory_space<hbm>>
      %dma_start3A_202 = tpu.memref_squeeze %dma_start3A_201 : memref<1x1x125xi32, #tpu.memory_space<hbm>> -> memref<125xi32, #tpu.memory_space<hbm>>
      %dma_start3A_203 = arith.constant 0 : i32
      %dma_start3A_204 = tpu.memref_slice %arg3[%add3A, %add3A_199, %dma_start3A_203] : memref<32x80x125xi32, #tpu.memory_space<hbm>> -> memref<1x1x125xi32, #tpu.memory_space<hbm>>
      %dma_start3A_205 = tpu.memref_squeeze %dma_start3A_204 : memref<1x1x125xi32, #tpu.memory_space<hbm>> -> memref<125xi32, #tpu.memory_space<hbm>>
      tpu.enqueue_dma source(%dma_start3A_205 : memref<125xi32, #tpu.memory_space<hbm>>) target(%arg7 : memref<125xi32, #tpu.memory_space<vmem>>) target_semaphore(%arg26 : memref<!tpu.dma_semaphore, #tpu.memory_space<semaphore_mem>>)
    } else {
    }
    %dma_wait3A_187 = arith.constant 0 : i32
    %dma_wait3A_188 = arith.constant 0 : i32
    %dma_wait3A_189 = tpu.memref_slice %arg15[%dma_wait3A_187, %dma_wait3A_188] : memref<10000x128xf32, #tpu.memory_space<vmem_shared>> -> memref<10000x128xf32, #tpu.memory_space<vmem_shared>>
    tpu.wait_indirect_dma semaphore(%arg23 : memref<!tpu.dma_semaphore, #tpu.memory_space<semaphore_mem>>) src(%arg13 : memref<125x128xf32, #tpu.memory_space<vmem>>) dst(%dma_wait3A_189 : memref<10000x128xf32, #tpu.memory_space<vmem_shared>>)
    %barrier3A_190 = arith.constant 0 : index
    tpu.barrier barrier_id(%barrier3A_190)
    %mul3A_191 = arith.constant 624 : i32
    %mul3A_192 = arith.muli %arg1, %mul3A_191 : i32
    "tpu.region"() ({
      %run_scoped3A = tpu.sem_alloc : memref<!tpu.dma_semaphore, #tpu.memory_space<semaphore_mem>>
      %dma_start3A_198 = arith.constant 0 : i32
      %dma_start3A_199 = tpu.memref_slice %arg5[%arg0, %mul3A_192, %dma_start3A_198] : memref<2x10000x128xf32, #tpu.memory_space<hbm>> -> memref<1x624x128xf32, #tpu.memory_space<hbm>>
      %dma_start3A_200 = tpu.memref_squeeze %dma_start3A_199 : memref<1x624x128xf32, #tpu.memory_space<hbm>> -> memref<624x128xf32, #tpu.memory_space<hbm>>
      %dma_start3A_201 = arith.constant 0 : i32
      %dma_start3A_202 = tpu.memref_slice %arg15[%mul3A_192, %dma_start3A_201] : memref<10000x128xf32, #tpu.memory_space<vmem_shared>> -> memref<624x128xf32, #tpu.memory_space<vmem_shared>>
      tpu.enqueue_dma source(%dma_start3A_202 : memref<624x128xf32, #tpu.memory_space<vmem_shared>>) target(%dma_start3A_200 : memref<624x128xf32, #tpu.memory_space<hbm>>) target_semaphore(%run_scoped3A : memref<!tpu.dma_semaphore, #tpu.memory_space<semaphore_mem>>)
      %dma_wait3A_203 = arith.constant 0 : i32
      %dma_wait3A_204 = tpu.memref_slice %arg5[%arg0, %mul3A_192, %dma_wait3A_203] : memref<2x10000x128xf32, #tpu.memory_space<hbm>> -> memref<1x624x128xf32, #tpu.memory_space<hbm>>
      %dma_wait3A_205 = tpu.memref_squeeze %dma_wait3A_204 : memref<1x624x128xf32, #tpu.memory_space<hbm>> -> memref<624x128xf32, #tpu.memory_space<hbm>>
      %dma_wait3A_206 = arith.constant 0 : i32
      %dma_wait3A_207 = tpu.memref_slice %arg15[%mul3A_192, %dma_wait3A_206] : memref<10000x128xf32, #tpu.memory_space<vmem_shared>> -> memref<624x128xf32, #tpu.memory_space<vmem_shared>>
      tpu.wait_dma2 semaphore(%run_scoped3A : memref<!tpu.dma_semaphore, #tpu.memory_space<semaphore_mem>>) src(%dma_wait3A_207 : memref<624x128xf32, #tpu.memory_space<vmem_shared>>) dst(%dma_wait3A_205 : memref<624x128xf32, #tpu.memory_space<hbm>>)
      tpu.yield
    }) : () -> ()
    %eq3A_193 = arith.constant 15 : i32
    %eq3A_194 = arith.cmpi eq, %arg1, %eq3A_193 : i32
    %convert_element_type3A_195 = arith.extui %eq3A_194 : i1 to i32
    %cond3A_196 = arith.constant 0 : i32
    %cond3A_197 = arith.cmpi ne, %convert_element_type3A_195, %cond3A_196 : i32
    scf.if %cond3A_197 {
      "tpu.region"() ({
        %run_scoped3A = tpu.sem_alloc : memref<!tpu.dma_semaphore, #tpu.memory_space<semaphore_mem>>
        %dma_start3A_198 = arith.constant 9984 : i32
        %dma_start3A_199 = arith.constant 0 : i32
        %dma_start3A_200 = tpu.memref_slice %arg5[%arg0, %dma_start3A_198, %dma_start3A_199] : memref<2x10000x128xf32, #tpu.memory_space<hbm>> -> memref<1x16x128xf32, #tpu.memory_space<hbm>>
        %dma_start3A_201 = tpu.memref_squeeze %dma_start3A_200 : memref<1x16x128xf32, #tpu.memory_space<hbm>> -> memref<16x128xf32, #tpu.memory_space<hbm>>
        %dma_start3A_202 = arith.constant 9984 : i32
        %dma_start3A_203 = arith.constant 0 : i32
        %dma_start3A_204 = tpu.memref_slice %arg15[%dma_start3A_202, %dma_start3A_203] : memref<10000x128xf32, #tpu.memory_space<vmem_shared>> -> memref<16x128xf32, #tpu.memory_space<vmem_shared>>
        tpu.enqueue_dma source(%dma_start3A_204 : memref<16x128xf32, #tpu.memory_space<vmem_shared>>) target(%dma_start3A_201 : memref<16x128xf32, #tpu.memory_space<hbm>>) target_semaphore(%run_scoped3A : memref<!tpu.dma_semaphore, #tpu.memory_space<semaphore_mem>>)
        %dma_wait3A_205 = arith.constant 9984 : i32
        %dma_wait3A_206 = arith.constant 0 : i32
        %dma_wait3A_207 = tpu.memref_slice %arg5[%arg0, %dma_wait3A_205, %dma_wait3A_206] : memref<2x10000x128xf32, #tpu.memory_space<hbm>> -> memref<1x16x128xf32, #tpu.memory_space<hbm>>
        %dma_wait3A_208 = tpu.memref_squeeze %dma_wait3A_207 : memref<1x16x128xf32, #tpu.memory_space<hbm>> -> memref<16x128xf32, #tpu.memory_space<hbm>>
        %dma_wait3A_209 = arith.constant 9984 : i32
        %dma_wait3A_210 = arith.constant 0 : i32
        %dma_wait3A_211 = tpu.memref_slice %arg15[%dma_wait3A_209, %dma_wait3A_210] : memref<10000x128xf32, #tpu.memory_space<vmem_shared>> -> memref<16x128xf32, #tpu.memory_space<vmem_shared>>
        tpu.wait_dma2 semaphore(%run_scoped3A : memref<!tpu.dma_semaphore, #tpu.memory_space<semaphore_mem>>) src(%dma_wait3A_211 : memref<16x128xf32, #tpu.memory_space<vmem_shared>>) dst(%dma_wait3A_208 : memref<16x128xf32, #tpu.memory_space<hbm>>)
        tpu.yield
      }) : () -> ()
    } else {
    }
    return
  }
}

module attributes {stable_mosaic.version = 14 : i64} {
  func.func @_proj_body(%arg0: i32, %arg1: i32, %arg2: memref<5000x128xf32, #tpu.memory_space<vmem>>, %arg3: memref<128x128xf32, #tpu.memory_space<vmem>>, %arg4: memref<1x128xf32, #tpu.memory_space<vmem>>, %arg5: memref<10000x128xf32, #tpu.memory_space<vmem>>, %arg6: memref<1x128xf32, #tpu.memory_space<vmem>>, %arg7: memref<5000x128xf32, #tpu.memory_space<vmem>>) attributes {dimension_semantics = [#tpu.dimension_semantics<arbitrary>, #tpu.dimension_semantics<arbitrary>], iteration_bounds = array<i64: 2, 2>, scalar_prefetch = 0 : i64, scratch_operands = 0 : i64, tpu.core_type = #tpu.core_type<tc>, window_params = [{transform_indices = @transform_0, window_bounds = array<i64: 5000, 128>}, {pipeline_mode = #tpu.pipeline_mode<synchronous>, transform_indices = @transform_1, window_bounds = array<i64: 128, 128>}, {pipeline_mode = #tpu.pipeline_mode<synchronous>, transform_indices = @transform_2, window_bounds = array<i64: 1, 128>}, {pipeline_mode = #tpu.pipeline_mode<synchronous>, transform_indices = @transform_3, window_bounds = array<i64: 10000, 128>}, {pipeline_mode = #tpu.pipeline_mode<synchronous>, transform_indices = @transform_4, window_bounds = array<i64: 1, 128>}, {transform_indices = @transform_5, window_bounds = array<i64: 5000, 128>}]} {
    %eq3A = arith.constant 0 : i32
    %eq3A_0 = arith.cmpi eq, %arg0, %eq3A : i32
    %convert_element_type3A = arith.extui %eq3A_0 : i1 to i32
    %cond3A = arith.constant 0 : i32
    %cond3A_1 = arith.cmpi ne, %convert_element_type3A, %cond3A : i32
    scf.if %cond3A_1 {
      %get3A = arith.constant 0 : index
      %get3A_7 = arith.constant 0 : index
      %get3A_8 = vector.load %arg2[%get3A, %get3A_7] : memref<5000x128xf32, #tpu.memory_space<vmem>>, vector<5000x128xf32>
      %get3A_9 = arith.constant 0 : index
      %get3A_10 = arith.constant 0 : index
      %get3A_11 = vector.load %arg3[%get3A_9, %get3A_10] : memref<128x128xf32, #tpu.memory_space<vmem>>, vector<128x128xf32>
      %dot_general3A = arith.constant dense<0.000000e+00> : vector<5000x128xf32>
      %dot_general3A_12 = tpu.matmul %get3A_8, %get3A_11, %dot_general3A {dimension_numbers = #tpu.dot_dimension_numbers<[1], [0], [0], [1], [0, 0, 1, 1], [], []>, transpose_lhs_hint = false} : vector<5000x128xf32>, vector<128x128xf32>, vector<5000x128xf32> -> vector<5000x128xf32>
      %get3A_13 = arith.constant 0 : index
      %get3A_14 = arith.constant 0 : index
      %get3A_15 = vector.load %arg4[%get3A_13, %get3A_14] : memref<1x128xf32, #tpu.memory_space<vmem>>, vector<1x128xf32>
      %add3A = vector.broadcast %get3A_15 : vector<1x128xf32> to vector<5000x128xf32>
      %add3A_16 = arith.addf %dot_general3A_12, %add3A : vector<5000x128xf32>
      %mul3A = arith.constant 5000 : i32
      %mul3A_17 = arith.muli %arg1, %mul3A : i32
      %swap3A = arith.index_cast %mul3A_17 : i32 to index
      %swap3A_18 = arith.constant 0 : index
      %swap3A_19 = vector.load %arg5[%swap3A, %swap3A_18] : memref<10000x128xf32, #tpu.memory_space<vmem>>, vector<5000x128xf32>
      tpu.vector_store %arg5[%swap3A, %swap3A_18], %add3A_16 {strides = array<i32>} : memref<10000x128xf32, #tpu.memory_space<vmem>>, vector<5000x128xf32>,
      %reduce_max3A = arith.constant dense<0xFF800000> : vector<128xf32>
      %reduce_max3A_20 = vector.multi_reduction <maximumf>, %add3A_16, %reduce_max3A [0] : vector<5000x128xf32> to vector<128xf32>
      %broadcast_in_dim3A = vector.shape_cast %reduce_max3A_20 : vector<128xf32> to vector<1x128xf32>
      %eq3A_21 = arith.constant 0 : i32
      %eq3A_22 = arith.cmpi eq, %arg1, %eq3A_21 : i32
      %convert_element_type3A_23 = arith.extui %eq3A_22 : i1 to i32
      %cond3A_24 = arith.constant 0 : i32
      %cond3A_25 = arith.cmpi ne, %convert_element_type3A_23, %cond3A_24 : i32
      scf.if %cond3A_25 {
        %swap3A_30 = arith.constant 0 : index
        %swap3A_31 = arith.constant 0 : index
        %swap3A_32 = vector.load %arg6[%swap3A_30, %swap3A_31] : memref<1x128xf32, #tpu.memory_space<vmem>>, vector<1x128xf32>
        tpu.vector_store %arg6[%swap3A_30, %swap3A_31], %broadcast_in_dim3A {strides = array<i32>} : memref<1x128xf32, #tpu.memory_space<vmem>>, vector<1x128xf32>,
      } else {
      }
      %gt3A = arith.constant 0 : i32
      %gt3A_26 = arith.cmpi sgt, %arg1, %gt3A : i32
      %convert_element_type3A_27 = arith.extui %gt3A_26 : i1 to i32
      %cond3A_28 = arith.constant 0 : i32
      %cond3A_29 = arith.cmpi ne, %convert_element_type3A_27, %cond3A_28 : i32
      scf.if %cond3A_29 {
        %get3A_30 = arith.constant 0 : index
        %get3A_31 = arith.constant 0 : index
        %get3A_32 = vector.load %arg6[%get3A_30, %get3A_31] : memref<1x128xf32, #tpu.memory_space<vmem>>, vector<1x128xf32>
        %max3A = arith.maximumf %get3A_32, %broadcast_in_dim3A : vector<1x128xf32>
        %swap3A_33 = arith.constant 0 : index
        %swap3A_34 = arith.constant 0 : index
        %swap3A_35 = vector.load %arg6[%swap3A_33, %swap3A_34] : memref<1x128xf32, #tpu.memory_space<vmem>>, vector<1x128xf32>
        tpu.vector_store %arg6[%swap3A_33, %swap3A_34], %max3A {strides = array<i32>} : memref<1x128xf32, #tpu.memory_space<vmem>>, vector<1x128xf32>,
      } else {
      }
    } else {
    }
    %eq3A_2 = arith.constant 1 : i32
    %eq3A_3 = arith.cmpi eq, %arg0, %eq3A_2 : i32
    %convert_element_type3A_4 = arith.extui %eq3A_3 : i1 to i32
    %cond3A_5 = arith.constant 0 : i32
    %cond3A_6 = arith.cmpi ne, %convert_element_type3A_4, %cond3A_5 : i32
    scf.if %cond3A_6 {
      %mul3A = arith.constant 5000 : i32
      %mul3A_7 = arith.muli %arg1, %mul3A : i32
      %get3A = arith.index_cast %mul3A_7 : i32 to index
      %get3A_8 = arith.constant 0 : index
      %get3A_9 = vector.load %arg5[%get3A, %get3A_8] : memref<10000x128xf32, #tpu.memory_space<vmem>>, vector<5000x128xf32>
      %get3A_10 = arith.constant 0 : index
      %get3A_11 = arith.constant 0 : index
      %get3A_12 = vector.load %arg6[%get3A_10, %get3A_11] : memref<1x128xf32, #tpu.memory_space<vmem>>, vector<1x128xf32>
      %sub3A = vector.broadcast %get3A_12 : vector<1x128xf32> to vector<5000x128xf32>
      %sub3A_13 = arith.subf %get3A_9, %sub3A : vector<5000x128xf32>
      %exp3A = math.exp %sub3A_13 : vector<5000x128xf32>
      %swap3A = arith.constant 0 : index
      %swap3A_14 = arith.constant 0 : index
      %swap3A_15 = vector.load %arg7[%swap3A, %swap3A_14] : memref<5000x128xf32, #tpu.memory_space<vmem>>, vector<5000x128xf32>
      tpu.vector_store %arg7[%swap3A, %swap3A_14], %exp3A {strides = array<i32>} : memref<5000x128xf32, #tpu.memory_space<vmem>>, vector<5000x128xf32>,
    } else {
    }
    return
  }
  func.func @transform_0(%arg0: i32, %arg1: i32) -> (i32, i32) {
    %sub3A = arith.constant 1 : i32
    %sub3A_0 = arith.subi %sub3A, %arg0 : i32
    %mul3A = arith.muli %arg1, %sub3A_0 : i32
    %mul3A_1 = arith.constant 1 : i32
    %mul3A_2 = arith.muli %mul3A_1, %arg0 : i32
    %add3A = arith.addi %mul3A, %mul3A_2 : i32
    %c0_i32 = arith.constant 0 : i32
    %c0_i32_3 = arith.constant 0 : i32
    return %add3A, %c0_i32 : i32, i32
  }
  func.func @transform_1(%arg0: i32, %arg1: i32) -> (i32, i32) {
    %c0_i32 = arith.constant 0 : i32
    %c0_i32_0 = arith.constant 0 : i32
    %c0_i32_1 = arith.constant 0 : i32
    return %c0_i32, %c0_i32_0 : i32, i32
  }
  func.func @transform_2(%arg0: i32, %arg1: i32) -> (i32, i32) {
    %c0_i32 = arith.constant 0 : i32
    %c0_i32_0 = arith.constant 0 : i32
    %c0_i32_1 = arith.constant 0 : i32
    return %c0_i32, %c0_i32_0 : i32, i32
  }
  func.func @transform_3(%arg0: i32, %arg1: i32) -> (i32, i32) {
    %c0_i32 = arith.constant 0 : i32
    %c0_i32_0 = arith.constant 0 : i32
    %c0_i32_1 = arith.constant 0 : i32
    return %c0_i32, %c0_i32_0 : i32, i32
  }
  func.func @transform_4(%arg0: i32, %arg1: i32) -> (i32, i32) {
    %c0_i32 = arith.constant 0 : i32
    %c0_i32_0 = arith.constant 0 : i32
    %c0_i32_1 = arith.constant 0 : i32
    return %c0_i32, %c0_i32_0 : i32, i32
  }
  func.func @transform_5(%arg0: i32, %arg1: i32) -> (i32, i32) {
    %mul3A = arith.muli %arg1, %arg0 : i32
    %c0_i32 = arith.constant 0 : i32
    %c0_i32_0 = arith.constant 0 : i32
    return %mul3A, %c0_i32 : i32, i32
  }
}

module attributes {stable_mosaic.version = 14 : i64} {
  func.func @_layer_body(%arg0: i32, %arg1: i32, %arg2: memref<5000x128xf32, #tpu.memory_space<vmem>>, %arg3: memref<5000x128xf32, #tpu.memory_space<vmem>>, %arg4: memref<5000x128xf32, #tpu.memory_space<vmem>>, %arg5: memref<1x128xf32, #tpu.memory_space<vmem>>, %arg6: memref<256x128xf32, #tpu.memory_space<vmem>>, %arg7: memref<1x128xf32, #tpu.memory_space<vmem>>, %arg8: memref<1x128xf32, #tpu.memory_space<vmem>>, %arg9: memref<1x128xf32, #tpu.memory_space<vmem>>, %arg10: memref<10000x128xf32, #tpu.memory_space<vmem>>, %arg11: memref<1x128xf32, #tpu.memory_space<vmem>>, %arg12: memref<5000x128xf32, #tpu.memory_space<vmem>>) attributes {dimension_semantics = [#tpu.dimension_semantics<arbitrary>, #tpu.dimension_semantics<arbitrary>], iteration_bounds = array<i64: 2, 2>, scalar_prefetch = 0 : i64, scratch_operands = 0 : i64, tpu.core_type = #tpu.core_type<tc>, window_params = [{transform_indices = @transform_0, window_bounds = array<i64: 5000, 128>}, {transform_indices = @transform_1, window_bounds = array<i64: 5000, 128>}, {transform_indices = @transform_2, window_bounds = array<i64: 5000, 128>}, {pipeline_mode = #tpu.pipeline_mode<synchronous>, transform_indices = @transform_3, window_bounds = array<i64: 1, 128>}, {pipeline_mode = #tpu.pipeline_mode<synchronous>, transform_indices = @transform_4, window_bounds = array<i64: 256, 128>}, {pipeline_mode = #tpu.pipeline_mode<synchronous>, transform_indices = @transform_5, window_bounds = array<i64: 1, 128>}, {pipeline_mode = #tpu.pipeline_mode<synchronous>, transform_indices = @transform_6, window_bounds = array<i64: 1, 128>}, {pipeline_mode = #tpu.pipeline_mode<synchronous>, transform_indices = @transform_7, window_bounds = array<i64: 1, 128>}, {pipeline_mode = #tpu.pipeline_mode<synchronous>, transform_indices = @transform_8, window_bounds = array<i64: 10000, 128>}, {pipeline_mode = #tpu.pipeline_mode<synchronous>, transform_indices = @transform_9, window_bounds = array<i64: 1, 128>}, {transform_indices = @transform_10, window_bounds = array<i64: 5000, 128>}]} {
    %eq3A = arith.constant 0 : i32
    %eq3A_0 = arith.cmpi eq, %arg0, %eq3A : i32
    %convert_element_type3A = arith.extui %eq3A_0 : i1 to i32
    %cond3A = arith.constant 0 : i32
    %cond3A_1 = arith.cmpi ne, %convert_element_type3A, %cond3A : i32
    scf.if %cond3A_1 {
      %get3A = arith.constant 0 : index
      %get3A_7 = arith.constant 0 : index
      %get3A_8 = vector.load %arg2[%get3A, %get3A_7] : memref<5000x128xf32, #tpu.memory_space<vmem>>, vector<5000x128xf32>
      %get3A_9 = arith.constant 0 : index
      %get3A_10 = arith.constant 0 : index
      %get3A_11 = vector.load %arg3[%get3A_9, %get3A_10] : memref<5000x128xf32, #tpu.memory_space<vmem>>, vector<5000x128xf32>
      %get3A_12 = arith.constant 0 : index
      %get3A_13 = arith.constant 0 : index
      %get3A_14 = vector.load %arg4[%get3A_12, %get3A_13] : memref<5000x128xf32, #tpu.memory_space<vmem>>, vector<5000x128xf32>
      %add3A = arith.addf %get3A_11, %get3A_14 : vector<5000x128xf32>
      %reduce_max3A = arith.constant dense<0xFF800000> : vector<5000xf32>
      %reduce_max3A_15 = vector.multi_reduction <maximumf>, %add3A, %reduce_max3A [1] : vector<5000x128xf32> to vector<5000xf32>
      %broadcast_in_dim3A = vector.shape_cast %reduce_max3A_15 : vector<5000xf32> to vector<5000x1xf32>
      %gt3A = arith.constant 0.000000e+00 : f32
      %gt3A_16 = vector.broadcast %gt3A : f32 to vector<5000x1xf32>
      %gt3A_17 = arith.cmpf ogt, %broadcast_in_dim3A, %gt3A_16 : vector<5000x1xf32>
      %get3A_18 = arith.constant 0 : index
      %get3A_19 = arith.constant 0 : index
      %get3A_20 = vector.load %arg5[%get3A_18, %get3A_19] : memref<1x128xf32, #tpu.memory_space<vmem>>, vector<1x128xf32>
      %max3A = arith.constant 1.000000e-30 : f32
      %max3A_21 = vector.broadcast %max3A : f32 to vector<5000x128xf32>
      %max3A_22 = arith.maximumf %add3A, %max3A_21 : vector<5000x128xf32>
      %log3A = math.log %max3A_22 : vector<5000x128xf32>
      %add3A_23 = vector.broadcast %get3A_20 : vector<1x128xf32> to vector<5000x128xf32>
      %add3A_24 = arith.addf %add3A_23, %log3A : vector<5000x128xf32>
      %jit3A = arith.constant 0.000000e+00 : f32
      %broadcast_in_dim3A_25 = vector.shape_cast %gt3A_17 : vector<5000x1xi1> to vector<5000x1xi1>
      %broadcast_in_dim3A_26 = vector.broadcast %broadcast_in_dim3A_25 : vector<5000x1xi1> to vector<5000x128xi1>
      %broadcast_in_dim3A_27 = vector.broadcast %jit3A : f32 to vector<5000x128xf32>
      %select_n3A = arith.select %broadcast_in_dim3A_26, %add3A_24, %broadcast_in_dim3A_27 : vector<5000x128xi1>, vector<5000x128xf32>
      %get3A_28 = arith.constant 0 : index
      %get3A_29 = arith.constant 0 : index
      %get3A_30 = vector.load %arg6[%get3A_28, %get3A_29] : memref<256x128xf32, #tpu.memory_space<vmem>>, vector<128x128xf32>
      %dot_general3A = arith.constant dense<0.000000e+00> : vector<5000x128xf32>
      %dot_general3A_31 = tpu.matmul %get3A_8, %get3A_30, %dot_general3A {dimension_numbers = #tpu.dot_dimension_numbers<[1], [0], [0], [1], [0, 0, 1, 1], [], []>, transpose_lhs_hint = false} : vector<5000x128xf32>, vector<128x128xf32>, vector<5000x128xf32> -> vector<5000x128xf32>
      %get3A_32 = arith.constant 128 : index
      %get3A_33 = arith.constant 0 : index
      %get3A_34 = vector.load %arg6[%get3A_32, %get3A_33] : memref<256x128xf32, #tpu.memory_space<vmem>>, vector<128x128xf32>
      %dot_general3A_35 = arith.constant dense<0.000000e+00> : vector<5000x128xf32>
      %dot_general3A_36 = tpu.matmul %select_n3A, %get3A_34, %dot_general3A_35 {dimension_numbers = #tpu.dot_dimension_numbers<[1], [0], [0], [1], [0, 0, 1, 1], [], []>, transpose_lhs_hint = false} : vector<5000x128xf32>, vector<128x128xf32>, vector<5000x128xf32> -> vector<5000x128xf32>
      %add3A_37 = arith.addf %dot_general3A_31, %dot_general3A_36 : vector<5000x128xf32>
      %get3A_38 = arith.constant 0 : index
      %get3A_39 = arith.constant 0 : index
      %get3A_40 = vector.load %arg7[%get3A_38, %get3A_39] : memref<1x128xf32, #tpu.memory_space<vmem>>, vector<1x128xf32>
      %add3A_41 = vector.broadcast %get3A_40 : vector<1x128xf32> to vector<5000x128xf32>
      %add3A_42 = arith.addf %add3A_37, %add3A_41 : vector<5000x128xf32>
      %reduce_sum3A = arith.constant dense<0.000000e+00> : vector<5000xf32>
      %reduce_sum3A_43 = vector.multi_reduction <add>, %add3A_42, %reduce_sum3A [1] : vector<5000x128xf32> to vector<5000xf32>
      %broadcast_in_dim3A_44 = vector.shape_cast %reduce_sum3A_43 : vector<5000xf32> to vector<5000x1xf32>
      %div3A = arith.constant 1.280000e+02 : f32
      %div3A_45 = vector.broadcast %div3A : f32 to vector<5000x1xf32>
      %div3A_46 = arith.divf %broadcast_in_dim3A_44, %div3A_45 : vector<5000x1xf32>
      %sub3A = vector.broadcast %div3A_46 : vector<5000x1xf32> to vector<5000x128xf32>
      %sub3A_47 = arith.subf %add3A_42, %sub3A : vector<5000x128xf32>
      %mul3A = arith.mulf %sub3A_47, %sub3A_47 : vector<5000x128xf32>
      %reduce_sum3A_48 = arith.constant dense<0.000000e+00> : vector<5000xf32>
      %reduce_sum3A_49 = vector.multi_reduction <add>, %mul3A, %reduce_sum3A_48 [1] : vector<5000x128xf32> to vector<5000xf32>
      %broadcast_in_dim3A_50 = vector.shape_cast %reduce_sum3A_49 : vector<5000xf32> to vector<5000x1xf32>
      %div3A_51 = arith.constant 1.280000e+02 : f32
      %div3A_52 = vector.broadcast %div3A_51 : f32 to vector<5000x1xf32>
      %div3A_53 = arith.divf %broadcast_in_dim3A_50, %div3A_52 : vector<5000x1xf32>
      %add3A_54 = arith.constant 9.99999974E-6 : f32
      %add3A_55 = vector.broadcast %add3A_54 : f32 to vector<5000x1xf32>
      %add3A_56 = arith.addf %div3A_53, %add3A_55 : vector<5000x1xf32>
      %rsqrt3A = math.rsqrt %add3A_56 : vector<5000x1xf32>
      %mul3A_57 = vector.broadcast %rsqrt3A : vector<5000x1xf32> to vector<5000x128xf32>
      %mul3A_58 = arith.mulf %sub3A_47, %mul3A_57 : vector<5000x128xf32>
      %get3A_59 = arith.constant 0 : index
      %get3A_60 = arith.constant 0 : index
      %get3A_61 = vector.load %arg8[%get3A_59, %get3A_60] : memref<1x128xf32, #tpu.memory_space<vmem>>, vector<1x128xf32>
      %mul3A_62 = vector.broadcast %get3A_61 : vector<1x128xf32> to vector<5000x128xf32>
      %mul3A_63 = arith.mulf %mul3A_58, %mul3A_62 : vector<5000x128xf32>
      %get3A_64 = arith.constant 0 : index
      %get3A_65 = arith.constant 0 : index
      %get3A_66 = vector.load %arg9[%get3A_64, %get3A_65] : memref<1x128xf32, #tpu.memory_space<vmem>>, vector<1x128xf32>
      %add3A_67 = vector.broadcast %get3A_66 : vector<1x128xf32> to vector<5000x128xf32>
      %add3A_68 = arith.addf %mul3A_63, %add3A_67 : vector<5000x128xf32>
      %mul3A_69 = arith.constant 5.000000e-01 : f32
      %mul3A_70 = vector.broadcast %mul3A_69 : f32 to vector<5000x128xf32>
      %mul3A_71 = arith.mulf %mul3A_70, %get3A_8 : vector<5000x128xf32>
      %max3A_72 = arith.constant 0.000000e+00 : f32
      %max3A_73 = vector.broadcast %max3A_72 : f32 to vector<5000x128xf32>
      %max3A_74 = arith.maximumf %add3A_68, %max3A_73 : vector<5000x128xf32>
      %mul3A_75 = arith.constant 5.000000e-01 : f32
      %mul3A_76 = vector.broadcast %mul3A_75 : f32 to vector<5000x128xf32>
      %mul3A_77 = arith.mulf %mul3A_76, %max3A_74 : vector<5000x128xf32>
      %add3A_78 = arith.addf %mul3A_71, %mul3A_77 : vector<5000x128xf32>
      %mul3A_79 = arith.constant 5000 : i32
      %mul3A_80 = arith.muli %arg1, %mul3A_79 : i32
      %swap3A = arith.index_cast %mul3A_80 : i32 to index
      %swap3A_81 = arith.constant 0 : index
      %swap3A_82 = vector.load %arg10[%swap3A, %swap3A_81] : memref<10000x128xf32, #tpu.memory_space<vmem>>, vector<5000x128xf32>
      tpu.vector_store %arg10[%swap3A, %swap3A_81], %add3A_78 {strides = array<i32>} : memref<10000x128xf32, #tpu.memory_space<vmem>>, vector<5000x128xf32>,
      %reduce_max3A_83 = arith.constant dense<0xFF800000> : vector<128xf32>
      %reduce_max3A_84 = vector.multi_reduction <maximumf>, %add3A_78, %reduce_max3A_83 [0] : vector<5000x128xf32> to vector<128xf32>
      %broadcast_in_dim3A_85 = vector.shape_cast %reduce_max3A_84 : vector<128xf32> to vector<1x128xf32>
      %eq3A_86 = arith.constant 0 : i32
      %eq3A_87 = arith.cmpi eq, %arg1, %eq3A_86 : i32
      %convert_element_type3A_88 = arith.extui %eq3A_87 : i1 to i32
      %cond3A_89 = arith.constant 0 : i32
      %cond3A_90 = arith.cmpi ne, %convert_element_type3A_88, %cond3A_89 : i32
      scf.if %cond3A_90 {
        %swap3A_96 = arith.constant 0 : index
        %swap3A_97 = arith.constant 0 : index
        %swap3A_98 = vector.load %arg11[%swap3A_96, %swap3A_97] : memref<1x128xf32, #tpu.memory_space<vmem>>, vector<1x128xf32>
        tpu.vector_store %arg11[%swap3A_96, %swap3A_97], %broadcast_in_dim3A_85 {strides = array<i32>} : memref<1x128xf32, #tpu.memory_space<vmem>>, vector<1x128xf32>,
      } else {
      }
      %gt3A_91 = arith.constant 0 : i32
      %gt3A_92 = arith.cmpi sgt, %arg1, %gt3A_91 : i32
      %convert_element_type3A_93 = arith.extui %gt3A_92 : i1 to i32
      %cond3A_94 = arith.constant 0 : i32
      %cond3A_95 = arith.cmpi ne, %convert_element_type3A_93, %cond3A_94 : i32
      scf.if %cond3A_95 {
        %get3A_96 = arith.constant 0 : index
        %get3A_97 = arith.constant 0 : index
        %get3A_98 = vector.load %arg11[%get3A_96, %get3A_97] : memref<1x128xf32, #tpu.memory_space<vmem>>, vector<1x128xf32>
        %max3A_99 = arith.maximumf %get3A_98, %broadcast_in_dim3A_85 : vector<1x128xf32>
        %swap3A_100 = arith.constant 0 : index
        %swap3A_101 = arith.constant 0 : index
        %swap3A_102 = vector.load %arg11[%swap3A_100, %swap3A_101] : memref<1x128xf32, #tpu.memory_space<vmem>>, vector<1x128xf32>
        tpu.vector_store %arg11[%swap3A_100, %swap3A_101], %max3A_99 {strides = array<i32>} : memref<1x128xf32, #tpu.memory_space<vmem>>, vector<1x128xf32>,
      } else {
      }
    } else {
    }
    %eq3A_2 = arith.constant 1 : i32
    %eq3A_3 = arith.cmpi eq, %arg0, %eq3A_2 : i32
    %convert_element_type3A_4 = arith.extui %eq3A_3 : i1 to i32
    %cond3A_5 = arith.constant 0 : i32
    %cond3A_6 = arith.cmpi ne, %convert_element_type3A_4, %cond3A_5 : i32
    scf.if %cond3A_6 {
      %mul3A = arith.constant 5000 : i32
      %mul3A_7 = arith.muli %arg1, %mul3A : i32
      %get3A = arith.index_cast %mul3A_7 : i32 to index
      %get3A_8 = arith.constant 0 : index
      %get3A_9 = vector.load %arg10[%get3A, %get3A_8] : memref<10000x128xf32, #tpu.memory_space<vmem>>, vector<5000x128xf32>
      %get3A_10 = arith.constant 0 : index
      %get3A_11 = arith.constant 0 : index
      %get3A_12 = vector.load %arg11[%get3A_10, %get3A_11] : memref<1x128xf32, #tpu.memory_space<vmem>>, vector<1x128xf32>
      %sub3A = vector.broadcast %get3A_12 : vector<1x128xf32> to vector<5000x128xf32>
      %sub3A_13 = arith.subf %get3A_9, %sub3A : vector<5000x128xf32>
      %exp3A = math.exp %sub3A_13 : vector<5000x128xf32>
      %swap3A = arith.constant 0 : index
      %swap3A_14 = arith.constant 0 : index
      %swap3A_15 = vector.load %arg12[%swap3A, %swap3A_14] : memref<5000x128xf32, #tpu.memory_space<vmem>>, vector<5000x128xf32>
      tpu.vector_store %arg12[%swap3A, %swap3A_14], %exp3A {strides = array<i32>} : memref<5000x128xf32, #tpu.memory_space<vmem>>, vector<5000x128xf32>,
    } else {
    }
    return
  }
  func.func @transform_0(%arg0: i32, %arg1: i32) -> (i32, i32) {
    %sub3A = arith.constant 1 : i32
    %sub3A_0 = arith.subi %sub3A, %arg0 : i32
    %mul3A = arith.muli %arg1, %sub3A_0 : i32
    %mul3A_1 = arith.constant 1 : i32
    %mul3A_2 = arith.muli %mul3A_1, %arg0 : i32
    %add3A = arith.addi %mul3A, %mul3A_2 : i32
    %c0_i32 = arith.constant 0 : i32
    %c0_i32_3 = arith.constant 0 : i32
    return %add3A, %c0_i32 : i32, i32
  }
  func.func @transform_1(%arg0: i32, %arg1: i32) -> (i32, i32) {
    %sub3A = arith.constant 1 : i32
    %sub3A_0 = arith.subi %sub3A, %arg0 : i32
    %mul3A = arith.muli %arg1, %sub3A_0 : i32
    %mul3A_1 = arith.constant 1 : i32
    %mul3A_2 = arith.muli %mul3A_1, %arg0 : i32
    %add3A = arith.addi %mul3A, %mul3A_2 : i32
    %c0_i32 = arith.constant 0 : i32
    %c0_i32_3 = arith.constant 0 : i32
    return %add3A, %c0_i32 : i32, i32
  }
  func.func @transform_2(%arg0: i32, %arg1: i32) -> (i32, i32) {
    %sub3A = arith.constant 1 : i32
    %sub3A_0 = arith.subi %sub3A, %arg0 : i32
    %mul3A = arith.muli %arg1, %sub3A_0 : i32
    %mul3A_1 = arith.constant 1 : i32
    %mul3A_2 = arith.muli %mul3A_1, %arg0 : i32
    %add3A = arith.addi %mul3A, %mul3A_2 : i32
    %c0_i32 = arith.constant 0 : i32
    %c0_i32_3 = arith.constant 0 : i32
    return %add3A, %c0_i32 : i32, i32
  }
  func.func @transform_3(%arg0: i32, %arg1: i32) -> (i32, i32) {
    %c0_i32 = arith.constant 0 : i32
    %c0_i32_0 = arith.constant 0 : i32
    %c0_i32_1 = arith.constant 0 : i32
    return %c0_i32, %c0_i32_0 : i32, i32
  }
  func.func @transform_4(%arg0: i32, %arg1: i32) -> (i32, i32) {
    %c0_i32 = arith.constant 0 : i32
    %c0_i32_0 = arith.constant 0 : i32
    %c0_i32_1 = arith.constant 0 : i32
    return %c0_i32, %c0_i32_0 : i32, i32
  }
  func.func @transform_5(%arg0: i32, %arg1: i32) -> (i32, i32) {
    %c0_i32 = arith.constant 0 : i32
    %c0_i32_0 = arith.constant 0 : i32
    %c0_i32_1 = arith.constant 0 : i32
    return %c0_i32, %c0_i32_0 : i32, i32
  }
  func.func @transform_6(%arg0: i32, %arg1: i32) -> (i32, i32) {
    %c0_i32 = arith.constant 0 : i32
    %c0_i32_0 = arith.constant 0 : i32
    %c0_i32_1 = arith.constant 0 : i32
    return %c0_i32, %c0_i32_0 : i32, i32
  }
  func.func @transform_7(%arg0: i32, %arg1: i32) -> (i32, i32) {
    %c0_i32 = arith.constant 0 : i32
    %c0_i32_0 = arith.constant 0 : i32
    %c0_i32_1 = arith.constant 0 : i32
    return %c0_i32, %c0_i32_0 : i32, i32
  }
  func.func @transform_8(%arg0: i32, %arg1: i32) -> (i32, i32) {
    %c0_i32 = arith.constant 0 : i32
    %c0_i32_0 = arith.constant 0 : i32
    %c0_i32_1 = arith.constant 0 : i32
    return %c0_i32, %c0_i32_0 : i32, i32
  }
  func.func @transform_9(%arg0: i32, %arg1: i32) -> (i32, i32) {
    %c0_i32 = arith.constant 0 : i32
    %c0_i32_0 = arith.constant 0 : i32
    %c0_i32_1 = arith.constant 0 : i32
    return %c0_i32, %c0_i32_0 : i32, i32
  }
  func.func @transform_10(%arg0: i32, %arg1: i32) -> (i32, i32) {
    %mul3A = arith.muli %arg1, %arg0 : i32
    %c0_i32 = arith.constant 0 : i32
    %c0_i32_0 = arith.constant 0 : i32
    return %mul3A, %c0_i32 : i32, i32
  }
}

module attributes {stable_mosaic.version = 14 : i64} {
  func.func @_last_body(%arg0: i32, %arg1: memref<5000x128xf32, #tpu.memory_space<vmem>>, %arg2: memref<5000x128xf32, #tpu.memory_space<vmem>>, %arg3: memref<5000x128xf32, #tpu.memory_space<vmem>>, %arg4: memref<1x128xf32, #tpu.memory_space<vmem>>, %arg5: memref<256x128xf32, #tpu.memory_space<vmem>>, %arg6: memref<1x128xf32, #tpu.memory_space<vmem>>, %arg7: memref<1x128xf32, #tpu.memory_space<vmem>>, %arg8: memref<1x128xf32, #tpu.memory_space<vmem>>, %arg9: memref<5000x128xf32, #tpu.memory_space<vmem>>) attributes {dimension_semantics = [#tpu.dimension_semantics<arbitrary>], iteration_bounds = array<i64: 2>, scalar_prefetch = 0 : i64, scratch_operands = 0 : i64, tpu.core_type = #tpu.core_type<tc>, window_params = [{transform_indices = @transform_0, window_bounds = array<i64: 5000, 128>}, {transform_indices = @transform_1, window_bounds = array<i64: 5000, 128>}, {transform_indices = @transform_2, window_bounds = array<i64: 5000, 128>}, {pipeline_mode = #tpu.pipeline_mode<synchronous>, transform_indices = @transform_3, window_bounds = array<i64: 1, 128>}, {pipeline_mode = #tpu.pipeline_mode<synchronous>, transform_indices = @transform_4, window_bounds = array<i64: 256, 128>}, {pipeline_mode = #tpu.pipeline_mode<synchronous>, transform_indices = @transform_5, window_bounds = array<i64: 1, 128>}, {pipeline_mode = #tpu.pipeline_mode<synchronous>, transform_indices = @transform_6, window_bounds = array<i64: 1, 128>}, {pipeline_mode = #tpu.pipeline_mode<synchronous>, transform_indices = @transform_7, window_bounds = array<i64: 1, 128>}, {transform_indices = @transform_8, window_bounds = array<i64: 5000, 128>}]} {
    %get3A = arith.constant 0 : index
    %get3A_0 = arith.constant 0 : index
    %get3A_1 = vector.load %arg1[%get3A, %get3A_0] : memref<5000x128xf32, #tpu.memory_space<vmem>>, vector<5000x128xf32>
    %get3A_2 = arith.constant 0 : index
    %get3A_3 = arith.constant 0 : index
    %get3A_4 = vector.load %arg2[%get3A_2, %get3A_3] : memref<5000x128xf32, #tpu.memory_space<vmem>>, vector<5000x128xf32>
    %get3A_5 = arith.constant 0 : index
    %get3A_6 = arith.constant 0 : index
    %get3A_7 = vector.load %arg3[%get3A_5, %get3A_6] : memref<5000x128xf32, #tpu.memory_space<vmem>>, vector<5000x128xf32>
    %add3A = arith.addf %get3A_4, %get3A_7 : vector<5000x128xf32>
    %reduce_max3A = arith.constant dense<0xFF800000> : vector<5000xf32>
    %reduce_max3A_8 = vector.multi_reduction <maximumf>, %add3A, %reduce_max3A [1] : vector<5000x128xf32> to vector<5000xf32>
    %broadcast_in_dim3A = vector.shape_cast %reduce_max3A_8 : vector<5000xf32> to vector<5000x1xf32>
    %gt3A = arith.constant 0.000000e+00 : f32
    %gt3A_9 = vector.broadcast %gt3A : f32 to vector<5000x1xf32>
    %gt3A_10 = arith.cmpf ogt, %broadcast_in_dim3A, %gt3A_9 : vector<5000x1xf32>
    %get3A_11 = arith.constant 0 : index
    %get3A_12 = arith.constant 0 : index
    %get3A_13 = vector.load %arg4[%get3A_11, %get3A_12] : memref<1x128xf32, #tpu.memory_space<vmem>>, vector<1x128xf32>
    %max3A = arith.constant 1.000000e-30 : f32
    %max3A_14 = vector.broadcast %max3A : f32 to vector<5000x128xf32>
    %max3A_15 = arith.maximumf %add3A, %max3A_14 : vector<5000x128xf32>
    %log3A = math.log %max3A_15 : vector<5000x128xf32>
    %add3A_16 = vector.broadcast %get3A_13 : vector<1x128xf32> to vector<5000x128xf32>
    %add3A_17 = arith.addf %add3A_16, %log3A : vector<5000x128xf32>
    %jit3A = arith.constant 0.000000e+00 : f32
    %broadcast_in_dim3A_18 = vector.shape_cast %gt3A_10 : vector<5000x1xi1> to vector<5000x1xi1>
    %broadcast_in_dim3A_19 = vector.broadcast %broadcast_in_dim3A_18 : vector<5000x1xi1> to vector<5000x128xi1>
    %broadcast_in_dim3A_20 = vector.broadcast %jit3A : f32 to vector<5000x128xf32>
    %select_n3A = arith.select %broadcast_in_dim3A_19, %add3A_17, %broadcast_in_dim3A_20 : vector<5000x128xi1>, vector<5000x128xf32>
    %get3A_21 = arith.constant 0 : index
    %get3A_22 = arith.constant 0 : index
    %get3A_23 = vector.load %arg5[%get3A_21, %get3A_22] : memref<256x128xf32, #tpu.memory_space<vmem>>, vector<128x128xf32>
    %dot_general3A = arith.constant dense<0.000000e+00> : vector<5000x128xf32>
    %dot_general3A_24 = tpu.matmul %get3A_1, %get3A_23, %dot_general3A {dimension_numbers = #tpu.dot_dimension_numbers<[1], [0], [0], [1], [0, 0, 1, 1], [], []>, transpose_lhs_hint = false} : vector<5000x128xf32>, vector<128x128xf32>, vector<5000x128xf32> -> vector<5000x128xf32>
    %get3A_25 = arith.constant 128 : index
    %get3A_26 = arith.constant 0 : index
    %get3A_27 = vector.load %arg5[%get3A_25, %get3A_26] : memref<256x128xf32, #tpu.memory_space<vmem>>, vector<128x128xf32>
    %dot_general3A_28 = arith.constant dense<0.000000e+00> : vector<5000x128xf32>
    %dot_general3A_29 = tpu.matmul %select_n3A, %get3A_27, %dot_general3A_28 {dimension_numbers = #tpu.dot_dimension_numbers<[1], [0], [0], [1], [0, 0, 1, 1], [], []>, transpose_lhs_hint = false} : vector<5000x128xf32>, vector<128x128xf32>, vector<5000x128xf32> -> vector<5000x128xf32>
    %add3A_30 = arith.addf %dot_general3A_24, %dot_general3A_29 : vector<5000x128xf32>
    %get3A_31 = arith.constant 0 : index
    %get3A_32 = arith.constant 0 : index
    %get3A_33 = vector.load %arg6[%get3A_31, %get3A_32] : memref<1x128xf32, #tpu.memory_space<vmem>>, vector<1x128xf32>
    %add3A_34 = vector.broadcast %get3A_33 : vector<1x128xf32> to vector<5000x128xf32>
    %add3A_35 = arith.addf %add3A_30, %add3A_34 : vector<5000x128xf32>
    %reduce_sum3A = arith.constant dense<0.000000e+00> : vector<5000xf32>
    %reduce_sum3A_36 = vector.multi_reduction <add>, %add3A_35, %reduce_sum3A [1] : vector<5000x128xf32> to vector<5000xf32>
    %broadcast_in_dim3A_37 = vector.shape_cast %reduce_sum3A_36 : vector<5000xf32> to vector<5000x1xf32>
    %div3A = arith.constant 1.280000e+02 : f32
    %div3A_38 = vector.broadcast %div3A : f32 to vector<5000x1xf32>
    %div3A_39 = arith.divf %broadcast_in_dim3A_37, %div3A_38 : vector<5000x1xf32>
    %sub3A = vector.broadcast %div3A_39 : vector<5000x1xf32> to vector<5000x128xf32>
    %sub3A_40 = arith.subf %add3A_35, %sub3A : vector<5000x128xf32>
    %mul3A = arith.mulf %sub3A_40, %sub3A_40 : vector<5000x128xf32>
    %reduce_sum3A_41 = arith.constant dense<0.000000e+00> : vector<5000xf32>
    %reduce_sum3A_42 = vector.multi_reduction <add>, %mul3A, %reduce_sum3A_41 [1] : vector<5000x128xf32> to vector<5000xf32>
    %broadcast_in_dim3A_43 = vector.shape_cast %reduce_sum3A_42 : vector<5000xf32> to vector<5000x1xf32>
    %div3A_44 = arith.constant 1.280000e+02 : f32
    %div3A_45 = vector.broadcast %div3A_44 : f32 to vector<5000x1xf32>
    %div3A_46 = arith.divf %broadcast_in_dim3A_43, %div3A_45 : vector<5000x1xf32>
    %add3A_47 = arith.constant 9.99999974E-6 : f32
    %add3A_48 = vector.broadcast %add3A_47 : f32 to vector<5000x1xf32>
    %add3A_49 = arith.addf %div3A_46, %add3A_48 : vector<5000x1xf32>
    %rsqrt3A = math.rsqrt %add3A_49 : vector<5000x1xf32>
    %mul3A_50 = vector.broadcast %rsqrt3A : vector<5000x1xf32> to vector<5000x128xf32>
    %mul3A_51 = arith.mulf %sub3A_40, %mul3A_50 : vector<5000x128xf32>
    %get3A_52 = arith.constant 0 : index
    %get3A_53 = arith.constant 0 : index
    %get3A_54 = vector.load %arg7[%get3A_52, %get3A_53] : memref<1x128xf32, #tpu.memory_space<vmem>>, vector<1x128xf32>
    %mul3A_55 = vector.broadcast %get3A_54 : vector<1x128xf32> to vector<5000x128xf32>
    %mul3A_56 = arith.mulf %mul3A_51, %mul3A_55 : vector<5000x128xf32>
    %get3A_57 = arith.constant 0 : index
    %get3A_58 = arith.constant 0 : index
    %get3A_59 = vector.load %arg8[%get3A_57, %get3A_58] : memref<1x128xf32, #tpu.memory_space<vmem>>, vector<1x128xf32>
    %add3A_60 = vector.broadcast %get3A_59 : vector<1x128xf32> to vector<5000x128xf32>
    %add3A_61 = arith.addf %mul3A_56, %add3A_60 : vector<5000x128xf32>
    %mul3A_62 = arith.constant 5.000000e-01 : f32
    %mul3A_63 = vector.broadcast %mul3A_62 : f32 to vector<5000x128xf32>
    %mul3A_64 = arith.mulf %mul3A_63, %get3A_1 : vector<5000x128xf32>
    %max3A_65 = arith.constant 0.000000e+00 : f32
    %max3A_66 = vector.broadcast %max3A_65 : f32 to vector<5000x128xf32>
    %max3A_67 = arith.maximumf %add3A_61, %max3A_66 : vector<5000x128xf32>
    %mul3A_68 = arith.constant 5.000000e-01 : f32
    %mul3A_69 = vector.broadcast %mul3A_68 : f32 to vector<5000x128xf32>
    %mul3A_70 = arith.mulf %mul3A_69, %max3A_67 : vector<5000x128xf32>
    %add3A_71 = arith.addf %mul3A_64, %mul3A_70 : vector<5000x128xf32>
    %swap3A = arith.constant 0 : index
    %swap3A_72 = arith.constant 0 : index
    %swap3A_73 = vector.load %arg9[%swap3A, %swap3A_72] : memref<5000x128xf32, #tpu.memory_space<vmem>>, vector<5000x128xf32>
    tpu.vector_store %arg9[%swap3A, %swap3A_72], %add3A_71 {strides = array<i32>} : memref<5000x128xf32, #tpu.memory_space<vmem>>, vector<5000x128xf32>,
    return
  }
  func.func @transform_0(%arg0: i32) -> (i32, i32) {
    %c0_i32 = arith.constant 0 : i32
    %c0_i32_0 = arith.constant 0 : i32
    return %arg0, %c0_i32 : i32, i32
  }
  func.func @transform_1(%arg0: i32) -> (i32, i32) {
    %c0_i32 = arith.constant 0 : i32
    %c0_i32_0 = arith.constant 0 : i32
    return %arg0, %c0_i32 : i32, i32
  }
  func.func @transform_2(%arg0: i32) -> (i32, i32) {
    %c0_i32 = arith.constant 0 : i32
    %c0_i32_0 = arith.constant 0 : i32
    return %arg0, %c0_i32 : i32, i32
  }
  func.func @transform_3(%arg0: i32) -> (i32, i32) {
    %c0_i32 = arith.constant 0 : i32
    %c0_i32_0 = arith.constant 0 : i32
    %c0_i32_1 = arith.constant 0 : i32
    return %c0_i32, %c0_i32_0 : i32, i32
  }
  func.func @transform_4(%arg0: i32) -> (i32, i32) {
    %c0_i32 = arith.constant 0 : i32
    %c0_i32_0 = arith.constant 0 : i32
    %c0_i32_1 = arith.constant 0 : i32
    return %c0_i32, %c0_i32_0 : i32, i32
  }
  func.func @transform_5(%arg0: i32) -> (i32, i32) {
    %c0_i32 = arith.constant 0 : i32
    %c0_i32_0 = arith.constant 0 : i32
    %c0_i32_1 = arith.constant 0 : i32
    return %c0_i32, %c0_i32_0 : i32, i32
  }
  func.func @transform_6(%arg0: i32) -> (i32, i32) {
    %c0_i32 = arith.constant 0 : i32
    %c0_i32_0 = arith.constant 0 : i32
    %c0_i32_1 = arith.constant 0 : i32
    return %c0_i32, %c0_i32_0 : i32, i32
  }
  func.func @transform_7(%arg0: i32) -> (i32, i32) {
    %c0_i32 = arith.constant 0 : i32
    %c0_i32_0 = arith.constant 0 : i32
    %c0_i32_1 = arith.constant 0 : i32
    return %c0_i32, %c0_i32_0 : i32, i32
  }
  func.func @transform_8(%arg0: i32) -> (i32, i32) {
    %c0_i32 = arith.constant 0 : i32
    %c0_i32_0 = arith.constant 0 : i32
    return %arg0, %c0_i32 : i32, i32
  }
}

</mosaic_0001>

<sc_bundles>
// kernel: kernel.12.cloned.1.call-start
scs
__scs_entry_jumppad:
0x0: {  	(pc) =	sbr.rel $0x88, $3  }
0x1: {  	(tag) =	ssettag $0x0;
	lr =	simm.s32 $0x1  }
0x2: {  	[smem:$0x3F90] =	sst lr;
	_ =	strace $0xD0000000  }
0x3: {  	_ = 	snop  }
0x4: {  	_ = 	snop  }
0x5: {  	_ = 	snop  }
0x6: {  	_ = 	snop  }
0x7: {  	_ = 	snop  }
__scs_overlays_trampoline_lowered:
0x8: {  	[smem:$0x3F9F] =	sst s0  }
0x9: {  	[smem:$0x3FA0] =	sst s1  }
0xa: {  	[smem:$0x3FA1] =	sst s2  }
0xb: {  	[smem:$0x3FA2] =	sst s3  }
0xc: {  	[smem:$0x3FA3] =	sst s4  }
0xd: {  	[smem:$0x3FA4] =	sst s5  }
0xe: {  	[smem:$0x3FA5] =	sst s6  }
0xf: {  	[smem:$0x3FA6] =	sst s7  }
0x10: {  	[smem:$0x3FA7] =	sst s8  }
0x11: {  	[smem:$0x3FA8] =	sst s9;
	s0 =	simm.s32 @!p0 $0x0  }
0x12: {  	s1 =	sld [smem:$0x3F8E];
	s0 =	simm.s32 @p0 $0x1  }
0x13: {  	[smem:$0x3FA9] =	sst s0;
	s0 =	simm.s32 @!p1 $0x0  }
0x14: {  	s2 =	sld [smem:$0x3F8D];
	s0 =	simm.s32 @p1 $0x1  }
0x15: {  	[smem:$0x3FAA] =	sst s0;
	s0 =	simm.s32 @!p2 $0x0  }
0x16: {  	s3 =	sld [smem:$0x3FDB];
	s0 =	simm.s32 @p2 $0x1  }
0x17: {  	s4 =	simm.s32 $0x1BF5;
	[smem:$0x3FAC] =	sst s0  }
0x18: {  	s0 =	sld [smem:$0x3F8F];
	_ =	swait.ge [sflag:s4], $0x0  }
0x19: {  	s7 =	sld [smem:$0x3F90]  }
0x1a: {  	s8 =	sadd.s32 $0xFFFFE003, lr  }
0x1b: {  	s9 =	sadd.s32 $0xFFFFFEF7, lr;
	s5 =	simm.s32 $0xFFFFFFFF;
	p2 =	slt.u32 s8, $0xFFFFF086  }
0x1c: {  	p1 =	slt.u32 s9, $0xF7A;
	s5 =	simm.s32 @!p2 $0x0  }
0x1d: {  	s5 =	simm.s32 @p1 $0x1;
	p0 =	seq.s32 s7, s2  }
0x1e: {  	s7 =	smul.u32 @!p0 $0xF7A, s2;
	p2 =	seq.s32 @!p0 s5, $0x0  }
0x1f: {  	s9 =	smul.u32 $0xF7A, s1;
	s8 =	simm.s32 @!p0 $0x1BF5;
	p2 =	por !p2, p0  }
0x20: {  	[sflag:s8] =	ssyncset.s32 @!p0 $0xFFFFF086;
	s6 =	sadd.s32 @!p0 s3, s7;
	s7 =	simm.s32 @!p0 $0x108  }
0x21: {  	s3 =	sadd.s32 s3, s9;
	s6 =	sadd.s32 @!p0 $0x88, s6;
	s7 =	simm.s32 @p2 $0x1082  }
0x22: {  	[simem:s7], [sflag:s8] =	dma.local @!p0 [hbm:s6], $0xF7A  }
0x23: {  	s9 =	sor.u32 $0xD0000000, s2;
	s6 =	simm.s32 $0x108;
	_ =	swait.ge @!p0 [sflag:s8], $0x0  }
0x24: {  	s3 =	sadd.s32 $0x88, s3;
	s6 =	simm.s32 @!p1 $0x1082;
	[sflag:s4] =	ssyncset.s32 $0xFFFFF086  }
0x25: {  	[simem:s6], [sflag:s4] =	dma.local [hbm:s3], $0xF7A  }
0x26: {  	[smem:$0x3F90] =	sst s1;
	(tag) =	ssettag s2;
	_ =	strace s9  }
0x27: {  	s1 =	sld [smem:$0x3FA0]  }
0x28: {  	s2 =	sld [smem:$0x3FA1]  }
0x29: {  	s4 =	sld [smem:$0x3FA3]  }
0x2a: {  	p0 =	seq.s32 s5, $0x0;
	s5 =	sld [smem:$0x3FA4]  }
0x2b: {  	s6 =	sld [smem:$0x3FA5]  }
0x2c: {  	s7 =	sld [smem:$0x3FA6]  }
0x2d: {  	s3 =	simm.s32 $0x108;
	s8 =	sld [smem:$0x3FA7]  }
0x2e: {  	s3 =	simm.s32 @!p0 $0x1082;
	s9 =	sld [smem:$0x3FA8]  }
0x2f: {  	lr =	sadd.s32 s0, s3;
	s0 =	sld [smem:$0x3F9F]  }
0x30: {  	s3 =	sld [smem:$0x3FA2]  }
0x31: {  	[smem:$0x3FAB] =	sst s10  }
0x32: {  	s10 =	sld [smem:$0x3FA9];
	_ =	sdelay $0x3  }
0x33: {  	p0 =	seq.s32 s10, $0x1;
	s10 =	sld [smem:$0x3FAB];
	_ =	sdelay $0x3  }
0x34: {  	[smem:$0x3FAB] =	sst s10  }
0x35: {  	s10 =	sld [smem:$0x3FAA];
	_ =	sdelay $0x3  }
0x36: {  	p1 =	seq.s32 s10, $0x1;
	s10 =	sld [smem:$0x3FAB];
	_ =	sdelay $0x3  }
0x37: {  	[smem:$0x3FAB] =	sst s10  }
0x38: {  	s10 =	sld [smem:$0x3FAC]  }
0x39: {  	_ = 	snop;
	(pc) =	sbr.ind lr, $3  }
0x3a: {  	_ = 	snop  }
0x3b: {  	_ = 	snop  }
0x3c: {  	p2 =	seq.s32 s10, $0x1;
	s10 =	sld [smem:$0x3FAB]  }
0x3d: {  	_ =	shalt  }
0x3e: {  	_ =	shalt  }
0x3f: {  	_ =	shalt  }
0x40: {  	_ =	shalt  }
0x41: {  	_ =	shalt  }
0x42: {  	_ =	shalt  }
0x43: {  	_ =	shalt  }
0x44: {  	_ =	shalt  }
0x45: {  	_ =	shalt  }
0x46: {  	_ =	shalt  }
0x47: {  	_ =	shalt  }
0x48: {  	_ =	shalt  }
0x49: {  	_ =	shalt  }
0x4a: {  	_ =	shalt  }
0x4b: {  	_ =	shalt  }
0x4c: {  	_ =	shalt  }
0x4d: {  	_ =	shalt  }
0x4e: {  	_ =	shalt  }
0x4f: {  	_ =	shalt  }
0x50: {  	_ =	shalt  }
0x51: {  	_ =	shalt  }
0x52: {  	_ =	shalt  }
0x53: {  	_ =	shalt  }
0x54: {  	_ =	shalt  }
0x55: {  	_ =	shalt  }
0x56: {  	_ =	shalt  }
0x57: {  	_ =	shalt  }
0x58: {  	_ =	shalt  }
0x59: {  	_ =	shalt  }
0x5a: {  	_ =	shalt  }
0x5b: {  	_ =	shalt  }
0x5c: {  	_ =	shalt  }
0x5d: {  	_ =	shalt  }
0x5e: {  	_ =	shalt  }
0x5f: {  	_ =	shalt  }
0x60: {  	_ =	shalt  }
0x61: {  	_ =	shalt  }
0x62: {  	_ =	shalt  }
0x63: {  	_ =	shalt  }
0x64: {  	_ =	shalt  }
0x65: {  	_ =	shalt  }
0x66: {  	_ =	shalt  }
0x67: {  	_ =	shalt  }
0x68: {  	_ =	shalt  }
0x69: {  	_ =	shalt  }
0x6a: {  	_ =	shalt  }
0x6b: {  	_ =	shalt  }
0x6c: {  	_ =	shalt  }
0x6d: {  	_ =	shalt  }
0x6e: {  	_ =	shalt  }
0x6f: {  	_ =	shalt  }
0x70: {  	_ =	shalt  }
0x71: {  	_ =	shalt  }
0x72: {  	_ =	shalt  }
0x73: {  	_ =	shalt  }
0x74: {  	_ =	shalt  }
0x75: {  	_ =	shalt  }
0x76: {  	_ =	shalt  }
0x77: {  	_ =	shalt  }
0x78: {  	_ =	shalt  }
0x79: {  	_ =	shalt  }
0x7a: {  	_ =	shalt  }
0x7b: {  	_ =	shalt  }
0x7c: {  	_ =	shalt  }
0x7d: {  	_ =	shalt  }
0x7e: {  	_ =	shalt  }
0x7f: {  	_ =	shalt  }
0x80: {  	_ =	shalt  }
0x81: {  	_ =	shalt  }
0x82: {  	_ =	shalt  }
0x83: {  	_ =	shalt  }
0x84: {  	_ =	shalt  }
0x85: {  	_ =	shalt  }
0x86: {  	_ =	shalt  }
0x87: {  	_ =	shalt  }
.Lfunc_end0:
.L_simem_size_0:
called_computation.1_lowered:
.L_overlay_start_0:
0x88: {  	s2 =	sld [smem:$0x3FD9]  }
0x89: {  	s3 =	sld [smem:$0x3FFE];
	_ =	sdelay $0x1  }
0x8a: {  	s1 =	srdreg.scid  }
0x8b: {  	s0 =	sand.u32 $0x1, s1  }
0x8c: {  	s17 =	sshll.u32 s0, $0xA;
	s2 =	sadd.s32 s3, s2  }
0x8d: {  	s2 =	sadd.s32 s2, s17  }
0x8e: {  	[smem:$0x3FB7] =	sst s2  }
0x8f: {  	_ = 	snop  }
0x90: {  	s2 =	sld [smem:$0x3FD0];
	(tm) =	ssettm $0x1  }
0x91: {  	s18 =	sld [smem:$0x3FFB];
	_ =	sdelay $0x3  }
0x92: {  	_ =	strace s18  }
0x93: {  	s3 =	sld [smem:$0x3FFC];
	_ =	sdelay $0x3  }
0x94: {  	_ =	strace s3  }
0x95: {  	s3 =	sld [smem:$0x3FFD];
	_ =	sdelay $0x3  }
0x96: {  	_ =	strace s3  }
0x97: {  	_ =	strace $0x8FFFFFFF  }
0x98: {  	s19 =	sld [smem:$0x3FDB];
	_ =	sdelay $0x1  }
0x99: {  	s4 =	simm.s32 $_scs_section_size  }
0x9a: {  	s5 =	simm.s32 $_size__tile_overlayer_lowered;
	s6 =	simm.s32 $_tile_overlayer_lowered  }
0x9b: {  	s22 =	simm.s32 $0x1BFF;
	s21 =	sshll.u32 s6, $0x1;
	s3 =	sadd.s32 s4, s19  }
0x9c: {  	s7 =	simm.s32 $0x0;
	s20 =	sshll.u32 s5, $0x1;
	s5 =	sadd.s32 s21, s3  }
0x9d: {  	[timem:s7], [sflag:s22] =	dma.local [hbm:s5], s20  }
0x9e: {  	_ =	swait.ge [sflag:s22], s20  }
0x9f: {  	s4 =	ssub.s32 $0x0, s20;
	[sflag:s22] =	ssyncset.done $0x0  }
0xa0: {  	[sflag:s22] =	ssyncadd.s32 s4;
	_ =	sdelay $0x1  }
0xa1: {  	s23 =	simm.s32 $0x1B8B  }
0xa2: {  	_ =	swait.ge [sflag:s23], $0x1  }
0xa3: {  	[sflag:s23] =	ssyncset.done $0x0  }
0xa4: {  	s25 =	simm.s32 $0x1B8E;
	s24 =	sld [smem:$0x3FFE];
	[sflag:s23] =	ssyncadd.s32 $0xFFFFFFFF  }
0xa5: {  	s26 =	simm.s32 $execute0_lowered;
	[smem:$0x3FD2] =	sst s25  }
0xa6: {  	s5 =	sshll.u32 s26, $0x1;
	_ =	strace $0x80000049;
	[dreg:$0x1] =	wrdreg $0xFFFFFFFF  }
0xa7: {  	s28 =	simm.s32 $_size_execute0_lowered;
	s3 =	sadd.s32 s3, s5;
	[dreg:$0x0] =	wrdreg $0x0  }
0xa8: {  	s5 =	sshll.u32 s28, $0x1;
	[dreg:$0x2] =	wrdreg s3  }
0xa9: {  	[dreg:$0x3] =	wrdreg s5  }
0xaa: {  	[dreg:$0x4] =	wrdreg $0xC0  }
0xab: {  	_ =	task [dreg:s7], $0x5FFFF  }
0xac: {  	[dreg:$0x1] =	wrdreg $0xFFFFFFFF  }
0xad: {  	[dreg:$0x0] =	wrdreg $0x60  }
0xae: {  	[dreg:$0x2] =	wrdreg s2  }
0xaf: {  	[dreg:$0x3] =	wrdreg s24  }
0xb0: {  	[dreg:$0x4] =	wrdreg $0xC3000  }
0xb1: {  	[dreg:$0x5] =	wrdreg $0x9  }
0xb2: {  	_ =	task.clear_ibuf [dreg:s7], $0x6FFFF;
	_ =	strace $0x90000049  }
0xb3: {  	s29 =	simm.s32 $0x9;
	_ =	strace $0x8000004B  }
0xb4: {  	_ =	swait.ge [sflag:s29], $0x1  }
0xb5: {  	[sflag:s29] =	ssyncadd.s32 $0xFFFFFFFF  }
0xb6: {  	_ =	strace $0x9000004B  }
0xb7: {  	_ =	sfence  }
0xb8: {  	s30 =	sld [smem:$0x0];
	_ =	sdelay $0x2  }
0xb9: {  	s31 =	sshll.u32 s1, $0xD;
	s1 =	sshrl.u32 s1, $0x2  }
0xba: {  	s3 =	sand.u32 $0x4000, s31;
	s1 =	sadd.s32 s1, s30  }
0xbb: {  	s0 =	sor.u32 s3, s0;
	s1 =	sshll.u32 s1, $0x11  }
0xbc: {  	s0 =	sor.u32 s1, s0  }
0xbd: {  	s0 =	sadd.s32 $0x8F2B, s0  }
0xbe: {  	[sflag:s0] =	ssyncadd.remote.s32 $0x1  }
0xbf: {  	_ =	sfence.sel $0xFFFF  }
0xc0: {  	[dreg:$0x0] =	wrdreg $0xFFFFFFFF;
	(pc) =	sbr.abs _section_cstart, $3  }
0xc1: {  	[dreg:$0x1] =	wrdreg $0xFFFFFFFF  }
0xc2: {  	_ =	task.clear_ibuf [dreg:s7], $0x2FFFF;
	_ =	strace $0x9FFFFFFF  }
0xc3: {  	(tm) =	ssettm $0x7FFFFFFF  }
tec
execute0_lowered:
.L_overlay_start_1:
0x0: {  	(tag) =	ssettag $0x1  }
0x1: {  	s1 =	rddreg [dreg:$0x0]  }
0x2: {  	s0 =	rddreg [dreg:$0x1]  }
0x3: {  	s3 =	rddreg [dreg:$0x2];
	s2 =	srdreg.scid  }
0x4: {  	s12 =	stileid.u32;
	s4 =	simm.s32 $0x0;
	s28 =	simm.s32 $0x300  }
0x5: {  	s29 =	simm.s32 $0xB;
	s30 =	simm.s32 $0x4300;
	s31 =	simm.s32 $0x100  }
0x6: {  	s2 =	sand.u32 $0x1, s2;
	s5 =	sshll.u32 s12, $0x1;
	[smem:$0x7FF] =	sst s4  }
0x7: {  	s6 =	sadd.s32 $0x3C00, s0;
	s7 =	sadd.s32 $0xDC00, s0;
	s11 =	smul.u32 $0x4E000, s12  }
0x8: {  	s0 =	sadd.s32 $0x17C00, s0;
	s17 =	smul.u32 $0x13800, s12;
	s21 =	sadd.s32 $0x138000, s3  }
0x9: {  	p0 =	sne.s32 s12, $0xF;
	s12 =	simm.s32 $0xC;
	s5 =	sor.u32 s2, s5  }
0xa: {  	_ =	strace $0x8000004A;
	s8 =	ssub.s32 $0x2, s2;
	s2 =	smul.u32 $0x138800, s2  }
0xb: {  	[dreg:$0xb] =	wrdreg s21;
	s21 =	simm.s32 $0x0;
	s5 =	smul.u32 $0x2800, s5  }
0xc: {  	s9 =	sshrl.u32 s8, $0x1;
	s16 =	sshrl.u32 s11, $0x2;
	s11 =	simm.s32 $0x280  }
0xd: {  	s8 =	ssub.s32 s8, s9;
	s20 =	sadd.s32 s17, s2;
	s10 =	sshrl.u32 s5, $0x3  }
0xe: {  	s2 =	sshrl.u32 s2, $0x3;
	s23 =	smax.u32 s8, $0x1;
	s15 =	sor.u32 $0x10, s10  }
0xf: {  	s13 =	sadd.s32 s6, s10;
	s10 =	sadd.s32 s7, s10;
	[dreg:$0xe] =	wrdreg s23  }
0x10: {  	s17 =	simm.s32 $0x6;
	s2 =	sadd.s32 s0, s2;
	[dreg:$0x6] =	wrdreg s10  }
0x11: {  	s8 =	simm.s32 $0x2;
	s22 =	sadd.s32 $0x27000, s2;
	[dreg:$0x4] =	wrdreg s13  }
0x12: {  	s23 =	simm.s32 $0x180;
	s14 =	sadd.s32 s6, s15;
	[dreg:$0xd] =	wrdreg s22  }
0x13: {  	s2 =	simm.s32 $0x7;
	s9 =	sadd.s32 s7, s15;
	[dreg:$0x5] =	wrdreg s14  }
0x14: {  	s18 =	sadd.s32 $0x20, s13;
	s10 =	sadd.s32 s16, s3;
	[dreg:$0x7] =	wrdreg s9  }
0x15: {  	s22 =	simm.s32 $0x80;
	s16 =	simm.s32 $0x3;
	[dreg:$0x8] =	wrdreg s18  }
0x16: {  	s19 =	sadd.s32 $0xFA00, s10;
	s9 =	sshrl.u32 s20, $0x3;
	[dreg:$0x9] =	wrdreg s10  }
0x17: {  	s24 =	sadd.s32 $0x3E80, s10;
	s25 =	sadd.s32 $0x7D00, s10;
	[dreg:$0xa] =	wrdreg s19  }
.Ltmp0:
0x18: {  	s26 =	sadd.s32 $0xBB80, s10;
	[dreg:$0xf] =	wrdreg s24;
	(pc) =	sbr.rel .LBB2_1-.Ltmp0, $4  }
0x19: {  	s10 =	simm.s32 $0x4;
	s14 =	simm.s32 $0x5;
	[dreg:$0x10] =	wrdreg s25  }
0x1a: {  	s18 =	simm.s32 $0x8;
	s0 =	sadd.s32 s0, s9;
	[dreg:$0x11] =	wrdreg s26  }
0x1b: {  	s24 =	simm.s32 $0x200;
	s25 =	simm.s32 $0xA;
	s26 =	simm.s32 $0x7D  }
0x1c: {  	v0 =	vimm.f32 $0.0e+00;
	s9 =	simm.s32 $0x1;
	[dreg:$0xc] =	wrdreg s0;
	s0 =	simm.s32 $0x8300  }
.LBB2_6:
0x1d: {  	_ =	swait.ge [sflag:s9], $0x3E80  }
0x1e: {  	[sflag:s9] =	ssyncset.done $0x0  }
0x1f: {  	[sflag:s9] =	ssyncadd.s32 $0xFFFFC180  }
0x20: {  	_ =	swait.ge [sflag:s10], $0x80  }
0x21: {  	[sflag:s10] =	ssyncset.done $0x0  }
0x22: {  	s13 =	simm.s32 $0x9;
	[sflag:s10] =	ssyncadd.s32 $0xFFFFFF80  }
0x23: {  	[spmem:s3] =	stream.indirect.scatter.add.f32 [tilespmem:s28], [sflag:$0x7], $0x80, s23, s26, $0xb8;
	[tilespmem:$0x1FB80] =	vst v63  }
0x24: {  	_ =	swait.ge [sflag:s13], $0x3E80  }
0x25: {  	[sflag:s13] =	ssyncset.done $0x0  }
0x26: {  	[sflag:s13] =	ssyncadd.s32 $0xFFFFC180  }
0x27: {  	_ =	swait.ge [sflag:s8], $0x3E80  }
0x28: {  	[sflag:s8] =	ssyncset.done $0x0  }
0x29: {  	[sflag:s8] =	ssyncadd.s32 $0xFFFFC180  }
0x2a: {  	_ =	swait.ge [sflag:s14], $0x80  }
0x2b: {  	[sflag:s14] =	ssyncset.done $0x0  }
0x2c: {  	[sflag:s14] =	ssyncadd.s32 $0xFFFFFF80  }
0x2d: {  	[spmem:s3] =	stream.indirect.scatter.add.f32 [tilespmem:s30], [sflag:$0x8], $0x80, s24, s26, $0xb8;
	[tilespmem:$0x1FB80] =	vst v63  }
0x2e: {  	_ =	swait.ge [sflag:s2], $0x3E80  }
0x2f: {  	[sflag:s2] =	ssyncset.done $0x0  }
0x30: {  	[sflag:s2] =	ssyncadd.s32 $0xFFFFC180  }
0x31: {  	_ =	swait.ge [sflag:s18], $0x3E80  }
0x32: {  	[sflag:s18] =	ssyncset.done $0x0  }
0x33: {  	[sflag:s18] =	ssyncadd.s32 $0xFFFFC180  }
0x34: {  	s15 =	stileid.u32;
	[bflag:$0x0] =	sbarrier.arrive $0xFFFF  }
0x35: {  	s13 =	sshll.u32 s15, $0x6;
	s15 =	rddreg [dreg:$0x9]  }
0x36: {  	s13 =	sor.u32 $0x1C0D, s13;
	s19 =	rddreg [dreg:$0xc];
	s15 =	sshrl.u32 s15, $0x3  }
0x37: {  	[hbm:s19], [sflag:s13] =	dma.local [spmem:s15], $0x2700  }
0x38: {  	s19 =	simm.s32 $0xD  }
0x39: {  	_ =	swait.ge [sflag:s19], $0x2700  }
0x3a: {  	[sflag:s19] =	ssyncset.done $0x0;
	s15 =	rddreg [dreg:$0xb]  }
0x3b: {  	[sflag:s19] =	ssyncadd.s32 $0xFFFFD900;
	s15 =	sshrl.u32 @!p0 s15, $0x3;
	s19 =	rddreg [dreg:$0xd]  }
0x3c: {  	[hbm:s19], [sflag:s13] =	dma.local @!p0 [spmem:s15], $0x100  }
0x3d: {  	s13 =	simm.s32 @!p0 $0xD  }
0x3e: {  	_ =	swait.ge @!p0 [sflag:s13], $0x100  }
0x3f: {  	s21 =	sadd.s32 $0x1, s21;
	s20 =	rddreg [dreg:$0xe]  }
0x40: {  	p1 =	sne.s32 s21, s20  }
.Ltmp1:
0x41: {  	_ = 	snop;
	(pc) =	sbr.rel @!p1 .LBB2_7-.Ltmp1, $3  }
0x42: {  	_ =	sdelay $0x1  }
0x43: {  	[sflag:s13] =	ssyncset.done @!p0 $0x0  }
0x44: {  	[sflag:s13] =	ssyncadd.s32 @!p0 $0xFFFFFF00  }
.LBB2_1:
0x45: {  	s13 =	rddreg [dreg:$0x4]  }
0x46: {  	[tilespmem:s4], [sflag:$0xA] =	stream.linear.gather [hbm4b:s13+s4], $0x80, $0x38;
	[tilespmem:$0x1FB80] =	vst v63  }
0x47: {  	s20 =	rddreg [dreg:$0x5]  }
0x48: {  	[tilespmem:s22], [sflag:$0xB] =	stream.linear.gather [hbm4b:s20+s4], $0x80, $0x38;
	[tilespmem:$0x1FB80] =	vst v63  }
0x49: {  	s15 =	rddreg [dreg:$0x6]  }
0x4a: {  	[tilespmem:s23], [sflag:$0x4] =	stream.linear.gather [hbm4b:s15+s4], $0x80, $0x38;
	[tilespmem:$0x1FB80] =	vst v63  }
0x4b: {  	s19 =	rddreg [dreg:$0x7]  }
0x4c: {  	[tilespmem:s24], [sflag:$0x5] =	stream.linear.gather [hbm4b:s19+s4], $0x80, $0x38;
	[tilespmem:$0x1FB80] =	vst v63  }
0x4d: {  	_ =	swait.ge [sflag:s25], $0x80  }
0x4e: {  	[sflag:s25] =	ssyncset.done $0x0  }
0x4f: {  	[sflag:s25] =	ssyncadd.s32 $0xFFFFFF80  }
0x50: {  	[tilespmem:s28], [sflag:$0x1] =	stream.indirect.gather [hbm4b:s1+s26], $0x80, s4, s26, $0xb8;
	[tilespmem:$0x1FB80] =	vst v63  }
0x51: {  	_ =	swait.ge [sflag:s29], $0x80  }
0x52: {  	[sflag:s29] =	ssyncset.done $0x0  }
0x53: {  	[sflag:s29] =	ssyncadd.s32 $0xFFFFFF80  }
0x54: {  	[tilespmem:s30], [sflag:$0x2] =	stream.indirect.gather [hbm4b:s1+s26], $0x80, s22, s26, $0xb8;
	[tilespmem:$0x1FB80] =	vst v63  }
0x55: {  	s20 =	rddreg [dreg:$0x8]  }
0x56: {  	[tilespmem:s31], [sflag:$0xC] =	stream.linear.gather [hbm4b:s20+s4], $0x80, $0x38;
	[tilespmem:$0x1FB80] =	vst v63  }
0x57: {  	s19 =	simm.s32 $0x0;
	s20 =	simm.s32 $0x200  }
.LBB2_2:
0x58: {  	p1 =	sne.s32 s20, $0xF800;
	[tilespmem:s19+$0x8370] =	vst v0  }
0x59: {  	[tilespmem:s19+$0x8300] =	vst v0  }
0x5a: {  	[tilespmem:s19+$0x8310] =	vst v0  }
.Ltmp2:
0x5b: {  	[tilespmem:s19+$0x8320] =	vst v0;
	(pc) =	sbr.rel @p1 .LBB2_2-.Ltmp2, $4  }
0x5c: {  	[tilespmem:s19+$0x8330] =	vst v0  }
0x5d: {  	[tilespmem:s19+$0x8340] =	vst v0  }
0x5e: {  	[tilespmem:s19+$0x8350] =	vst v0  }
0x5f: {  	[tilespmem:s19+$0x8360] =	vst v0;
	s19 =	sshra.s32 s20, $0x2;
	s20 =	sadd.s32 $0x200, s20  }
0x60: {  	[tilespmem:s19+$0x8370] =	vst v0  }
0x61: {  	[tilespmem:s19+$0x8300] =	vst v0  }
0x62: {  	[tilespmem:s19+$0x8310] =	vst v0  }
0x63: {  	[tilespmem:s19+$0x8320] =	vst v0  }
0x64: {  	[tilespmem:s19+$0x8330] =	vst v0  }
0x65: {  	[tilespmem:s19+$0x8340] =	vst v0  }
0x66: {  	[tilespmem:s19+$0x8350] =	vst v0  }
0x67: {  	[tilespmem:s19+$0x8360] =	vst v0;
	s13 =	rddreg [dreg:$0x9]  }
0x68: {  	[spmem:s13] =	stream.linear.scatter [tilespmem:s0], [sflag:$0x7], $0x3E80, $0x38;
	[tilespmem:$0x1FB80] =	vst v63  }
0x69: {  	s20 =	rddreg [dreg:$0xf]  }
0x6a: {  	[spmem:s20] =	stream.linear.scatter [tilespmem:s0], [sflag:$0x7], $0x3E80, $0x38;
	[tilespmem:$0x1FB80] =	vst v63  }
0x6b: {  	s15 =	rddreg [dreg:$0x10]  }
0x6c: {  	[spmem:s15] =	stream.linear.scatter [tilespmem:s0], [sflag:$0x7], $0x3E80, $0x38;
	[tilespmem:$0x1FB80] =	vst v63  }
0x6d: {  	s19 =	rddreg [dreg:$0x11]  }
0x6e: {  	[spmem:s19] =	stream.linear.scatter [tilespmem:s0], [sflag:$0x7], $0x3E80, $0x38;
	[tilespmem:$0x1FB80] =	vst v63  }
0x6f: {  	s20 =	rddreg [dreg:$0xa]  }
0x70: {  	[spmem:s20] =	stream.linear.scatter [tilespmem:s0], [sflag:$0x7], $0x3E00, $0x38;
	[tilespmem:$0x1FB80] =	vst v63  }
0x71: {  	s13 =	rddreg [dreg:$0xb];
	s19 =	simm.s32 @!p0 $0x8300  }
0x72: {  	[spmem:s13] =	stream.linear.scatter @!p0 [tilespmem:s19], [sflag:$0x7], $0x800, $0x38;
	[tilespmem:$0x1FB80] =	vst v63  }
0x73: {  	_ =	swait.ge [sflag:s2], $0x3E80  }
0x74: {  	[sflag:s2] =	ssyncset.done $0x0  }
0x75: {  	[sflag:s2] =	ssyncadd.s32 $0xFFFFC180  }
0x76: {  	_ =	swait.ge [sflag:s2], $0x3E80  }
0x77: {  	[sflag:s2] =	ssyncset.done $0x0  }
0x78: {  	[sflag:s2] =	ssyncadd.s32 $0xFFFFC180  }
0x79: {  	_ =	swait.ge [sflag:s2], $0x3E80  }
0x7a: {  	[sflag:s2] =	ssyncset.done $0x0  }
0x7b: {  	[sflag:s2] =	ssyncadd.s32 $0xFFFFC180  }
0x7c: {  	_ =	swait.ge [sflag:s2], $0x3E80  }
0x7d: {  	[sflag:s2] =	ssyncset.done $0x0  }
0x7e: {  	[sflag:s2] =	ssyncadd.s32 $0xFFFFC180  }
0x7f: {  	_ =	swait.ge [sflag:s2], $0x3E00  }
0x80: {  	[sflag:s2] =	ssyncset.done $0x0  }
0x81: {  	s19 =	simm.s32 @!p0 $0x7;
	[sflag:s2] =	ssyncadd.s32 $0xFFFFC200  }
0x82: {  	_ =	swait.ge @!p0 [sflag:s19], $0x800  }
0x83: {  	[sflag:s19] =	ssyncset.done @!p0 $0x0  }
0x84: {  	[sflag:s19] =	ssyncadd.s32 @!p0 $0xFFFFF800  }
0x85: {  	s19 =	simm.s32 $0x280;
	[bflag:$0x0] =	sbarrier.arrive $0xFFFF  }
.LBB2_4:
0x86: {  	_ =	swait.ge [sflag:s9], $0x3E80  }
0x87: {  	[sflag:s9] =	ssyncset.done $0x0  }
0x88: {  	[sflag:s9] =	ssyncadd.s32 $0xFFFFC180  }
0x89: {  	s20 =	sadd.s32 $0xFFFFFE80, s19;
	p1 =	seq.s32 s19, $0x280;
	_ =	swait.ge [sflag:s10], $0x80  }
0x8a: {  	s15 =	sand.u32 $0x7C00, s20;
	s13 =	simm.s32 @!p1 $0x9;
	[sflag:s10] =	ssyncset.done $0x0  }
0x8b: {  	s20 =	sand.u32 $0x380, s20;
	s15 =	sadd.s32 s5, s15;
	[sflag:s10] =	ssyncadd.s32 $0xFFFFFF80  }
0x8c: {  	[spmem:s3] =	stream.indirect.scatter.add.f32 [tilespmem:s28], [sflag:$0x7], $0x80, s23, s26, $0xb8;
	[tilespmem:$0x1FB80] =	vst v63  }
0x8d: {  	s15 =	sor.u32 s20, s15;
	_ =	swait.ge @!p1 [sflag:s13], $0x3E80  }
0x8e: {  	s15 =	sshrl.u32 s15, $0x3;
	[sflag:s13] =	ssyncset.done @!p1 $0x0  }
0x8f: {  	s15 =	sadd.s32 s7, s15;
	[sflag:s13] =	ssyncadd.s32 @!p1 $0xFFFFC180;
	s13 =	sadd.s32 $0xFFFFFF00, s19  }
0x90: {  	[tilespmem:s11], [sflag:$0x6] =	stream.linear.gather [hbm4b:s15+s4], $0x80, $0x38;
	[tilespmem:$0x1FB80] =	vst v63  }
0x91: {  	s20 =	sand.u32 $0x7C00, s13  }
0x92: {  	s13 =	sand.u32 $0x380, s13;
	_ =	swait.ge [sflag:s12], $0x80;
	s15 =	sadd.s32 s5, s20  }
0x93: {  	[sflag:s12] =	ssyncset.done $0x0;
	s13 =	sor.u32 s13, s15  }
0x94: {  	[sflag:s12] =	ssyncadd.s32 $0xFFFFFF80;
	s13 =	sshrl.u32 s13, $0x3  }
0x95: {  	[tilespmem:s0], [sflag:$0x3] =	stream.indirect.gather [hbm4b:s1+s26], $0x80, s31, s26, $0xb8;
	[tilespmem:$0x1FB80] =	vst v63  }
0x96: {  	s20 =	sadd.s32 s6, s13  }
0x97: {  	[tilespmem:s4], [sflag:$0xA] =	stream.linear.gather [hbm4b:s20+s4], $0x80, $0x38;
	[tilespmem:$0x1FB80] =	vst v63  }
0x98: {  	_ =	swait.ge [sflag:s8], $0x3E80  }
0x99: {  	[sflag:s8] =	ssyncset.done $0x0  }
0x9a: {  	[sflag:s8] =	ssyncadd.s32 $0xFFFFC180  }
0x9b: {  	_ =	swait.ge [sflag:s14], $0x80  }
0x9c: {  	[sflag:s14] =	ssyncset.done $0x0  }
0x9d: {  	[sflag:s14] =	ssyncadd.s32 $0xFFFFFF80  }
0x9e: {  	[spmem:s3] =	stream.indirect.scatter.add.f32 [tilespmem:s30], [sflag:$0x8], $0x80, s24, s26, $0xb8;
	[tilespmem:$0x1FB80] =	vst v63  }
0x9f: {  	_ =	swait.ge [sflag:s2], $0x3E80  }
0xa0: {  	[sflag:s2] =	ssyncset.done $0x0  }
0xa1: {  	s13 =	sadd.s32 s7, s13;
	[sflag:s2] =	ssyncadd.s32 $0xFFFFC180  }
0xa2: {  	[tilespmem:s23], [sflag:$0x4] =	stream.linear.gather [hbm4b:s13+s4], $0x80, $0x38;
	[tilespmem:$0x1FB80] =	vst v63  }
0xa3: {  	s13 =	sadd.s32 $0xFFFFFF80, s19  }
0xa4: {  	_ =	swait.ge [sflag:s25], $0x80;
	s20 =	sand.u32 $0x7C00, s13  }
0xa5: {  	s13 =	sand.u32 $0x380, s13;
	[sflag:s25] =	ssyncset.done $0x0;
	s15 =	sadd.s32 s5, s20  }
0xa6: {  	[sflag:s25] =	ssyncadd.s32 $0xFFFFFF80;
	s13 =	sor.u32 s13, s15  }
0xa7: {  	[tilespmem:s28], [sflag:$0x1] =	stream.indirect.gather [hbm4b:s1+s26], $0x80, s4, s26, $0xb8;
	[tilespmem:$0x1FB80] =	vst v63  }
0xa8: {  	s13 =	sshrl.u32 s13, $0x3  }
0xa9: {  	s20 =	sadd.s32 s6, s13  }
0xaa: {  	[tilespmem:s22], [sflag:$0xB] =	stream.linear.gather [hbm4b:s20+s4], $0x80, $0x38;
	[tilespmem:$0x1FB80] =	vst v63  }
0xab: {  	_ =	swait.ge [sflag:s16], $0x3E80  }
0xac: {  	[sflag:s16] =	ssyncset.done $0x0  }
0xad: {  	[sflag:s16] =	ssyncadd.s32 $0xFFFFC180  }
0xae: {  	_ =	swait.ge [sflag:s17], $0x80  }
0xaf: {  	[sflag:s17] =	ssyncset.done $0x0  }
0xb0: {  	[sflag:s17] =	ssyncadd.s32 $0xFFFFFF80  }
0xb1: {  	[spmem:s3] =	stream.indirect.scatter.add.f32 [tilespmem:s0], [sflag:$0x9], $0x80, s11, s26, $0xb8;
	[tilespmem:$0x1FB80] =	vst v63  }
0xb2: {  	_ =	swait.ge [sflag:s18], $0x3E80  }
0xb3: {  	[sflag:s18] =	ssyncset.done $0x0  }
0xb4: {  	p1 =	seq.s32 s19, $0x2800;
	s13 =	sadd.s32 s7, s13;
	[sflag:s18] =	ssyncadd.s32 $0xFFFFC180  }
0xb5: {  	[tilespmem:s24], [sflag:$0x5] =	stream.linear.gather [hbm4b:s13+s4], $0x80, $0x38;
	[tilespmem:$0x1FB80] =	vst v63  }
.Ltmp3:
0xb6: {  	_ = 	snop;
	(pc) =	sbr.rel @p1 .LBB2_6-.Ltmp3, $4  }
0xb7: {  	_ =	swait.ge [sflag:s29], $0x80  }
0xb8: {  	[sflag:s29] =	ssyncset.done $0x0  }
0xb9: {  	[sflag:s29] =	ssyncadd.s32 $0xFFFFFF80  }
0xba: {  	[tilespmem:s30], [sflag:$0x2] =	stream.indirect.gather [hbm4b:s1+s26], $0x80, s22, s26, $0xb8;
	[tilespmem:$0x1FB80] =	vst v63  }
0xbb: {  	s13 =	sand.u32 $0x7C00, s19  }
.Ltmp4:
0xbc: {  	s15 =	sand.u32 $0x380, s19;
	s13 =	sadd.s32 s5, s13;
	(pc) =	sbr.rel .LBB2_4-.Ltmp4, $4  }
0xbd: {  	s13 =	sor.u32 s15, s13  }
0xbe: {  	s13 =	sshrl.u32 s13, $0x3  }
0xbf: {  	s19 =	sadd.s32 $0x180, s19;
	s13 =	sadd.s32 s6, s13  }
0xc0: {  	[tilespmem:s31], [sflag:$0xC] =	stream.linear.gather [hbm4b:s13+s4], $0x80, $0x38;
	[tilespmem:$0x1FB80] =	vst v63  }
.LBB2_7:
0xc1: {  	_ =	sfence.sel $0x180000  }
0xc2: {  	[bflag:$0x0] =	sbarrier.arrive $0xFFFF  }
0xc3: {  	_ =	strace $0x9000004A  }
0xc4: {  	s0 =	stileid.u32;
	[bflag:$0x2] =	sbarrier.arrive $0xFFFF  }
0xc5: {  	p0 =	sne.s32 s0, $0x0;
	s0 =	rddreg [dreg:$0x3]  }
0xc6: {  	s0 =	sadd.s32 @!p0 $0x100000, s0  }
0xc7: {  	[sflag:s0] =	ssyncadd.tile.s32 @!p0 $0x1;
	_ =	shalt  }
.Lfunc_end2:
_tile_overlayer_lowered:
.L_overlay_start_2:
0xc8: {  	(tag) =	ssettag $0x2  }
0xc9: {  	s0 =	rddreg [dreg:$0x0];
	s2 =	stileid.u32  }
0xca: {  	s1 =	rddreg [dreg:$0x1];
	p0 =	sne.s32 s2, $0x0  }
0xcb: {  	s3 =	rddreg [dreg:$0x2];
	[bflag:$0x3] =	sbarrier.arrive $0xFFFF;
	s2 =	simm.s32 @!p0 $0x1C0D  }
0xcc: {  	[timem:s3], [sflag:s2] =	dma.local @!p0 [hbm:s0], s1  }
0xcd: {  	s0 =	simm.s32 @!p0 $0xD  }
0xce: {  	_ =	swait.ge @!p0 [sflag:s0], s1  }
0xcf: {  	s1 =	ssub.s32 @!p0 $0x0, s1;
	[sflag:s0] =	ssyncset.done @!p0 $0x0  }
0xd0: {  	[sflag:s0] =	ssyncadd.s32 @!p0 s1  }
0xd1: {  	[bflag:$0x3] =	sbarrier.arrive $0xFFFF  }
0xd2: {  	_ =	shalt  }

// kernel: kernel.15.cloned.1.call-start
scs
__scs_entry_jumppad:
0x0: {  	(pc) =	sbr.rel $0x88, $3  }
0x1: {  	(tag) =	ssettag $0x0;
	lr =	simm.s32 $0x1  }
0x2: {  	[smem:$0x3F90] =	sst lr;
	_ =	strace $0xD0000000  }
0x3: {  	_ = 	snop  }
0x4: {  	_ = 	snop  }
0x5: {  	_ = 	snop  }
0x6: {  	_ = 	snop  }
0x7: {  	_ = 	snop  }
__scs_overlays_trampoline_lowered:
0x8: {  	[smem:$0x3F9F] =	sst s0  }
0x9: {  	[smem:$0x3FA0] =	sst s1  }
0xa: {  	[smem:$0x3FA1] =	sst s2  }
0xb: {  	[smem:$0x3FA2] =	sst s3  }
0xc: {  	[smem:$0x3FA3] =	sst s4  }
0xd: {  	[smem:$0x3FA4] =	sst s5  }
0xe: {  	[smem:$0x3FA5] =	sst s6  }
0xf: {  	[smem:$0x3FA6] =	sst s7  }
0x10: {  	[smem:$0x3FA7] =	sst s8  }
0x11: {  	[smem:$0x3FA8] =	sst s9;
	s0 =	simm.s32 @!p0 $0x0  }
0x12: {  	s1 =	sld [smem:$0x3F8E];
	s0 =	simm.s32 @p0 $0x1  }
0x13: {  	[smem:$0x3FA9] =	sst s0;
	s0 =	simm.s32 @!p1 $0x0  }
0x14: {  	s2 =	sld [smem:$0x3F8D];
	s0 =	simm.s32 @p1 $0x1  }
0x15: {  	[smem:$0x3FAA] =	sst s0;
	s0 =	simm.s32 @!p2 $0x0  }
0x16: {  	s3 =	sld [smem:$0x3FDB];
	s0 =	simm.s32 @p2 $0x1  }
0x17: {  	s4 =	simm.s32 $0x1BF5;
	[smem:$0x3FAC] =	sst s0  }
0x18: {  	s0 =	sld [smem:$0x3F8F];
	_ =	swait.ge [sflag:s4], $0x0  }
0x19: {  	s7 =	sld [smem:$0x3F90]  }
0x1a: {  	s8 =	sadd.s32 $0xFFFFE003, lr  }
0x1b: {  	s9 =	sadd.s32 $0xFFFFFEF7, lr;
	s5 =	simm.s32 $0xFFFFFFFF;
	p2 =	slt.u32 s8, $0xFFFFF086  }
0x1c: {  	p1 =	slt.u32 s9, $0xF7A;
	s5 =	simm.s32 @!p2 $0x0  }
0x1d: {  	s5 =	simm.s32 @p1 $0x1;
	p0 =	seq.s32 s7, s2  }
0x1e: {  	s7 =	smul.u32 @!p0 $0xF7A, s2;
	p2 =	seq.s32 @!p0 s5, $0x0  }
0x1f: {  	s9 =	smul.u32 $0xF7A, s1;
	s8 =	simm.s32 @!p0 $0x1BF5;
	p2 =	por !p2, p0  }
0x20: {  	[sflag:s8] =	ssyncset.s32 @!p0 $0xFFFFF086;
	s6 =	sadd.s32 @!p0 s3, s7;
	s7 =	simm.s32 @!p0 $0x108  }
0x21: {  	s3 =	sadd.s32 s3, s9;
	s6 =	sadd.s32 @!p0 $0x88, s6;
	s7 =	simm.s32 @p2 $0x1082  }
0x22: {  	[simem:s7], [sflag:s8] =	dma.local @!p0 [hbm:s6], $0xF7A  }
0x23: {  	s9 =	sor.u32 $0xD0000000, s2;
	s6 =	simm.s32 $0x108;
	_ =	swait.ge @!p0 [sflag:s8], $0x0  }
0x24: {  	s3 =	sadd.s32 $0x88, s3;
	s6 =	simm.s32 @!p1 $0x1082;
	[sflag:s4] =	ssyncset.s32 $0xFFFFF086  }
0x25: {  	[simem:s6], [sflag:s4] =	dma.local [hbm:s3], $0xF7A  }
0x26: {  	[smem:$0x3F90] =	sst s1;
	(tag) =	ssettag s2;
	_ =	strace s9  }
0x27: {  	s1 =	sld [smem:$0x3FA0]  }
0x28: {  	s2 =	sld [smem:$0x3FA1]  }
0x29: {  	s4 =	sld [smem:$0x3FA3]  }
0x2a: {  	p0 =	seq.s32 s5, $0x0;
	s5 =	sld [smem:$0x3FA4]  }
0x2b: {  	s6 =	sld [smem:$0x3FA5]  }
0x2c: {  	s7 =	sld [smem:$0x3FA6]  }
0x2d: {  	s3 =	simm.s32 $0x108;
	s8 =	sld [smem:$0x3FA7]  }
0x2e: {  	s3 =	simm.s32 @!p0 $0x1082;
	s9 =	sld [smem:$0x3FA8]  }
0x2f: {  	lr =	sadd.s32 s0, s3;
	s0 =	sld [smem:$0x3F9F]  }
0x30: {  	s3 =	sld [smem:$0x3FA2]  }
0x31: {  	[smem:$0x3FAB] =	sst s10  }
0x32: {  	s10 =	sld [smem:$0x3FA9];
	_ =	sdelay $0x3  }
0x33: {  	p0 =	seq.s32 s10, $0x1;
	s10 =	sld [smem:$0x3FAB];
	_ =	sdelay $0x3  }
0x34: {  	[smem:$0x3FAB] =	sst s10  }
0x35: {  	s10 =	sld [smem:$0x3FAA];
	_ =	sdelay $0x3  }
0x36: {  	p1 =	seq.s32 s10, $0x1;
	s10 =	sld [smem:$0x3FAB];
	_ =	sdelay $0x3  }
0x37: {  	[smem:$0x3FAB] =	sst s10  }
0x38: {  	s10 =	sld [smem:$0x3FAC]  }
0x39: {  	_ = 	snop;
	(pc) =	sbr.ind lr, $3  }
0x3a: {  	_ = 	snop  }
0x3b: {  	_ = 	snop  }
0x3c: {  	p2 =	seq.s32 s10, $0x1;
	s10 =	sld [smem:$0x3FAB]  }
0x3d: {  	_ =	shalt  }
0x3e: {  	_ =	shalt  }
0x3f: {  	_ =	shalt  }
0x40: {  	_ =	shalt  }
0x41: {  	_ =	shalt  }
0x42: {  	_ =	shalt  }
0x43: {  	_ =	shalt  }
0x44: {  	_ =	shalt  }
0x45: {  	_ =	shalt  }
0x46: {  	_ =	shalt  }
0x47: {  	_ =	shalt  }
0x48: {  	_ =	shalt  }
0x49: {  	_ =	shalt  }
0x4a: {  	_ =	shalt  }
0x4b: {  	_ =	shalt  }
0x4c: {  	_ =	shalt  }
0x4d: {  	_ =	shalt  }
0x4e: {  	_ =	shalt  }
0x4f: {  	_ =	shalt  }
0x50: {  	_ =	shalt  }
0x51: {  	_ =	shalt  }
0x52: {  	_ =	shalt  }
0x53: {  	_ =	shalt  }
0x54: {  	_ =	shalt  }
0x55: {  	_ =	shalt  }
0x56: {  	_ =	shalt  }
0x57: {  	_ =	shalt  }
0x58: {  	_ =	shalt  }
0x59: {  	_ =	shalt  }
0x5a: {  	_ =	shalt  }
0x5b: {  	_ =	shalt  }
0x5c: {  	_ =	shalt  }
0x5d: {  	_ =	shalt  }
0x5e: {  	_ =	shalt  }
0x5f: {  	_ =	shalt  }
0x60: {  	_ =	shalt  }
0x61: {  	_ =	shalt  }
0x62: {  	_ =	shalt  }
0x63: {  	_ =	shalt  }
0x64: {  	_ =	shalt  }
0x65: {  	_ =	shalt  }
0x66: {  	_ =	shalt  }
0x67: {  	_ =	shalt  }
0x68: {  	_ =	shalt  }
0x69: {  	_ =	shalt  }
0x6a: {  	_ =	shalt  }
0x6b: {  	_ =	shalt  }
0x6c: {  	_ =	shalt  }
0x6d: {  	_ =	shalt  }
0x6e: {  	_ =	shalt  }
0x6f: {  	_ =	shalt  }
0x70: {  	_ =	shalt  }
0x71: {  	_ =	shalt  }
0x72: {  	_ =	shalt  }
0x73: {  	_ =	shalt  }
0x74: {  	_ =	shalt  }
0x75: {  	_ =	shalt  }
0x76: {  	_ =	shalt  }
0x77: {  	_ =	shalt  }
0x78: {  	_ =	shalt  }
0x79: {  	_ =	shalt  }
0x7a: {  	_ =	shalt  }
0x7b: {  	_ =	shalt  }
0x7c: {  	_ =	shalt  }
0x7d: {  	_ =	shalt  }
0x7e: {  	_ =	shalt  }
0x7f: {  	_ =	shalt  }
0x80: {  	_ =	shalt  }
0x81: {  	_ =	shalt  }
0x82: {  	_ =	shalt  }
0x83: {  	_ =	shalt  }
0x84: {  	_ =	shalt  }
0x85: {  	_ =	shalt  }
0x86: {  	_ =	shalt  }
0x87: {  	_ =	shalt  }
.Lfunc_end0:
.L_simem_size_0:
called_computation.2_lowered:
.L_overlay_start_0:
0x88: {  	s2 =	sld [smem:$0x3FD9]  }
0x89: {  	s3 =	sld [smem:$0x3FFE];
	_ =	sdelay $0x1  }
0x8a: {  	s1 =	srdreg.scid  }
0x8b: {  	s0 =	sand.u32 $0x1, s1  }
0x8c: {  	s17 =	sshll.u32 s0, $0xA;
	s2 =	sadd.s32 s3, s2  }
0x8d: {  	s2 =	sadd.s32 s2, s17  }
0x8e: {  	[smem:$0x3FB7] =	sst s2  }
0x8f: {  	_ = 	snop  }
0x90: {  	s2 =	sld [smem:$0x3FD0];
	(tm) =	ssettm $0x1  }
0x91: {  	s18 =	sld [smem:$0x3FFB];
	_ =	sdelay $0x3  }
0x92: {  	_ =	strace s18  }
0x93: {  	s3 =	sld [smem:$0x3FFC];
	_ =	sdelay $0x3  }
0x94: {  	_ =	strace s3  }
0x95: {  	s3 =	sld [smem:$0x3FFD];
	_ =	sdelay $0x3  }
0x96: {  	_ =	strace s3  }
0x97: {  	_ =	strace $0x8FFFFFFF  }
0x98: {  	s19 =	sld [smem:$0x3FDB];
	_ =	sdelay $0x1  }
0x99: {  	s4 =	simm.s32 $_scs_section_size  }
0x9a: {  	s5 =	simm.s32 $_size__tile_overlayer_lowered;
	s6 =	simm.s32 $_tile_overlayer_lowered  }
0x9b: {  	s22 =	simm.s32 $0x1BFF;
	s21 =	sshll.u32 s6, $0x1;
	s3 =	sadd.s32 s4, s19  }
0x9c: {  	s7 =	simm.s32 $0x0;
	s20 =	sshll.u32 s5, $0x1;
	s5 =	sadd.s32 s21, s3  }
0x9d: {  	[timem:s7], [sflag:s22] =	dma.local [hbm:s5], s20  }
0x9e: {  	_ =	swait.ge [sflag:s22], s20  }
0x9f: {  	s4 =	ssub.s32 $0x0, s20;
	[sflag:s22] =	ssyncset.done $0x0  }
0xa0: {  	[sflag:s22] =	ssyncadd.s32 s4;
	_ =	sdelay $0x1  }
0xa1: {  	s23 =	simm.s32 $0x1B8B  }
0xa2: {  	_ =	swait.ge [sflag:s23], $0x1  }
0xa3: {  	[sflag:s23] =	ssyncset.done $0x0  }
0xa4: {  	s25 =	simm.s32 $0x1B8E;
	s24 =	sld [smem:$0x3FFE];
	[sflag:s23] =	ssyncadd.s32 $0xFFFFFFFF  }
0xa5: {  	s26 =	simm.s32 $execute0_lowered;
	[smem:$0x3FD2] =	sst s25  }
0xa6: {  	s5 =	sshll.u32 s26, $0x1;
	_ =	strace $0x8000004C;
	[dreg:$0x1] =	wrdreg $0xFFFFFFFF  }
0xa7: {  	s28 =	simm.s32 $_size_execute0_lowered;
	s3 =	sadd.s32 s3, s5;
	[dreg:$0x0] =	wrdreg $0x0  }
0xa8: {  	s5 =	sshll.u32 s28, $0x1;
	[dreg:$0x2] =	wrdreg s3  }
0xa9: {  	[dreg:$0x3] =	wrdreg s5  }
0xaa: {  	[dreg:$0x4] =	wrdreg $0xC0  }
0xab: {  	_ =	task [dreg:s7], $0x5FFFF  }
0xac: {  	[dreg:$0x1] =	wrdreg $0xFFFFFFFF  }
0xad: {  	[dreg:$0x0] =	wrdreg $0x60  }
0xae: {  	[dreg:$0x2] =	wrdreg s2  }
0xaf: {  	[dreg:$0x3] =	wrdreg s24  }
0xb0: {  	[dreg:$0x4] =	wrdreg $0xC3000  }
0xb1: {  	[dreg:$0x5] =	wrdreg $0x9  }
0xb2: {  	_ =	task.clear_ibuf [dreg:s7], $0x6FFFF;
	_ =	strace $0x9000004C  }
0xb3: {  	s29 =	simm.s32 $0x9;
	_ =	strace $0x8000004E  }
0xb4: {  	_ =	swait.ge [sflag:s29], $0x1  }
0xb5: {  	[sflag:s29] =	ssyncadd.s32 $0xFFFFFFFF  }
0xb6: {  	_ =	strace $0x9000004E  }
0xb7: {  	_ =	sfence  }
0xb8: {  	s30 =	sld [smem:$0x0];
	_ =	sdelay $0x2  }
0xb9: {  	s31 =	sshll.u32 s1, $0xD;
	s1 =	sshrl.u32 s1, $0x2  }
0xba: {  	s3 =	sand.u32 $0x4000, s31;
	s1 =	sadd.s32 s1, s30  }
0xbb: {  	s0 =	sor.u32 s3, s0;
	s1 =	sshll.u32 s1, $0x11  }
0xbc: {  	s0 =	sor.u32 s1, s0  }
0xbd: {  	s0 =	sadd.s32 $0x8F2B, s0  }
0xbe: {  	[sflag:s0] =	ssyncadd.remote.s32 $0x1  }
0xbf: {  	_ =	sfence.sel $0xFFFF  }
0xc0: {  	[dreg:$0x0] =	wrdreg $0xFFFFFFFF;
	(pc) =	sbr.abs _section_cstart, $3  }
0xc1: {  	[dreg:$0x1] =	wrdreg $0xFFFFFFFF  }
0xc2: {  	_ =	task.clear_ibuf [dreg:s7], $0x2FFFF;
	_ =	strace $0x9FFFFFFF  }
0xc3: {  	(tm) =	ssettm $0x7FFFFFFF  }
tec
execute0_lowered:
.L_overlay_start_1:
0x0: {  	(tag) =	ssettag $0x1  }
0x1: {  	s1 =	rddreg [dreg:$0x0]  }
0x2: {  	s0 =	rddreg [dreg:$0x1]  }
0x3: {  	s3 =	rddreg [dreg:$0x2];
	s2 =	srdreg.scid  }
0x4: {  	s12 =	stileid.u32;
	s4 =	simm.s32 $0x0;
	s28 =	simm.s32 $0x300  }
0x5: {  	s29 =	simm.s32 $0xB;
	s30 =	simm.s32 $0x4300;
	s31 =	simm.s32 $0x100  }
0x6: {  	s2 =	sand.u32 $0x1, s2;
	s5 =	sshll.u32 s12, $0x1;
	[smem:$0x7FF] =	sst s4  }
0x7: {  	s6 =	sadd.s32 $0x3C00, s0;
	s7 =	sadd.s32 $0xDC00, s0;
	s11 =	smul.u32 $0x4E000, s12  }
0x8: {  	s0 =	sadd.s32 $0x17C00, s0;
	s17 =	smul.u32 $0x13800, s12;
	s21 =	sadd.s32 $0x138000, s3  }
0x9: {  	p0 =	sne.s32 s12, $0xF;
	s12 =	simm.s32 $0xC;
	s5 =	sor.u32 s2, s5  }
0xa: {  	_ =	strace $0x8000004D;
	s8 =	ssub.s32 $0x2, s2;
	s2 =	smul.u32 $0x138800, s2  }
0xb: {  	[dreg:$0xb] =	wrdreg s21;
	s21 =	simm.s32 $0x0;
	s5 =	smul.u32 $0x2800, s5  }
0xc: {  	s9 =	sshrl.u32 s8, $0x1;
	s16 =	sshrl.u32 s11, $0x2;
	s11 =	simm.s32 $0x280  }
0xd: {  	s8 =	ssub.s32 s8, s9;
	s20 =	sadd.s32 s17, s2;
	s10 =	sshrl.u32 s5, $0x3  }
0xe: {  	s2 =	sshrl.u32 s2, $0x3;
	s23 =	smax.u32 s8, $0x1;
	s15 =	sor.u32 $0x10, s10  }
0xf: {  	s13 =	sadd.s32 s6, s10;
	s10 =	sadd.s32 s7, s10;
	[dreg:$0xe] =	wrdreg s23  }
0x10: {  	s17 =	simm.s32 $0x6;
	s2 =	sadd.s32 s0, s2;
	[dreg:$0x6] =	wrdreg s10  }
0x11: {  	s8 =	simm.s32 $0x2;
	s22 =	sadd.s32 $0x27000, s2;
	[dreg:$0x4] =	wrdreg s13  }
0x12: {  	s23 =	simm.s32 $0x180;
	s14 =	sadd.s32 s6, s15;
	[dreg:$0xd] =	wrdreg s22  }
0x13: {  	s2 =	simm.s32 $0x7;
	s9 =	sadd.s32 s7, s15;
	[dreg:$0x5] =	wrdreg s14  }
0x14: {  	s18 =	sadd.s32 $0x20, s13;
	s10 =	sadd.s32 s16, s3;
	[dreg:$0x7] =	wrdreg s9  }
0x15: {  	s22 =	simm.s32 $0x80;
	s16 =	simm.s32 $0x3;
	[dreg:$0x8] =	wrdreg s18  }
0x16: {  	s19 =	sadd.s32 $0xFA00, s10;
	s9 =	sshrl.u32 s20, $0x3;
	[dreg:$0x9] =	wrdreg s10  }
0x17: {  	s24 =	sadd.s32 $0x3E80, s10;
	s25 =	sadd.s32 $0x7D00, s10;
	[dreg:$0xa] =	wrdreg s19  }
.Ltmp0:
0x18: {  	s26 =	sadd.s32 $0xBB80, s10;
	[dreg:$0xf] =	wrdreg s24;
	(pc) =	sbr.rel .LBB2_1-.Ltmp0, $4  }
0x19: {  	s10 =	simm.s32 $0x4;
	s14 =	simm.s32 $0x5;
	[dreg:$0x10] =	wrdreg s25  }
0x1a: {  	s18 =	simm.s32 $0x8;
	s0 =	sadd.s32 s0, s9;
	[dreg:$0x11] =	wrdreg s26  }
0x1b: {  	s24 =	simm.s32 $0x200;
	s25 =	simm.s32 $0xA;
	s26 =	simm.s32 $0x7D  }
0x1c: {  	v0 =	vimm.f32 $0.0e+00;
	s9 =	simm.s32 $0x1;
	[dreg:$0xc] =	wrdreg s0;
	s0 =	simm.s32 $0x8300  }
.LBB2_6:
0x1d: {  	_ =	swait.ge [sflag:s9], $0x3E80  }
0x1e: {  	[sflag:s9] =	ssyncset.done $0x0  }
0x1f: {  	[sflag:s9] =	ssyncadd.s32 $0xFFFFC180  }
0x20: {  	_ =	swait.ge [sflag:s10], $0x80  }
0x21: {  	[sflag:s10] =	ssyncset.done $0x0  }
0x22: {  	s13 =	simm.s32 $0x9;
	[sflag:s10] =	ssyncadd.s32 $0xFFFFFF80  }
0x23: {  	[spmem:s3] =	stream.indirect.scatter.add.f32 [tilespmem:s28], [sflag:$0x7], $0x80, s23, s26, $0xb8;
	[tilespmem:$0x1FB80] =	vst v63  }
0x24: {  	_ =	swait.ge [sflag:s13], $0x3E80  }
0x25: {  	[sflag:s13] =	ssyncset.done $0x0  }
0x26: {  	[sflag:s13] =	ssyncadd.s32 $0xFFFFC180  }
0x27: {  	_ =	swait.ge [sflag:s8], $0x3E80  }
0x28: {  	[sflag:s8] =	ssyncset.done $0x0  }
0x29: {  	[sflag:s8] =	ssyncadd.s32 $0xFFFFC180  }
0x2a: {  	_ =	swait.ge [sflag:s14], $0x80  }
0x2b: {  	[sflag:s14] =	ssyncset.done $0x0  }
0x2c: {  	[sflag:s14] =	ssyncadd.s32 $0xFFFFFF80  }
0x2d: {  	[spmem:s3] =	stream.indirect.scatter.add.f32 [tilespmem:s30], [sflag:$0x8], $0x80, s24, s26, $0xb8;
	[tilespmem:$0x1FB80] =	vst v63  }
0x2e: {  	_ =	swait.ge [sflag:s2], $0x3E80  }
0x2f: {  	[sflag:s2] =	ssyncset.done $0x0  }
0x30: {  	[sflag:s2] =	ssyncadd.s32 $0xFFFFC180  }
0x31: {  	_ =	swait.ge [sflag:s18], $0x3E80  }
0x32: {  	[sflag:s18] =	ssyncset.done $0x0  }
0x33: {  	[sflag:s18] =	ssyncadd.s32 $0xFFFFC180  }
0x34: {  	s15 =	stileid.u32;
	[bflag:$0x0] =	sbarrier.arrive $0xFFFF  }
0x35: {  	s13 =	sshll.u32 s15, $0x6;
	s15 =	rddreg [dreg:$0x9]  }
0x36: {  	s13 =	sor.u32 $0x1C0D, s13;
	s19 =	rddreg [dreg:$0xc];
	s15 =	sshrl.u32 s15, $0x3  }
0x37: {  	[hbm:s19], [sflag:s13] =	dma.local [spmem:s15], $0x2700  }
0x38: {  	s19 =	simm.s32 $0xD  }
0x39: {  	_ =	swait.ge [sflag:s19], $0x2700  }
0x3a: {  	[sflag:s19] =	ssyncset.done $0x0;
	s15 =	rddreg [dreg:$0xb]  }
0x3b: {  	[sflag:s19] =	ssyncadd.s32 $0xFFFFD900;
	s15 =	sshrl.u32 @!p0 s15, $0x3;
	s19 =	rddreg [dreg:$0xd]  }
0x3c: {  	[hbm:s19], [sflag:s13] =	dma.local @!p0 [spmem:s15], $0x100  }
0x3d: {  	s13 =	simm.s32 @!p0 $0xD  }
0x3e: {  	_ =	swait.ge @!p0 [sflag:s13], $0x100  }
0x3f: {  	s21 =	sadd.s32 $0x1, s21;
	s20 =	rddreg [dreg:$0xe]  }
0x40: {  	p1 =	sne.s32 s21, s20  }
.Ltmp1:
0x41: {  	_ = 	snop;
	(pc) =	sbr.rel @!p1 .LBB2_7-.Ltmp1, $3  }
0x42: {  	_ =	sdelay $0x1  }
0x43: {  	[sflag:s13] =	ssyncset.done @!p0 $0x0  }
0x44: {  	[sflag:s13] =	ssyncadd.s32 @!p0 $0xFFFFFF00  }
.LBB2_1:
0x45: {  	s13 =	rddreg [dreg:$0x4]  }
0x46: {  	[tilespmem:s4], [sflag:$0xA] =	stream.linear.gather [hbm4b:s13+s4], $0x80, $0x38;
	[tilespmem:$0x1FB80] =	vst v63  }
0x47: {  	s20 =	rddreg [dreg:$0x5]  }
0x48: {  	[tilespmem:s22], [sflag:$0xB] =	stream.linear.gather [hbm4b:s20+s4], $0x80, $0x38;
	[tilespmem:$0x1FB80] =	vst v63  }
0x49: {  	s15 =	rddreg [dreg:$0x6]  }
0x4a: {  	[tilespmem:s23], [sflag:$0x4] =	stream.linear.gather [hbm4b:s15+s4], $0x80, $0x38;
	[tilespmem:$0x1FB80] =	vst v63  }
0x4b: {  	s19 =	rddreg [dreg:$0x7]  }
0x4c: {  	[tilespmem:s24], [sflag:$0x5] =	stream.linear.gather [hbm4b:s19+s4], $0x80, $0x38;
	[tilespmem:$0x1FB80] =	vst v63  }
0x4d: {  	_ =	swait.ge [sflag:s25], $0x80  }
0x4e: {  	[sflag:s25] =	ssyncset.done $0x0  }
0x4f: {  	[sflag:s25] =	ssyncadd.s32 $0xFFFFFF80  }
0x50: {  	[tilespmem:s28], [sflag:$0x1] =	stream.indirect.gather [hbm4b:s1+s26], $0x80, s4, s26, $0xb8;
	[tilespmem:$0x1FB80] =	vst v63  }
0x51: {  	_ =	swait.ge [sflag:s29], $0x80  }
0x52: {  	[sflag:s29] =	ssyncset.done $0x0  }
0x53: {  	[sflag:s29] =	ssyncadd.s32 $0xFFFFFF80  }
0x54: {  	[tilespmem:s30], [sflag:$0x2] =	stream.indirect.gather [hbm4b:s1+s26], $0x80, s22, s26, $0xb8;
	[tilespmem:$0x1FB80] =	vst v63  }
0x55: {  	s20 =	rddreg [dreg:$0x8]  }
0x56: {  	[tilespmem:s31], [sflag:$0xC] =	stream.linear.gather [hbm4b:s20+s4], $0x80, $0x38;
	[tilespmem:$0x1FB80] =	vst v63  }
0x57: {  	s19 =	simm.s32 $0x0;
	s20 =	simm.s32 $0x200  }
.LBB2_2:
0x58: {  	p1 =	sne.s32 s20, $0xF800;
	[tilespmem:s19+$0x8370] =	vst v0  }
0x59: {  	[tilespmem:s19+$0x8300] =	vst v0  }
0x5a: {  	[tilespmem:s19+$0x8310] =	vst v0  }
.Ltmp2:
0x5b: {  	[tilespmem:s19+$0x8320] =	vst v0;
	(pc) =	sbr.rel @p1 .LBB2_2-.Ltmp2, $4  }
0x5c: {  	[tilespmem:s19+$0x8330] =	vst v0  }
0x5d: {  	[tilespmem:s19+$0x8340] =	vst v0  }
0x5e: {  	[tilespmem:s19+$0x8350] =	vst v0  }
0x5f: {  	[tilespmem:s19+$0x8360] =	vst v0;
	s19 =	sshra.s32 s20, $0x2;
	s20 =	sadd.s32 $0x200, s20  }
0x60: {  	[tilespmem:s19+$0x8370] =	vst v0  }
0x61: {  	[tilespmem:s19+$0x8300] =	vst v0  }
0x62: {  	[tilespmem:s19+$0x8310] =	vst v0  }
0x63: {  	[tilespmem:s19+$0x8320] =	vst v0  }
0x64: {  	[tilespmem:s19+$0x8330] =	vst v0  }
0x65: {  	[tilespmem:s19+$0x8340] =	vst v0  }
0x66: {  	[tilespmem:s19+$0x8350] =	vst v0  }
0x67: {  	[tilespmem:s19+$0x8360] =	vst v0;
	s13 =	rddreg [dreg:$0x9]  }
0x68: {  	[spmem:s13] =	stream.linear.scatter [tilespmem:s0], [sflag:$0x7], $0x3E80, $0x38;
	[tilespmem:$0x1FB80] =	vst v63  }
0x69: {  	s20 =	rddreg [dreg:$0xf]  }
0x6a: {  	[spmem:s20] =	stream.linear.scatter [tilespmem:s0], [sflag:$0x7], $0x3E80, $0x38;
	[tilespmem:$0x1FB80] =	vst v63  }
0x6b: {  	s15 =	rddreg [dreg:$0x10]  }
0x6c: {  	[spmem:s15] =	stream.linear.scatter [tilespmem:s0], [sflag:$0x7], $0x3E80, $0x38;
	[tilespmem:$0x1FB80] =	vst v63  }
0x6d: {  	s19 =	rddreg [dreg:$0x11]  }
0x6e: {  	[spmem:s19] =	stream.linear.scatter [tilespmem:s0], [sflag:$0x7], $0x3E80, $0x38;
	[tilespmem:$0x1FB80] =	vst v63  }
0x6f: {  	s20 =	rddreg [dreg:$0xa]  }
0x70: {  	[spmem:s20] =	stream.linear.scatter [tilespmem:s0], [sflag:$0x7], $0x3E00, $0x38;
	[tilespmem:$0x1FB80] =	vst v63  }
0x71: {  	s13 =	rddreg [dreg:$0xb];
	s19 =	simm.s32 @!p0 $0x8300  }
0x72: {  	[spmem:s13] =	stream.linear.scatter @!p0 [tilespmem:s19], [sflag:$0x7], $0x800, $0x38;
	[tilespmem:$0x1FB80] =	vst v63  }
0x73: {  	_ =	swait.ge [sflag:s2], $0x3E80  }
0x74: {  	[sflag:s2] =	ssyncset.done $0x0  }
0x75: {  	[sflag:s2] =	ssyncadd.s32 $0xFFFFC180  }
0x76: {  	_ =	swait.ge [sflag:s2], $0x3E80  }
0x77: {  	[sflag:s2] =	ssyncset.done $0x0  }
0x78: {  	[sflag:s2] =	ssyncadd.s32 $0xFFFFC180  }
0x79: {  	_ =	swait.ge [sflag:s2], $0x3E80  }
0x7a: {  	[sflag:s2] =	ssyncset.done $0x0  }
0x7b: {  	[sflag:s2] =	ssyncadd.s32 $0xFFFFC180  }
0x7c: {  	_ =	swait.ge [sflag:s2], $0x3E80  }
0x7d: {  	[sflag:s2] =	ssyncset.done $0x0  }
0x7e: {  	[sflag:s2] =	ssyncadd.s32 $0xFFFFC180  }
0x7f: {  	_ =	swait.ge [sflag:s2], $0x3E00  }
0x80: {  	[sflag:s2] =	ssyncset.done $0x0  }
0x81: {  	s19 =	simm.s32 @!p0 $0x7;
	[sflag:s2] =	ssyncadd.s32 $0xFFFFC200  }
0x82: {  	_ =	swait.ge @!p0 [sflag:s19], $0x800  }
0x83: {  	[sflag:s19] =	ssyncset.done @!p0 $0x0  }
0x84: {  	[sflag:s19] =	ssyncadd.s32 @!p0 $0xFFFFF800  }
0x85: {  	s19 =	simm.s32 $0x280;
	[bflag:$0x0] =	sbarrier.arrive $0xFFFF  }
.LBB2_4:
0x86: {  	_ =	swait.ge [sflag:s9], $0x3E80  }
0x87: {  	[sflag:s9] =	ssyncset.done $0x0  }
0x88: {  	[sflag:s9] =	ssyncadd.s32 $0xFFFFC180  }
0x89: {  	s20 =	sadd.s32 $0xFFFFFE80, s19;
	p1 =	seq.s32 s19, $0x280;
	_ =	swait.ge [sflag:s10], $0x80  }
0x8a: {  	s15 =	sand.u32 $0x7C00, s20;
	s13 =	simm.s32 @!p1 $0x9;
	[sflag:s10] =	ssyncset.done $0x0  }
0x8b: {  	s20 =	sand.u32 $0x380, s20;
	s15 =	sadd.s32 s5, s15;
	[sflag:s10] =	ssyncadd.s32 $0xFFFFFF80  }
0x8c: {  	[spmem:s3] =	stream.indirect.scatter.add.f32 [tilespmem:s28], [sflag:$0x7], $0x80, s23, s26, $0xb8;
	[tilespmem:$0x1FB80] =	vst v63  }
0x8d: {  	s15 =	sor.u32 s20, s15;
	_ =	swait.ge @!p1 [sflag:s13], $0x3E80  }
0x8e: {  	s15 =	sshrl.u32 s15, $0x3;
	[sflag:s13] =	ssyncset.done @!p1 $0x0  }
0x8f: {  	s15 =	sadd.s32 s7, s15;
	[sflag:s13] =	ssyncadd.s32 @!p1 $0xFFFFC180;
	s13 =	sadd.s32 $0xFFFFFF00, s19  }
0x90: {  	[tilespmem:s11], [sflag:$0x6] =	stream.linear.gather [hbm4b:s15+s4], $0x80, $0x38;
	[tilespmem:$0x1FB80] =	vst v63  }
0x91: {  	s20 =	sand.u32 $0x7C00, s13  }
0x92: {  	s13 =	sand.u32 $0x380, s13;
	_ =	swait.ge [sflag:s12], $0x80;
	s15 =	sadd.s32 s5, s20  }
0x93: {  	[sflag:s12] =	ssyncset.done $0x0;
	s13 =	sor.u32 s13, s15  }
0x94: {  	[sflag:s12] =	ssyncadd.s32 $0xFFFFFF80;
	s13 =	sshrl.u32 s13, $0x3  }
0x95: {  	[tilespmem:s0], [sflag:$0x3] =	stream.indirect.gather [hbm4b:s1+s26], $0x80, s31, s26, $0xb8;
	[tilespmem:$0x1FB80] =	vst v63  }
0x96: {  	s20 =	sadd.s32 s6, s13  }
0x97: {  	[tilespmem:s4], [sflag:$0xA] =	stream.linear.gather [hbm4b:s20+s4], $0x80, $0x38;
	[tilespmem:$0x1FB80] =	vst v63  }
0x98: {  	_ =	swait.ge [sflag:s8], $0x3E80  }
0x99: {  	[sflag:s8] =	ssyncset.done $0x0  }
0x9a: {  	[sflag:s8] =	ssyncadd.s32 $0xFFFFC180  }
0x9b: {  	_ =	swait.ge [sflag:s14], $0x80  }
0x9c: {  	[sflag:s14] =	ssyncset.done $0x0  }
0x9d: {  	[sflag:s14] =	ssyncadd.s32 $0xFFFFFF80  }
0x9e: {  	[spmem:s3] =	stream.indirect.scatter.add.f32 [tilespmem:s30], [sflag:$0x8], $0x80, s24, s26, $0xb8;
	[tilespmem:$0x1FB80] =	vst v63  }
0x9f: {  	_ =	swait.ge [sflag:s2], $0x3E80  }
0xa0: {  	[sflag:s2] =	ssyncset.done $0x0  }
0xa1: {  	s13 =	sadd.s32 s7, s13;
	[sflag:s2] =	ssyncadd.s32 $0xFFFFC180  }
0xa2: {  	[tilespmem:s23], [sflag:$0x4] =	stream.linear.gather [hbm4b:s13+s4], $0x80, $0x38;
	[tilespmem:$0x1FB80] =	vst v63  }
0xa3: {  	s13 =	sadd.s32 $0xFFFFFF80, s19  }
0xa4: {  	_ =	swait.ge [sflag:s25], $0x80;
	s20 =	sand.u32 $0x7C00, s13  }
0xa5: {  	s13 =	sand.u32 $0x380, s13;
	[sflag:s25] =	ssyncset.done $0x0;
	s15 =	sadd.s32 s5, s20  }
0xa6: {  	[sflag:s25] =	ssyncadd.s32 $0xFFFFFF80;
	s13 =	sor.u32 s13, s15  }
0xa7: {  	[tilespmem:s28], [sflag:$0x1] =	stream.indirect.gather [hbm4b:s1+s26], $0x80, s4, s26, $0xb8;
	[tilespmem:$0x1FB80] =	vst v63  }
0xa8: {  	s13 =	sshrl.u32 s13, $0x3  }
0xa9: {  	s20 =	sadd.s32 s6, s13  }
0xaa: {  	[tilespmem:s22], [sflag:$0xB] =	stream.linear.gather [hbm4b:s20+s4], $0x80, $0x38;
	[tilespmem:$0x1FB80] =	vst v63  }
0xab: {  	_ =	swait.ge [sflag:s16], $0x3E80  }
0xac: {  	[sflag:s16] =	ssyncset.done $0x0  }
0xad: {  	[sflag:s16] =	ssyncadd.s32 $0xFFFFC180  }
0xae: {  	_ =	swait.ge [sflag:s17], $0x80  }
0xaf: {  	[sflag:s17] =	ssyncset.done $0x0  }
0xb0: {  	[sflag:s17] =	ssyncadd.s32 $0xFFFFFF80  }
0xb1: {  	[spmem:s3] =	stream.indirect.scatter.add.f32 [tilespmem:s0], [sflag:$0x9], $0x80, s11, s26, $0xb8;
	[tilespmem:$0x1FB80] =	vst v63  }
0xb2: {  	_ =	swait.ge [sflag:s18], $0x3E80  }
0xb3: {  	[sflag:s18] =	ssyncset.done $0x0  }
0xb4: {  	p1 =	seq.s32 s19, $0x2800;
	s13 =	sadd.s32 s7, s13;
	[sflag:s18] =	ssyncadd.s32 $0xFFFFC180  }
0xb5: {  	[tilespmem:s24], [sflag:$0x5] =	stream.linear.gather [hbm4b:s13+s4], $0x80, $0x38;
	[tilespmem:$0x1FB80] =	vst v63  }
.Ltmp3:
0xb6: {  	_ = 	snop;
	(pc) =	sbr.rel @p1 .LBB2_6-.Ltmp3, $4  }
0xb7: {  	_ =	swait.ge [sflag:s29], $0x80  }
0xb8: {  	[sflag:s29] =	ssyncset.done $0x0  }
0xb9: {  	[sflag:s29] =	ssyncadd.s32 $0xFFFFFF80  }
0xba: {  	[tilespmem:s30], [sflag:$0x2] =	stream.indirect.gather [hbm4b:s1+s26], $0x80, s22, s26, $0xb8;
	[tilespmem:$0x1FB80] =	vst v63  }
0xbb: {  	s13 =	sand.u32 $0x7C00, s19  }
.Ltmp4:
0xbc: {  	s15 =	sand.u32 $0x380, s19;
	s13 =	sadd.s32 s5, s13;
	(pc) =	sbr.rel .LBB2_4-.Ltmp4, $4  }
0xbd: {  	s13 =	sor.u32 s15, s13  }
0xbe: {  	s13 =	sshrl.u32 s13, $0x3  }
0xbf: {  	s19 =	sadd.s32 $0x180, s19;
	s13 =	sadd.s32 s6, s13  }
0xc0: {  	[tilespmem:s31], [sflag:$0xC] =	stream.linear.gather [hbm4b:s13+s4], $0x80, $0x38;
	[tilespmem:$0x1FB80] =	vst v63  }
.LBB2_7:
0xc1: {  	_ =	sfence.sel $0x180000  }
0xc2: {  	[bflag:$0x0] =	sbarrier.arrive $0xFFFF  }
0xc3: {  	_ =	strace $0x9000004D  }
0xc4: {  	s0 =	stileid.u32;
	[bflag:$0x2] =	sbarrier.arrive $0xFFFF  }
0xc5: {  	p0 =	sne.s32 s0, $0x0;
	s0 =	rddreg [dreg:$0x3]  }
0xc6: {  	s0 =	sadd.s32 @!p0 $0x100000, s0  }
0xc7: {  	[sflag:s0] =	ssyncadd.tile.s32 @!p0 $0x1;
	_ =	shalt  }
.Lfunc_end2:
_tile_overlayer_lowered:
.L_overlay_start_2:
0xc8: {  	(tag) =	ssettag $0x2  }
0xc9: {  	s0 =	rddreg [dreg:$0x0];
	s2 =	stileid.u32  }
0xca: {  	s1 =	rddreg [dreg:$0x1];
	p0 =	sne.s32 s2, $0x0  }
0xcb: {  	s3 =	rddreg [dreg:$0x2];
	[bflag:$0x3] =	sbarrier.arrive $0xFFFF;
	s2 =	simm.s32 @!p0 $0x1C0D  }
0xcc: {  	[timem:s3], [sflag:s2] =	dma.local @!p0 [hbm:s0], s1  }
0xcd: {  	s0 =	simm.s32 @!p0 $0xD  }
0xce: {  	_ =	swait.ge @!p0 [sflag:s0], s1  }
0xcf: {  	s1 =	ssub.s32 @!p0 $0x0, s1;
	[sflag:s0] =	ssyncset.done @!p0 $0x0  }
0xd0: {  	[sflag:s0] =	ssyncadd.s32 @!p0 s1  }
0xd1: {  	[bflag:$0x3] =	sbarrier.arrive $0xFFFF  }
0xd2: {  	_ =	shalt  }

// kernel: kernel.9.cloned.1.call-start
scs
__scs_entry_jumppad:
0x0: {  	(pc) =	sbr.rel $0x88, $3  }
0x1: {  	(tag) =	ssettag $0x0;
	lr =	simm.s32 $0x1  }
0x2: {  	[smem:$0x3F90] =	sst lr;
	_ =	strace $0xD0000000  }
0x3: {  	_ = 	snop  }
0x4: {  	_ = 	snop  }
0x5: {  	_ = 	snop  }
0x6: {  	_ = 	snop  }
0x7: {  	_ = 	snop  }
__scs_overlays_trampoline_lowered:
0x8: {  	[smem:$0x3F9F] =	sst s0  }
0x9: {  	[smem:$0x3FA0] =	sst s1  }
0xa: {  	[smem:$0x3FA1] =	sst s2  }
0xb: {  	[smem:$0x3FA2] =	sst s3  }
0xc: {  	[smem:$0x3FA3] =	sst s4  }
0xd: {  	[smem:$0x3FA4] =	sst s5  }
0xe: {  	[smem:$0x3FA5] =	sst s6  }
0xf: {  	[smem:$0x3FA6] =	sst s7  }
0x10: {  	[smem:$0x3FA7] =	sst s8  }
0x11: {  	[smem:$0x3FA8] =	sst s9;
	s0 =	simm.s32 @!p0 $0x0  }
0x12: {  	s1 =	sld [smem:$0x3F8E];
	s0 =	simm.s32 @p0 $0x1  }
0x13: {  	[smem:$0x3FA9] =	sst s0;
	s0 =	simm.s32 @!p1 $0x0  }
0x14: {  	s2 =	sld [smem:$0x3F8D];
	s0 =	simm.s32 @p1 $0x1  }
0x15: {  	[smem:$0x3FAA] =	sst s0;
	s0 =	simm.s32 @!p2 $0x0  }
0x16: {  	s3 =	sld [smem:$0x3FDB];
	s0 =	simm.s32 @p2 $0x1  }
0x17: {  	s4 =	simm.s32 $0x1BF5;
	[smem:$0x3FAC] =	sst s0  }
0x18: {  	s0 =	sld [smem:$0x3F8F];
	_ =	swait.ge [sflag:s4], $0x0  }
0x19: {  	s7 =	sld [smem:$0x3F90]  }
0x1a: {  	s8 =	sadd.s32 $0xFFFFE003, lr  }
0x1b: {  	s9 =	sadd.s32 $0xFFFFFEF7, lr;
	s5 =	simm.s32 $0xFFFFFFFF;
	p2 =	slt.u32 s8, $0xFFFFF086  }
0x1c: {  	p1 =	slt.u32 s9, $0xF7A;
	s5 =	simm.s32 @!p2 $0x0  }
0x1d: {  	s5 =	simm.s32 @p1 $0x1;
	p0 =	seq.s32 s7, s2  }
0x1e: {  	s7 =	smul.u32 @!p0 $0xF7A, s2;
	p2 =	seq.s32 @!p0 s5, $0x0  }
0x1f: {  	s9 =	smul.u32 $0xF7A, s1;
	s8 =	simm.s32 @!p0 $0x1BF5;
	p2 =	por !p2, p0  }
0x20: {  	[sflag:s8] =	ssyncset.s32 @!p0 $0xFFFFF086;
	s6 =	sadd.s32 @!p0 s3, s7;
	s7 =	simm.s32 @!p0 $0x108  }
0x21: {  	s3 =	sadd.s32 s3, s9;
	s6 =	sadd.s32 @!p0 $0x88, s6;
	s7 =	simm.s32 @p2 $0x1082  }
0x22: {  	[simem:s7], [sflag:s8] =	dma.local @!p0 [hbm:s6], $0xF7A  }
0x23: {  	s9 =	sor.u32 $0xD0000000, s2;
	s6 =	simm.s32 $0x108;
	_ =	swait.ge @!p0 [sflag:s8], $0x0  }
0x24: {  	s3 =	sadd.s32 $0x88, s3;
	s6 =	simm.s32 @!p1 $0x1082;
	[sflag:s4] =	ssyncset.s32 $0xFFFFF086  }
0x25: {  	[simem:s6], [sflag:s4] =	dma.local [hbm:s3], $0xF7A  }
0x26: {  	[smem:$0x3F90] =	sst s1;
	(tag) =	ssettag s2;
	_ =	strace s9  }
0x27: {  	s1 =	sld [smem:$0x3FA0]  }
0x28: {  	s2 =	sld [smem:$0x3FA1]  }
0x29: {  	s4 =	sld [smem:$0x3FA3]  }
0x2a: {  	p0 =	seq.s32 s5, $0x0;
	s5 =	sld [smem:$0x3FA4]  }
0x2b: {  	s6 =	sld [smem:$0x3FA5]  }
0x2c: {  	s7 =	sld [smem:$0x3FA6]  }
0x2d: {  	s3 =	simm.s32 $0x108;
	s8 =	sld [smem:$0x3FA7]  }
0x2e: {  	s3 =	simm.s32 @!p0 $0x1082;
	s9 =	sld [smem:$0x3FA8]  }
0x2f: {  	lr =	sadd.s32 s0, s3;
	s0 =	sld [smem:$0x3F9F]  }
0x30: {  	s3 =	sld [smem:$0x3FA2]  }
0x31: {  	[smem:$0x3FAB] =	sst s10  }
0x32: {  	s10 =	sld [smem:$0x3FA9];
	_ =	sdelay $0x3  }
0x33: {  	p0 =	seq.s32 s10, $0x1;
	s10 =	sld [smem:$0x3FAB];
	_ =	sdelay $0x3  }
0x34: {  	[smem:$0x3FAB] =	sst s10  }
0x35: {  	s10 =	sld [smem:$0x3FAA];
	_ =	sdelay $0x3  }
0x36: {  	p1 =	seq.s32 s10, $0x1;
	s10 =	sld [smem:$0x3FAB];
	_ =	sdelay $0x3  }
0x37: {  	[smem:$0x3FAB] =	sst s10  }
0x38: {  	s10 =	sld [smem:$0x3FAC]  }
0x39: {  	_ = 	snop;
	(pc) =	sbr.ind lr, $3  }
0x3a: {  	_ = 	snop  }
0x3b: {  	_ = 	snop  }
0x3c: {  	p2 =	seq.s32 s10, $0x1;
	s10 =	sld [smem:$0x3FAB]  }
0x3d: {  	_ =	shalt  }
0x3e: {  	_ =	shalt  }
0x3f: {  	_ =	shalt  }
0x40: {  	_ =	shalt  }
0x41: {  	_ =	shalt  }
0x42: {  	_ =	shalt  }
0x43: {  	_ =	shalt  }
0x44: {  	_ =	shalt  }
0x45: {  	_ =	shalt  }
0x46: {  	_ =	shalt  }
0x47: {  	_ =	shalt  }
0x48: {  	_ =	shalt  }
0x49: {  	_ =	shalt  }
0x4a: {  	_ =	shalt  }
0x4b: {  	_ =	shalt  }
0x4c: {  	_ =	shalt  }
0x4d: {  	_ =	shalt  }
0x4e: {  	_ =	shalt  }
0x4f: {  	_ =	shalt  }
0x50: {  	_ =	shalt  }
0x51: {  	_ =	shalt  }
0x52: {  	_ =	shalt  }
0x53: {  	_ =	shalt  }
0x54: {  	_ =	shalt  }
0x55: {  	_ =	shalt  }
0x56: {  	_ =	shalt  }
0x57: {  	_ =	shalt  }
0x58: {  	_ =	shalt  }
0x59: {  	_ =	shalt  }
0x5a: {  	_ =	shalt  }
0x5b: {  	_ =	shalt  }
0x5c: {  	_ =	shalt  }
0x5d: {  	_ =	shalt  }
0x5e: {  	_ =	shalt  }
0x5f: {  	_ =	shalt  }
0x60: {  	_ =	shalt  }
0x61: {  	_ =	shalt  }
0x62: {  	_ =	shalt  }
0x63: {  	_ =	shalt  }
0x64: {  	_ =	shalt  }
0x65: {  	_ =	shalt  }
0x66: {  	_ =	shalt  }
0x67: {  	_ =	shalt  }
0x68: {  	_ =	shalt  }
0x69: {  	_ =	shalt  }
0x6a: {  	_ =	shalt  }
0x6b: {  	_ =	shalt  }
0x6c: {  	_ =	shalt  }
0x6d: {  	_ =	shalt  }
0x6e: {  	_ =	shalt  }
0x6f: {  	_ =	shalt  }
0x70: {  	_ =	shalt  }
0x71: {  	_ =	shalt  }
0x72: {  	_ =	shalt  }
0x73: {  	_ =	shalt  }
0x74: {  	_ =	shalt  }
0x75: {  	_ =	shalt  }
0x76: {  	_ =	shalt  }
0x77: {  	_ =	shalt  }
0x78: {  	_ =	shalt  }
0x79: {  	_ =	shalt  }
0x7a: {  	_ =	shalt  }
0x7b: {  	_ =	shalt  }
0x7c: {  	_ =	shalt  }
0x7d: {  	_ =	shalt  }
0x7e: {  	_ =	shalt  }
0x7f: {  	_ =	shalt  }
0x80: {  	_ =	shalt  }
0x81: {  	_ =	shalt  }
0x82: {  	_ =	shalt  }
0x83: {  	_ =	shalt  }
0x84: {  	_ =	shalt  }
0x85: {  	_ =	shalt  }
0x86: {  	_ =	shalt  }
0x87: {  	_ =	shalt  }
.Lfunc_end0:
.L_simem_size_0:
called_computation_lowered:
.L_overlay_start_0:
0x88: {  	s2 =	sld [smem:$0x3FD9]  }
0x89: {  	s3 =	sld [smem:$0x3FFE];
	_ =	sdelay $0x1  }
0x8a: {  	s1 =	srdreg.scid  }
0x8b: {  	s0 =	sand.u32 $0x1, s1  }
0x8c: {  	s17 =	sshll.u32 s0, $0xA;
	s2 =	sadd.s32 s3, s2  }
0x8d: {  	s2 =	sadd.s32 s2, s17  }
0x8e: {  	[smem:$0x3FB7] =	sst s2  }
0x8f: {  	_ = 	snop  }
0x90: {  	s2 =	sld [smem:$0x3FD0];
	(tm) =	ssettm $0x1  }
0x91: {  	s18 =	sld [smem:$0x3FFB];
	_ =	sdelay $0x3  }
0x92: {  	_ =	strace s18  }
0x93: {  	s3 =	sld [smem:$0x3FFC];
	_ =	sdelay $0x3  }
0x94: {  	_ =	strace s3  }
0x95: {  	s3 =	sld [smem:$0x3FFD];
	_ =	sdelay $0x3  }
0x96: {  	_ =	strace s3  }
0x97: {  	_ =	strace $0x8FFFFFFF  }
0x98: {  	s19 =	sld [smem:$0x3FDB];
	_ =	sdelay $0x1  }
0x99: {  	s4 =	simm.s32 $_scs_section_size  }
0x9a: {  	s5 =	simm.s32 $_size__tile_overlayer_lowered;
	s6 =	simm.s32 $_tile_overlayer_lowered  }
0x9b: {  	s22 =	simm.s32 $0x1BFF;
	s21 =	sshll.u32 s6, $0x1;
	s3 =	sadd.s32 s4, s19  }
0x9c: {  	s7 =	simm.s32 $0x0;
	s20 =	sshll.u32 s5, $0x1;
	s5 =	sadd.s32 s21, s3  }
0x9d: {  	[timem:s7], [sflag:s22] =	dma.local [hbm:s5], s20  }
0x9e: {  	_ =	swait.ge [sflag:s22], s20  }
0x9f: {  	s4 =	ssub.s32 $0x0, s20;
	[sflag:s22] =	ssyncset.done $0x0  }
0xa0: {  	[sflag:s22] =	ssyncadd.s32 s4;
	_ =	sdelay $0x1  }
0xa1: {  	s23 =	simm.s32 $0x1B8B  }
0xa2: {  	_ =	swait.ge [sflag:s23], $0x1  }
0xa3: {  	[sflag:s23] =	ssyncset.done $0x0  }
0xa4: {  	s25 =	simm.s32 $0x1B8E;
	s24 =	sld [smem:$0x3FFE];
	[sflag:s23] =	ssyncadd.s32 $0xFFFFFFFF  }
0xa5: {  	s26 =	simm.s32 $execute0_lowered;
	[smem:$0x3FD2] =	sst s25  }
0xa6: {  	s5 =	sshll.u32 s26, $0x1;
	_ =	strace $0x80000046;
	[dreg:$0x1] =	wrdreg $0xFFFFFFFF  }
0xa7: {  	s28 =	simm.s32 $_size_execute0_lowered;
	s3 =	sadd.s32 s3, s5;
	[dreg:$0x0] =	wrdreg $0x0  }
0xa8: {  	s5 =	sshll.u32 s28, $0x1;
	[dreg:$0x2] =	wrdreg s3  }
0xa9: {  	[dreg:$0x3] =	wrdreg s5  }
0xaa: {  	[dreg:$0x4] =	wrdreg $0xC0  }
0xab: {  	_ =	task [dreg:s7], $0x5FFFF  }
0xac: {  	[dreg:$0x1] =	wrdreg $0xFFFFFFFF  }
0xad: {  	[dreg:$0x0] =	wrdreg $0x60  }
0xae: {  	[dreg:$0x2] =	wrdreg s2  }
0xaf: {  	[dreg:$0x3] =	wrdreg s24  }
0xb0: {  	[dreg:$0x4] =	wrdreg $0xC3000  }
0xb1: {  	[dreg:$0x5] =	wrdreg $0x9  }
0xb2: {  	_ =	task.clear_ibuf [dreg:s7], $0x6FFFF;
	_ =	strace $0x90000046  }
0xb3: {  	s29 =	simm.s32 $0x9;
	_ =	strace $0x80000048  }
0xb4: {  	_ =	swait.ge [sflag:s29], $0x1  }
0xb5: {  	[sflag:s29] =	ssyncadd.s32 $0xFFFFFFFF  }
0xb6: {  	_ =	strace $0x90000048  }
0xb7: {  	_ =	sfence  }
0xb8: {  	s30 =	sld [smem:$0x0];
	_ =	sdelay $0x2  }
0xb9: {  	s31 =	sshll.u32 s1, $0xD;
	s1 =	sshrl.u32 s1, $0x2  }
0xba: {  	s3 =	sand.u32 $0x4000, s31;
	s1 =	sadd.s32 s1, s30  }
0xbb: {  	s0 =	sor.u32 s3, s0;
	s1 =	sshll.u32 s1, $0x11  }
0xbc: {  	s0 =	sor.u32 s1, s0  }
0xbd: {  	s0 =	sadd.s32 $0x8F2B, s0  }
0xbe: {  	[sflag:s0] =	ssyncadd.remote.s32 $0x1  }
0xbf: {  	_ =	sfence.sel $0xFFFF  }
0xc0: {  	[dreg:$0x0] =	wrdreg $0xFFFFFFFF;
	(pc) =	sbr.abs _section_cstart, $3  }
0xc1: {  	[dreg:$0x1] =	wrdreg $0xFFFFFFFF  }
0xc2: {  	_ =	task.clear_ibuf [dreg:s7], $0x2FFFF;
	_ =	strace $0x9FFFFFFF  }
0xc3: {  	(tm) =	ssettm $0x7FFFFFFF  }
tec
execute0_lowered:
.L_overlay_start_1:
0x0: {  	(tag) =	ssettag $0x1  }
0x1: {  	s1 =	rddreg [dreg:$0x0]  }
0x2: {  	s0 =	rddreg [dreg:$0x1]  }
0x3: {  	s3 =	rddreg [dreg:$0x2];
	s2 =	srdreg.scid  }
0x4: {  	s12 =	stileid.u32;
	s4 =	simm.s32 $0x0;
	s28 =	simm.s32 $0x300  }
0x5: {  	s29 =	simm.s32 $0xB;
	s30 =	simm.s32 $0x4300;
	s31 =	simm.s32 $0x100  }
0x6: {  	s2 =	sand.u32 $0x1, s2;
	s5 =	sshll.u32 s12, $0x1;
	[smem:$0x7FF] =	sst s4  }
0x7: {  	s6 =	sadd.s32 $0x3C00, s0;
	s7 =	sadd.s32 $0xDC00, s0;
	s11 =	smul.u32 $0x4E000, s12  }
0x8: {  	s0 =	sadd.s32 $0x17C00, s0;
	s17 =	smul.u32 $0x13800, s12;
	s21 =	sadd.s32 $0x138000, s3  }
0x9: {  	p0 =	sne.s32 s12, $0xF;
	s12 =	simm.s32 $0xC;
	s5 =	sor.u32 s2, s5  }
0xa: {  	_ =	strace $0x80000047;
	s8 =	ssub.s32 $0x2, s2;
	s2 =	smul.u32 $0x138800, s2  }
0xb: {  	[dreg:$0xb] =	wrdreg s21;
	s21 =	simm.s32 $0x0;
	s5 =	smul.u32 $0x2800, s5  }
0xc: {  	s9 =	sshrl.u32 s8, $0x1;
	s16 =	sshrl.u32 s11, $0x2;
	s11 =	simm.s32 $0x280  }
0xd: {  	s8 =	ssub.s32 s8, s9;
	s20 =	sadd.s32 s17, s2;
	s10 =	sshrl.u32 s5, $0x3  }
0xe: {  	s2 =	sshrl.u32 s2, $0x3;
	s23 =	smax.u32 s8, $0x1;
	s15 =	sor.u32 $0x10, s10  }
0xf: {  	s13 =	sadd.s32 s6, s10;
	s10 =	sadd.s32 s7, s10;
	[dreg:$0xe] =	wrdreg s23  }
0x10: {  	s17 =	simm.s32 $0x6;
	s2 =	sadd.s32 s0, s2;
	[dreg:$0x6] =	wrdreg s10  }
0x11: {  	s8 =	simm.s32 $0x2;
	s22 =	sadd.s32 $0x27000, s2;
	[dreg:$0x4] =	wrdreg s13  }
0x12: {  	s23 =	simm.s32 $0x180;
	s14 =	sadd.s32 s6, s15;
	[dreg:$0xd] =	wrdreg s22  }
0x13: {  	s2 =	simm.s32 $0x7;
	s9 =	sadd.s32 s7, s15;
	[dreg:$0x5] =	wrdreg s14  }
0x14: {  	s18 =	sadd.s32 $0x20, s13;
	s10 =	sadd.s32 s16, s3;
	[dreg:$0x7] =	wrdreg s9  }
0x15: {  	s22 =	simm.s32 $0x80;
	s16 =	simm.s32 $0x3;
	[dreg:$0x8] =	wrdreg s18  }
0x16: {  	s19 =	sadd.s32 $0xFA00, s10;
	s9 =	sshrl.u32 s20, $0x3;
	[dreg:$0x9] =	wrdreg s10  }
0x17: {  	s24 =	sadd.s32 $0x3E80, s10;
	s25 =	sadd.s32 $0x7D00, s10;
	[dreg:$0xa] =	wrdreg s19  }
.Ltmp0:
0x18: {  	s26 =	sadd.s32 $0xBB80, s10;
	[dreg:$0xf] =	wrdreg s24;
	(pc) =	sbr.rel .LBB2_1-.Ltmp0, $4  }
0x19: {  	s10 =	simm.s32 $0x4;
	s14 =	simm.s32 $0x5;
	[dreg:$0x10] =	wrdreg s25  }
0x1a: {  	s18 =	simm.s32 $0x8;
	s0 =	sadd.s32 s0, s9;
	[dreg:$0x11] =	wrdreg s26  }
0x1b: {  	s24 =	simm.s32 $0x200;
	s25 =	simm.s32 $0xA;
	s26 =	simm.s32 $0x7D  }
0x1c: {  	v0 =	vimm.f32 $0.0e+00;
	s9 =	simm.s32 $0x1;
	[dreg:$0xc] =	wrdreg s0;
	s0 =	simm.s32 $0x8300  }
.LBB2_6:
0x1d: {  	_ =	swait.ge [sflag:s9], $0x3E80  }
0x1e: {  	[sflag:s9] =	ssyncset.done $0x0  }
0x1f: {  	[sflag:s9] =	ssyncadd.s32 $0xFFFFC180  }
0x20: {  	_ =	swait.ge [sflag:s10], $0x80  }
0x21: {  	[sflag:s10] =	ssyncset.done $0x0  }
0x22: {  	s13 =	simm.s32 $0x9;
	[sflag:s10] =	ssyncadd.s32 $0xFFFFFF80  }
0x23: {  	[spmem:s3] =	stream.indirect.scatter.add.f32 [tilespmem:s28], [sflag:$0x7], $0x80, s23, s26, $0xb8;
	[tilespmem:$0x1FB80] =	vst v63  }
0x24: {  	_ =	swait.ge [sflag:s13], $0x3E80  }
0x25: {  	[sflag:s13] =	ssyncset.done $0x0  }
0x26: {  	[sflag:s13] =	ssyncadd.s32 $0xFFFFC180  }
0x27: {  	_ =	swait.ge [sflag:s8], $0x3E80  }
0x28: {  	[sflag:s8] =	ssyncset.done $0x0  }
0x29: {  	[sflag:s8] =	ssyncadd.s32 $0xFFFFC180  }
0x2a: {  	_ =	swait.ge [sflag:s14], $0x80  }
0x2b: {  	[sflag:s14] =	ssyncset.done $0x0  }
0x2c: {  	[sflag:s14] =	ssyncadd.s32 $0xFFFFFF80  }
0x2d: {  	[spmem:s3] =	stream.indirect.scatter.add.f32 [tilespmem:s30], [sflag:$0x8], $0x80, s24, s26, $0xb8;
	[tilespmem:$0x1FB80] =	vst v63  }
0x2e: {  	_ =	swait.ge [sflag:s2], $0x3E80  }
0x2f: {  	[sflag:s2] =	ssyncset.done $0x0  }
0x30: {  	[sflag:s2] =	ssyncadd.s32 $0xFFFFC180  }
0x31: {  	_ =	swait.ge [sflag:s18], $0x3E80  }
0x32: {  	[sflag:s18] =	ssyncset.done $0x0  }
0x33: {  	[sflag:s18] =	ssyncadd.s32 $0xFFFFC180  }
0x34: {  	s15 =	stileid.u32;
	[bflag:$0x0] =	sbarrier.arrive $0xFFFF  }
0x35: {  	s13 =	sshll.u32 s15, $0x6;
	s15 =	rddreg [dreg:$0x9]  }
0x36: {  	s13 =	sor.u32 $0x1C0D, s13;
	s19 =	rddreg [dreg:$0xc];
	s15 =	sshrl.u32 s15, $0x3  }
0x37: {  	[hbm:s19], [sflag:s13] =	dma.local [spmem:s15], $0x2700  }
0x38: {  	s19 =	simm.s32 $0xD  }
0x39: {  	_ =	swait.ge [sflag:s19], $0x2700  }
0x3a: {  	[sflag:s19] =	ssyncset.done $0x0;
	s15 =	rddreg [dreg:$0xb]  }
0x3b: {  	[sflag:s19] =	ssyncadd.s32 $0xFFFFD900;
	s15 =	sshrl.u32 @!p0 s15, $0x3;
	s19 =	rddreg [dreg:$0xd]  }
0x3c: {  	[hbm:s19], [sflag:s13] =	dma.local @!p0 [spmem:s15], $0x100  }
0x3d: {  	s13 =	simm.s32 @!p0 $0xD  }
0x3e: {  	_ =	swait.ge @!p0 [sflag:s13], $0x100  }
0x3f: {  	s21 =	sadd.s32 $0x1, s21;
	s20 =	rddreg [dreg:$0xe]  }
0x40: {  	p1 =	sne.s32 s21, s20  }
.Ltmp1:
0x41: {  	_ = 	snop;
	(pc) =	sbr.rel @!p1 .LBB2_7-.Ltmp1, $3  }
0x42: {  	_ =	sdelay $0x1  }
0x43: {  	[sflag:s13] =	ssyncset.done @!p0 $0x0  }
0x44: {  	[sflag:s13] =	ssyncadd.s32 @!p0 $0xFFFFFF00  }
.LBB2_1:
0x45: {  	s13 =	rddreg [dreg:$0x4]  }
0x46: {  	[tilespmem:s4], [sflag:$0xA] =	stream.linear.gather [hbm4b:s13+s4], $0x80, $0x38;
	[tilespmem:$0x1FB80] =	vst v63  }
0x47: {  	s20 =	rddreg [dreg:$0x5]  }
0x48: {  	[tilespmem:s22], [sflag:$0xB] =	stream.linear.gather [hbm4b:s20+s4], $0x80, $0x38;
	[tilespmem:$0x1FB80] =	vst v63  }
0x49: {  	s15 =	rddreg [dreg:$0x6]  }
0x4a: {  	[tilespmem:s23], [sflag:$0x4] =	stream.linear.gather [hbm4b:s15+s4], $0x80, $0x38;
	[tilespmem:$0x1FB80] =	vst v63  }
0x4b: {  	s19 =	rddreg [dreg:$0x7]  }
0x4c: {  	[tilespmem:s24], [sflag:$0x5] =	stream.linear.gather [hbm4b:s19+s4], $0x80, $0x38;
	[tilespmem:$0x1FB80] =	vst v63  }
0x4d: {  	_ =	swait.ge [sflag:s25], $0x80  }
0x4e: {  	[sflag:s25] =	ssyncset.done $0x0  }
0x4f: {  	[sflag:s25] =	ssyncadd.s32 $0xFFFFFF80  }
0x50: {  	[tilespmem:s28], [sflag:$0x1] =	stream.indirect.gather [hbm4b:s1+s26], $0x80, s4, s26, $0xb8;
	[tilespmem:$0x1FB80] =	vst v63  }
0x51: {  	_ =	swait.ge [sflag:s29], $0x80  }
0x52: {  	[sflag:s29] =	ssyncset.done $0x0  }
0x53: {  	[sflag:s29] =	ssyncadd.s32 $0xFFFFFF80  }
0x54: {  	[tilespmem:s30], [sflag:$0x2] =	stream.indirect.gather [hbm4b:s1+s26], $0x80, s22, s26, $0xb8;
	[tilespmem:$0x1FB80] =	vst v63  }
0x55: {  	s20 =	rddreg [dreg:$0x8]  }
0x56: {  	[tilespmem:s31], [sflag:$0xC] =	stream.linear.gather [hbm4b:s20+s4], $0x80, $0x38;
	[tilespmem:$0x1FB80] =	vst v63  }
0x57: {  	s19 =	simm.s32 $0x0;
	s20 =	simm.s32 $0x200  }
.LBB2_2:
0x58: {  	p1 =	sne.s32 s20, $0xF800;
	[tilespmem:s19+$0x8370] =	vst v0  }
0x59: {  	[tilespmem:s19+$0x8300] =	vst v0  }
0x5a: {  	[tilespmem:s19+$0x8310] =	vst v0  }
.Ltmp2:
0x5b: {  	[tilespmem:s19+$0x8320] =	vst v0;
	(pc) =	sbr.rel @p1 .LBB2_2-.Ltmp2, $4  }
0x5c: {  	[tilespmem:s19+$0x8330] =	vst v0  }
0x5d: {  	[tilespmem:s19+$0x8340] =	vst v0  }
0x5e: {  	[tilespmem:s19+$0x8350] =	vst v0  }
0x5f: {  	[tilespmem:s19+$0x8360] =	vst v0;
	s19 =	sshra.s32 s20, $0x2;
	s20 =	sadd.s32 $0x200, s20  }
0x60: {  	[tilespmem:s19+$0x8370] =	vst v0  }
0x61: {  	[tilespmem:s19+$0x8300] =	vst v0  }
0x62: {  	[tilespmem:s19+$0x8310] =	vst v0  }
0x63: {  	[tilespmem:s19+$0x8320] =	vst v0  }
0x64: {  	[tilespmem:s19+$0x8330] =	vst v0  }
0x65: {  	[tilespmem:s19+$0x8340] =	vst v0  }
0x66: {  	[tilespmem:s19+$0x8350] =	vst v0  }
0x67: {  	[tilespmem:s19+$0x8360] =	vst v0;
	s13 =	rddreg [dreg:$0x9]  }
0x68: {  	[spmem:s13] =	stream.linear.scatter [tilespmem:s0], [sflag:$0x7], $0x3E80, $0x38;
	[tilespmem:$0x1FB80] =	vst v63  }
0x69: {  	s20 =	rddreg [dreg:$0xf]  }
0x6a: {  	[spmem:s20] =	stream.linear.scatter [tilespmem:s0], [sflag:$0x7], $0x3E80, $0x38;
	[tilespmem:$0x1FB80] =	vst v63  }
0x6b: {  	s15 =	rddreg [dreg:$0x10]  }
0x6c: {  	[spmem:s15] =	stream.linear.scatter [tilespmem:s0], [sflag:$0x7], $0x3E80, $0x38;
	[tilespmem:$0x1FB80] =	vst v63  }
0x6d: {  	s19 =	rddreg [dreg:$0x11]  }
0x6e: {  	[spmem:s19] =	stream.linear.scatter [tilespmem:s0], [sflag:$0x7], $0x3E80, $0x38;
	[tilespmem:$0x1FB80] =	vst v63  }
0x6f: {  	s20 =	rddreg [dreg:$0xa]  }
0x70: {  	[spmem:s20] =	stream.linear.scatter [tilespmem:s0], [sflag:$0x7], $0x3E00, $0x38;
	[tilespmem:$0x1FB80] =	vst v63  }
0x71: {  	s13 =	rddreg [dreg:$0xb];
	s19 =	simm.s32 @!p0 $0x8300  }
0x72: {  	[spmem:s13] =	stream.linear.scatter @!p0 [tilespmem:s19], [sflag:$0x7], $0x800, $0x38;
	[tilespmem:$0x1FB80] =	vst v63  }
0x73: {  	_ =	swait.ge [sflag:s2], $0x3E80  }
0x74: {  	[sflag:s2] =	ssyncset.done $0x0  }
0x75: {  	[sflag:s2] =	ssyncadd.s32 $0xFFFFC180  }
0x76: {  	_ =	swait.ge [sflag:s2], $0x3E80  }
0x77: {  	[sflag:s2] =	ssyncset.done $0x0  }
0x78: {  	[sflag:s2] =	ssyncadd.s32 $0xFFFFC180  }
0x79: {  	_ =	swait.ge [sflag:s2], $0x3E80  }
0x7a: {  	[sflag:s2] =	ssyncset.done $0x0  }
0x7b: {  	[sflag:s2] =	ssyncadd.s32 $0xFFFFC180  }
0x7c: {  	_ =	swait.ge [sflag:s2], $0x3E80  }
0x7d: {  	[sflag:s2] =	ssyncset.done $0x0  }
0x7e: {  	[sflag:s2] =	ssyncadd.s32 $0xFFFFC180  }
0x7f: {  	_ =	swait.ge [sflag:s2], $0x3E00  }
0x80: {  	[sflag:s2] =	ssyncset.done $0x0  }
0x81: {  	s19 =	simm.s32 @!p0 $0x7;
	[sflag:s2] =	ssyncadd.s32 $0xFFFFC200  }
0x82: {  	_ =	swait.ge @!p0 [sflag:s19], $0x800  }
0x83: {  	[sflag:s19] =	ssyncset.done @!p0 $0x0  }
0x84: {  	[sflag:s19] =	ssyncadd.s32 @!p0 $0xFFFFF800  }
0x85: {  	s19 =	simm.s32 $0x280;
	[bflag:$0x0] =	sbarrier.arrive $0xFFFF  }
.LBB2_4:
0x86: {  	_ =	swait.ge [sflag:s9], $0x3E80  }
0x87: {  	[sflag:s9] =	ssyncset.done $0x0  }
0x88: {  	[sflag:s9] =	ssyncadd.s32 $0xFFFFC180  }
0x89: {  	s20 =	sadd.s32 $0xFFFFFE80, s19;
	p1 =	seq.s32 s19, $0x280;
	_ =	swait.ge [sflag:s10], $0x80  }
0x8a: {  	s15 =	sand.u32 $0x7C00, s20;
	s13 =	simm.s32 @!p1 $0x9;
	[sflag:s10] =	ssyncset.done $0x0  }
0x8b: {  	s20 =	sand.u32 $0x380, s20;
	s15 =	sadd.s32 s5, s15;
	[sflag:s10] =	ssyncadd.s32 $0xFFFFFF80  }
0x8c: {  	[spmem:s3] =	stream.indirect.scatter.add.f32 [tilespmem:s28], [sflag:$0x7], $0x80, s23, s26, $0xb8;
	[tilespmem:$0x1FB80] =	vst v63  }
0x8d: {  	s15 =	sor.u32 s20, s15;
	_ =	swait.ge @!p1 [sflag:s13], $0x3E80  }
0x8e: {  	s15 =	sshrl.u32 s15, $0x3;
	[sflag:s13] =	ssyncset.done @!p1 $0x0  }
0x8f: {  	s15 =	sadd.s32 s7, s15;
	[sflag:s13] =	ssyncadd.s32 @!p1 $0xFFFFC180;
	s13 =	sadd.s32 $0xFFFFFF00, s19  }
0x90: {  	[tilespmem:s11], [sflag:$0x6] =	stream.linear.gather [hbm4b:s15+s4], $0x80, $0x38;
	[tilespmem:$0x1FB80] =	vst v63  }
0x91: {  	s20 =	sand.u32 $0x7C00, s13  }
0x92: {  	s13 =	sand.u32 $0x380, s13;
	_ =	swait.ge [sflag:s12], $0x80;
	s15 =	sadd.s32 s5, s20  }
0x93: {  	[sflag:s12] =	ssyncset.done $0x0;
	s13 =	sor.u32 s13, s15  }
0x94: {  	[sflag:s12] =	ssyncadd.s32 $0xFFFFFF80;
	s13 =	sshrl.u32 s13, $0x3  }
0x95: {  	[tilespmem:s0], [sflag:$0x3] =	stream.indirect.gather [hbm4b:s1+s26], $0x80, s31, s26, $0xb8;
	[tilespmem:$0x1FB80] =	vst v63  }
0x96: {  	s20 =	sadd.s32 s6, s13  }
0x97: {  	[tilespmem:s4], [sflag:$0xA] =	stream.linear.gather [hbm4b:s20+s4], $0x80, $0x38;
	[tilespmem:$0x1FB80] =	vst v63  }
0x98: {  	_ =	swait.ge [sflag:s8], $0x3E80  }
0x99: {  	[sflag:s8] =	ssyncset.done $0x0  }
0x9a: {  	[sflag:s8] =	ssyncadd.s32 $0xFFFFC180  }
0x9b: {  	_ =	swait.ge [sflag:s14], $0x80  }
0x9c: {  	[sflag:s14] =	ssyncset.done $0x0  }
0x9d: {  	[sflag:s14] =	ssyncadd.s32 $0xFFFFFF80  }
0x9e: {  	[spmem:s3] =	stream.indirect.scatter.add.f32 [tilespmem:s30], [sflag:$0x8], $0x80, s24, s26, $0xb8;
	[tilespmem:$0x1FB80] =	vst v63  }
0x9f: {  	_ =	swait.ge [sflag:s2], $0x3E80  }
0xa0: {  	[sflag:s2] =	ssyncset.done $0x0  }
0xa1: {  	s13 =	sadd.s32 s7, s13;
	[sflag:s2] =	ssyncadd.s32 $0xFFFFC180  }
0xa2: {  	[tilespmem:s23], [sflag:$0x4] =	stream.linear.gather [hbm4b:s13+s4], $0x80, $0x38;
	[tilespmem:$0x1FB80] =	vst v63  }
0xa3: {  	s13 =	sadd.s32 $0xFFFFFF80, s19  }
0xa4: {  	_ =	swait.ge [sflag:s25], $0x80;
	s20 =	sand.u32 $0x7C00, s13  }
0xa5: {  	s13 =	sand.u32 $0x380, s13;
	[sflag:s25] =	ssyncset.done $0x0;
	s15 =	sadd.s32 s5, s20  }
0xa6: {  	[sflag:s25] =	ssyncadd.s32 $0xFFFFFF80;
	s13 =	sor.u32 s13, s15  }
0xa7: {  	[tilespmem:s28], [sflag:$0x1] =	stream.indirect.gather [hbm4b:s1+s26], $0x80, s4, s26, $0xb8;
	[tilespmem:$0x1FB80] =	vst v63  }
0xa8: {  	s13 =	sshrl.u32 s13, $0x3  }
0xa9: {  	s20 =	sadd.s32 s6, s13  }
0xaa: {  	[tilespmem:s22], [sflag:$0xB] =	stream.linear.gather [hbm4b:s20+s4], $0x80, $0x38;
	[tilespmem:$0x1FB80] =	vst v63  }
0xab: {  	_ =	swait.ge [sflag:s16], $0x3E80  }
0xac: {  	[sflag:s16] =	ssyncset.done $0x0  }
0xad: {  	[sflag:s16] =	ssyncadd.s32 $0xFFFFC180  }
0xae: {  	_ =	swait.ge [sflag:s17], $0x80  }
0xaf: {  	[sflag:s17] =	ssyncset.done $0x0  }
0xb0: {  	[sflag:s17] =	ssyncadd.s32 $0xFFFFFF80  }
0xb1: {  	[spmem:s3] =	stream.indirect.scatter.add.f32 [tilespmem:s0], [sflag:$0x9], $0x80, s11, s26, $0xb8;
	[tilespmem:$0x1FB80] =	vst v63  }
0xb2: {  	_ =	swait.ge [sflag:s18], $0x3E80  }
0xb3: {  	[sflag:s18] =	ssyncset.done $0x0  }
0xb4: {  	p1 =	seq.s32 s19, $0x2800;
	s13 =	sadd.s32 s7, s13;
	[sflag:s18] =	ssyncadd.s32 $0xFFFFC180  }
0xb5: {  	[tilespmem:s24], [sflag:$0x5] =	stream.linear.gather [hbm4b:s13+s4], $0x80, $0x38;
	[tilespmem:$0x1FB80] =	vst v63  }
.Ltmp3:
0xb6: {  	_ = 	snop;
	(pc) =	sbr.rel @p1 .LBB2_6-.Ltmp3, $4  }
0xb7: {  	_ =	swait.ge [sflag:s29], $0x80  }
0xb8: {  	[sflag:s29] =	ssyncset.done $0x0  }
0xb9: {  	[sflag:s29] =	ssyncadd.s32 $0xFFFFFF80  }
0xba: {  	[tilespmem:s30], [sflag:$0x2] =	stream.indirect.gather [hbm4b:s1+s26], $0x80, s22, s26, $0xb8;
	[tilespmem:$0x1FB80] =	vst v63  }
0xbb: {  	s13 =	sand.u32 $0x7C00, s19  }
.Ltmp4:
0xbc: {  	s15 =	sand.u32 $0x380, s19;
	s13 =	sadd.s32 s5, s13;
	(pc) =	sbr.rel .LBB2_4-.Ltmp4, $4  }
0xbd: {  	s13 =	sor.u32 s15, s13  }
0xbe: {  	s13 =	sshrl.u32 s13, $0x3  }
0xbf: {  	s19 =	sadd.s32 $0x180, s19;
	s13 =	sadd.s32 s6, s13  }
0xc0: {  	[tilespmem:s31], [sflag:$0xC] =	stream.linear.gather [hbm4b:s13+s4], $0x80, $0x38;
	[tilespmem:$0x1FB80] =	vst v63  }
.LBB2_7:
0xc1: {  	_ =	sfence.sel $0x180000  }
0xc2: {  	[bflag:$0x0] =	sbarrier.arrive $0xFFFF  }
0xc3: {  	_ =	strace $0x90000047  }
0xc4: {  	s0 =	stileid.u32;
	[bflag:$0x2] =	sbarrier.arrive $0xFFFF  }
0xc5: {  	p0 =	sne.s32 s0, $0x0;
	s0 =	rddreg [dreg:$0x3]  }
0xc6: {  	s0 =	sadd.s32 @!p0 $0x100000, s0  }
0xc7: {  	[sflag:s0] =	ssyncadd.tile.s32 @!p0 $0x1;
	_ =	shalt  }
.Lfunc_end2:
_tile_overlayer_lowered:
.L_overlay_start_2:
0xc8: {  	(tag) =	ssettag $0x2  }
0xc9: {  	s0 =	rddreg [dreg:$0x0];
	s2 =	stileid.u32  }
0xca: {  	s1 =	rddreg [dreg:$0x1];
	p0 =	sne.s32 s2, $0x0  }
0xcb: {  	s3 =	rddreg [dreg:$0x2];
	[bflag:$0x3] =	sbarrier.arrive $0xFFFF;
	s2 =	simm.s32 @!p0 $0x1C0D  }
0xcc: {  	[timem:s3], [sflag:s2] =	dma.local @!p0 [hbm:s0], s1  }
0xcd: {  	s0 =	simm.s32 @!p0 $0xD  }
0xce: {  	_ =	swait.ge @!p0 [sflag:s0], s1  }
0xcf: {  	s1 =	ssub.s32 @!p0 $0x0, s1;
	[sflag:s0] =	ssyncset.done @!p0 $0x0  }
0xd0: {  	[sflag:s0] =	ssyncadd.s32 @!p0 s1  }
0xd1: {  	[bflag:$0x3] =	sbarrier.arrive $0xFFFF  }
0xd2: {  	_ =	shalt  }

</sc_bundles>
